<compile_context>
chip_gen: v7x
topology: tpu7x:2x2x1
jax: 0.10.2.dev20260603
libtpu: 0.0.44.dev20260713+nightly
codegen_flags: <defaults>
</compile_context>

<pallas_src>
import functools

import jax
import jax.numpy as jnp
from jax import lax
from jax.experimental import pallas as pl
from jax.experimental.pallas import tpu as pltpu
from jax.experimental.pallas import tpu_sc as plsc

N_NODES = 100000
N_EDGES = 3200000
W = 1.0

NC = 2
NS = 16
L = 16
NW = NC * NS

BLOCKS = N_EDGES // 128
BLK_W = 256
CHUNK_B = 8
CHUNK_W = CHUNK_B * BLK_W
TOTAL_CHUNKS = BLOCKS // CHUNK_B
NBUF = 4
MAX_CHUNKS_PER_W = -(-TOTAL_CHUNKS // NW)

NODE_BLOCKS = N_NODES // 128
PACK_PER_TILE = 48
PACK_CHUNK_B = 12
PACK_CHUNKS = PACK_PER_TILE // PACK_CHUNK_B
EXTRA_BASE = NS * PACK_PER_TILE
N_EXTRA = NODE_BLOCKS - NS * PACK_PER_TILE
TAIL_BASE = NODE_BLOCKS * 128

_HI_MASK = -65536


def _sc_body(node_hbm, tail_hbm, edge_hbm, eidx_hbm, out_hbm,
             table_v, nodebuf_v0, nodebuf_v1, blkbuf_v, tailbuf_v,
             idx_vs, ebuf_vs, il_vs, acc_v, spmem_tbl,
             isems, esems, psem0, psem1):
  cid = lax.axis_index("c")
  sid = lax.axis_index("s")
  wid = sid * NC + cid

  lanes = lax.iota(jnp.int32, L)

  zf = jnp.zeros((L,), jnp.float32)

  def start_dmas(c, b):
    gchunk = wid + c * NW

    @pl.when(gchunk < TOTAL_CHUNKS)
    def _():
      row0 = 2 * CHUNK_B * gchunk
      plsc.store_scatter(il_vs[b], [lanes], row0 + 2 * lanes,
                         mask=lanes < CHUNK_B)
      pltpu.async_copy(eidx_hbm.at[il_vs[b]], idx_vs[b], isems[b])
      pltpu.async_copy(edge_hbm.at[pl.ds(gchunk * CHUNK_W, CHUNK_W)],
                       ebuf_vs[b], esems[b])

  for b in range(NBUF):
    start_dmas(b, b)

  def pack_pair(p0, p1):
    b0 = plsc.bitcast(p0, jnp.int32)
    b1 = plsc.bitcast(p1, jnp.int32)
    r0 = b0 + 0x7FFF + (lax.shift_right_logical(b0, 16) & 1)
    r1 = b1 + 0x7FFF + (lax.shift_right_logical(b1, 16) & 1)
    return lax.shift_right_logical(r0, 16) | (r1 & _HI_MASK)

  my_blk0 = sid * PACK_PER_TILE
  nodebufs = (nodebuf_v0, nodebuf_v1)
  psems = (psem0, psem1)

  def pack_start(c, b):
    @pl.when(c < PACK_CHUNKS)
    def _():
      pltpu.async_copy(
          node_hbm.at[pl.ds(my_blk0 + c * PACK_CHUNK_B, PACK_CHUNK_B)],
          nodebufs[b], psems[b])

  pack_start(0, 0)
  pack_start(1, 1)

  def pack_outer(cc, carry):
    for b in range(2):
      c_ = cc * 2 + b
      base = (my_blk0 + c_ * PACK_CHUNK_B) * 128
      pltpu.make_async_copy(node_hbm.at[pl.ds(0, PACK_CHUNK_B)],
                            nodebufs[b], psems[b]).wait()

      def pack_blk(k, carry2, b=b, base=base):
        for g in range(128 // L):
          col = g * L
          packed = pack_pair(nodebufs[b][k, 0, pl.ds(col, L)],
                             nodebufs[b][k, 1, pl.ds(col, L)])
          table_v[pl.ds(base + k * 128 + col, L)] = packed
        return carry2

      lax.fori_loop(0, PACK_CHUNK_B, pack_blk, 0)
      pack_start(c_ + 2, b)
    return carry

  lax.fori_loop(0, PACK_CHUNKS // 2, pack_outer, 0)

  @pl.when(sid < N_EXTRA)
  def _():
    xblk = EXTRA_BASE + sid
    pltpu.sync_copy(node_hbm.at[pl.ds(xblk, 1)], blkbuf_v)
    for g in range(128 // L):
      packed = pack_pair(blkbuf_v[0, 0, pl.ds(g * L, L)],
                         blkbuf_v[0, 1, pl.ds(g * L, L)])
      table_v[pl.ds(xblk * 128 + g * L, L)] = packed
    pltpu.sync_copy(table_v.at[pl.ds(xblk * 128, 128)],
                    spmem_tbl.at[pl.ds(xblk * 128, 128)])

  @pl.when(sid == NS - 1)
  def _():
    pltpu.sync_copy(tail_hbm, tailbuf_v)
    for g in range(2):
      packed = pack_pair(tailbuf_v[pl.ds(g * L, L)],
                         tailbuf_v[pl.ds(32 + g * L, L)])
      table_v[pl.ds(TAIL_BASE + g * L, L)] = packed
    pltpu.sync_copy(table_v.at[pl.ds(TAIL_BASE, 32)],
                    spmem_tbl.at[pl.ds(TAIL_BASE, 32)])

  pltpu.sync_copy(table_v.at[pl.ds(my_blk0 * 128, PACK_PER_TILE * 128)],
                  spmem_tbl.at[pl.ds(my_blk0 * 128, PACK_PER_TILE * 128)])

  plsc.subcore_barrier()
  pltpu.sync_copy(spmem_tbl, table_v)

  def outer(cc, carry):
    acc = carry
    for b in range(NBUF):
      c = cc * NBUF + b
      gchunk = wid + c * NW
      valid = gchunk < TOTAL_CHUNKS
      idx_v = idx_vs[b]
      ebuf_v = ebuf_vs[b]

      @pl.when(valid)
      def _():
        pltpu.make_async_copy(eidx_hbm.at[il_vs[b]], idx_v,
                              isems[b]).wait()
        pltpu.make_async_copy(edge_hbm.at[pl.ds(0, CHUNK_W)], ebuf_v,
                              esems[b]).wait()

      def block_body(k, carry2, idx_v=idx_v, ebuf_v=ebuf_v):
        a0, a1 = carry2
        base = k * BLK_W
        for u in range(128 // L):
          idx = idx_v[k, pl.ds(u * L, L)]
          packed = plsc.load_gather(table_v, [idx])
          pt0 = plsc.bitcast(lax.shift_left(packed, 16), jnp.float32)
          pt1 = plsc.bitcast(packed & _HI_MASK, jnp.float32)
          p0 = ebuf_v[pl.ds(base + u * L, L)]
          p1 = ebuf_v[pl.ds(base + 128 + u * L, L)]
          flip = (p1 <= p0) & (pt1 > pt0)
          t0 = jnp.where(flip, p1, p0)
          t1 = jnp.where(flip, p0, p1)
          a0 = a0 + jnp.exp(t0) * (t0 - pt0)
          a1 = a1 + jnp.exp(t1) * (t1 - pt1)
        return a0, a1

      def run_inner(acc=acc, block_body=block_body):
        return lax.fori_loop(0, CHUNK_B, block_body, acc)

      def skip(acc=acc):
        return acc

      acc = lax.cond(valid, run_inner, skip)
      start_dmas(c + NBUF, b)
    return acc

  acc0, acc1 = lax.fori_loop(0, -(-MAX_CHUNKS_PER_W // NBUF), outer,
                             (zf, zf))
  acc_v[...] = acc0 + acc1
  pltpu.sync_copy(acc_v, out_hbm.at[wid])


def _wrapped_body(node_hbm, tail_hbm, edge_hbm, eidx_hbm, out_hbm,
                  table_v, nodebuf_v0, nodebuf_v1, blkbuf_v, tailbuf_v,
                  i0, i1, i2, i3, e0, e1, e2, e3, l0, l1, l2, l3, acc_v,
                  spmem_tbl, is0, is1, is2, is3, es0, es1, es2, es3,
                  psem0, psem1):
  _sc_body(node_hbm, tail_hbm, edge_hbm, eidx_hbm, out_hbm,
           table_v, nodebuf_v0, nodebuf_v1, blkbuf_v, tailbuf_v,
           (i0, i1, i2, i3), (e0, e1, e2, e3), (l0, l1, l2, l3), acc_v,
           spmem_tbl, (is0, is1, is2, is3), (es0, es1, es2, es3),
           psem0, psem1)


_sc_call = functools.partial(
    pl.kernel,
    out_type=jax.ShapeDtypeStruct((NW, L), jnp.float32),
    mesh=plsc.VectorSubcoreMesh(core_axis_name="c", subcore_axis_name="s"),
    compiler_params=pltpu.CompilerParams(needs_layout_passes=False),
    scratch_types=[
        pltpu.VMEM((N_NODES,), jnp.int32),
        pltpu.VMEM((PACK_CHUNK_B, 2, 128), jnp.float32),
        pltpu.VMEM((PACK_CHUNK_B, 2, 128), jnp.float32),
        pltpu.VMEM((1, 2, 128), jnp.float32),
        pltpu.VMEM((64,), jnp.float32),
        pltpu.VMEM((CHUNK_B, 128), jnp.int32),
        pltpu.VMEM((CHUNK_B, 128), jnp.int32),
        pltpu.VMEM((CHUNK_B, 128), jnp.int32),
        pltpu.VMEM((CHUNK_B, 128), jnp.int32),
        pltpu.VMEM((CHUNK_W,), jnp.float32),
        pltpu.VMEM((CHUNK_W,), jnp.float32),
        pltpu.VMEM((CHUNK_W,), jnp.float32),
        pltpu.VMEM((CHUNK_W,), jnp.float32),
        pltpu.VMEM((CHUNK_B,), jnp.int32),
        pltpu.VMEM((CHUNK_B,), jnp.int32),
        pltpu.VMEM((CHUNK_B,), jnp.int32),
        pltpu.VMEM((CHUNK_B,), jnp.int32),
        pltpu.VMEM((L,), jnp.float32),
        pltpu.MemorySpace.VMEM_SHARED((N_NODES,), jnp.int32),
        pltpu.SemaphoreType.DMA,
        pltpu.SemaphoreType.DMA,
        pltpu.SemaphoreType.DMA,
        pltpu.SemaphoreType.DMA,
        pltpu.SemaphoreType.DMA,
        pltpu.SemaphoreType.DMA,
        pltpu.SemaphoreType.DMA,
        pltpu.SemaphoreType.DMA,
        pltpu.SemaphoreType.DMA,
        pltpu.SemaphoreType.DMA,
    ],
)(_wrapped_body)


def kernel(out_node, out_edge, edge_index):
  node_t = jnp.transpose(out_node)
  node_blocks = node_t[:, :TAIL_BASE].reshape(2, NODE_BLOCKS, 128)
  node_3d = jnp.transpose(node_blocks, (1, 0, 2))
  tail = jnp.concatenate([out_node[TAIL_BASE:, 0], out_node[TAIL_BASE:, 1]])
  edge_blocks = jnp.transpose(out_edge).reshape(2, BLOCKS, 128)
  edge_flat = jnp.transpose(edge_blocks, (1, 0, 2)).reshape(-1)
  eidx_blocks = edge_index.reshape(2, BLOCKS, 128)
  eidx_rows = jnp.transpose(eidx_blocks, (1, 0, 2)).reshape(2 * BLOCKS, 128)
  partials = _sc_call(node_3d, tail, edge_flat, eidx_rows)
  return jnp.sum(partials) * jnp.float32(W / N_EDGES)

# --- scband reference (transcript-rebuilt; emitter-appended) ---
"""Pipeline reference for scband-matching-loss-64080912056776 (READ-ONLY COPY).

The authoritative reference and input builder live on the scoring server;
editing this copy changes nothing except your own understanding.
"""

import jax, jax.numpy as jnp
import numpy as np

N = 100000
E = 3200000
C = 2
LOSS_WEIGHT = 1.0

def setup_inputs(seed: int = 0):
    key = jax.random.key(seed)
    k1, k2, k3 = jax.random.split(key, 3)
    # module expects log-probabilities (KLDivLoss with log_target=True)
    out_node = jax.nn.log_softmax(jax.random.normal(k1, (N, C), dtype=jnp.float32), axis=1)
    out_edge = jax.nn.log_softmax(jax.random.normal(k2, (E, C), dtype=jnp.float32), axis=1)
    edge_index = jax.random.randint(k3, (2, E), 0, N, dtype=jnp.int32)
    return {"out_node": out_node, "out_edge": out_edge, "edge_index": edge_index}

def reference(out_node, out_edge, edge_index):
    tails = edge_index[0]
    heads = edge_index[1]
    p_tails = jnp.take(out_node, tails, axis=0)
    p_heads = jnp.take(out_node, heads, axis=0)  # computed in original, unused in loss
    p_edges = out_edge
    y_tails = jnp.argmax(p_tails, axis=1)
    y_heads = jnp.argmax(p_heads, axis=1)
    y_edges = jnp.argmax(p_edges, axis=1)
    nequal_mask = (y_edges == 0) & (y_tails == 1)
    # KLDivLoss(reduction='none', log_target=True): exp(target) * (target - input)
    # torch.cat([eq, neq]).mean(0) is order-invariant, so compute per-edge target
    # with flipped p_edges where nequal_mask holds, then mean over edges.
    target = jnp.where(nequal_mask[:, None], jnp.flip(p_edges, axis=1), p_edges)
    loss = jnp.exp(target) * (target - p_tails)
    return jnp.sum(jnp.mean(loss, axis=0)) * LOSS_WEIGHT

if __name__ == "__main__":
    import jax
    _d = setup_inputs()
    print(jax.jit(kernel)(*tuple(_d.values())))

</pallas_src>

<mosaic_0001>
#map = affine_map<(d0, d1) -> (0, 0, 0)>
#map1 = affine_map<(d0, d1) -> (0)>
#map2 = affine_map<(d0, d1) -> (0, 0)>
module attributes {stable_mosaic.version = 14 : i64} {
  func.func @_wrapped_body(%arg0: i32, %arg1: i32, %arg2: memref<781x2x128xf32, #tpu.memory_space<hbm>>, %arg3: memref<64xf32, #tpu.memory_space<hbm>>, %arg4: memref<6400000xf32, #tpu.memory_space<hbm>>, %arg5: memref<50000x128xi32, #tpu.memory_space<hbm>>, %arg6: memref<32x16xf32, #tpu.memory_space<hbm>>, %arg7: memref<100000xi32, #tpu.memory_space<vmem>>, %arg8: memref<12x2x128xf32, #tpu.memory_space<vmem>>, %arg9: memref<12x2x128xf32, #tpu.memory_space<vmem>>, %arg10: memref<1x2x128xf32, #tpu.memory_space<vmem>>, %arg11: memref<64xf32, #tpu.memory_space<vmem>>, %arg12: memref<8x128xi32, #tpu.memory_space<vmem>>, %arg13: memref<8x128xi32, #tpu.memory_space<vmem>>, %arg14: memref<8x128xi32, #tpu.memory_space<vmem>>, %arg15: memref<8x128xi32, #tpu.memory_space<vmem>>, %arg16: memref<2048xf32, #tpu.memory_space<vmem>>, %arg17: memref<2048xf32, #tpu.memory_space<vmem>>, %arg18: memref<2048xf32, #tpu.memory_space<vmem>>, %arg19: memref<2048xf32, #tpu.memory_space<vmem>>, %arg20: memref<8xi32, #tpu.memory_space<vmem>>, %arg21: memref<8xi32, #tpu.memory_space<vmem>>, %arg22: memref<8xi32, #tpu.memory_space<vmem>>, %arg23: memref<8xi32, #tpu.memory_space<vmem>>, %arg24: memref<16xf32, #tpu.memory_space<vmem>>, %arg25: memref<100000xi32, #tpu.memory_space<vmem_shared>>, %arg26: memref<!tpu.dma_semaphore, #tpu.memory_space<semaphore_mem>>, %arg27: memref<!tpu.dma_semaphore, #tpu.memory_space<semaphore_mem>>, %arg28: memref<!tpu.dma_semaphore, #tpu.memory_space<semaphore_mem>>, %arg29: memref<!tpu.dma_semaphore, #tpu.memory_space<semaphore_mem>>, %arg30: memref<!tpu.dma_semaphore, #tpu.memory_space<semaphore_mem>>, %arg31: memref<!tpu.dma_semaphore, #tpu.memory_space<semaphore_mem>>, %arg32: memref<!tpu.dma_semaphore, #tpu.memory_space<semaphore_mem>>, %arg33: memref<!tpu.dma_semaphore, #tpu.memory_space<semaphore_mem>>, %arg34: memref<!tpu.dma_semaphore, #tpu.memory_space<semaphore_mem>>, %arg35: memref<!tpu.dma_semaphore, #tpu.memory_space<semaphore_mem>>) attributes {dimension_semantics = [#tpu.dimension_semantics<core_parallel>, #tpu.dimension_semantics<subcore_parallel>], iteration_bounds = array<i64: 2, 16>, scalar_prefetch = 0 : i64, scratch_operands = 29 : i64, tpu.core_type = #tpu.core_type<sc_vector_subcore>, window_params = [{transform_indices = #map}, {transform_indices = #map1}, {transform_indices = #map1}, {transform_indices = #map2}, {transform_indices = #map2}]} {
    %mul3A = arith.constant 2 : i32
    %mul3A_0 = arith.muli %arg1, %mul3A : i32
    %add3A = arith.addi %mul3A_0, %arg0 : i32
    %iota3A = tpu.iota {dimensions = array<i32: 0>} : vector<16xi32>
    %broadcast_in_dim3A = arith.constant 0.000000e+00 : f32
    %broadcast_in_dim3A_1 = vector.broadcast %broadcast_in_dim3A : f32 to vector<16xf32>
    %add3A_2 = arith.constant 0 : i32
    %add3A_3 = arith.addi %add3A, %add3A_2 : i32
    %lt3A = arith.constant 3125 : i32
    %lt3A_4 = arith.cmpi slt, %add3A_3, %lt3A : i32
    %convert_element_type3A = arith.extui %lt3A_4 : i1 to i32
    %cond3A = arith.constant 0 : i32
    %cond3A_5 = arith.cmpi ne, %convert_element_type3A, %cond3A : i32
    scf.if %cond3A_5 {
      %mul3A_70 = arith.constant 16 : i32
      %mul3A_71 = arith.muli %mul3A_70, %add3A_3 : i32
      %mul3A_72 = arith.constant 2 : i32
      %mul3A_73 = vector.broadcast %mul3A_72 : i32 to vector<16xi32>
      %mul3A_74 = arith.muli %mul3A_73, %iota3A : vector<16xi32>
      %add3A_75 = vector.broadcast %mul3A_71 : i32 to vector<16xi32>
      %add3A_76 = arith.addi %add3A_75, %mul3A_74 : vector<16xi32>
      %lt3A_77 = arith.constant 8 : i32
      %lt3A_78 = vector.broadcast %lt3A_77 : i32 to vector<16xi32>
      %lt3A_79 = arith.cmpi slt, %iota3A, %lt3A_78 : vector<16xi32>
      tpu.vector_store_idx %arg20[%iota3A], %add3A_76 masked %lt3A_79 : memref<8xi32, #tpu.memory_space<vmem>>[vector<16xi32>], vector<16xi32>, vector<16xi1>
      %dma_start3A_80 = arith.constant 0 : i32
      %dma_start3A_81 = arith.constant 0 : i32
      %dma_start3A_82 = tpu.memref_slice %arg5[%dma_start3A_80, %dma_start3A_81] : memref<50000x128xi32, #tpu.memory_space<hbm>> -> memref<50000x128xi32, #tpu.memory_space<hbm>>
      tpu.enqueue_indirect_dma source(%dma_start3A_82 : memref<50000x128xi32, #tpu.memory_space<hbm>>) target(%arg12 : memref<8x128xi32, #tpu.memory_space<vmem>>) offsets(%arg20 : memref<8xi32, #tpu.memory_space<vmem>>) semaphore(%arg26 : memref<!tpu.dma_semaphore, #tpu.memory_space<semaphore_mem>>)
      %mul3A_83 = arith.constant 2048 : i32
      %mul3A_84 = arith.muli %add3A_3, %mul3A_83 : i32
      %dma_start3A_85 = tpu.memref_slice %arg4[%mul3A_84] : memref<6400000xf32, #tpu.memory_space<hbm>> -> memref<2048xf32, #tpu.memory_space<hbm>>
      %dma_start3A_86 = tpu.memref_slice %arg4[%mul3A_84] : memref<6400000xf32, #tpu.memory_space<hbm>> -> memref<2048xf32, #tpu.memory_space<hbm>>
      tpu.enqueue_dma source(%dma_start3A_86 : memref<2048xf32, #tpu.memory_space<hbm>>) target(%arg16 : memref<2048xf32, #tpu.memory_space<vmem>>) target_semaphore(%arg30 : memref<!tpu.dma_semaphore, #tpu.memory_space<semaphore_mem>>)
    } else {
    }
    %add3A_6 = arith.constant 32 : i32
    %add3A_7 = arith.addi %add3A, %add3A_6 : i32
    %lt3A_8 = arith.constant 3125 : i32
    %lt3A_9 = arith.cmpi slt, %add3A_7, %lt3A_8 : i32
    %convert_element_type3A_10 = arith.extui %lt3A_9 : i1 to i32
    %cond3A_11 = arith.constant 0 : i32
    %cond3A_12 = arith.cmpi ne, %convert_element_type3A_10, %cond3A_11 : i32
    scf.if %cond3A_12 {
      %mul3A_70 = arith.constant 16 : i32
      %mul3A_71 = arith.muli %mul3A_70, %add3A_7 : i32
      %mul3A_72 = arith.constant 2 : i32
      %mul3A_73 = vector.broadcast %mul3A_72 : i32 to vector<16xi32>
      %mul3A_74 = arith.muli %mul3A_73, %iota3A : vector<16xi32>
      %add3A_75 = vector.broadcast %mul3A_71 : i32 to vector<16xi32>
      %add3A_76 = arith.addi %add3A_75, %mul3A_74 : vector<16xi32>
      %lt3A_77 = arith.constant 8 : i32
      %lt3A_78 = vector.broadcast %lt3A_77 : i32 to vector<16xi32>
      %lt3A_79 = arith.cmpi slt, %iota3A, %lt3A_78 : vector<16xi32>
      tpu.vector_store_idx %arg21[%iota3A], %add3A_76 masked %lt3A_79 : memref<8xi32, #tpu.memory_space<vmem>>[vector<16xi32>], vector<16xi32>, vector<16xi1>
      %dma_start3A_80 = arith.constant 0 : i32
      %dma_start3A_81 = arith.constant 0 : i32
      %dma_start3A_82 = tpu.memref_slice %arg5[%dma_start3A_80, %dma_start3A_81] : memref<50000x128xi32, #tpu.memory_space<hbm>> -> memref<50000x128xi32, #tpu.memory_space<hbm>>
      tpu.enqueue_indirect_dma source(%dma_start3A_82 : memref<50000x128xi32, #tpu.memory_space<hbm>>) target(%arg13 : memref<8x128xi32, #tpu.memory_space<vmem>>) offsets(%arg21 : memref<8xi32, #tpu.memory_space<vmem>>) semaphore(%arg27 : memref<!tpu.dma_semaphore, #tpu.memory_space<semaphore_mem>>)
      %mul3A_83 = arith.constant 2048 : i32
      %mul3A_84 = arith.muli %add3A_7, %mul3A_83 : i32
      %dma_start3A_85 = tpu.memref_slice %arg4[%mul3A_84] : memref<6400000xf32, #tpu.memory_space<hbm>> -> memref<2048xf32, #tpu.memory_space<hbm>>
      %dma_start3A_86 = tpu.memref_slice %arg4[%mul3A_84] : memref<6400000xf32, #tpu.memory_space<hbm>> -> memref<2048xf32, #tpu.memory_space<hbm>>
      tpu.enqueue_dma source(%dma_start3A_86 : memref<2048xf32, #tpu.memory_space<hbm>>) target(%arg17 : memref<2048xf32, #tpu.memory_space<vmem>>) target_semaphore(%arg31 : memref<!tpu.dma_semaphore, #tpu.memory_space<semaphore_mem>>)
    } else {
    }
    %add3A_13 = arith.constant 64 : i32
    %add3A_14 = arith.addi %add3A, %add3A_13 : i32
    %lt3A_15 = arith.constant 3125 : i32
    %lt3A_16 = arith.cmpi slt, %add3A_14, %lt3A_15 : i32
    %convert_element_type3A_17 = arith.extui %lt3A_16 : i1 to i32
    %cond3A_18 = arith.constant 0 : i32
    %cond3A_19 = arith.cmpi ne, %convert_element_type3A_17, %cond3A_18 : i32
    scf.if %cond3A_19 {
      %mul3A_70 = arith.constant 16 : i32
      %mul3A_71 = arith.muli %mul3A_70, %add3A_14 : i32
      %mul3A_72 = arith.constant 2 : i32
      %mul3A_73 = vector.broadcast %mul3A_72 : i32 to vector<16xi32>
      %mul3A_74 = arith.muli %mul3A_73, %iota3A : vector<16xi32>
      %add3A_75 = vector.broadcast %mul3A_71 : i32 to vector<16xi32>
      %add3A_76 = arith.addi %add3A_75, %mul3A_74 : vector<16xi32>
      %lt3A_77 = arith.constant 8 : i32
      %lt3A_78 = vector.broadcast %lt3A_77 : i32 to vector<16xi32>
      %lt3A_79 = arith.cmpi slt, %iota3A, %lt3A_78 : vector<16xi32>
      tpu.vector_store_idx %arg22[%iota3A], %add3A_76 masked %lt3A_79 : memref<8xi32, #tpu.memory_space<vmem>>[vector<16xi32>], vector<16xi32>, vector<16xi1>
      %dma_start3A_80 = arith.constant 0 : i32
      %dma_start3A_81 = arith.constant 0 : i32
      %dma_start3A_82 = tpu.memref_slice %arg5[%dma_start3A_80, %dma_start3A_81] : memref<50000x128xi32, #tpu.memory_space<hbm>> -> memref<50000x128xi32, #tpu.memory_space<hbm>>
      tpu.enqueue_indirect_dma source(%dma_start3A_82 : memref<50000x128xi32, #tpu.memory_space<hbm>>) target(%arg14 : memref<8x128xi32, #tpu.memory_space<vmem>>) offsets(%arg22 : memref<8xi32, #tpu.memory_space<vmem>>) semaphore(%arg28 : memref<!tpu.dma_semaphore, #tpu.memory_space<semaphore_mem>>)
      %mul3A_83 = arith.constant 2048 : i32
      %mul3A_84 = arith.muli %add3A_14, %mul3A_83 : i32
      %dma_start3A_85 = tpu.memref_slice %arg4[%mul3A_84] : memref<6400000xf32, #tpu.memory_space<hbm>> -> memref<2048xf32, #tpu.memory_space<hbm>>
      %dma_start3A_86 = tpu.memref_slice %arg4[%mul3A_84] : memref<6400000xf32, #tpu.memory_space<hbm>> -> memref<2048xf32, #tpu.memory_space<hbm>>
      tpu.enqueue_dma source(%dma_start3A_86 : memref<2048xf32, #tpu.memory_space<hbm>>) target(%arg18 : memref<2048xf32, #tpu.memory_space<vmem>>) target_semaphore(%arg32 : memref<!tpu.dma_semaphore, #tpu.memory_space<semaphore_mem>>)
    } else {
    }
    %add3A_20 = arith.constant 96 : i32
    %add3A_21 = arith.addi %add3A, %add3A_20 : i32
    %lt3A_22 = arith.constant 3125 : i32
    %lt3A_23 = arith.cmpi slt, %add3A_21, %lt3A_22 : i32
    %convert_element_type3A_24 = arith.extui %lt3A_23 : i1 to i32
    %cond3A_25 = arith.constant 0 : i32
    %cond3A_26 = arith.cmpi ne, %convert_element_type3A_24, %cond3A_25 : i32
    scf.if %cond3A_26 {
      %mul3A_70 = arith.constant 16 : i32
      %mul3A_71 = arith.muli %mul3A_70, %add3A_21 : i32
      %mul3A_72 = arith.constant 2 : i32
      %mul3A_73 = vector.broadcast %mul3A_72 : i32 to vector<16xi32>
      %mul3A_74 = arith.muli %mul3A_73, %iota3A : vector<16xi32>
      %add3A_75 = vector.broadcast %mul3A_71 : i32 to vector<16xi32>
      %add3A_76 = arith.addi %add3A_75, %mul3A_74 : vector<16xi32>
      %lt3A_77 = arith.constant 8 : i32
      %lt3A_78 = vector.broadcast %lt3A_77 : i32 to vector<16xi32>
      %lt3A_79 = arith.cmpi slt, %iota3A, %lt3A_78 : vector<16xi32>
      tpu.vector_store_idx %arg23[%iota3A], %add3A_76 masked %lt3A_79 : memref<8xi32, #tpu.memory_space<vmem>>[vector<16xi32>], vector<16xi32>, vector<16xi1>
      %dma_start3A_80 = arith.constant 0 : i32
      %dma_start3A_81 = arith.constant 0 : i32
      %dma_start3A_82 = tpu.memref_slice %arg5[%dma_start3A_80, %dma_start3A_81] : memref<50000x128xi32, #tpu.memory_space<hbm>> -> memref<50000x128xi32, #tpu.memory_space<hbm>>
      tpu.enqueue_indirect_dma source(%dma_start3A_82 : memref<50000x128xi32, #tpu.memory_space<hbm>>) target(%arg15 : memref<8x128xi32, #tpu.memory_space<vmem>>) offsets(%arg23 : memref<8xi32, #tpu.memory_space<vmem>>) semaphore(%arg29 : memref<!tpu.dma_semaphore, #tpu.memory_space<semaphore_mem>>)
      %mul3A_83 = arith.constant 2048 : i32
      %mul3A_84 = arith.muli %add3A_21, %mul3A_83 : i32
      %dma_start3A_85 = tpu.memref_slice %arg4[%mul3A_84] : memref<6400000xf32, #tpu.memory_space<hbm>> -> memref<2048xf32, #tpu.memory_space<hbm>>
      %dma_start3A_86 = tpu.memref_slice %arg4[%mul3A_84] : memref<6400000xf32, #tpu.memory_space<hbm>> -> memref<2048xf32, #tpu.memory_space<hbm>>
      tpu.enqueue_dma source(%dma_start3A_86 : memref<2048xf32, #tpu.memory_space<hbm>>) target(%arg19 : memref<2048xf32, #tpu.memory_space<vmem>>) target_semaphore(%arg33 : memref<!tpu.dma_semaphore, #tpu.memory_space<semaphore_mem>>)
    } else {
    }
    %mul3A_27 = arith.constant 48 : i32
    %mul3A_28 = arith.muli %arg1, %mul3A_27 : i32
    %add3A_29 = arith.constant 0 : i32
    %add3A_30 = arith.addi %mul3A_28, %add3A_29 : i32
    %dma_start3A = arith.constant 0 : i32
    %dma_start3A_31 = arith.constant 0 : i32
    %dma_start3A_32 = tpu.memref_slice %arg2[%add3A_30, %dma_start3A, %dma_start3A_31] : memref<781x2x128xf32, #tpu.memory_space<hbm>> -> memref<12x2x128xf32, #tpu.memory_space<hbm>>
    %dma_start3A_33 = arith.constant 0 : i32
    %dma_start3A_34 = arith.constant 0 : i32
    %dma_start3A_35 = tpu.memref_slice %arg2[%add3A_30, %dma_start3A_33, %dma_start3A_34] : memref<781x2x128xf32, #tpu.memory_space<hbm>> -> memref<12x2x128xf32, #tpu.memory_space<hbm>>
    tpu.enqueue_dma source(%dma_start3A_35 : memref<12x2x128xf32, #tpu.memory_space<hbm>>) target(%arg8 : memref<12x2x128xf32, #tpu.memory_space<vmem>>) target_semaphore(%arg34 : memref<!tpu.dma_semaphore, #tpu.memory_space<semaphore_mem>>)
    %add3A_36 = arith.constant 12 : i32
    %add3A_37 = arith.addi %mul3A_28, %add3A_36 : i32
    %dma_start3A_38 = arith.constant 0 : i32
    %dma_start3A_39 = arith.constant 0 : i32
    %dma_start3A_40 = tpu.memref_slice %arg2[%add3A_37, %dma_start3A_38, %dma_start3A_39] : memref<781x2x128xf32, #tpu.memory_space<hbm>> -> memref<12x2x128xf32, #tpu.memory_space<hbm>>
    %dma_start3A_41 = arith.constant 0 : i32
    %dma_start3A_42 = arith.constant 0 : i32
    %dma_start3A_43 = tpu.memref_slice %arg2[%add3A_37, %dma_start3A_41, %dma_start3A_42] : memref<781x2x128xf32, #tpu.memory_space<hbm>> -> memref<12x2x128xf32, #tpu.memory_space<hbm>>
    tpu.enqueue_dma source(%dma_start3A_43 : memref<12x2x128xf32, #tpu.memory_space<hbm>>) target(%arg9 : memref<12x2x128xf32, #tpu.memory_space<vmem>>) target_semaphore(%arg35 : memref<!tpu.dma_semaphore, #tpu.memory_space<semaphore_mem>>)
    %scan3A = arith.constant 0 : i32
    %scan3A_44 = arith.constant 0 : i32
    %scan3A_45 = arith.constant 2 : i32
    %scan3A_46 = arith.addi %scan3A_44, %scan3A_45 : i32
    %scan3A_47 = arith.constant 1 : i32
    scf.for %scan3A_70 = %scan3A_44 to %scan3A_46 step %scan3A_47  : i32 {
      %mul3A_71 = arith.constant 2 : i32
      %mul3A_72 = arith.muli %scan3A_70, %mul3A_71 : i32
      %add3A_73 = arith.constant 0 : i32
      %add3A_74 = arith.addi %mul3A_72, %add3A_73 : i32
      %mul3A_75 = arith.constant 12 : i32
      %mul3A_76 = arith.muli %add3A_74, %mul3A_75 : i32
      %add3A_77 = arith.addi %mul3A_28, %mul3A_76 : i32
      %mul3A_78 = arith.constant 128 : i32
      %mul3A_79 = arith.muli %add3A_77, %mul3A_78 : i32
      %dma_wait3A = arith.constant 0 : i32
      %dma_wait3A_80 = arith.constant 0 : i32
      %dma_wait3A_81 = arith.constant 0 : i32
      %dma_wait3A_82 = tpu.memref_slice %arg2[%dma_wait3A, %dma_wait3A_80, %dma_wait3A_81] : memref<781x2x128xf32, #tpu.memory_space<hbm>> -> memref<12x2x128xf32, #tpu.memory_space<hbm>>
      %dma_wait3A_83 = arith.constant 0 : i32
      %dma_wait3A_84 = arith.constant 0 : i32
      %dma_wait3A_85 = arith.constant 0 : i32
      %dma_wait3A_86 = tpu.memref_slice %arg2[%dma_wait3A_83, %dma_wait3A_84, %dma_wait3A_85] : memref<781x2x128xf32, #tpu.memory_space<hbm>> -> memref<12x2x128xf32, #tpu.memory_space<hbm>>
      tpu.wait_dma2 semaphore(%arg34 : memref<!tpu.dma_semaphore, #tpu.memory_space<semaphore_mem>>) src(%dma_wait3A_86 : memref<12x2x128xf32, #tpu.memory_space<hbm>>) dst(%arg8 : memref<12x2x128xf32, #tpu.memory_space<vmem>>)
      %scan3A_87 = arith.constant 0 : i32
      %scan3A_88 = arith.constant 0 : i32
      %scan3A_89 = arith.constant 12 : i32
      %scan3A_90 = arith.addi %scan3A_88, %scan3A_89 : i32
      %scan3A_91 = arith.constant 1 : i32
      scf.for %scan3A_130 = %scan3A_88 to %scan3A_90 step %scan3A_91  : i32 {
        %get3A = arith.constant 0 : i32
        %get3A_131 = arith.index_cast %scan3A_130 : i32 to index
        %get3A_132 = arith.index_cast %get3A : i32 to index
        %get3A_133 = arith.constant 0 : index
        %get3A_134 = tpu.vector_load %arg8[%get3A_131, %get3A_132, %get3A_133] {strides = array<i32>} : memref<12x2x128xf32, #tpu.memory_space<vmem>>, vector<16xf32>,
        %get3A_135 = arith.constant 1 : i32
        %get3A_136 = arith.index_cast %scan3A_130 : i32 to index
        %get3A_137 = arith.index_cast %get3A_135 : i32 to index
        %get3A_138 = arith.constant 0 : index
        %get3A_139 = tpu.vector_load %arg8[%get3A_136, %get3A_137, %get3A_138] {strides = array<i32>} : memref<12x2x128xf32, #tpu.memory_space<vmem>>, vector<16xf32>,
        %bitcast3A = vector.bitcast %get3A_134 : vector<16xf32> to vector<16xi32>
        %bitcast3A_140 = vector.bitcast %get3A_139 : vector<16xf32> to vector<16xi32>
        %add3A_141 = arith.constant 32767 : i32
        %add3A_142 = vector.broadcast %add3A_141 : i32 to vector<16xi32>
        %add3A_143 = arith.addi %bitcast3A, %add3A_142 : vector<16xi32>
        %shift_right_logical3A = arith.constant 16 : i32
        %shift_right_logical3A_144 = vector.broadcast %shift_right_logical3A : i32 to vector<16xi32>
        %shift_right_logical3A_145 = arith.shrui %bitcast3A, %shift_right_logical3A_144 : vector<16xi32>
        %and3A = arith.constant 1 : i32
        %and3A_146 = vector.broadcast %and3A : i32 to vector<16xi32>
        %and3A_147 = arith.andi %shift_right_logical3A_145, %and3A_146 : vector<16xi32>
        %add3A_148 = arith.addi %add3A_143, %and3A_147 : vector<16xi32>
        %add3A_149 = arith.constant 32767 : i32
        %add3A_150 = vector.broadcast %add3A_149 : i32 to vector<16xi32>
        %add3A_151 = arith.addi %bitcast3A_140, %add3A_150 : vector<16xi32>
        %shift_right_logical3A_152 = arith.constant 16 : i32
        %shift_right_logical3A_153 = vector.broadcast %shift_right_logical3A_152 : i32 to vector<16xi32>
        %shift_right_logical3A_154 = arith.shrui %bitcast3A_140, %shift_right_logical3A_153 : vector<16xi32>
        %and3A_155 = arith.constant 1 : i32
        %and3A_156 = vector.broadcast %and3A_155 : i32 to vector<16xi32>
        %and3A_157 = arith.andi %shift_right_logical3A_154, %and3A_156 : vector<16xi32>
        %add3A_158 = arith.addi %add3A_151, %and3A_157 : vector<16xi32>
        %shift_right_logical3A_159 = arith.constant 16 : i32
        %shift_right_logical3A_160 = vector.broadcast %shift_right_logical3A_159 : i32 to vector<16xi32>
        %shift_right_logical3A_161 = arith.shrui %add3A_148, %shift_right_logical3A_160 : vector<16xi32>
        %and3A_162 = arith.constant -65536 : i32
        %and3A_163 = vector.broadcast %and3A_162 : i32 to vector<16xi32>
        %and3A_164 = arith.andi %add3A_158, %and3A_163 : vector<16xi32>
        %or3A = arith.ori %shift_right_logical3A_161, %and3A_164 : vector<16xi32>
        %mul3A_165 = arith.constant 128 : i32
        %mul3A_166 = arith.muli %scan3A_130, %mul3A_165 : i32
        %add3A_167 = arith.addi %mul3A_79, %mul3A_166 : i32
        %add3A_168 = arith.constant 0 : i32
        %add3A_169 = arith.addi %add3A_167, %add3A_168 : i32
        %swap3A_170 = arith.index_cast %add3A_169 : i32 to index
        %swap3A_171 = tpu.vector_load %arg7[%swap3A_170] {strides = array<i32>} : memref<100000xi32, #tpu.memory_space<vmem>>, vector<16xi32>,
        tpu.vector_store %arg7[%swap3A_170], %or3A {strides = array<i32>} : memref<100000xi32, #tpu.memory_space<vmem>>, vector<16xi32>,
        %get3A_172 = arith.constant 0 : i32
        %get3A_173 = arith.index_cast %scan3A_130 : i32 to index
        %get3A_174 = arith.index_cast %get3A_172 : i32 to index
        %get3A_175 = arith.constant 16 : index
        %get3A_176 = tpu.vector_load %arg8[%get3A_173, %get3A_174, %get3A_175] {strides = array<i32>} : memref<12x2x128xf32, #tpu.memory_space<vmem>>, vector<16xf32>,
        %get3A_177 = arith.constant 1 : i32
        %get3A_178 = arith.index_cast %scan3A_130 : i32 to index
        %get3A_179 = arith.index_cast %get3A_177 : i32 to index
        %get3A_180 = arith.constant 16 : index
        %get3A_181 = tpu.vector_load %arg8[%get3A_178, %get3A_179, %get3A_180] {strides = array<i32>} : memref<12x2x128xf32, #tpu.memory_space<vmem>>, vector<16xf32>,
        %bitcast3A_182 = vector.bitcast %get3A_176 : vector<16xf32> to vector<16xi32>
        %bitcast3A_183 = vector.bitcast %get3A_181 : vector<16xf32> to vector<16xi32>
        %add3A_184 = arith.constant 32767 : i32
        %add3A_185 = vector.broadcast %add3A_184 : i32 to vector<16xi32>
        %add3A_186 = arith.addi %bitcast3A_182, %add3A_185 : vector<16xi32>
        %shift_right_logical3A_187 = arith.constant 16 : i32
        %shift_right_logical3A_188 = vector.broadcast %shift_right_logical3A_187 : i32 to vector<16xi32>
        %shift_right_logical3A_189 = arith.shrui %bitcast3A_182, %shift_right_logical3A_188 : vector<16xi32>
        %and3A_190 = arith.constant 1 : i32
        %and3A_191 = vector.broadcast %and3A_190 : i32 to vector<16xi32>
        %and3A_192 = arith.andi %shift_right_logical3A_189, %and3A_191 : vector<16xi32>
        %add3A_193 = arith.addi %add3A_186, %and3A_192 : vector<16xi32>
        %add3A_194 = arith.constant 32767 : i32
        %add3A_195 = vector.broadcast %add3A_194 : i32 to vector<16xi32>
        %add3A_196 = arith.addi %bitcast3A_183, %add3A_195 : vector<16xi32>
        %shift_right_logical3A_197 = arith.constant 16 : i32
        %shift_right_logical3A_198 = vector.broadcast %shift_right_logical3A_197 : i32 to vector<16xi32>
        %shift_right_logical3A_199 = arith.shrui %bitcast3A_183, %shift_right_logical3A_198 : vector<16xi32>
        %and3A_200 = arith.constant 1 : i32
        %and3A_201 = vector.broadcast %and3A_200 : i32 to vector<16xi32>
        %and3A_202 = arith.andi %shift_right_logical3A_199, %and3A_201 : vector<16xi32>
        %add3A_203 = arith.addi %add3A_196, %and3A_202 : vector<16xi32>
        %shift_right_logical3A_204 = arith.constant 16 : i32
        %shift_right_logical3A_205 = vector.broadcast %shift_right_logical3A_204 : i32 to vector<16xi32>
        %shift_right_logical3A_206 = arith.shrui %add3A_193, %shift_right_logical3A_205 : vector<16xi32>
        %and3A_207 = arith.constant -65536 : i32
        %and3A_208 = vector.broadcast %and3A_207 : i32 to vector<16xi32>
        %and3A_209 = arith.andi %add3A_203, %and3A_208 : vector<16xi32>
        %or3A_210 = arith.ori %shift_right_logical3A_206, %and3A_209 : vector<16xi32>
        %mul3A_211 = arith.constant 128 : i32
        %mul3A_212 = arith.muli %scan3A_130, %mul3A_211 : i32
        %add3A_213 = arith.addi %mul3A_79, %mul3A_212 : i32
        %add3A_214 = arith.constant 16 : i32
        %add3A_215 = arith.addi %add3A_213, %add3A_214 : i32
        %swap3A_216 = arith.index_cast %add3A_215 : i32 to index
        %swap3A_217 = tpu.vector_load %arg7[%swap3A_216] {strides = array<i32>} : memref<100000xi32, #tpu.memory_space<vmem>>, vector<16xi32>,
        tpu.vector_store %arg7[%swap3A_216], %or3A_210 {strides = array<i32>} : memref<100000xi32, #tpu.memory_space<vmem>>, vector<16xi32>,
        %get3A_218 = arith.constant 0 : i32
        %get3A_219 = arith.index_cast %scan3A_130 : i32 to index
        %get3A_220 = arith.index_cast %get3A_218 : i32 to index
        %get3A_221 = arith.constant 32 : index
        %get3A_222 = tpu.vector_load %arg8[%get3A_219, %get3A_220, %get3A_221] {strides = array<i32>} : memref<12x2x128xf32, #tpu.memory_space<vmem>>, vector<16xf32>,
        %get3A_223 = arith.constant 1 : i32
        %get3A_224 = arith.index_cast %scan3A_130 : i32 to index
        %get3A_225 = arith.index_cast %get3A_223 : i32 to index
        %get3A_226 = arith.constant 32 : index
        %get3A_227 = tpu.vector_load %arg8[%get3A_224, %get3A_225, %get3A_226] {strides = array<i32>} : memref<12x2x128xf32, #tpu.memory_space<vmem>>, vector<16xf32>,
        %bitcast3A_228 = vector.bitcast %get3A_222 : vector<16xf32> to vector<16xi32>
        %bitcast3A_229 = vector.bitcast %get3A_227 : vector<16xf32> to vector<16xi32>
        %add3A_230 = arith.constant 32767 : i32
        %add3A_231 = vector.broadcast %add3A_230 : i32 to vector<16xi32>
        %add3A_232 = arith.addi %bitcast3A_228, %add3A_231 : vector<16xi32>
        %shift_right_logical3A_233 = arith.constant 16 : i32
        %shift_right_logical3A_234 = vector.broadcast %shift_right_logical3A_233 : i32 to vector<16xi32>
        %shift_right_logical3A_235 = arith.shrui %bitcast3A_228, %shift_right_logical3A_234 : vector<16xi32>
        %and3A_236 = arith.constant 1 : i32
        %and3A_237 = vector.broadcast %and3A_236 : i32 to vector<16xi32>
        %and3A_238 = arith.andi %shift_right_logical3A_235, %and3A_237 : vector<16xi32>
        %add3A_239 = arith.addi %add3A_232, %and3A_238 : vector<16xi32>
        %add3A_240 = arith.constant 32767 : i32
        %add3A_241 = vector.broadcast %add3A_240 : i32 to vector<16xi32>
        %add3A_242 = arith.addi %bitcast3A_229, %add3A_241 : vector<16xi32>
        %shift_right_logical3A_243 = arith.constant 16 : i32
        %shift_right_logical3A_244 = vector.broadcast %shift_right_logical3A_243 : i32 to vector<16xi32>
        %shift_right_logical3A_245 = arith.shrui %bitcast3A_229, %shift_right_logical3A_244 : vector<16xi32>
        %and3A_246 = arith.constant 1 : i32
        %and3A_247 = vector.broadcast %and3A_246 : i32 to vector<16xi32>
        %and3A_248 = arith.andi %shift_right_logical3A_245, %and3A_247 : vector<16xi32>
        %add3A_249 = arith.addi %add3A_242, %and3A_248 : vector<16xi32>
        %shift_right_logical3A_250 = arith.constant 16 : i32
        %shift_right_logical3A_251 = vector.broadcast %shift_right_logical3A_250 : i32 to vector<16xi32>
        %shift_right_logical3A_252 = arith.shrui %add3A_239, %shift_right_logical3A_251 : vector<16xi32>
        %and3A_253 = arith.constant -65536 : i32
        %and3A_254 = vector.broadcast %and3A_253 : i32 to vector<16xi32>
        %and3A_255 = arith.andi %add3A_249, %and3A_254 : vector<16xi32>
        %or3A_256 = arith.ori %shift_right_logical3A_252, %and3A_255 : vector<16xi32>
        %mul3A_257 = arith.constant 128 : i32
        %mul3A_258 = arith.muli %scan3A_130, %mul3A_257 : i32
        %add3A_259 = arith.addi %mul3A_79, %mul3A_258 : i32
        %add3A_260 = arith.constant 32 : i32
        %add3A_261 = arith.addi %add3A_259, %add3A_260 : i32
        %swap3A_262 = arith.index_cast %add3A_261 : i32 to index
        %swap3A_263 = tpu.vector_load %arg7[%swap3A_262] {strides = array<i32>} : memref<100000xi32, #tpu.memory_space<vmem>>, vector<16xi32>,
        tpu.vector_store %arg7[%swap3A_262], %or3A_256 {strides = array<i32>} : memref<100000xi32, #tpu.memory_space<vmem>>, vector<16xi32>,
        %get3A_264 = arith.constant 0 : i32
        %get3A_265 = arith.index_cast %scan3A_130 : i32 to index
        %get3A_266 = arith.index_cast %get3A_264 : i32 to index
        %get3A_267 = arith.constant 48 : index
        %get3A_268 = tpu.vector_load %arg8[%get3A_265, %get3A_266, %get3A_267] {strides = array<i32>} : memref<12x2x128xf32, #tpu.memory_space<vmem>>, vector<16xf32>,
        %get3A_269 = arith.constant 1 : i32
        %get3A_270 = arith.index_cast %scan3A_130 : i32 to index
        %get3A_271 = arith.index_cast %get3A_269 : i32 to index
        %get3A_272 = arith.constant 48 : index
        %get3A_273 = tpu.vector_load %arg8[%get3A_270, %get3A_271, %get3A_272] {strides = array<i32>} : memref<12x2x128xf32, #tpu.memory_space<vmem>>, vector<16xf32>,
        %bitcast3A_274 = vector.bitcast %get3A_268 : vector<16xf32> to vector<16xi32>
        %bitcast3A_275 = vector.bitcast %get3A_273 : vector<16xf32> to vector<16xi32>
        %add3A_276 = arith.constant 32767 : i32
        %add3A_277 = vector.broadcast %add3A_276 : i32 to vector<16xi32>
        %add3A_278 = arith.addi %bitcast3A_274, %add3A_277 : vector<16xi32>
        %shift_right_logical3A_279 = arith.constant 16 : i32
        %shift_right_logical3A_280 = vector.broadcast %shift_right_logical3A_279 : i32 to vector<16xi32>
        %shift_right_logical3A_281 = arith.shrui %bitcast3A_274, %shift_right_logical3A_280 : vector<16xi32>
        %and3A_282 = arith.constant 1 : i32
        %and3A_283 = vector.broadcast %and3A_282 : i32 to vector<16xi32>
        %and3A_284 = arith.andi %shift_right_logical3A_281, %and3A_283 : vector<16xi32>
        %add3A_285 = arith.addi %add3A_278, %and3A_284 : vector<16xi32>
        %add3A_286 = arith.constant 32767 : i32
        %add3A_287 = vector.broadcast %add3A_286 : i32 to vector<16xi32>
        %add3A_288 = arith.addi %bitcast3A_275, %add3A_287 : vector<16xi32>
        %shift_right_logical3A_289 = arith.constant 16 : i32
        %shift_right_logical3A_290 = vector.broadcast %shift_right_logical3A_289 : i32 to vector<16xi32>
        %shift_right_logical3A_291 = arith.shrui %bitcast3A_275, %shift_right_logical3A_290 : vector<16xi32>
        %and3A_292 = arith.constant 1 : i32
        %and3A_293 = vector.broadcast %and3A_292 : i32 to vector<16xi32>
        %and3A_294 = arith.andi %shift_right_logical3A_291, %and3A_293 : vector<16xi32>
        %add3A_295 = arith.addi %add3A_288, %and3A_294 : vector<16xi32>
        %shift_right_logical3A_296 = arith.constant 16 : i32
        %shift_right_logical3A_297 = vector.broadcast %shift_right_logical3A_296 : i32 to vector<16xi32>
        %shift_right_logical3A_298 = arith.shrui %add3A_285, %shift_right_logical3A_297 : vector<16xi32>
        %and3A_299 = arith.constant -65536 : i32
        %and3A_300 = vector.broadcast %and3A_299 : i32 to vector<16xi32>
        %and3A_301 = arith.andi %add3A_295, %and3A_300 : vector<16xi32>
        %or3A_302 = arith.ori %shift_right_logical3A_298, %and3A_301 : vector<16xi32>
        %mul3A_303 = arith.constant 128 : i32
        %mul3A_304 = arith.muli %scan3A_130, %mul3A_303 : i32
        %add3A_305 = arith.addi %mul3A_79, %mul3A_304 : i32
        %add3A_306 = arith.constant 48 : i32
        %add3A_307 = arith.addi %add3A_305, %add3A_306 : i32
        %swap3A_308 = arith.index_cast %add3A_307 : i32 to index
        %swap3A_309 = tpu.vector_load %arg7[%swap3A_308] {strides = array<i32>} : memref<100000xi32, #tpu.memory_space<vmem>>, vector<16xi32>,
        tpu.vector_store %arg7[%swap3A_308], %or3A_302 {strides = array<i32>} : memref<100000xi32, #tpu.memory_space<vmem>>, vector<16xi32>,
        %get3A_310 = arith.constant 0 : i32
        %get3A_311 = arith.index_cast %scan3A_130 : i32 to index
        %get3A_312 = arith.index_cast %get3A_310 : i32 to index
        %get3A_313 = arith.constant 64 : index
        %get3A_314 = tpu.vector_load %arg8[%get3A_311, %get3A_312, %get3A_313] {strides = array<i32>} : memref<12x2x128xf32, #tpu.memory_space<vmem>>, vector<16xf32>,
        %get3A_315 = arith.constant 1 : i32
        %get3A_316 = arith.index_cast %scan3A_130 : i32 to index
        %get3A_317 = arith.index_cast %get3A_315 : i32 to index
        %get3A_318 = arith.constant 64 : index
        %get3A_319 = tpu.vector_load %arg8[%get3A_316, %get3A_317, %get3A_318] {strides = array<i32>} : memref<12x2x128xf32, #tpu.memory_space<vmem>>, vector<16xf32>,
        %bitcast3A_320 = vector.bitcast %get3A_314 : vector<16xf32> to vector<16xi32>
        %bitcast3A_321 = vector.bitcast %get3A_319 : vector<16xf32> to vector<16xi32>
        %add3A_322 = arith.constant 32767 : i32
        %add3A_323 = vector.broadcast %add3A_322 : i32 to vector<16xi32>
        %add3A_324 = arith.addi %bitcast3A_320, %add3A_323 : vector<16xi32>
        %shift_right_logical3A_325 = arith.constant 16 : i32
        %shift_right_logical3A_326 = vector.broadcast %shift_right_logical3A_325 : i32 to vector<16xi32>
        %shift_right_logical3A_327 = arith.shrui %bitcast3A_320, %shift_right_logical3A_326 : vector<16xi32>
        %and3A_328 = arith.constant 1 : i32
        %and3A_329 = vector.broadcast %and3A_328 : i32 to vector<16xi32>
        %and3A_330 = arith.andi %shift_right_logical3A_327, %and3A_329 : vector<16xi32>
        %add3A_331 = arith.addi %add3A_324, %and3A_330 : vector<16xi32>
        %add3A_332 = arith.constant 32767 : i32
        %add3A_333 = vector.broadcast %add3A_332 : i32 to vector<16xi32>
        %add3A_334 = arith.addi %bitcast3A_321, %add3A_333 : vector<16xi32>
        %shift_right_logical3A_335 = arith.constant 16 : i32
        %shift_right_logical3A_336 = vector.broadcast %shift_right_logical3A_335 : i32 to vector<16xi32>
        %shift_right_logical3A_337 = arith.shrui %bitcast3A_321, %shift_right_logical3A_336 : vector<16xi32>
        %and3A_338 = arith.constant 1 : i32
        %and3A_339 = vector.broadcast %and3A_338 : i32 to vector<16xi32>
        %and3A_340 = arith.andi %shift_right_logical3A_337, %and3A_339 : vector<16xi32>
        %add3A_341 = arith.addi %add3A_334, %and3A_340 : vector<16xi32>
        %shift_right_logical3A_342 = arith.constant 16 : i32
        %shift_right_logical3A_343 = vector.broadcast %shift_right_logical3A_342 : i32 to vector<16xi32>
        %shift_right_logical3A_344 = arith.shrui %add3A_331, %shift_right_logical3A_343 : vector<16xi32>
        %and3A_345 = arith.constant -65536 : i32
        %and3A_346 = vector.broadcast %and3A_345 : i32 to vector<16xi32>
        %and3A_347 = arith.andi %add3A_341, %and3A_346 : vector<16xi32>
        %or3A_348 = arith.ori %shift_right_logical3A_344, %and3A_347 : vector<16xi32>
        %mul3A_349 = arith.constant 128 : i32
        %mul3A_350 = arith.muli %scan3A_130, %mul3A_349 : i32
        %add3A_351 = arith.addi %mul3A_79, %mul3A_350 : i32
        %add3A_352 = arith.constant 64 : i32
        %add3A_353 = arith.addi %add3A_351, %add3A_352 : i32
        %swap3A_354 = arith.index_cast %add3A_353 : i32 to index
        %swap3A_355 = tpu.vector_load %arg7[%swap3A_354] {strides = array<i32>} : memref<100000xi32, #tpu.memory_space<vmem>>, vector<16xi32>,
        tpu.vector_store %arg7[%swap3A_354], %or3A_348 {strides = array<i32>} : memref<100000xi32, #tpu.memory_space<vmem>>, vector<16xi32>,
        %get3A_356 = arith.constant 0 : i32
        %get3A_357 = arith.index_cast %scan3A_130 : i32 to index
        %get3A_358 = arith.index_cast %get3A_356 : i32 to index
        %get3A_359 = arith.constant 80 : index
        %get3A_360 = tpu.vector_load %arg8[%get3A_357, %get3A_358, %get3A_359] {strides = array<i32>} : memref<12x2x128xf32, #tpu.memory_space<vmem>>, vector<16xf32>,
        %get3A_361 = arith.constant 1 : i32
        %get3A_362 = arith.index_cast %scan3A_130 : i32 to index
        %get3A_363 = arith.index_cast %get3A_361 : i32 to index
        %get3A_364 = arith.constant 80 : index
        %get3A_365 = tpu.vector_load %arg8[%get3A_362, %get3A_363, %get3A_364] {strides = array<i32>} : memref<12x2x128xf32, #tpu.memory_space<vmem>>, vector<16xf32>,
        %bitcast3A_366 = vector.bitcast %get3A_360 : vector<16xf32> to vector<16xi32>
        %bitcast3A_367 = vector.bitcast %get3A_365 : vector<16xf32> to vector<16xi32>
        %add3A_368 = arith.constant 32767 : i32
        %add3A_369 = vector.broadcast %add3A_368 : i32 to vector<16xi32>
        %add3A_370 = arith.addi %bitcast3A_366, %add3A_369 : vector<16xi32>
        %shift_right_logical3A_371 = arith.constant 16 : i32
        %shift_right_logical3A_372 = vector.broadcast %shift_right_logical3A_371 : i32 to vector<16xi32>
        %shift_right_logical3A_373 = arith.shrui %bitcast3A_366, %shift_right_logical3A_372 : vector<16xi32>
        %and3A_374 = arith.constant 1 : i32
        %and3A_375 = vector.broadcast %and3A_374 : i32 to vector<16xi32>
        %and3A_376 = arith.andi %shift_right_logical3A_373, %and3A_375 : vector<16xi32>
        %add3A_377 = arith.addi %add3A_370, %and3A_376 : vector<16xi32>
        %add3A_378 = arith.constant 32767 : i32
        %add3A_379 = vector.broadcast %add3A_378 : i32 to vector<16xi32>
        %add3A_380 = arith.addi %bitcast3A_367, %add3A_379 : vector<16xi32>
        %shift_right_logical3A_381 = arith.constant 16 : i32
        %shift_right_logical3A_382 = vector.broadcast %shift_right_logical3A_381 : i32 to vector<16xi32>
        %shift_right_logical3A_383 = arith.shrui %bitcast3A_367, %shift_right_logical3A_382 : vector<16xi32>
        %and3A_384 = arith.constant 1 : i32
        %and3A_385 = vector.broadcast %and3A_384 : i32 to vector<16xi32>
        %and3A_386 = arith.andi %shift_right_logical3A_383, %and3A_385 : vector<16xi32>
        %add3A_387 = arith.addi %add3A_380, %and3A_386 : vector<16xi32>
        %shift_right_logical3A_388 = arith.constant 16 : i32
        %shift_right_logical3A_389 = vector.broadcast %shift_right_logical3A_388 : i32 to vector<16xi32>
        %shift_right_logical3A_390 = arith.shrui %add3A_377, %shift_right_logical3A_389 : vector<16xi32>
        %and3A_391 = arith.constant -65536 : i32
        %and3A_392 = vector.broadcast %and3A_391 : i32 to vector<16xi32>
        %and3A_393 = arith.andi %add3A_387, %and3A_392 : vector<16xi32>
        %or3A_394 = arith.ori %shift_right_logical3A_390, %and3A_393 : vector<16xi32>
        %mul3A_395 = arith.constant 128 : i32
        %mul3A_396 = arith.muli %scan3A_130, %mul3A_395 : i32
        %add3A_397 = arith.addi %mul3A_79, %mul3A_396 : i32
        %add3A_398 = arith.constant 80 : i32
        %add3A_399 = arith.addi %add3A_397, %add3A_398 : i32
        %swap3A_400 = arith.index_cast %add3A_399 : i32 to index
        %swap3A_401 = tpu.vector_load %arg7[%swap3A_400] {strides = array<i32>} : memref<100000xi32, #tpu.memory_space<vmem>>, vector<16xi32>,
        tpu.vector_store %arg7[%swap3A_400], %or3A_394 {strides = array<i32>} : memref<100000xi32, #tpu.memory_space<vmem>>, vector<16xi32>,
        %get3A_402 = arith.constant 0 : i32
        %get3A_403 = arith.index_cast %scan3A_130 : i32 to index
        %get3A_404 = arith.index_cast %get3A_402 : i32 to index
        %get3A_405 = arith.constant 96 : index
        %get3A_406 = tpu.vector_load %arg8[%get3A_403, %get3A_404, %get3A_405] {strides = array<i32>} : memref<12x2x128xf32, #tpu.memory_space<vmem>>, vector<16xf32>,
        %get3A_407 = arith.constant 1 : i32
        %get3A_408 = arith.index_cast %scan3A_130 : i32 to index
        %get3A_409 = arith.index_cast %get3A_407 : i32 to index
        %get3A_410 = arith.constant 96 : index
        %get3A_411 = tpu.vector_load %arg8[%get3A_408, %get3A_409, %get3A_410] {strides = array<i32>} : memref<12x2x128xf32, #tpu.memory_space<vmem>>, vector<16xf32>,
        %bitcast3A_412 = vector.bitcast %get3A_406 : vector<16xf32> to vector<16xi32>
        %bitcast3A_413 = vector.bitcast %get3A_411 : vector<16xf32> to vector<16xi32>
        %add3A_414 = arith.constant 32767 : i32
        %add3A_415 = vector.broadcast %add3A_414 : i32 to vector<16xi32>
        %add3A_416 = arith.addi %bitcast3A_412, %add3A_415 : vector<16xi32>
        %shift_right_logical3A_417 = arith.constant 16 : i32
        %shift_right_logical3A_418 = vector.broadcast %shift_right_logical3A_417 : i32 to vector<16xi32>
        %shift_right_logical3A_419 = arith.shrui %bitcast3A_412, %shift_right_logical3A_418 : vector<16xi32>
        %and3A_420 = arith.constant 1 : i32
        %and3A_421 = vector.broadcast %and3A_420 : i32 to vector<16xi32>
        %and3A_422 = arith.andi %shift_right_logical3A_419, %and3A_421 : vector<16xi32>
        %add3A_423 = arith.addi %add3A_416, %and3A_422 : vector<16xi32>
        %add3A_424 = arith.constant 32767 : i32
        %add3A_425 = vector.broadcast %add3A_424 : i32 to vector<16xi32>
        %add3A_426 = arith.addi %bitcast3A_413, %add3A_425 : vector<16xi32>
        %shift_right_logical3A_427 = arith.constant 16 : i32
        %shift_right_logical3A_428 = vector.broadcast %shift_right_logical3A_427 : i32 to vector<16xi32>
        %shift_right_logical3A_429 = arith.shrui %bitcast3A_413, %shift_right_logical3A_428 : vector<16xi32>
        %and3A_430 = arith.constant 1 : i32
        %and3A_431 = vector.broadcast %and3A_430 : i32 to vector<16xi32>
        %and3A_432 = arith.andi %shift_right_logical3A_429, %and3A_431 : vector<16xi32>
        %add3A_433 = arith.addi %add3A_426, %and3A_432 : vector<16xi32>
        %shift_right_logical3A_434 = arith.constant 16 : i32
        %shift_right_logical3A_435 = vector.broadcast %shift_right_logical3A_434 : i32 to vector<16xi32>
        %shift_right_logical3A_436 = arith.shrui %add3A_423, %shift_right_logical3A_435 : vector<16xi32>
        %and3A_437 = arith.constant -65536 : i32
        %and3A_438 = vector.broadcast %and3A_437 : i32 to vector<16xi32>
        %and3A_439 = arith.andi %add3A_433, %and3A_438 : vector<16xi32>
        %or3A_440 = arith.ori %shift_right_logical3A_436, %and3A_439 : vector<16xi32>
        %mul3A_441 = arith.constant 128 : i32
        %mul3A_442 = arith.muli %scan3A_130, %mul3A_441 : i32
        %add3A_443 = arith.addi %mul3A_79, %mul3A_442 : i32
        %add3A_444 = arith.constant 96 : i32
        %add3A_445 = arith.addi %add3A_443, %add3A_444 : i32
        %swap3A_446 = arith.index_cast %add3A_445 : i32 to index
        %swap3A_447 = tpu.vector_load %arg7[%swap3A_446] {strides = array<i32>} : memref<100000xi32, #tpu.memory_space<vmem>>, vector<16xi32>,
        tpu.vector_store %arg7[%swap3A_446], %or3A_440 {strides = array<i32>} : memref<100000xi32, #tpu.memory_space<vmem>>, vector<16xi32>,
        %get3A_448 = arith.constant 0 : i32
        %get3A_449 = arith.index_cast %scan3A_130 : i32 to index
        %get3A_450 = arith.index_cast %get3A_448 : i32 to index
        %get3A_451 = arith.constant 112 : index
        %get3A_452 = tpu.vector_load %arg8[%get3A_449, %get3A_450, %get3A_451] {strides = array<i32>} : memref<12x2x128xf32, #tpu.memory_space<vmem>>, vector<16xf32>,
        %get3A_453 = arith.constant 1 : i32
        %get3A_454 = arith.index_cast %scan3A_130 : i32 to index
        %get3A_455 = arith.index_cast %get3A_453 : i32 to index
        %get3A_456 = arith.constant 112 : index
        %get3A_457 = tpu.vector_load %arg8[%get3A_454, %get3A_455, %get3A_456] {strides = array<i32>} : memref<12x2x128xf32, #tpu.memory_space<vmem>>, vector<16xf32>,
        %bitcast3A_458 = vector.bitcast %get3A_452 : vector<16xf32> to vector<16xi32>
        %bitcast3A_459 = vector.bitcast %get3A_457 : vector<16xf32> to vector<16xi32>
        %add3A_460 = arith.constant 32767 : i32
        %add3A_461 = vector.broadcast %add3A_460 : i32 to vector<16xi32>
        %add3A_462 = arith.addi %bitcast3A_458, %add3A_461 : vector<16xi32>
        %shift_right_logical3A_463 = arith.constant 16 : i32
        %shift_right_logical3A_464 = vector.broadcast %shift_right_logical3A_463 : i32 to vector<16xi32>
        %shift_right_logical3A_465 = arith.shrui %bitcast3A_458, %shift_right_logical3A_464 : vector<16xi32>
        %and3A_466 = arith.constant 1 : i32
        %and3A_467 = vector.broadcast %and3A_466 : i32 to vector<16xi32>
        %and3A_468 = arith.andi %shift_right_logical3A_465, %and3A_467 : vector<16xi32>
        %add3A_469 = arith.addi %add3A_462, %and3A_468 : vector<16xi32>
        %add3A_470 = arith.constant 32767 : i32
        %add3A_471 = vector.broadcast %add3A_470 : i32 to vector<16xi32>
        %add3A_472 = arith.addi %bitcast3A_459, %add3A_471 : vector<16xi32>
        %shift_right_logical3A_473 = arith.constant 16 : i32
        %shift_right_logical3A_474 = vector.broadcast %shift_right_logical3A_473 : i32 to vector<16xi32>
        %shift_right_logical3A_475 = arith.shrui %bitcast3A_459, %shift_right_logical3A_474 : vector<16xi32>
        %and3A_476 = arith.constant 1 : i32
        %and3A_477 = vector.broadcast %and3A_476 : i32 to vector<16xi32>
        %and3A_478 = arith.andi %shift_right_logical3A_475, %and3A_477 : vector<16xi32>
        %add3A_479 = arith.addi %add3A_472, %and3A_478 : vector<16xi32>
        %shift_right_logical3A_480 = arith.constant 16 : i32
        %shift_right_logical3A_481 = vector.broadcast %shift_right_logical3A_480 : i32 to vector<16xi32>
        %shift_right_logical3A_482 = arith.shrui %add3A_469, %shift_right_logical3A_481 : vector<16xi32>
        %and3A_483 = arith.constant -65536 : i32
        %and3A_484 = vector.broadcast %and3A_483 : i32 to vector<16xi32>
        %and3A_485 = arith.andi %add3A_479, %and3A_484 : vector<16xi32>
        %or3A_486 = arith.ori %shift_right_logical3A_482, %and3A_485 : vector<16xi32>
        %mul3A_487 = arith.constant 128 : i32
        %mul3A_488 = arith.muli %scan3A_130, %mul3A_487 : i32
        %add3A_489 = arith.addi %mul3A_79, %mul3A_488 : i32
        %add3A_490 = arith.constant 112 : i32
        %add3A_491 = arith.addi %add3A_489, %add3A_490 : i32
        %swap3A_492 = arith.index_cast %add3A_491 : i32 to index
        %swap3A_493 = tpu.vector_load %arg7[%swap3A_492] {strides = array<i32>} : memref<100000xi32, #tpu.memory_space<vmem>>, vector<16xi32>,
        tpu.vector_store %arg7[%swap3A_492], %or3A_486 {strides = array<i32>} : memref<100000xi32, #tpu.memory_space<vmem>>, vector<16xi32>,
      }
      %scan3A_92 = arith.constant 12 : i32
      %add3A_93 = arith.constant 2 : i32
      %add3A_94 = arith.addi %add3A_74, %add3A_93 : i32
      %lt3A_95 = arith.constant 4 : i32
      %lt3A_96 = arith.cmpi slt, %add3A_94, %lt3A_95 : i32
      %convert_element_type3A_97 = arith.extui %lt3A_96 : i1 to i32
      %cond3A_98 = arith.constant 0 : i32
      %cond3A_99 = arith.cmpi ne, %convert_element_type3A_97, %cond3A_98 : i32
      scf.if %cond3A_99 {
        %mul3A_130 = arith.constant 12 : i32
        %mul3A_131 = arith.muli %add3A_94, %mul3A_130 : i32
        %add3A_132 = arith.addi %mul3A_28, %mul3A_131 : i32
        %dma_start3A_133 = arith.constant 0 : i32
        %dma_start3A_134 = arith.constant 0 : i32
        %dma_start3A_135 = tpu.memref_slice %arg2[%add3A_132, %dma_start3A_133, %dma_start3A_134] : memref<781x2x128xf32, #tpu.memory_space<hbm>> -> memref<12x2x128xf32, #tpu.memory_space<hbm>>
        %dma_start3A_136 = arith.constant 0 : i32
        %dma_start3A_137 = arith.constant 0 : i32
        %dma_start3A_138 = tpu.memref_slice %arg2[%add3A_132, %dma_start3A_136, %dma_start3A_137] : memref<781x2x128xf32, #tpu.memory_space<hbm>> -> memref<12x2x128xf32, #tpu.memory_space<hbm>>
        tpu.enqueue_dma source(%dma_start3A_138 : memref<12x2x128xf32, #tpu.memory_space<hbm>>) target(%arg8 : memref<12x2x128xf32, #tpu.memory_space<vmem>>) target_semaphore(%arg34 : memref<!tpu.dma_semaphore, #tpu.memory_space<semaphore_mem>>)
      } else {
      }
      %mul3A_100 = arith.constant 2 : i32
      %mul3A_101 = arith.muli %scan3A_70, %mul3A_100 : i32
      %add3A_102 = arith.constant 1 : i32
      %add3A_103 = arith.addi %mul3A_101, %add3A_102 : i32
      %mul3A_104 = arith.constant 12 : i32
      %mul3A_105 = arith.muli %add3A_103, %mul3A_104 : i32
      %add3A_106 = arith.addi %mul3A_28, %mul3A_105 : i32
      %mul3A_107 = arith.constant 128 : i32
      %mul3A_108 = arith.muli %add3A_106, %mul3A_107 : i32
      %dma_wait3A_109 = arith.constant 0 : i32
      %dma_wait3A_110 = arith.constant 0 : i32
      %dma_wait3A_111 = arith.constant 0 : i32
      %dma_wait3A_112 = tpu.memref_slice %arg2[%dma_wait3A_109, %dma_wait3A_110, %dma_wait3A_111] : memref<781x2x128xf32, #tpu.memory_space<hbm>> -> memref<12x2x128xf32, #tpu.memory_space<hbm>>
      %dma_wait3A_113 = arith.constant 0 : i32
      %dma_wait3A_114 = arith.constant 0 : i32
      %dma_wait3A_115 = arith.constant 0 : i32
      %dma_wait3A_116 = tpu.memref_slice %arg2[%dma_wait3A_113, %dma_wait3A_114, %dma_wait3A_115] : memref<781x2x128xf32, #tpu.memory_space<hbm>> -> memref<12x2x128xf32, #tpu.memory_space<hbm>>
      tpu.wait_dma2 semaphore(%arg35 : memref<!tpu.dma_semaphore, #tpu.memory_space<semaphore_mem>>) src(%dma_wait3A_116 : memref<12x2x128xf32, #tpu.memory_space<hbm>>) dst(%arg9 : memref<12x2x128xf32, #tpu.memory_space<vmem>>)
      %scan3A_117 = arith.constant 0 : i32
      %scan3A_118 = arith.constant 0 : i32
      %scan3A_119 = arith.constant 12 : i32
      %scan3A_120 = arith.addi %scan3A_118, %scan3A_119 : i32
      %scan3A_121 = arith.constant 1 : i32
      scf.for %scan3A_130 = %scan3A_118 to %scan3A_120 step %scan3A_121  : i32 {
        %get3A = arith.constant 0 : i32
        %get3A_131 = arith.index_cast %scan3A_130 : i32 to index
        %get3A_132 = arith.index_cast %get3A : i32 to index
        %get3A_133 = arith.constant 0 : index
        %get3A_134 = tpu.vector_load %arg9[%get3A_131, %get3A_132, %get3A_133] {strides = array<i32>} : memref<12x2x128xf32, #tpu.memory_space<vmem>>, vector<16xf32>,
        %get3A_135 = arith.constant 1 : i32
        %get3A_136 = arith.index_cast %scan3A_130 : i32 to index
        %get3A_137 = arith.index_cast %get3A_135 : i32 to index
        %get3A_138 = arith.constant 0 : index
        %get3A_139 = tpu.vector_load %arg9[%get3A_136, %get3A_137, %get3A_138] {strides = array<i32>} : memref<12x2x128xf32, #tpu.memory_space<vmem>>, vector<16xf32>,
        %bitcast3A = vector.bitcast %get3A_134 : vector<16xf32> to vector<16xi32>
        %bitcast3A_140 = vector.bitcast %get3A_139 : vector<16xf32> to vector<16xi32>
        %add3A_141 = arith.constant 32767 : i32
        %add3A_142 = vector.broadcast %add3A_141 : i32 to vector<16xi32>
        %add3A_143 = arith.addi %bitcast3A, %add3A_142 : vector<16xi32>
        %shift_right_logical3A = arith.constant 16 : i32
        %shift_right_logical3A_144 = vector.broadcast %shift_right_logical3A : i32 to vector<16xi32>
        %shift_right_logical3A_145 = arith.shrui %bitcast3A, %shift_right_logical3A_144 : vector<16xi32>
        %and3A = arith.constant 1 : i32
        %and3A_146 = vector.broadcast %and3A : i32 to vector<16xi32>
        %and3A_147 = arith.andi %shift_right_logical3A_145, %and3A_146 : vector<16xi32>
        %add3A_148 = arith.addi %add3A_143, %and3A_147 : vector<16xi32>
        %add3A_149 = arith.constant 32767 : i32
        %add3A_150 = vector.broadcast %add3A_149 : i32 to vector<16xi32>
        %add3A_151 = arith.addi %bitcast3A_140, %add3A_150 : vector<16xi32>
        %shift_right_logical3A_152 = arith.constant 16 : i32
        %shift_right_logical3A_153 = vector.broadcast %shift_right_logical3A_152 : i32 to vector<16xi32>
        %shift_right_logical3A_154 = arith.shrui %bitcast3A_140, %shift_right_logical3A_153 : vector<16xi32>
        %and3A_155 = arith.constant 1 : i32
        %and3A_156 = vector.broadcast %and3A_155 : i32 to vector<16xi32>
        %and3A_157 = arith.andi %shift_right_logical3A_154, %and3A_156 : vector<16xi32>
        %add3A_158 = arith.addi %add3A_151, %and3A_157 : vector<16xi32>
        %shift_right_logical3A_159 = arith.constant 16 : i32
        %shift_right_logical3A_160 = vector.broadcast %shift_right_logical3A_159 : i32 to vector<16xi32>
        %shift_right_logical3A_161 = arith.shrui %add3A_148, %shift_right_logical3A_160 : vector<16xi32>
        %and3A_162 = arith.constant -65536 : i32
        %and3A_163 = vector.broadcast %and3A_162 : i32 to vector<16xi32>
        %and3A_164 = arith.andi %add3A_158, %and3A_163 : vector<16xi32>
        %or3A = arith.ori %shift_right_logical3A_161, %and3A_164 : vector<16xi32>
        %mul3A_165 = arith.constant 128 : i32
        %mul3A_166 = arith.muli %scan3A_130, %mul3A_165 : i32
        %add3A_167 = arith.addi %mul3A_108, %mul3A_166 : i32
        %add3A_168 = arith.constant 0 : i32
        %add3A_169 = arith.addi %add3A_167, %add3A_168 : i32
        %swap3A_170 = arith.index_cast %add3A_169 : i32 to index
        %swap3A_171 = tpu.vector_load %arg7[%swap3A_170] {strides = array<i32>} : memref<100000xi32, #tpu.memory_space<vmem>>, vector<16xi32>,
        tpu.vector_store %arg7[%swap3A_170], %or3A {strides = array<i32>} : memref<100000xi32, #tpu.memory_space<vmem>>, vector<16xi32>,
        %get3A_172 = arith.constant 0 : i32
        %get3A_173 = arith.index_cast %scan3A_130 : i32 to index
        %get3A_174 = arith.index_cast %get3A_172 : i32 to index
        %get3A_175 = arith.constant 16 : index
        %get3A_176 = tpu.vector_load %arg9[%get3A_173, %get3A_174, %get3A_175] {strides = array<i32>} : memref<12x2x128xf32, #tpu.memory_space<vmem>>, vector<16xf32>,
        %get3A_177 = arith.constant 1 : i32
        %get3A_178 = arith.index_cast %scan3A_130 : i32 to index
        %get3A_179 = arith.index_cast %get3A_177 : i32 to index
        %get3A_180 = arith.constant 16 : index
        %get3A_181 = tpu.vector_load %arg9[%get3A_178, %get3A_179, %get3A_180] {strides = array<i32>} : memref<12x2x128xf32, #tpu.memory_space<vmem>>, vector<16xf32>,
        %bitcast3A_182 = vector.bitcast %get3A_176 : vector<16xf32> to vector<16xi32>
        %bitcast3A_183 = vector.bitcast %get3A_181 : vector<16xf32> to vector<16xi32>
        %add3A_184 = arith.constant 32767 : i32
        %add3A_185 = vector.broadcast %add3A_184 : i32 to vector<16xi32>
        %add3A_186 = arith.addi %bitcast3A_182, %add3A_185 : vector<16xi32>
        %shift_right_logical3A_187 = arith.constant 16 : i32
        %shift_right_logical3A_188 = vector.broadcast %shift_right_logical3A_187 : i32 to vector<16xi32>
        %shift_right_logical3A_189 = arith.shrui %bitcast3A_182, %shift_right_logical3A_188 : vector<16xi32>
        %and3A_190 = arith.constant 1 : i32
        %and3A_191 = vector.broadcast %and3A_190 : i32 to vector<16xi32>
        %and3A_192 = arith.andi %shift_right_logical3A_189, %and3A_191 : vector<16xi32>
        %add3A_193 = arith.addi %add3A_186, %and3A_192 : vector<16xi32>
        %add3A_194 = arith.constant 32767 : i32
        %add3A_195 = vector.broadcast %add3A_194 : i32 to vector<16xi32>
        %add3A_196 = arith.addi %bitcast3A_183, %add3A_195 : vector<16xi32>
        %shift_right_logical3A_197 = arith.constant 16 : i32
        %shift_right_logical3A_198 = vector.broadcast %shift_right_logical3A_197 : i32 to vector<16xi32>
        %shift_right_logical3A_199 = arith.shrui %bitcast3A_183, %shift_right_logical3A_198 : vector<16xi32>
        %and3A_200 = arith.constant 1 : i32
        %and3A_201 = vector.broadcast %and3A_200 : i32 to vector<16xi32>
        %and3A_202 = arith.andi %shift_right_logical3A_199, %and3A_201 : vector<16xi32>
        %add3A_203 = arith.addi %add3A_196, %and3A_202 : vector<16xi32>
        %shift_right_logical3A_204 = arith.constant 16 : i32
        %shift_right_logical3A_205 = vector.broadcast %shift_right_logical3A_204 : i32 to vector<16xi32>
        %shift_right_logical3A_206 = arith.shrui %add3A_193, %shift_right_logical3A_205 : vector<16xi32>
        %and3A_207 = arith.constant -65536 : i32
        %and3A_208 = vector.broadcast %and3A_207 : i32 to vector<16xi32>
        %and3A_209 = arith.andi %add3A_203, %and3A_208 : vector<16xi32>
        %or3A_210 = arith.ori %shift_right_logical3A_206, %and3A_209 : vector<16xi32>
        %mul3A_211 = arith.constant 128 : i32
        %mul3A_212 = arith.muli %scan3A_130, %mul3A_211 : i32
        %add3A_213 = arith.addi %mul3A_108, %mul3A_212 : i32
        %add3A_214 = arith.constant 16 : i32
        %add3A_215 = arith.addi %add3A_213, %add3A_214 : i32
        %swap3A_216 = arith.index_cast %add3A_215 : i32 to index
        %swap3A_217 = tpu.vector_load %arg7[%swap3A_216] {strides = array<i32>} : memref<100000xi32, #tpu.memory_space<vmem>>, vector<16xi32>,
        tpu.vector_store %arg7[%swap3A_216], %or3A_210 {strides = array<i32>} : memref<100000xi32, #tpu.memory_space<vmem>>, vector<16xi32>,
        %get3A_218 = arith.constant 0 : i32
        %get3A_219 = arith.index_cast %scan3A_130 : i32 to index
        %get3A_220 = arith.index_cast %get3A_218 : i32 to index
        %get3A_221 = arith.constant 32 : index
        %get3A_222 = tpu.vector_load %arg9[%get3A_219, %get3A_220, %get3A_221] {strides = array<i32>} : memref<12x2x128xf32, #tpu.memory_space<vmem>>, vector<16xf32>,
        %get3A_223 = arith.constant 1 : i32
        %get3A_224 = arith.index_cast %scan3A_130 : i32 to index
        %get3A_225 = arith.index_cast %get3A_223 : i32 to index
        %get3A_226 = arith.constant 32 : index
        %get3A_227 = tpu.vector_load %arg9[%get3A_224, %get3A_225, %get3A_226] {strides = array<i32>} : memref<12x2x128xf32, #tpu.memory_space<vmem>>, vector<16xf32>,
        %bitcast3A_228 = vector.bitcast %get3A_222 : vector<16xf32> to vector<16xi32>
        %bitcast3A_229 = vector.bitcast %get3A_227 : vector<16xf32> to vector<16xi32>
        %add3A_230 = arith.constant 32767 : i32
        %add3A_231 = vector.broadcast %add3A_230 : i32 to vector<16xi32>
        %add3A_232 = arith.addi %bitcast3A_228, %add3A_231 : vector<16xi32>
        %shift_right_logical3A_233 = arith.constant 16 : i32
        %shift_right_logical3A_234 = vector.broadcast %shift_right_logical3A_233 : i32 to vector<16xi32>
        %shift_right_logical3A_235 = arith.shrui %bitcast3A_228, %shift_right_logical3A_234 : vector<16xi32>
        %and3A_236 = arith.constant 1 : i32
        %and3A_237 = vector.broadcast %and3A_236 : i32 to vector<16xi32>
        %and3A_238 = arith.andi %shift_right_logical3A_235, %and3A_237 : vector<16xi32>
        %add3A_239 = arith.addi %add3A_232, %and3A_238 : vector<16xi32>
        %add3A_240 = arith.constant 32767 : i32
        %add3A_241 = vector.broadcast %add3A_240 : i32 to vector<16xi32>
        %add3A_242 = arith.addi %bitcast3A_229, %add3A_241 : vector<16xi32>
        %shift_right_logical3A_243 = arith.constant 16 : i32
        %shift_right_logical3A_244 = vector.broadcast %shift_right_logical3A_243 : i32 to vector<16xi32>
        %shift_right_logical3A_245 = arith.shrui %bitcast3A_229, %shift_right_logical3A_244 : vector<16xi32>
        %and3A_246 = arith.constant 1 : i32
        %and3A_247 = vector.broadcast %and3A_246 : i32 to vector<16xi32>
        %and3A_248 = arith.andi %shift_right_logical3A_245, %and3A_247 : vector<16xi32>
        %add3A_249 = arith.addi %add3A_242, %and3A_248 : vector<16xi32>
        %shift_right_logical3A_250 = arith.constant 16 : i32
        %shift_right_logical3A_251 = vector.broadcast %shift_right_logical3A_250 : i32 to vector<16xi32>
        %shift_right_logical3A_252 = arith.shrui %add3A_239, %shift_right_logical3A_251 : vector<16xi32>
        %and3A_253 = arith.constant -65536 : i32
        %and3A_254 = vector.broadcast %and3A_253 : i32 to vector<16xi32>
        %and3A_255 = arith.andi %add3A_249, %and3A_254 : vector<16xi32>
        %or3A_256 = arith.ori %shift_right_logical3A_252, %and3A_255 : vector<16xi32>
        %mul3A_257 = arith.constant 128 : i32
        %mul3A_258 = arith.muli %scan3A_130, %mul3A_257 : i32
        %add3A_259 = arith.addi %mul3A_108, %mul3A_258 : i32
        %add3A_260 = arith.constant 32 : i32
        %add3A_261 = arith.addi %add3A_259, %add3A_260 : i32
        %swap3A_262 = arith.index_cast %add3A_261 : i32 to index
        %swap3A_263 = tpu.vector_load %arg7[%swap3A_262] {strides = array<i32>} : memref<100000xi32, #tpu.memory_space<vmem>>, vector<16xi32>,
        tpu.vector_store %arg7[%swap3A_262], %or3A_256 {strides = array<i32>} : memref<100000xi32, #tpu.memory_space<vmem>>, vector<16xi32>,
        %get3A_264 = arith.constant 0 : i32
        %get3A_265 = arith.index_cast %scan3A_130 : i32 to index
        %get3A_266 = arith.index_cast %get3A_264 : i32 to index
        %get3A_267 = arith.constant 48 : index
        %get3A_268 = tpu.vector_load %arg9[%get3A_265, %get3A_266, %get3A_267] {strides = array<i32>} : memref<12x2x128xf32, #tpu.memory_space<vmem>>, vector<16xf32>,
        %get3A_269 = arith.constant 1 : i32
        %get3A_270 = arith.index_cast %scan3A_130 : i32 to index
        %get3A_271 = arith.index_cast %get3A_269 : i32 to index
        %get3A_272 = arith.constant 48 : index
        %get3A_273 = tpu.vector_load %arg9[%get3A_270, %get3A_271, %get3A_272] {strides = array<i32>} : memref<12x2x128xf32, #tpu.memory_space<vmem>>, vector<16xf32>,
        %bitcast3A_274 = vector.bitcast %get3A_268 : vector<16xf32> to vector<16xi32>
        %bitcast3A_275 = vector.bitcast %get3A_273 : vector<16xf32> to vector<16xi32>
        %add3A_276 = arith.constant 32767 : i32
        %add3A_277 = vector.broadcast %add3A_276 : i32 to vector<16xi32>
        %add3A_278 = arith.addi %bitcast3A_274, %add3A_277 : vector<16xi32>
        %shift_right_logical3A_279 = arith.constant 16 : i32
        %shift_right_logical3A_280 = vector.broadcast %shift_right_logical3A_279 : i32 to vector<16xi32>
        %shift_right_logical3A_281 = arith.shrui %bitcast3A_274, %shift_right_logical3A_280 : vector<16xi32>
        %and3A_282 = arith.constant 1 : i32
        %and3A_283 = vector.broadcast %and3A_282 : i32 to vector<16xi32>
        %and3A_284 = arith.andi %shift_right_logical3A_281, %and3A_283 : vector<16xi32>
        %add3A_285 = arith.addi %add3A_278, %and3A_284 : vector<16xi32>
        %add3A_286 = arith.constant 32767 : i32
        %add3A_287 = vector.broadcast %add3A_286 : i32 to vector<16xi32>
        %add3A_288 = arith.addi %bitcast3A_275, %add3A_287 : vector<16xi32>
        %shift_right_logical3A_289 = arith.constant 16 : i32
        %shift_right_logical3A_290 = vector.broadcast %shift_right_logical3A_289 : i32 to vector<16xi32>
        %shift_right_logical3A_291 = arith.shrui %bitcast3A_275, %shift_right_logical3A_290 : vector<16xi32>
        %and3A_292 = arith.constant 1 : i32
        %and3A_293 = vector.broadcast %and3A_292 : i32 to vector<16xi32>
        %and3A_294 = arith.andi %shift_right_logical3A_291, %and3A_293 : vector<16xi32>
        %add3A_295 = arith.addi %add3A_288, %and3A_294 : vector<16xi32>
        %shift_right_logical3A_296 = arith.constant 16 : i32
        %shift_right_logical3A_297 = vector.broadcast %shift_right_logical3A_296 : i32 to vector<16xi32>
        %shift_right_logical3A_298 = arith.shrui %add3A_285, %shift_right_logical3A_297 : vector<16xi32>
        %and3A_299 = arith.constant -65536 : i32
        %and3A_300 = vector.broadcast %and3A_299 : i32 to vector<16xi32>
        %and3A_301 = arith.andi %add3A_295, %and3A_300 : vector<16xi32>
        %or3A_302 = arith.ori %shift_right_logical3A_298, %and3A_301 : vector<16xi32>
        %mul3A_303 = arith.constant 128 : i32
        %mul3A_304 = arith.muli %scan3A_130, %mul3A_303 : i32
        %add3A_305 = arith.addi %mul3A_108, %mul3A_304 : i32
        %add3A_306 = arith.constant 48 : i32
        %add3A_307 = arith.addi %add3A_305, %add3A_306 : i32
        %swap3A_308 = arith.index_cast %add3A_307 : i32 to index
        %swap3A_309 = tpu.vector_load %arg7[%swap3A_308] {strides = array<i32>} : memref<100000xi32, #tpu.memory_space<vmem>>, vector<16xi32>,
        tpu.vector_store %arg7[%swap3A_308], %or3A_302 {strides = array<i32>} : memref<100000xi32, #tpu.memory_space<vmem>>, vector<16xi32>,
        %get3A_310 = arith.constant 0 : i32
        %get3A_311 = arith.index_cast %scan3A_130 : i32 to index
        %get3A_312 = arith.index_cast %get3A_310 : i32 to index
        %get3A_313 = arith.constant 64 : index
        %get3A_314 = tpu.vector_load %arg9[%get3A_311, %get3A_312, %get3A_313] {strides = array<i32>} : memref<12x2x128xf32, #tpu.memory_space<vmem>>, vector<16xf32>,
        %get3A_315 = arith.constant 1 : i32
        %get3A_316 = arith.index_cast %scan3A_130 : i32 to index
        %get3A_317 = arith.index_cast %get3A_315 : i32 to index
        %get3A_318 = arith.constant 64 : index
        %get3A_319 = tpu.vector_load %arg9[%get3A_316, %get3A_317, %get3A_318] {strides = array<i32>} : memref<12x2x128xf32, #tpu.memory_space<vmem>>, vector<16xf32>,
        %bitcast3A_320 = vector.bitcast %get3A_314 : vector<16xf32> to vector<16xi32>
        %bitcast3A_321 = vector.bitcast %get3A_319 : vector<16xf32> to vector<16xi32>
        %add3A_322 = arith.constant 32767 : i32
        %add3A_323 = vector.broadcast %add3A_322 : i32 to vector<16xi32>
        %add3A_324 = arith.addi %bitcast3A_320, %add3A_323 : vector<16xi32>
        %shift_right_logical3A_325 = arith.constant 16 : i32
        %shift_right_logical3A_326 = vector.broadcast %shift_right_logical3A_325 : i32 to vector<16xi32>
        %shift_right_logical3A_327 = arith.shrui %bitcast3A_320, %shift_right_logical3A_326 : vector<16xi32>
        %and3A_328 = arith.constant 1 : i32
        %and3A_329 = vector.broadcast %and3A_328 : i32 to vector<16xi32>
        %and3A_330 = arith.andi %shift_right_logical3A_327, %and3A_329 : vector<16xi32>
        %add3A_331 = arith.addi %add3A_324, %and3A_330 : vector<16xi32>
        %add3A_332 = arith.constant 32767 : i32
        %add3A_333 = vector.broadcast %add3A_332 : i32 to vector<16xi32>
        %add3A_334 = arith.addi %bitcast3A_321, %add3A_333 : vector<16xi32>
        %shift_right_logical3A_335 = arith.constant 16 : i32
        %shift_right_logical3A_336 = vector.broadcast %shift_right_logical3A_335 : i32 to vector<16xi32>
        %shift_right_logical3A_337 = arith.shrui %bitcast3A_321, %shift_right_logical3A_336 : vector<16xi32>
        %and3A_338 = arith.constant 1 : i32
        %and3A_339 = vector.broadcast %and3A_338 : i32 to vector<16xi32>
        %and3A_340 = arith.andi %shift_right_logical3A_337, %and3A_339 : vector<16xi32>
        %add3A_341 = arith.addi %add3A_334, %and3A_340 : vector<16xi32>
        %shift_right_logical3A_342 = arith.constant 16 : i32
        %shift_right_logical3A_343 = vector.broadcast %shift_right_logical3A_342 : i32 to vector<16xi32>
        %shift_right_logical3A_344 = arith.shrui %add3A_331, %shift_right_logical3A_343 : vector<16xi32>
        %and3A_345 = arith.constant -65536 : i32
        %and3A_346 = vector.broadcast %and3A_345 : i32 to vector<16xi32>
        %and3A_347 = arith.andi %add3A_341, %and3A_346 : vector<16xi32>
        %or3A_348 = arith.ori %shift_right_logical3A_344, %and3A_347 : vector<16xi32>
        %mul3A_349 = arith.constant 128 : i32
        %mul3A_350 = arith.muli %scan3A_130, %mul3A_349 : i32
        %add3A_351 = arith.addi %mul3A_108, %mul3A_350 : i32
        %add3A_352 = arith.constant 64 : i32
        %add3A_353 = arith.addi %add3A_351, %add3A_352 : i32
        %swap3A_354 = arith.index_cast %add3A_353 : i32 to index
        %swap3A_355 = tpu.vector_load %arg7[%swap3A_354] {strides = array<i32>} : memref<100000xi32, #tpu.memory_space<vmem>>, vector<16xi32>,
        tpu.vector_store %arg7[%swap3A_354], %or3A_348 {strides = array<i32>} : memref<100000xi32, #tpu.memory_space<vmem>>, vector<16xi32>,
        %get3A_356 = arith.constant 0 : i32
        %get3A_357 = arith.index_cast %scan3A_130 : i32 to index
        %get3A_358 = arith.index_cast %get3A_356 : i32 to index
        %get3A_359 = arith.constant 80 : index
        %get3A_360 = tpu.vector_load %arg9[%get3A_357, %get3A_358, %get3A_359] {strides = array<i32>} : memref<12x2x128xf32, #tpu.memory_space<vmem>>, vector<16xf32>,
        %get3A_361 = arith.constant 1 : i32
        %get3A_362 = arith.index_cast %scan3A_130 : i32 to index
        %get3A_363 = arith.index_cast %get3A_361 : i32 to index
        %get3A_364 = arith.constant 80 : index
        %get3A_365 = tpu.vector_load %arg9[%get3A_362, %get3A_363, %get3A_364] {strides = array<i32>} : memref<12x2x128xf32, #tpu.memory_space<vmem>>, vector<16xf32>,
        %bitcast3A_366 = vector.bitcast %get3A_360 : vector<16xf32> to vector<16xi32>
        %bitcast3A_367 = vector.bitcast %get3A_365 : vector<16xf32> to vector<16xi32>
        %add3A_368 = arith.constant 32767 : i32
        %add3A_369 = vector.broadcast %add3A_368 : i32 to vector<16xi32>
        %add3A_370 = arith.addi %bitcast3A_366, %add3A_369 : vector<16xi32>
        %shift_right_logical3A_371 = arith.constant 16 : i32
        %shift_right_logical3A_372 = vector.broadcast %shift_right_logical3A_371 : i32 to vector<16xi32>
        %shift_right_logical3A_373 = arith.shrui %bitcast3A_366, %shift_right_logical3A_372 : vector<16xi32>
        %and3A_374 = arith.constant 1 : i32
        %and3A_375 = vector.broadcast %and3A_374 : i32 to vector<16xi32>
        %and3A_376 = arith.andi %shift_right_logical3A_373, %and3A_375 : vector<16xi32>
        %add3A_377 = arith.addi %add3A_370, %and3A_376 : vector<16xi32>
        %add3A_378 = arith.constant 32767 : i32
        %add3A_379 = vector.broadcast %add3A_378 : i32 to vector<16xi32>
        %add3A_380 = arith.addi %bitcast3A_367, %add3A_379 : vector<16xi32>
        %shift_right_logical3A_381 = arith.constant 16 : i32
        %shift_right_logical3A_382 = vector.broadcast %shift_right_logical3A_381 : i32 to vector<16xi32>
        %shift_right_logical3A_383 = arith.shrui %bitcast3A_367, %shift_right_logical3A_382 : vector<16xi32>
        %and3A_384 = arith.constant 1 : i32
        %and3A_385 = vector.broadcast %and3A_384 : i32 to vector<16xi32>
        %and3A_386 = arith.andi %shift_right_logical3A_383, %and3A_385 : vector<16xi32>
        %add3A_387 = arith.addi %add3A_380, %and3A_386 : vector<16xi32>
        %shift_right_logical3A_388 = arith.constant 16 : i32
        %shift_right_logical3A_389 = vector.broadcast %shift_right_logical3A_388 : i32 to vector<16xi32>
        %shift_right_logical3A_390 = arith.shrui %add3A_377, %shift_right_logical3A_389 : vector<16xi32>
        %and3A_391 = arith.constant -65536 : i32
        %and3A_392 = vector.broadcast %and3A_391 : i32 to vector<16xi32>
        %and3A_393 = arith.andi %add3A_387, %and3A_392 : vector<16xi32>
        %or3A_394 = arith.ori %shift_right_logical3A_390, %and3A_393 : vector<16xi32>
        %mul3A_395 = arith.constant 128 : i32
        %mul3A_396 = arith.muli %scan3A_130, %mul3A_395 : i32
        %add3A_397 = arith.addi %mul3A_108, %mul3A_396 : i32
        %add3A_398 = arith.constant 80 : i32
        %add3A_399 = arith.addi %add3A_397, %add3A_398 : i32
        %swap3A_400 = arith.index_cast %add3A_399 : i32 to index
        %swap3A_401 = tpu.vector_load %arg7[%swap3A_400] {strides = array<i32>} : memref<100000xi32, #tpu.memory_space<vmem>>, vector<16xi32>,
        tpu.vector_store %arg7[%swap3A_400], %or3A_394 {strides = array<i32>} : memref<100000xi32, #tpu.memory_space<vmem>>, vector<16xi32>,
        %get3A_402 = arith.constant 0 : i32
        %get3A_403 = arith.index_cast %scan3A_130 : i32 to index
        %get3A_404 = arith.index_cast %get3A_402 : i32 to index
        %get3A_405 = arith.constant 96 : index
        %get3A_406 = tpu.vector_load %arg9[%get3A_403, %get3A_404, %get3A_405] {strides = array<i32>} : memref<12x2x128xf32, #tpu.memory_space<vmem>>, vector<16xf32>,
        %get3A_407 = arith.constant 1 : i32
        %get3A_408 = arith.index_cast %scan3A_130 : i32 to index
        %get3A_409 = arith.index_cast %get3A_407 : i32 to index
        %get3A_410 = arith.constant 96 : index
        %get3A_411 = tpu.vector_load %arg9[%get3A_408, %get3A_409, %get3A_410] {strides = array<i32>} : memref<12x2x128xf32, #tpu.memory_space<vmem>>, vector<16xf32>,
        %bitcast3A_412 = vector.bitcast %get3A_406 : vector<16xf32> to vector<16xi32>
        %bitcast3A_413 = vector.bitcast %get3A_411 : vector<16xf32> to vector<16xi32>
        %add3A_414 = arith.constant 32767 : i32
        %add3A_415 = vector.broadcast %add3A_414 : i32 to vector<16xi32>
        %add3A_416 = arith.addi %bitcast3A_412, %add3A_415 : vector<16xi32>
        %shift_right_logical3A_417 = arith.constant 16 : i32
        %shift_right_logical3A_418 = vector.broadcast %shift_right_logical3A_417 : i32 to vector<16xi32>
        %shift_right_logical3A_419 = arith.shrui %bitcast3A_412, %shift_right_logical3A_418 : vector<16xi32>
        %and3A_420 = arith.constant 1 : i32
        %and3A_421 = vector.broadcast %and3A_420 : i32 to vector<16xi32>
        %and3A_422 = arith.andi %shift_right_logical3A_419, %and3A_421 : vector<16xi32>
        %add3A_423 = arith.addi %add3A_416, %and3A_422 : vector<16xi32>
        %add3A_424 = arith.constant 32767 : i32
        %add3A_425 = vector.broadcast %add3A_424 : i32 to vector<16xi32>
        %add3A_426 = arith.addi %bitcast3A_413, %add3A_425 : vector<16xi32>
        %shift_right_logical3A_427 = arith.constant 16 : i32
        %shift_right_logical3A_428 = vector.broadcast %shift_right_logical3A_427 : i32 to vector<16xi32>
        %shift_right_logical3A_429 = arith.shrui %bitcast3A_413, %shift_right_logical3A_428 : vector<16xi32>
        %and3A_430 = arith.constant 1 : i32
        %and3A_431 = vector.broadcast %and3A_430 : i32 to vector<16xi32>
        %and3A_432 = arith.andi %shift_right_logical3A_429, %and3A_431 : vector<16xi32>
        %add3A_433 = arith.addi %add3A_426, %and3A_432 : vector<16xi32>
        %shift_right_logical3A_434 = arith.constant 16 : i32
        %shift_right_logical3A_435 = vector.broadcast %shift_right_logical3A_434 : i32 to vector<16xi32>
        %shift_right_logical3A_436 = arith.shrui %add3A_423, %shift_right_logical3A_435 : vector<16xi32>
        %and3A_437 = arith.constant -65536 : i32
        %and3A_438 = vector.broadcast %and3A_437 : i32 to vector<16xi32>
        %and3A_439 = arith.andi %add3A_433, %and3A_438 : vector<16xi32>
        %or3A_440 = arith.ori %shift_right_logical3A_436, %and3A_439 : vector<16xi32>
        %mul3A_441 = arith.constant 128 : i32
        %mul3A_442 = arith.muli %scan3A_130, %mul3A_441 : i32
        %add3A_443 = arith.addi %mul3A_108, %mul3A_442 : i32
        %add3A_444 = arith.constant 96 : i32
        %add3A_445 = arith.addi %add3A_443, %add3A_444 : i32
        %swap3A_446 = arith.index_cast %add3A_445 : i32 to index
        %swap3A_447 = tpu.vector_load %arg7[%swap3A_446] {strides = array<i32>} : memref<100000xi32, #tpu.memory_space<vmem>>, vector<16xi32>,
        tpu.vector_store %arg7[%swap3A_446], %or3A_440 {strides = array<i32>} : memref<100000xi32, #tpu.memory_space<vmem>>, vector<16xi32>,
        %get3A_448 = arith.constant 0 : i32
        %get3A_449 = arith.index_cast %scan3A_130 : i32 to index
        %get3A_450 = arith.index_cast %get3A_448 : i32 to index
        %get3A_451 = arith.constant 112 : index
        %get3A_452 = tpu.vector_load %arg9[%get3A_449, %get3A_450, %get3A_451] {strides = array<i32>} : memref<12x2x128xf32, #tpu.memory_space<vmem>>, vector<16xf32>,
        %get3A_453 = arith.constant 1 : i32
        %get3A_454 = arith.index_cast %scan3A_130 : i32 to index
        %get3A_455 = arith.index_cast %get3A_453 : i32 to index
        %get3A_456 = arith.constant 112 : index
        %get3A_457 = tpu.vector_load %arg9[%get3A_454, %get3A_455, %get3A_456] {strides = array<i32>} : memref<12x2x128xf32, #tpu.memory_space<vmem>>, vector<16xf32>,
        %bitcast3A_458 = vector.bitcast %get3A_452 : vector<16xf32> to vector<16xi32>
        %bitcast3A_459 = vector.bitcast %get3A_457 : vector<16xf32> to vector<16xi32>
        %add3A_460 = arith.constant 32767 : i32
        %add3A_461 = vector.broadcast %add3A_460 : i32 to vector<16xi32>
        %add3A_462 = arith.addi %bitcast3A_458, %add3A_461 : vector<16xi32>
        %shift_right_logical3A_463 = arith.constant 16 : i32
        %shift_right_logical3A_464 = vector.broadcast %shift_right_logical3A_463 : i32 to vector<16xi32>
        %shift_right_logical3A_465 = arith.shrui %bitcast3A_458, %shift_right_logical3A_464 : vector<16xi32>
        %and3A_466 = arith.constant 1 : i32
        %and3A_467 = vector.broadcast %and3A_466 : i32 to vector<16xi32>
        %and3A_468 = arith.andi %shift_right_logical3A_465, %and3A_467 : vector<16xi32>
        %add3A_469 = arith.addi %add3A_462, %and3A_468 : vector<16xi32>
        %add3A_470 = arith.constant 32767 : i32
        %add3A_471 = vector.broadcast %add3A_470 : i32 to vector<16xi32>
        %add3A_472 = arith.addi %bitcast3A_459, %add3A_471 : vector<16xi32>
        %shift_right_logical3A_473 = arith.constant 16 : i32
        %shift_right_logical3A_474 = vector.broadcast %shift_right_logical3A_473 : i32 to vector<16xi32>
        %shift_right_logical3A_475 = arith.shrui %bitcast3A_459, %shift_right_logical3A_474 : vector<16xi32>
        %and3A_476 = arith.constant 1 : i32
        %and3A_477 = vector.broadcast %and3A_476 : i32 to vector<16xi32>
        %and3A_478 = arith.andi %shift_right_logical3A_475, %and3A_477 : vector<16xi32>
        %add3A_479 = arith.addi %add3A_472, %and3A_478 : vector<16xi32>
        %shift_right_logical3A_480 = arith.constant 16 : i32
        %shift_right_logical3A_481 = vector.broadcast %shift_right_logical3A_480 : i32 to vector<16xi32>
        %shift_right_logical3A_482 = arith.shrui %add3A_469, %shift_right_logical3A_481 : vector<16xi32>
        %and3A_483 = arith.constant -65536 : i32
        %and3A_484 = vector.broadcast %and3A_483 : i32 to vector<16xi32>
        %and3A_485 = arith.andi %add3A_479, %and3A_484 : vector<16xi32>
        %or3A_486 = arith.ori %shift_right_logical3A_482, %and3A_485 : vector<16xi32>
        %mul3A_487 = arith.constant 128 : i32
        %mul3A_488 = arith.muli %scan3A_130, %mul3A_487 : i32
        %add3A_489 = arith.addi %mul3A_108, %mul3A_488 : i32
        %add3A_490 = arith.constant 112 : i32
        %add3A_491 = arith.addi %add3A_489, %add3A_490 : i32
        %swap3A_492 = arith.index_cast %add3A_491 : i32 to index
        %swap3A_493 = tpu.vector_load %arg7[%swap3A_492] {strides = array<i32>} : memref<100000xi32, #tpu.memory_space<vmem>>, vector<16xi32>,
        tpu.vector_store %arg7[%swap3A_492], %or3A_486 {strides = array<i32>} : memref<100000xi32, #tpu.memory_space<vmem>>, vector<16xi32>,
      }
      %scan3A_122 = arith.constant 12 : i32
      %add3A_123 = arith.constant 2 : i32
      %add3A_124 = arith.addi %add3A_103, %add3A_123 : i32
      %lt3A_125 = arith.constant 4 : i32
      %lt3A_126 = arith.cmpi slt, %add3A_124, %lt3A_125 : i32
      %convert_element_type3A_127 = arith.extui %lt3A_126 : i1 to i32
      %cond3A_128 = arith.constant 0 : i32
      %cond3A_129 = arith.cmpi ne, %convert_element_type3A_127, %cond3A_128 : i32
      scf.if %cond3A_129 {
        %mul3A_130 = arith.constant 12 : i32
        %mul3A_131 = arith.muli %add3A_124, %mul3A_130 : i32
        %add3A_132 = arith.addi %mul3A_28, %mul3A_131 : i32
        %dma_start3A_133 = arith.constant 0 : i32
        %dma_start3A_134 = arith.constant 0 : i32
        %dma_start3A_135 = tpu.memref_slice %arg2[%add3A_132, %dma_start3A_133, %dma_start3A_134] : memref<781x2x128xf32, #tpu.memory_space<hbm>> -> memref<12x2x128xf32, #tpu.memory_space<hbm>>
        %dma_start3A_136 = arith.constant 0 : i32
        %dma_start3A_137 = arith.constant 0 : i32
        %dma_start3A_138 = tpu.memref_slice %arg2[%add3A_132, %dma_start3A_136, %dma_start3A_137] : memref<781x2x128xf32, #tpu.memory_space<hbm>> -> memref<12x2x128xf32, #tpu.memory_space<hbm>>
        tpu.enqueue_dma source(%dma_start3A_138 : memref<12x2x128xf32, #tpu.memory_space<hbm>>) target(%arg9 : memref<12x2x128xf32, #tpu.memory_space<vmem>>) target_semaphore(%arg35 : memref<!tpu.dma_semaphore, #tpu.memory_space<semaphore_mem>>)
      } else {
      }
    }
    %scan3A_48 = arith.constant 2 : i32
    %lt3A_49 = arith.constant 13 : i32
    %lt3A_50 = arith.cmpi slt, %arg1, %lt3A_49 : i32
    %convert_element_type3A_51 = arith.extui %lt3A_50 : i1 to i32
    %cond3A_52 = arith.constant 0 : i32
    %cond3A_53 = arith.cmpi ne, %convert_element_type3A_51, %cond3A_52 : i32
    scf.if %cond3A_53 {
      %add3A_70 = arith.constant 768 : i32
      %add3A_71 = arith.addi %add3A_70, %arg1 : i32
      "tpu.region"() ({
        %run_scoped3A = tpu.sem_alloc : memref<!tpu.dma_semaphore, #tpu.memory_space<semaphore_mem>>
        %dma_start3A_447 = arith.constant 0 : i32
        %dma_start3A_448 = arith.constant 0 : i32
        %dma_start3A_449 = tpu.memref_slice %arg2[%add3A_71, %dma_start3A_447, %dma_start3A_448] : memref<781x2x128xf32, #tpu.memory_space<hbm>> -> memref<1x2x128xf32, #tpu.memory_space<hbm>>
        %dma_start3A_450 = arith.constant 0 : i32
        %dma_start3A_451 = arith.constant 0 : i32
        %dma_start3A_452 = tpu.memref_slice %arg2[%add3A_71, %dma_start3A_450, %dma_start3A_451] : memref<781x2x128xf32, #tpu.memory_space<hbm>> -> memref<1x2x128xf32, #tpu.memory_space<hbm>>
        tpu.enqueue_dma source(%dma_start3A_452 : memref<1x2x128xf32, #tpu.memory_space<hbm>>) target(%arg10 : memref<1x2x128xf32, #tpu.memory_space<vmem>>) target_semaphore(%run_scoped3A : memref<!tpu.dma_semaphore, #tpu.memory_space<semaphore_mem>>)
        %dma_wait3A = arith.constant 0 : i32
        %dma_wait3A_453 = arith.constant 0 : i32
        %dma_wait3A_454 = tpu.memref_slice %arg2[%add3A_71, %dma_wait3A, %dma_wait3A_453] : memref<781x2x128xf32, #tpu.memory_space<hbm>> -> memref<1x2x128xf32, #tpu.memory_space<hbm>>
        %dma_wait3A_455 = arith.constant 0 : i32
        %dma_wait3A_456 = arith.constant 0 : i32
        %dma_wait3A_457 = tpu.memref_slice %arg2[%add3A_71, %dma_wait3A_455, %dma_wait3A_456] : memref<781x2x128xf32, #tpu.memory_space<hbm>> -> memref<1x2x128xf32, #tpu.memory_space<hbm>>
        tpu.wait_dma2 semaphore(%run_scoped3A : memref<!tpu.dma_semaphore, #tpu.memory_space<semaphore_mem>>) src(%dma_wait3A_457 : memref<1x2x128xf32, #tpu.memory_space<hbm>>) dst(%arg10 : memref<1x2x128xf32, #tpu.memory_space<vmem>>)
        tpu.yield
      }) : () -> ()
      %get3A = arith.constant 0 : i32
      %get3A_72 = arith.constant 0 : i32
      %get3A_73 = arith.index_cast %get3A : i32 to index
      %get3A_74 = arith.index_cast %get3A_72 : i32 to index
      %get3A_75 = arith.constant 0 : index
      %get3A_76 = tpu.vector_load %arg10[%get3A_73, %get3A_74, %get3A_75] {strides = array<i32>} : memref<1x2x128xf32, #tpu.memory_space<vmem>>, vector<16xf32>,
      %get3A_77 = arith.constant 0 : i32
      %get3A_78 = arith.constant 1 : i32
      %get3A_79 = arith.index_cast %get3A_77 : i32 to index
      %get3A_80 = arith.index_cast %get3A_78 : i32 to index
      %get3A_81 = arith.constant 0 : index
      %get3A_82 = tpu.vector_load %arg10[%get3A_79, %get3A_80, %get3A_81] {strides = array<i32>} : memref<1x2x128xf32, #tpu.memory_space<vmem>>, vector<16xf32>,
      %bitcast3A = vector.bitcast %get3A_76 : vector<16xf32> to vector<16xi32>
      %bitcast3A_83 = vector.bitcast %get3A_82 : vector<16xf32> to vector<16xi32>
      %add3A_84 = arith.constant 32767 : i32
      %add3A_85 = vector.broadcast %add3A_84 : i32 to vector<16xi32>
      %add3A_86 = arith.addi %bitcast3A, %add3A_85 : vector<16xi32>
      %shift_right_logical3A = arith.constant 16 : i32
      %shift_right_logical3A_87 = vector.broadcast %shift_right_logical3A : i32 to vector<16xi32>
      %shift_right_logical3A_88 = arith.shrui %bitcast3A, %shift_right_logical3A_87 : vector<16xi32>
      %and3A = arith.constant 1 : i32
      %and3A_89 = vector.broadcast %and3A : i32 to vector<16xi32>
      %and3A_90 = arith.andi %shift_right_logical3A_88, %and3A_89 : vector<16xi32>
      %add3A_91 = arith.addi %add3A_86, %and3A_90 : vector<16xi32>
      %add3A_92 = arith.constant 32767 : i32
      %add3A_93 = vector.broadcast %add3A_92 : i32 to vector<16xi32>
      %add3A_94 = arith.addi %bitcast3A_83, %add3A_93 : vector<16xi32>
      %shift_right_logical3A_95 = arith.constant 16 : i32
      %shift_right_logical3A_96 = vector.broadcast %shift_right_logical3A_95 : i32 to vector<16xi32>
      %shift_right_logical3A_97 = arith.shrui %bitcast3A_83, %shift_right_logical3A_96 : vector<16xi32>
      %and3A_98 = arith.constant 1 : i32
      %and3A_99 = vector.broadcast %and3A_98 : i32 to vector<16xi32>
      %and3A_100 = arith.andi %shift_right_logical3A_97, %and3A_99 : vector<16xi32>
      %add3A_101 = arith.addi %add3A_94, %and3A_100 : vector<16xi32>
      %shift_right_logical3A_102 = arith.constant 16 : i32
      %shift_right_logical3A_103 = vector.broadcast %shift_right_logical3A_102 : i32 to vector<16xi32>
      %shift_right_logical3A_104 = arith.shrui %add3A_91, %shift_right_logical3A_103 : vector<16xi32>
      %and3A_105 = arith.constant -65536 : i32
      %and3A_106 = vector.broadcast %and3A_105 : i32 to vector<16xi32>
      %and3A_107 = arith.andi %add3A_101, %and3A_106 : vector<16xi32>
      %or3A = arith.ori %shift_right_logical3A_104, %and3A_107 : vector<16xi32>
      %mul3A_108 = arith.constant 128 : i32
      %mul3A_109 = arith.muli %add3A_71, %mul3A_108 : i32
      %add3A_110 = arith.constant 0 : i32
      %add3A_111 = arith.addi %mul3A_109, %add3A_110 : i32
      %swap3A_112 = arith.index_cast %add3A_111 : i32 to index
      %swap3A_113 = tpu.vector_load %arg7[%swap3A_112] {strides = array<i32>} : memref<100000xi32, #tpu.memory_space<vmem>>, vector<16xi32>,
      tpu.vector_store %arg7[%swap3A_112], %or3A {strides = array<i32>} : memref<100000xi32, #tpu.memory_space<vmem>>, vector<16xi32>,
      %get3A_114 = arith.constant 0 : i32
      %get3A_115 = arith.constant 0 : i32
      %get3A_116 = arith.index_cast %get3A_114 : i32 to index
      %get3A_117 = arith.index_cast %get3A_115 : i32 to index
      %get3A_118 = arith.constant 16 : index
      %get3A_119 = tpu.vector_load %arg10[%get3A_116, %get3A_117, %get3A_118] {strides = array<i32>} : memref<1x2x128xf32, #tpu.memory_space<vmem>>, vector<16xf32>,
      %get3A_120 = arith.constant 0 : i32
      %get3A_121 = arith.constant 1 : i32
      %get3A_122 = arith.index_cast %get3A_120 : i32 to index
      %get3A_123 = arith.index_cast %get3A_121 : i32 to index
      %get3A_124 = arith.constant 16 : index
      %get3A_125 = tpu.vector_load %arg10[%get3A_122, %get3A_123, %get3A_124] {strides = array<i32>} : memref<1x2x128xf32, #tpu.memory_space<vmem>>, vector<16xf32>,
      %bitcast3A_126 = vector.bitcast %get3A_119 : vector<16xf32> to vector<16xi32>
      %bitcast3A_127 = vector.bitcast %get3A_125 : vector<16xf32> to vector<16xi32>
      %add3A_128 = arith.constant 32767 : i32
      %add3A_129 = vector.broadcast %add3A_128 : i32 to vector<16xi32>
      %add3A_130 = arith.addi %bitcast3A_126, %add3A_129 : vector<16xi32>
      %shift_right_logical3A_131 = arith.constant 16 : i32
      %shift_right_logical3A_132 = vector.broadcast %shift_right_logical3A_131 : i32 to vector<16xi32>
      %shift_right_logical3A_133 = arith.shrui %bitcast3A_126, %shift_right_logical3A_132 : vector<16xi32>
      %and3A_134 = arith.constant 1 : i32
      %and3A_135 = vector.broadcast %and3A_134 : i32 to vector<16xi32>
      %and3A_136 = arith.andi %shift_right_logical3A_133, %and3A_135 : vector<16xi32>
      %add3A_137 = arith.addi %add3A_130, %and3A_136 : vector<16xi32>
      %add3A_138 = arith.constant 32767 : i32
      %add3A_139 = vector.broadcast %add3A_138 : i32 to vector<16xi32>
      %add3A_140 = arith.addi %bitcast3A_127, %add3A_139 : vector<16xi32>
      %shift_right_logical3A_141 = arith.constant 16 : i32
      %shift_right_logical3A_142 = vector.broadcast %shift_right_logical3A_141 : i32 to vector<16xi32>
      %shift_right_logical3A_143 = arith.shrui %bitcast3A_127, %shift_right_logical3A_142 : vector<16xi32>
      %and3A_144 = arith.constant 1 : i32
      %and3A_145 = vector.broadcast %and3A_144 : i32 to vector<16xi32>
      %and3A_146 = arith.andi %shift_right_logical3A_143, %and3A_145 : vector<16xi32>
      %add3A_147 = arith.addi %add3A_140, %and3A_146 : vector<16xi32>
      %shift_right_logical3A_148 = arith.constant 16 : i32
      %shift_right_logical3A_149 = vector.broadcast %shift_right_logical3A_148 : i32 to vector<16xi32>
      %shift_right_logical3A_150 = arith.shrui %add3A_137, %shift_right_logical3A_149 : vector<16xi32>
      %and3A_151 = arith.constant -65536 : i32
      %and3A_152 = vector.broadcast %and3A_151 : i32 to vector<16xi32>
      %and3A_153 = arith.andi %add3A_147, %and3A_152 : vector<16xi32>
      %or3A_154 = arith.ori %shift_right_logical3A_150, %and3A_153 : vector<16xi32>
      %mul3A_155 = arith.constant 128 : i32
      %mul3A_156 = arith.muli %add3A_71, %mul3A_155 : i32
      %add3A_157 = arith.constant 16 : i32
      %add3A_158 = arith.addi %mul3A_156, %add3A_157 : i32
      %swap3A_159 = arith.index_cast %add3A_158 : i32 to index
      %swap3A_160 = tpu.vector_load %arg7[%swap3A_159] {strides = array<i32>} : memref<100000xi32, #tpu.memory_space<vmem>>, vector<16xi32>,
      tpu.vector_store %arg7[%swap3A_159], %or3A_154 {strides = array<i32>} : memref<100000xi32, #tpu.memory_space<vmem>>, vector<16xi32>,
      %get3A_161 = arith.constant 0 : i32
      %get3A_162 = arith.constant 0 : i32
      %get3A_163 = arith.index_cast %get3A_161 : i32 to index
      %get3A_164 = arith.index_cast %get3A_162 : i32 to index
      %get3A_165 = arith.constant 32 : index
      %get3A_166 = tpu.vector_load %arg10[%get3A_163, %get3A_164, %get3A_165] {strides = array<i32>} : memref<1x2x128xf32, #tpu.memory_space<vmem>>, vector<16xf32>,
      %get3A_167 = arith.constant 0 : i32
      %get3A_168 = arith.constant 1 : i32
      %get3A_169 = arith.index_cast %get3A_167 : i32 to index
      %get3A_170 = arith.index_cast %get3A_168 : i32 to index
      %get3A_171 = arith.constant 32 : index
      %get3A_172 = tpu.vector_load %arg10[%get3A_169, %get3A_170, %get3A_171] {strides = array<i32>} : memref<1x2x128xf32, #tpu.memory_space<vmem>>, vector<16xf32>,
      %bitcast3A_173 = vector.bitcast %get3A_166 : vector<16xf32> to vector<16xi32>
      %bitcast3A_174 = vector.bitcast %get3A_172 : vector<16xf32> to vector<16xi32>
      %add3A_175 = arith.constant 32767 : i32
      %add3A_176 = vector.broadcast %add3A_175 : i32 to vector<16xi32>
      %add3A_177 = arith.addi %bitcast3A_173, %add3A_176 : vector<16xi32>
      %shift_right_logical3A_178 = arith.constant 16 : i32
      %shift_right_logical3A_179 = vector.broadcast %shift_right_logical3A_178 : i32 to vector<16xi32>
      %shift_right_logical3A_180 = arith.shrui %bitcast3A_173, %shift_right_logical3A_179 : vector<16xi32>
      %and3A_181 = arith.constant 1 : i32
      %and3A_182 = vector.broadcast %and3A_181 : i32 to vector<16xi32>
      %and3A_183 = arith.andi %shift_right_logical3A_180, %and3A_182 : vector<16xi32>
      %add3A_184 = arith.addi %add3A_177, %and3A_183 : vector<16xi32>
      %add3A_185 = arith.constant 32767 : i32
      %add3A_186 = vector.broadcast %add3A_185 : i32 to vector<16xi32>
      %add3A_187 = arith.addi %bitcast3A_174, %add3A_186 : vector<16xi32>
      %shift_right_logical3A_188 = arith.constant 16 : i32
      %shift_right_logical3A_189 = vector.broadcast %shift_right_logical3A_188 : i32 to vector<16xi32>
      %shift_right_logical3A_190 = arith.shrui %bitcast3A_174, %shift_right_logical3A_189 : vector<16xi32>
      %and3A_191 = arith.constant 1 : i32
      %and3A_192 = vector.broadcast %and3A_191 : i32 to vector<16xi32>
      %and3A_193 = arith.andi %shift_right_logical3A_190, %and3A_192 : vector<16xi32>
      %add3A_194 = arith.addi %add3A_187, %and3A_193 : vector<16xi32>
      %shift_right_logical3A_195 = arith.constant 16 : i32
      %shift_right_logical3A_196 = vector.broadcast %shift_right_logical3A_195 : i32 to vector<16xi32>
      %shift_right_logical3A_197 = arith.shrui %add3A_184, %shift_right_logical3A_196 : vector<16xi32>
      %and3A_198 = arith.constant -65536 : i32
      %and3A_199 = vector.broadcast %and3A_198 : i32 to vector<16xi32>
      %and3A_200 = arith.andi %add3A_194, %and3A_199 : vector<16xi32>
      %or3A_201 = arith.ori %shift_right_logical3A_197, %and3A_200 : vector<16xi32>
      %mul3A_202 = arith.constant 128 : i32
      %mul3A_203 = arith.muli %add3A_71, %mul3A_202 : i32
      %add3A_204 = arith.constant 32 : i32
      %add3A_205 = arith.addi %mul3A_203, %add3A_204 : i32
      %swap3A_206 = arith.index_cast %add3A_205 : i32 to index
      %swap3A_207 = tpu.vector_load %arg7[%swap3A_206] {strides = array<i32>} : memref<100000xi32, #tpu.memory_space<vmem>>, vector<16xi32>,
      tpu.vector_store %arg7[%swap3A_206], %or3A_201 {strides = array<i32>} : memref<100000xi32, #tpu.memory_space<vmem>>, vector<16xi32>,
      %get3A_208 = arith.constant 0 : i32
      %get3A_209 = arith.constant 0 : i32
      %get3A_210 = arith.index_cast %get3A_208 : i32 to index
      %get3A_211 = arith.index_cast %get3A_209 : i32 to index
      %get3A_212 = arith.constant 48 : index
      %get3A_213 = tpu.vector_load %arg10[%get3A_210, %get3A_211, %get3A_212] {strides = array<i32>} : memref<1x2x128xf32, #tpu.memory_space<vmem>>, vector<16xf32>,
      %get3A_214 = arith.constant 0 : i32
      %get3A_215 = arith.constant 1 : i32
      %get3A_216 = arith.index_cast %get3A_214 : i32 to index
      %get3A_217 = arith.index_cast %get3A_215 : i32 to index
      %get3A_218 = arith.constant 48 : index
      %get3A_219 = tpu.vector_load %arg10[%get3A_216, %get3A_217, %get3A_218] {strides = array<i32>} : memref<1x2x128xf32, #tpu.memory_space<vmem>>, vector<16xf32>,
      %bitcast3A_220 = vector.bitcast %get3A_213 : vector<16xf32> to vector<16xi32>
      %bitcast3A_221 = vector.bitcast %get3A_219 : vector<16xf32> to vector<16xi32>
      %add3A_222 = arith.constant 32767 : i32
      %add3A_223 = vector.broadcast %add3A_222 : i32 to vector<16xi32>
      %add3A_224 = arith.addi %bitcast3A_220, %add3A_223 : vector<16xi32>
      %shift_right_logical3A_225 = arith.constant 16 : i32
      %shift_right_logical3A_226 = vector.broadcast %shift_right_logical3A_225 : i32 to vector<16xi32>
      %shift_right_logical3A_227 = arith.shrui %bitcast3A_220, %shift_right_logical3A_226 : vector<16xi32>
      %and3A_228 = arith.constant 1 : i32
      %and3A_229 = vector.broadcast %and3A_228 : i32 to vector<16xi32>
      %and3A_230 = arith.andi %shift_right_logical3A_227, %and3A_229 : vector<16xi32>
      %add3A_231 = arith.addi %add3A_224, %and3A_230 : vector<16xi32>
      %add3A_232 = arith.constant 32767 : i32
      %add3A_233 = vector.broadcast %add3A_232 : i32 to vector<16xi32>
      %add3A_234 = arith.addi %bitcast3A_221, %add3A_233 : vector<16xi32>
      %shift_right_logical3A_235 = arith.constant 16 : i32
      %shift_right_logical3A_236 = vector.broadcast %shift_right_logical3A_235 : i32 to vector<16xi32>
      %shift_right_logical3A_237 = arith.shrui %bitcast3A_221, %shift_right_logical3A_236 : vector<16xi32>
      %and3A_238 = arith.constant 1 : i32
      %and3A_239 = vector.broadcast %and3A_238 : i32 to vector<16xi32>
      %and3A_240 = arith.andi %shift_right_logical3A_237, %and3A_239 : vector<16xi32>
      %add3A_241 = arith.addi %add3A_234, %and3A_240 : vector<16xi32>
      %shift_right_logical3A_242 = arith.constant 16 : i32
      %shift_right_logical3A_243 = vector.broadcast %shift_right_logical3A_242 : i32 to vector<16xi32>
      %shift_right_logical3A_244 = arith.shrui %add3A_231, %shift_right_logical3A_243 : vector<16xi32>
      %and3A_245 = arith.constant -65536 : i32
      %and3A_246 = vector.broadcast %and3A_245 : i32 to vector<16xi32>
      %and3A_247 = arith.andi %add3A_241, %and3A_246 : vector<16xi32>
      %or3A_248 = arith.ori %shift_right_logical3A_244, %and3A_247 : vector<16xi32>
      %mul3A_249 = arith.constant 128 : i32
      %mul3A_250 = arith.muli %add3A_71, %mul3A_249 : i32
      %add3A_251 = arith.constant 48 : i32
      %add3A_252 = arith.addi %mul3A_250, %add3A_251 : i32
      %swap3A_253 = arith.index_cast %add3A_252 : i32 to index
      %swap3A_254 = tpu.vector_load %arg7[%swap3A_253] {strides = array<i32>} : memref<100000xi32, #tpu.memory_space<vmem>>, vector<16xi32>,
      tpu.vector_store %arg7[%swap3A_253], %or3A_248 {strides = array<i32>} : memref<100000xi32, #tpu.memory_space<vmem>>, vector<16xi32>,
      %get3A_255 = arith.constant 0 : i32
      %get3A_256 = arith.constant 0 : i32
      %get3A_257 = arith.index_cast %get3A_255 : i32 to index
      %get3A_258 = arith.index_cast %get3A_256 : i32 to index
      %get3A_259 = arith.constant 64 : index
      %get3A_260 = tpu.vector_load %arg10[%get3A_257, %get3A_258, %get3A_259] {strides = array<i32>} : memref<1x2x128xf32, #tpu.memory_space<vmem>>, vector<16xf32>,
      %get3A_261 = arith.constant 0 : i32
      %get3A_262 = arith.constant 1 : i32
      %get3A_263 = arith.index_cast %get3A_261 : i32 to index
      %get3A_264 = arith.index_cast %get3A_262 : i32 to index
      %get3A_265 = arith.constant 64 : index
      %get3A_266 = tpu.vector_load %arg10[%get3A_263, %get3A_264, %get3A_265] {strides = array<i32>} : memref<1x2x128xf32, #tpu.memory_space<vmem>>, vector<16xf32>,
      %bitcast3A_267 = vector.bitcast %get3A_260 : vector<16xf32> to vector<16xi32>
      %bitcast3A_268 = vector.bitcast %get3A_266 : vector<16xf32> to vector<16xi32>
      %add3A_269 = arith.constant 32767 : i32
      %add3A_270 = vector.broadcast %add3A_269 : i32 to vector<16xi32>
      %add3A_271 = arith.addi %bitcast3A_267, %add3A_270 : vector<16xi32>
      %shift_right_logical3A_272 = arith.constant 16 : i32
      %shift_right_logical3A_273 = vector.broadcast %shift_right_logical3A_272 : i32 to vector<16xi32>
      %shift_right_logical3A_274 = arith.shrui %bitcast3A_267, %shift_right_logical3A_273 : vector<16xi32>
      %and3A_275 = arith.constant 1 : i32
      %and3A_276 = vector.broadcast %and3A_275 : i32 to vector<16xi32>
      %and3A_277 = arith.andi %shift_right_logical3A_274, %and3A_276 : vector<16xi32>
      %add3A_278 = arith.addi %add3A_271, %and3A_277 : vector<16xi32>
      %add3A_279 = arith.constant 32767 : i32
      %add3A_280 = vector.broadcast %add3A_279 : i32 to vector<16xi32>
      %add3A_281 = arith.addi %bitcast3A_268, %add3A_280 : vector<16xi32>
      %shift_right_logical3A_282 = arith.constant 16 : i32
      %shift_right_logical3A_283 = vector.broadcast %shift_right_logical3A_282 : i32 to vector<16xi32>
      %shift_right_logical3A_284 = arith.shrui %bitcast3A_268, %shift_right_logical3A_283 : vector<16xi32>
      %and3A_285 = arith.constant 1 : i32
      %and3A_286 = vector.broadcast %and3A_285 : i32 to vector<16xi32>
      %and3A_287 = arith.andi %shift_right_logical3A_284, %and3A_286 : vector<16xi32>
      %add3A_288 = arith.addi %add3A_281, %and3A_287 : vector<16xi32>
      %shift_right_logical3A_289 = arith.constant 16 : i32
      %shift_right_logical3A_290 = vector.broadcast %shift_right_logical3A_289 : i32 to vector<16xi32>
      %shift_right_logical3A_291 = arith.shrui %add3A_278, %shift_right_logical3A_290 : vector<16xi32>
      %and3A_292 = arith.constant -65536 : i32
      %and3A_293 = vector.broadcast %and3A_292 : i32 to vector<16xi32>
      %and3A_294 = arith.andi %add3A_288, %and3A_293 : vector<16xi32>
      %or3A_295 = arith.ori %shift_right_logical3A_291, %and3A_294 : vector<16xi32>
      %mul3A_296 = arith.constant 128 : i32
      %mul3A_297 = arith.muli %add3A_71, %mul3A_296 : i32
      %add3A_298 = arith.constant 64 : i32
      %add3A_299 = arith.addi %mul3A_297, %add3A_298 : i32
      %swap3A_300 = arith.index_cast %add3A_299 : i32 to index
      %swap3A_301 = tpu.vector_load %arg7[%swap3A_300] {strides = array<i32>} : memref<100000xi32, #tpu.memory_space<vmem>>, vector<16xi32>,
      tpu.vector_store %arg7[%swap3A_300], %or3A_295 {strides = array<i32>} : memref<100000xi32, #tpu.memory_space<vmem>>, vector<16xi32>,
      %get3A_302 = arith.constant 0 : i32
      %get3A_303 = arith.constant 0 : i32
      %get3A_304 = arith.index_cast %get3A_302 : i32 to index
      %get3A_305 = arith.index_cast %get3A_303 : i32 to index
      %get3A_306 = arith.constant 80 : index
      %get3A_307 = tpu.vector_load %arg10[%get3A_304, %get3A_305, %get3A_306] {strides = array<i32>} : memref<1x2x128xf32, #tpu.memory_space<vmem>>, vector<16xf32>,
      %get3A_308 = arith.constant 0 : i32
      %get3A_309 = arith.constant 1 : i32
      %get3A_310 = arith.index_cast %get3A_308 : i32 to index
      %get3A_311 = arith.index_cast %get3A_309 : i32 to index
      %get3A_312 = arith.constant 80 : index
      %get3A_313 = tpu.vector_load %arg10[%get3A_310, %get3A_311, %get3A_312] {strides = array<i32>} : memref<1x2x128xf32, #tpu.memory_space<vmem>>, vector<16xf32>,
      %bitcast3A_314 = vector.bitcast %get3A_307 : vector<16xf32> to vector<16xi32>
      %bitcast3A_315 = vector.bitcast %get3A_313 : vector<16xf32> to vector<16xi32>
      %add3A_316 = arith.constant 32767 : i32
      %add3A_317 = vector.broadcast %add3A_316 : i32 to vector<16xi32>
      %add3A_318 = arith.addi %bitcast3A_314, %add3A_317 : vector<16xi32>
      %shift_right_logical3A_319 = arith.constant 16 : i32
      %shift_right_logical3A_320 = vector.broadcast %shift_right_logical3A_319 : i32 to vector<16xi32>
      %shift_right_logical3A_321 = arith.shrui %bitcast3A_314, %shift_right_logical3A_320 : vector<16xi32>
      %and3A_322 = arith.constant 1 : i32
      %and3A_323 = vector.broadcast %and3A_322 : i32 to vector<16xi32>
      %and3A_324 = arith.andi %shift_right_logical3A_321, %and3A_323 : vector<16xi32>
      %add3A_325 = arith.addi %add3A_318, %and3A_324 : vector<16xi32>
      %add3A_326 = arith.constant 32767 : i32
      %add3A_327 = vector.broadcast %add3A_326 : i32 to vector<16xi32>
      %add3A_328 = arith.addi %bitcast3A_315, %add3A_327 : vector<16xi32>
      %shift_right_logical3A_329 = arith.constant 16 : i32
      %shift_right_logical3A_330 = vector.broadcast %shift_right_logical3A_329 : i32 to vector<16xi32>
      %shift_right_logical3A_331 = arith.shrui %bitcast3A_315, %shift_right_logical3A_330 : vector<16xi32>
      %and3A_332 = arith.constant 1 : i32
      %and3A_333 = vector.broadcast %and3A_332 : i32 to vector<16xi32>
      %and3A_334 = arith.andi %shift_right_logical3A_331, %and3A_333 : vector<16xi32>
      %add3A_335 = arith.addi %add3A_328, %and3A_334 : vector<16xi32>
      %shift_right_logical3A_336 = arith.constant 16 : i32
      %shift_right_logical3A_337 = vector.broadcast %shift_right_logical3A_336 : i32 to vector<16xi32>
      %shift_right_logical3A_338 = arith.shrui %add3A_325, %shift_right_logical3A_337 : vector<16xi32>
      %and3A_339 = arith.constant -65536 : i32
      %and3A_340 = vector.broadcast %and3A_339 : i32 to vector<16xi32>
      %and3A_341 = arith.andi %add3A_335, %and3A_340 : vector<16xi32>
      %or3A_342 = arith.ori %shift_right_logical3A_338, %and3A_341 : vector<16xi32>
      %mul3A_343 = arith.constant 128 : i32
      %mul3A_344 = arith.muli %add3A_71, %mul3A_343 : i32
      %add3A_345 = arith.constant 80 : i32
      %add3A_346 = arith.addi %mul3A_344, %add3A_345 : i32
      %swap3A_347 = arith.index_cast %add3A_346 : i32 to index
      %swap3A_348 = tpu.vector_load %arg7[%swap3A_347] {strides = array<i32>} : memref<100000xi32, #tpu.memory_space<vmem>>, vector<16xi32>,
      tpu.vector_store %arg7[%swap3A_347], %or3A_342 {strides = array<i32>} : memref<100000xi32, #tpu.memory_space<vmem>>, vector<16xi32>,
      %get3A_349 = arith.constant 0 : i32
      %get3A_350 = arith.constant 0 : i32
      %get3A_351 = arith.index_cast %get3A_349 : i32 to index
      %get3A_352 = arith.index_cast %get3A_350 : i32 to index
      %get3A_353 = arith.constant 96 : index
      %get3A_354 = tpu.vector_load %arg10[%get3A_351, %get3A_352, %get3A_353] {strides = array<i32>} : memref<1x2x128xf32, #tpu.memory_space<vmem>>, vector<16xf32>,
      %get3A_355 = arith.constant 0 : i32
      %get3A_356 = arith.constant 1 : i32
      %get3A_357 = arith.index_cast %get3A_355 : i32 to index
      %get3A_358 = arith.index_cast %get3A_356 : i32 to index
      %get3A_359 = arith.constant 96 : index
      %get3A_360 = tpu.vector_load %arg10[%get3A_357, %get3A_358, %get3A_359] {strides = array<i32>} : memref<1x2x128xf32, #tpu.memory_space<vmem>>, vector<16xf32>,
      %bitcast3A_361 = vector.bitcast %get3A_354 : vector<16xf32> to vector<16xi32>
      %bitcast3A_362 = vector.bitcast %get3A_360 : vector<16xf32> to vector<16xi32>
      %add3A_363 = arith.constant 32767 : i32
      %add3A_364 = vector.broadcast %add3A_363 : i32 to vector<16xi32>
      %add3A_365 = arith.addi %bitcast3A_361, %add3A_364 : vector<16xi32>
      %shift_right_logical3A_366 = arith.constant 16 : i32
      %shift_right_logical3A_367 = vector.broadcast %shift_right_logical3A_366 : i32 to vector<16xi32>
      %shift_right_logical3A_368 = arith.shrui %bitcast3A_361, %shift_right_logical3A_367 : vector<16xi32>
      %and3A_369 = arith.constant 1 : i32
      %and3A_370 = vector.broadcast %and3A_369 : i32 to vector<16xi32>
      %and3A_371 = arith.andi %shift_right_logical3A_368, %and3A_370 : vector<16xi32>
      %add3A_372 = arith.addi %add3A_365, %and3A_371 : vector<16xi32>
      %add3A_373 = arith.constant 32767 : i32
      %add3A_374 = vector.broadcast %add3A_373 : i32 to vector<16xi32>
      %add3A_375 = arith.addi %bitcast3A_362, %add3A_374 : vector<16xi32>
      %shift_right_logical3A_376 = arith.constant 16 : i32
      %shift_right_logical3A_377 = vector.broadcast %shift_right_logical3A_376 : i32 to vector<16xi32>
      %shift_right_logical3A_378 = arith.shrui %bitcast3A_362, %shift_right_logical3A_377 : vector<16xi32>
      %and3A_379 = arith.constant 1 : i32
      %and3A_380 = vector.broadcast %and3A_379 : i32 to vector<16xi32>
      %and3A_381 = arith.andi %shift_right_logical3A_378, %and3A_380 : vector<16xi32>
      %add3A_382 = arith.addi %add3A_375, %and3A_381 : vector<16xi32>
      %shift_right_logical3A_383 = arith.constant 16 : i32
      %shift_right_logical3A_384 = vector.broadcast %shift_right_logical3A_383 : i32 to vector<16xi32>
      %shift_right_logical3A_385 = arith.shrui %add3A_372, %shift_right_logical3A_384 : vector<16xi32>
      %and3A_386 = arith.constant -65536 : i32
      %and3A_387 = vector.broadcast %and3A_386 : i32 to vector<16xi32>
      %and3A_388 = arith.andi %add3A_382, %and3A_387 : vector<16xi32>
      %or3A_389 = arith.ori %shift_right_logical3A_385, %and3A_388 : vector<16xi32>
      %mul3A_390 = arith.constant 128 : i32
      %mul3A_391 = arith.muli %add3A_71, %mul3A_390 : i32
      %add3A_392 = arith.constant 96 : i32
      %add3A_393 = arith.addi %mul3A_391, %add3A_392 : i32
      %swap3A_394 = arith.index_cast %add3A_393 : i32 to index
      %swap3A_395 = tpu.vector_load %arg7[%swap3A_394] {strides = array<i32>} : memref<100000xi32, #tpu.memory_space<vmem>>, vector<16xi32>,
      tpu.vector_store %arg7[%swap3A_394], %or3A_389 {strides = array<i32>} : memref<100000xi32, #tpu.memory_space<vmem>>, vector<16xi32>,
      %get3A_396 = arith.constant 0 : i32
      %get3A_397 = arith.constant 0 : i32
      %get3A_398 = arith.index_cast %get3A_396 : i32 to index
      %get3A_399 = arith.index_cast %get3A_397 : i32 to index
      %get3A_400 = arith.constant 112 : index
      %get3A_401 = tpu.vector_load %arg10[%get3A_398, %get3A_399, %get3A_400] {strides = array<i32>} : memref<1x2x128xf32, #tpu.memory_space<vmem>>, vector<16xf32>,
      %get3A_402 = arith.constant 0 : i32
      %get3A_403 = arith.constant 1 : i32
      %get3A_404 = arith.index_cast %get3A_402 : i32 to index
      %get3A_405 = arith.index_cast %get3A_403 : i32 to index
      %get3A_406 = arith.constant 112 : index
      %get3A_407 = tpu.vector_load %arg10[%get3A_404, %get3A_405, %get3A_406] {strides = array<i32>} : memref<1x2x128xf32, #tpu.memory_space<vmem>>, vector<16xf32>,
      %bitcast3A_408 = vector.bitcast %get3A_401 : vector<16xf32> to vector<16xi32>
      %bitcast3A_409 = vector.bitcast %get3A_407 : vector<16xf32> to vector<16xi32>
      %add3A_410 = arith.constant 32767 : i32
      %add3A_411 = vector.broadcast %add3A_410 : i32 to vector<16xi32>
      %add3A_412 = arith.addi %bitcast3A_408, %add3A_411 : vector<16xi32>
      %shift_right_logical3A_413 = arith.constant 16 : i32
      %shift_right_logical3A_414 = vector.broadcast %shift_right_logical3A_413 : i32 to vector<16xi32>
      %shift_right_logical3A_415 = arith.shrui %bitcast3A_408, %shift_right_logical3A_414 : vector<16xi32>
      %and3A_416 = arith.constant 1 : i32
      %and3A_417 = vector.broadcast %and3A_416 : i32 to vector<16xi32>
      %and3A_418 = arith.andi %shift_right_logical3A_415, %and3A_417 : vector<16xi32>
      %add3A_419 = arith.addi %add3A_412, %and3A_418 : vector<16xi32>
      %add3A_420 = arith.constant 32767 : i32
      %add3A_421 = vector.broadcast %add3A_420 : i32 to vector<16xi32>
      %add3A_422 = arith.addi %bitcast3A_409, %add3A_421 : vector<16xi32>
      %shift_right_logical3A_423 = arith.constant 16 : i32
      %shift_right_logical3A_424 = vector.broadcast %shift_right_logical3A_423 : i32 to vector<16xi32>
      %shift_right_logical3A_425 = arith.shrui %bitcast3A_409, %shift_right_logical3A_424 : vector<16xi32>
      %and3A_426 = arith.constant 1 : i32
      %and3A_427 = vector.broadcast %and3A_426 : i32 to vector<16xi32>
      %and3A_428 = arith.andi %shift_right_logical3A_425, %and3A_427 : vector<16xi32>
      %add3A_429 = arith.addi %add3A_422, %and3A_428 : vector<16xi32>
      %shift_right_logical3A_430 = arith.constant 16 : i32
      %shift_right_logical3A_431 = vector.broadcast %shift_right_logical3A_430 : i32 to vector<16xi32>
      %shift_right_logical3A_432 = arith.shrui %add3A_419, %shift_right_logical3A_431 : vector<16xi32>
      %and3A_433 = arith.constant -65536 : i32
      %and3A_434 = vector.broadcast %and3A_433 : i32 to vector<16xi32>
      %and3A_435 = arith.andi %add3A_429, %and3A_434 : vector<16xi32>
      %or3A_436 = arith.ori %shift_right_logical3A_432, %and3A_435 : vector<16xi32>
      %mul3A_437 = arith.constant 128 : i32
      %mul3A_438 = arith.muli %add3A_71, %mul3A_437 : i32
      %add3A_439 = arith.constant 112 : i32
      %add3A_440 = arith.addi %mul3A_438, %add3A_439 : i32
      %swap3A_441 = arith.index_cast %add3A_440 : i32 to index
      %swap3A_442 = tpu.vector_load %arg7[%swap3A_441] {strides = array<i32>} : memref<100000xi32, #tpu.memory_space<vmem>>, vector<16xi32>,
      tpu.vector_store %arg7[%swap3A_441], %or3A_436 {strides = array<i32>} : memref<100000xi32, #tpu.memory_space<vmem>>, vector<16xi32>,
      %mul3A_443 = arith.constant 128 : i32
      %mul3A_444 = arith.muli %add3A_71, %mul3A_443 : i32
      %mul3A_445 = arith.constant 128 : i32
      %mul3A_446 = arith.muli %add3A_71, %mul3A_445 : i32
      "tpu.region"() ({
        %run_scoped3A = tpu.sem_alloc : memref<!tpu.dma_semaphore, #tpu.memory_space<semaphore_mem>>
        %dma_start3A_447 = tpu.memref_slice %arg7[%mul3A_444] : memref<100000xi32, #tpu.memory_space<vmem>> -> memref<128xi32, #tpu.memory_space<vmem>>
        %dma_start3A_448 = tpu.memref_slice %arg25[%mul3A_446] : memref<100000xi32, #tpu.memory_space<vmem_shared>> -> memref<128xi32, #tpu.memory_space<vmem_shared>>
        %dma_start3A_449 = tpu.memref_slice %arg25[%mul3A_446] : memref<100000xi32, #tpu.memory_space<vmem_shared>> -> memref<128xi32, #tpu.memory_space<vmem_shared>>
        %dma_start3A_450 = tpu.memref_slice %arg7[%mul3A_444] : memref<100000xi32, #tpu.memory_space<vmem>> -> memref<128xi32, #tpu.memory_space<vmem>>
        tpu.enqueue_dma source(%dma_start3A_450 : memref<128xi32, #tpu.memory_space<vmem>>) target(%dma_start3A_449 : memref<128xi32, #tpu.memory_space<vmem_shared>>) target_semaphore(%run_scoped3A : memref<!tpu.dma_semaphore, #tpu.memory_space<semaphore_mem>>)
        %dma_wait3A = tpu.memref_slice %arg7[%mul3A_444] : memref<100000xi32, #tpu.memory_space<vmem>> -> memref<128xi32, #tpu.memory_space<vmem>>
        %dma_wait3A_451 = tpu.memref_slice %arg25[%mul3A_446] : memref<100000xi32, #tpu.memory_space<vmem_shared>> -> memref<128xi32, #tpu.memory_space<vmem_shared>>
        %dma_wait3A_452 = tpu.memref_slice %arg25[%mul3A_446] : memref<100000xi32, #tpu.memory_space<vmem_shared>> -> memref<128xi32, #tpu.memory_space<vmem_shared>>
        %dma_wait3A_453 = tpu.memref_slice %arg7[%mul3A_444] : memref<100000xi32, #tpu.memory_space<vmem>> -> memref<128xi32, #tpu.memory_space<vmem>>
        tpu.wait_dma2 semaphore(%run_scoped3A : memref<!tpu.dma_semaphore, #tpu.memory_space<semaphore_mem>>) src(%dma_wait3A_453 : memref<128xi32, #tpu.memory_space<vmem>>) dst(%dma_wait3A_452 : memref<128xi32, #tpu.memory_space<vmem_shared>>)
        tpu.yield
      }) : () -> ()
    } else {
    }
    %eq3A = arith.constant 15 : i32
    %eq3A_54 = arith.cmpi eq, %arg1, %eq3A : i32
    %convert_element_type3A_55 = arith.extui %eq3A_54 : i1 to i32
    %cond3A_56 = arith.constant 0 : i32
    %cond3A_57 = arith.cmpi ne, %convert_element_type3A_55, %cond3A_56 : i32
    scf.if %cond3A_57 {
      "tpu.region"() ({
        %run_scoped3A = tpu.sem_alloc : memref<!tpu.dma_semaphore, #tpu.memory_space<semaphore_mem>>
        tpu.enqueue_dma source(%arg3 : memref<64xf32, #tpu.memory_space<hbm>>) target(%arg11 : memref<64xf32, #tpu.memory_space<vmem>>) target_semaphore(%run_scoped3A : memref<!tpu.dma_semaphore, #tpu.memory_space<semaphore_mem>>)
        tpu.wait_dma2 semaphore(%run_scoped3A : memref<!tpu.dma_semaphore, #tpu.memory_space<semaphore_mem>>) src(%arg3 : memref<64xf32, #tpu.memory_space<hbm>>) dst(%arg11 : memref<64xf32, #tpu.memory_space<vmem>>)
        tpu.yield
      }) : () -> ()
      %get3A = arith.constant 0 : index
      %get3A_70 = tpu.vector_load %arg11[%get3A] {strides = array<i32>} : memref<64xf32, #tpu.memory_space<vmem>>, vector<16xf32>,
      %get3A_71 = arith.constant 32 : index
      %get3A_72 = tpu.vector_load %arg11[%get3A_71] {strides = array<i32>} : memref<64xf32, #tpu.memory_space<vmem>>, vector<16xf32>,
      %bitcast3A = vector.bitcast %get3A_70 : vector<16xf32> to vector<16xi32>
      %bitcast3A_73 = vector.bitcast %get3A_72 : vector<16xf32> to vector<16xi32>
      %add3A_74 = arith.constant 32767 : i32
      %add3A_75 = vector.broadcast %add3A_74 : i32 to vector<16xi32>
      %add3A_76 = arith.addi %bitcast3A, %add3A_75 : vector<16xi32>
      %shift_right_logical3A = arith.constant 16 : i32
      %shift_right_logical3A_77 = vector.broadcast %shift_right_logical3A : i32 to vector<16xi32>
      %shift_right_logical3A_78 = arith.shrui %bitcast3A, %shift_right_logical3A_77 : vector<16xi32>
      %and3A = arith.constant 1 : i32
      %and3A_79 = vector.broadcast %and3A : i32 to vector<16xi32>
      %and3A_80 = arith.andi %shift_right_logical3A_78, %and3A_79 : vector<16xi32>
      %add3A_81 = arith.addi %add3A_76, %and3A_80 : vector<16xi32>
      %add3A_82 = arith.constant 32767 : i32
      %add3A_83 = vector.broadcast %add3A_82 : i32 to vector<16xi32>
      %add3A_84 = arith.addi %bitcast3A_73, %add3A_83 : vector<16xi32>
      %shift_right_logical3A_85 = arith.constant 16 : i32
      %shift_right_logical3A_86 = vector.broadcast %shift_right_logical3A_85 : i32 to vector<16xi32>
      %shift_right_logical3A_87 = arith.shrui %bitcast3A_73, %shift_right_logical3A_86 : vector<16xi32>
      %and3A_88 = arith.constant 1 : i32
      %and3A_89 = vector.broadcast %and3A_88 : i32 to vector<16xi32>
      %and3A_90 = arith.andi %shift_right_logical3A_87, %and3A_89 : vector<16xi32>
      %add3A_91 = arith.addi %add3A_84, %and3A_90 : vector<16xi32>
      %shift_right_logical3A_92 = arith.constant 16 : i32
      %shift_right_logical3A_93 = vector.broadcast %shift_right_logical3A_92 : i32 to vector<16xi32>
      %shift_right_logical3A_94 = arith.shrui %add3A_81, %shift_right_logical3A_93 : vector<16xi32>
      %and3A_95 = arith.constant -65536 : i32
      %and3A_96 = vector.broadcast %and3A_95 : i32 to vector<16xi32>
      %and3A_97 = arith.andi %add3A_91, %and3A_96 : vector<16xi32>
      %or3A = arith.ori %shift_right_logical3A_94, %and3A_97 : vector<16xi32>
      %swap3A_98 = arith.constant 99968 : index
      %swap3A_99 = tpu.vector_load %arg7[%swap3A_98] {strides = array<i32>} : memref<100000xi32, #tpu.memory_space<vmem>>, vector<16xi32>,
      tpu.vector_store %arg7[%swap3A_98], %or3A {strides = array<i32>} : memref<100000xi32, #tpu.memory_space<vmem>>, vector<16xi32>,
      %get3A_100 = arith.constant 16 : index
      %get3A_101 = tpu.vector_load %arg11[%get3A_100] {strides = array<i32>} : memref<64xf32, #tpu.memory_space<vmem>>, vector<16xf32>,
      %get3A_102 = arith.constant 48 : index
      %get3A_103 = tpu.vector_load %arg11[%get3A_102] {strides = array<i32>} : memref<64xf32, #tpu.memory_space<vmem>>, vector<16xf32>,
      %bitcast3A_104 = vector.bitcast %get3A_101 : vector<16xf32> to vector<16xi32>
      %bitcast3A_105 = vector.bitcast %get3A_103 : vector<16xf32> to vector<16xi32>
      %add3A_106 = arith.constant 32767 : i32
      %add3A_107 = vector.broadcast %add3A_106 : i32 to vector<16xi32>
      %add3A_108 = arith.addi %bitcast3A_104, %add3A_107 : vector<16xi32>
      %shift_right_logical3A_109 = arith.constant 16 : i32
      %shift_right_logical3A_110 = vector.broadcast %shift_right_logical3A_109 : i32 to vector<16xi32>
      %shift_right_logical3A_111 = arith.shrui %bitcast3A_104, %shift_right_logical3A_110 : vector<16xi32>
      %and3A_112 = arith.constant 1 : i32
      %and3A_113 = vector.broadcast %and3A_112 : i32 to vector<16xi32>
      %and3A_114 = arith.andi %shift_right_logical3A_111, %and3A_113 : vector<16xi32>
      %add3A_115 = arith.addi %add3A_108, %and3A_114 : vector<16xi32>
      %add3A_116 = arith.constant 32767 : i32
      %add3A_117 = vector.broadcast %add3A_116 : i32 to vector<16xi32>
      %add3A_118 = arith.addi %bitcast3A_105, %add3A_117 : vector<16xi32>
      %shift_right_logical3A_119 = arith.constant 16 : i32
      %shift_right_logical3A_120 = vector.broadcast %shift_right_logical3A_119 : i32 to vector<16xi32>
      %shift_right_logical3A_121 = arith.shrui %bitcast3A_105, %shift_right_logical3A_120 : vector<16xi32>
      %and3A_122 = arith.constant 1 : i32
      %and3A_123 = vector.broadcast %and3A_122 : i32 to vector<16xi32>
      %and3A_124 = arith.andi %shift_right_logical3A_121, %and3A_123 : vector<16xi32>
      %add3A_125 = arith.addi %add3A_118, %and3A_124 : vector<16xi32>
      %shift_right_logical3A_126 = arith.constant 16 : i32
      %shift_right_logical3A_127 = vector.broadcast %shift_right_logical3A_126 : i32 to vector<16xi32>
      %shift_right_logical3A_128 = arith.shrui %add3A_115, %shift_right_logical3A_127 : vector<16xi32>
      %and3A_129 = arith.constant -65536 : i32
      %and3A_130 = vector.broadcast %and3A_129 : i32 to vector<16xi32>
      %and3A_131 = arith.andi %add3A_125, %and3A_130 : vector<16xi32>
      %or3A_132 = arith.ori %shift_right_logical3A_128, %and3A_131 : vector<16xi32>
      %swap3A_133 = arith.constant 99984 : index
      %swap3A_134 = tpu.vector_load %arg7[%swap3A_133] {strides = array<i32>} : memref<100000xi32, #tpu.memory_space<vmem>>, vector<16xi32>,
      tpu.vector_store %arg7[%swap3A_133], %or3A_132 {strides = array<i32>} : memref<100000xi32, #tpu.memory_space<vmem>>, vector<16xi32>,
      "tpu.region"() ({
        %run_scoped3A = tpu.sem_alloc : memref<!tpu.dma_semaphore, #tpu.memory_space<semaphore_mem>>
        %dma_start3A_135 = arith.constant 99968 : i32
        %dma_start3A_136 = tpu.memref_slice %arg7[%dma_start3A_135] : memref<100000xi32, #tpu.memory_space<vmem>> -> memref<32xi32, #tpu.memory_space<vmem>>
        %dma_start3A_137 = arith.constant 99968 : i32
        %dma_start3A_138 = tpu.memref_slice %arg25[%dma_start3A_137] : memref<100000xi32, #tpu.memory_space<vmem_shared>> -> memref<32xi32, #tpu.memory_space<vmem_shared>>
        %dma_start3A_139 = arith.constant 99968 : i32
        %dma_start3A_140 = tpu.memref_slice %arg25[%dma_start3A_139] : memref<100000xi32, #tpu.memory_space<vmem_shared>> -> memref<32xi32, #tpu.memory_space<vmem_shared>>
        %dma_start3A_141 = arith.constant 99968 : i32
        %dma_start3A_142 = tpu.memref_slice %arg7[%dma_start3A_141] : memref<100000xi32, #tpu.memory_space<vmem>> -> memref<32xi32, #tpu.memory_space<vmem>>
        tpu.enqueue_dma source(%dma_start3A_142 : memref<32xi32, #tpu.memory_space<vmem>>) target(%dma_start3A_140 : memref<32xi32, #tpu.memory_space<vmem_shared>>) target_semaphore(%run_scoped3A : memref<!tpu.dma_semaphore, #tpu.memory_space<semaphore_mem>>)
        %dma_wait3A = arith.constant 99968 : i32
        %dma_wait3A_143 = tpu.memref_slice %arg7[%dma_wait3A] : memref<100000xi32, #tpu.memory_space<vmem>> -> memref<32xi32, #tpu.memory_space<vmem>>
        %dma_wait3A_144 = arith.constant 99968 : i32
        %dma_wait3A_145 = tpu.memref_slice %arg25[%dma_wait3A_144] : memref<100000xi32, #tpu.memory_space<vmem_shared>> -> memref<32xi32, #tpu.memory_space<vmem_shared>>
        %dma_wait3A_146 = arith.constant 99968 : i32
        %dma_wait3A_147 = tpu.memref_slice %arg25[%dma_wait3A_146] : memref<100000xi32, #tpu.memory_space<vmem_shared>> -> memref<32xi32, #tpu.memory_space<vmem_shared>>
        %dma_wait3A_148 = arith.constant 99968 : i32
        %dma_wait3A_149 = tpu.memref_slice %arg7[%dma_wait3A_148] : memref<100000xi32, #tpu.memory_space<vmem>> -> memref<32xi32, #tpu.memory_space<vmem>>
        tpu.wait_dma2 semaphore(%run_scoped3A : memref<!tpu.dma_semaphore, #tpu.memory_space<semaphore_mem>>) src(%dma_wait3A_149 : memref<32xi32, #tpu.memory_space<vmem>>) dst(%dma_wait3A_147 : memref<32xi32, #tpu.memory_space<vmem_shared>>)
        tpu.yield
      }) : () -> ()
    } else {
    }
    %mul3A_58 = arith.constant 128 : i32
    %mul3A_59 = arith.muli %mul3A_28, %mul3A_58 : i32
    %mul3A_60 = arith.constant 128 : i32
    %mul3A_61 = arith.muli %mul3A_28, %mul3A_60 : i32
    "tpu.region"() ({
      %run_scoped3A = tpu.sem_alloc : memref<!tpu.dma_semaphore, #tpu.memory_space<semaphore_mem>>
      %dma_start3A_70 = tpu.memref_slice %arg7[%mul3A_59] : memref<100000xi32, #tpu.memory_space<vmem>> -> memref<6144xi32, #tpu.memory_space<vmem>>
      %dma_start3A_71 = tpu.memref_slice %arg25[%mul3A_61] : memref<100000xi32, #tpu.memory_space<vmem_shared>> -> memref<6144xi32, #tpu.memory_space<vmem_shared>>
      %dma_start3A_72 = tpu.memref_slice %arg25[%mul3A_61] : memref<100000xi32, #tpu.memory_space<vmem_shared>> -> memref<6144xi32, #tpu.memory_space<vmem_shared>>
      %dma_start3A_73 = tpu.memref_slice %arg7[%mul3A_59] : memref<100000xi32, #tpu.memory_space<vmem>> -> memref<6144xi32, #tpu.memory_space<vmem>>
      tpu.enqueue_dma source(%dma_start3A_73 : memref<6144xi32, #tpu.memory_space<vmem>>) target(%dma_start3A_72 : memref<6144xi32, #tpu.memory_space<vmem_shared>>) target_semaphore(%run_scoped3A : memref<!tpu.dma_semaphore, #tpu.memory_space<semaphore_mem>>)
      %dma_wait3A = tpu.memref_slice %arg7[%mul3A_59] : memref<100000xi32, #tpu.memory_space<vmem>> -> memref<6144xi32, #tpu.memory_space<vmem>>
      %dma_wait3A_74 = tpu.memref_slice %arg25[%mul3A_61] : memref<100000xi32, #tpu.memory_space<vmem_shared>> -> memref<6144xi32, #tpu.memory_space<vmem_shared>>
      %dma_wait3A_75 = tpu.memref_slice %arg25[%mul3A_61] : memref<100000xi32, #tpu.memory_space<vmem_shared>> -> memref<6144xi32, #tpu.memory_space<vmem_shared>>
      %dma_wait3A_76 = tpu.memref_slice %arg7[%mul3A_59] : memref<100000xi32, #tpu.memory_space<vmem>> -> memref<6144xi32, #tpu.memory_space<vmem>>
      tpu.wait_dma2 semaphore(%run_scoped3A : memref<!tpu.dma_semaphore, #tpu.memory_space<semaphore_mem>>) src(%dma_wait3A_76 : memref<6144xi32, #tpu.memory_space<vmem>>) dst(%dma_wait3A_75 : memref<6144xi32, #tpu.memory_space<vmem_shared>>)
      tpu.yield
    }) : () -> ()
    %barrier3A = arith.constant 0 : index
    tpu.barrier barrier_id(%barrier3A)
    "tpu.region"() ({
      %run_scoped3A = tpu.sem_alloc : memref<!tpu.dma_semaphore, #tpu.memory_space<semaphore_mem>>
      tpu.enqueue_dma source(%arg25 : memref<100000xi32, #tpu.memory_space<vmem_shared>>) target(%arg7 : memref<100000xi32, #tpu.memory_space<vmem>>) target_semaphore(%run_scoped3A : memref<!tpu.dma_semaphore, #tpu.memory_space<semaphore_mem>>)
      tpu.wait_dma2 semaphore(%run_scoped3A : memref<!tpu.dma_semaphore, #tpu.memory_space<semaphore_mem>>) src(%arg25 : memref<100000xi32, #tpu.memory_space<vmem_shared>>) dst(%arg7 : memref<100000xi32, #tpu.memory_space<vmem>>)
      tpu.yield
    }) : () -> ()
    %scan3A_62 = arith.constant 0 : i32
    %scan3A_63 = arith.constant 25 : i32
    %scan3A_64 = arith.addi %scan3A_62, %scan3A_63 : i32
    %scan3A_65 = arith.constant 1 : i32
    %scan3A_66:2 = scf.for %scan3A_70 = %scan3A_62 to %scan3A_64 step %scan3A_65 iter_args(%scan3A_71 = %broadcast_in_dim3A_1, %scan3A_72 = %broadcast_in_dim3A_1) -> (vector<16xf32>, vector<16xf32>)  : i32 {
      %mul3A_73 = arith.constant 4 : i32
      %mul3A_74 = arith.muli %scan3A_70, %mul3A_73 : i32
      %add3A_75 = arith.constant 0 : i32
      %add3A_76 = arith.addi %mul3A_74, %add3A_75 : i32
      %mul3A_77 = arith.constant 32 : i32
      %mul3A_78 = arith.muli %add3A_76, %mul3A_77 : i32
      %add3A_79 = arith.addi %add3A, %mul3A_78 : i32
      %lt3A_80 = arith.constant 3125 : i32
      %lt3A_81 = arith.cmpi slt, %add3A_79, %lt3A_80 : i32
      %convert_element_type3A_82 = arith.extui %lt3A_81 : i1 to i32
      %cond3A_83 = arith.constant 0 : i32
      %cond3A_84 = arith.cmpi ne, %convert_element_type3A_82, %cond3A_83 : i32
      scf.if %cond3A_84 {
        %dma_wait3A = arith.constant 0 : i32
        %dma_wait3A_177 = arith.constant 0 : i32
        %dma_wait3A_178 = tpu.memref_slice %arg5[%dma_wait3A, %dma_wait3A_177] : memref<50000x128xi32, #tpu.memory_space<hbm>> -> memref<50000x128xi32, #tpu.memory_space<hbm>>
        tpu.wait_indirect_dma semaphore(%arg26 : memref<!tpu.dma_semaphore, #tpu.memory_space<semaphore_mem>>) src(%dma_wait3A_178 : memref<50000x128xi32, #tpu.memory_space<hbm>>) dst(%arg12 : memref<8x128xi32, #tpu.memory_space<vmem>>)
        %dma_wait3A_179 = arith.constant 0 : i32
        %dma_wait3A_180 = tpu.memref_slice %arg4[%dma_wait3A_179] : memref<6400000xf32, #tpu.memory_space<hbm>> -> memref<2048xf32, #tpu.memory_space<hbm>>
        %dma_wait3A_181 = arith.constant 0 : i32
        %dma_wait3A_182 = tpu.memref_slice %arg4[%dma_wait3A_181] : memref<6400000xf32, #tpu.memory_space<hbm>> -> memref<2048xf32, #tpu.memory_space<hbm>>
        tpu.wait_dma2 semaphore(%arg30 : memref<!tpu.dma_semaphore, #tpu.memory_space<semaphore_mem>>) src(%dma_wait3A_182 : memref<2048xf32, #tpu.memory_space<hbm>>) dst(%arg16 : memref<2048xf32, #tpu.memory_space<vmem>>)
      } else {
      }
      %convert_element_type3A_85 = arith.extui %lt3A_81 : i1 to i32
      %cond3A_86 = arith.constant 0 : i32
      %cond3A_87 = arith.cmpi ne, %convert_element_type3A_85, %cond3A_86 : i32
      %cond3A_88:2 = scf.if %cond3A_87 -> (vector<16xf32>, vector<16xf32>) {
        %scan3A_177 = arith.constant 0 : i32
        %scan3A_178 = arith.constant 8 : i32
        %scan3A_179 = arith.addi %scan3A_177, %scan3A_178 : i32
        %scan3A_180 = arith.constant 1 : i32
        %scan3A_181:2 = scf.for %scan3A_183 = %scan3A_177 to %scan3A_179 step %scan3A_180 iter_args(%scan3A_184 = %scan3A_71, %scan3A_185 = %scan3A_72) -> (vector<16xf32>, vector<16xf32>)  : i32 {
          %mul3A_186 = arith.constant 256 : i32
          %mul3A_187 = arith.muli %scan3A_183, %mul3A_186 : i32
          %get3A = arith.index_cast %scan3A_183 : i32 to index
          %get3A_188 = arith.constant 0 : index
          %get3A_189 = tpu.vector_load %arg12[%get3A, %get3A_188] {strides = array<i32>} : memref<8x128xi32, #tpu.memory_space<vmem>>, vector<16xi32>,
          %gather3A = tpu.vector_load_idx %arg7[%get3A_189] : memref<100000xi32, #tpu.memory_space<vmem>>[vector<16xi32>], vector<16xi32>,
          %shift_left3A = arith.constant 16 : i32
          %shift_left3A_190 = vector.broadcast %shift_left3A : i32 to vector<16xi32>
          %shift_left3A_191 = arith.shli %gather3A, %shift_left3A_190 : vector<16xi32>
          %bitcast3A = vector.bitcast %shift_left3A_191 : vector<16xi32> to vector<16xf32>
          %and3A = arith.constant -65536 : i32
          %and3A_192 = vector.broadcast %and3A : i32 to vector<16xi32>
          %and3A_193 = arith.andi %gather3A, %and3A_192 : vector<16xi32>
          %bitcast3A_194 = vector.bitcast %and3A_193 : vector<16xi32> to vector<16xf32>
          %add3A_195 = arith.constant 0 : i32
          %add3A_196 = arith.addi %mul3A_187, %add3A_195 : i32
          %get3A_197 = arith.index_cast %add3A_196 : i32 to index
          %get3A_198 = tpu.vector_load %arg16[%get3A_197] {strides = array<i32>} : memref<2048xf32, #tpu.memory_space<vmem>>, vector<16xf32>,
          %add3A_199 = arith.constant 128 : i32
          %add3A_200 = arith.addi %mul3A_187, %add3A_199 : i32
          %add3A_201 = arith.constant 0 : i32
          %add3A_202 = arith.addi %add3A_200, %add3A_201 : i32
          %get3A_203 = arith.index_cast %add3A_202 : i32 to index
          %get3A_204 = tpu.vector_load %arg16[%get3A_203] {strides = array<i32>} : memref<2048xf32, #tpu.memory_space<vmem>>, vector<16xf32>,
          %le3A = arith.cmpf ole, %get3A_204, %get3A_198 : vector<16xf32>
          %gt3A = arith.cmpf ogt, %bitcast3A_194, %bitcast3A : vector<16xf32>
          %and3A_205 = arith.andi %le3A, %gt3A : vector<16xi1>
          %select_n3A = arith.select %and3A_205, %get3A_204, %get3A_198 : vector<16xi1>, vector<16xf32>
          %select_n3A_206 = arith.select %and3A_205, %get3A_198, %get3A_204 : vector<16xi1>, vector<16xf32>
          %exp3A = math.exp %select_n3A : vector<16xf32>
          %sub3A = arith.subf %select_n3A, %bitcast3A : vector<16xf32>
          %mul3A_207 = arith.mulf %exp3A, %sub3A : vector<16xf32>
          %add3A_208 = arith.addf %scan3A_184, %mul3A_207 : vector<16xf32>
          %exp3A_209 = math.exp %select_n3A_206 : vector<16xf32>
          %sub3A_210 = arith.subf %select_n3A_206, %bitcast3A_194 : vector<16xf32>
          %mul3A_211 = arith.mulf %exp3A_209, %sub3A_210 : vector<16xf32>
          %add3A_212 = arith.addf %scan3A_185, %mul3A_211 : vector<16xf32>
          %get3A_213 = arith.index_cast %scan3A_183 : i32 to index
          %get3A_214 = arith.constant 16 : index
          %get3A_215 = tpu.vector_load %arg12[%get3A_213, %get3A_214] {strides = array<i32>} : memref<8x128xi32, #tpu.memory_space<vmem>>, vector<16xi32>,
          %gather3A_216 = tpu.vector_load_idx %arg7[%get3A_215] : memref<100000xi32, #tpu.memory_space<vmem>>[vector<16xi32>], vector<16xi32>,
          %shift_left3A_217 = arith.constant 16 : i32
          %shift_left3A_218 = vector.broadcast %shift_left3A_217 : i32 to vector<16xi32>
          %shift_left3A_219 = arith.shli %gather3A_216, %shift_left3A_218 : vector<16xi32>
          %bitcast3A_220 = vector.bitcast %shift_left3A_219 : vector<16xi32> to vector<16xf32>
          %and3A_221 = arith.constant -65536 : i32
          %and3A_222 = vector.broadcast %and3A_221 : i32 to vector<16xi32>
          %and3A_223 = arith.andi %gather3A_216, %and3A_222 : vector<16xi32>
          %bitcast3A_224 = vector.bitcast %and3A_223 : vector<16xi32> to vector<16xf32>
          %add3A_225 = arith.constant 16 : i32
          %add3A_226 = arith.addi %mul3A_187, %add3A_225 : i32
          %get3A_227 = arith.index_cast %add3A_226 : i32 to index
          %get3A_228 = tpu.vector_load %arg16[%get3A_227] {strides = array<i32>} : memref<2048xf32, #tpu.memory_space<vmem>>, vector<16xf32>,
          %add3A_229 = arith.constant 128 : i32
          %add3A_230 = arith.addi %mul3A_187, %add3A_229 : i32
          %add3A_231 = arith.constant 16 : i32
          %add3A_232 = arith.addi %add3A_230, %add3A_231 : i32
          %get3A_233 = arith.index_cast %add3A_232 : i32 to index
          %get3A_234 = tpu.vector_load %arg16[%get3A_233] {strides = array<i32>} : memref<2048xf32, #tpu.memory_space<vmem>>, vector<16xf32>,
          %le3A_235 = arith.cmpf ole, %get3A_234, %get3A_228 : vector<16xf32>
          %gt3A_236 = arith.cmpf ogt, %bitcast3A_224, %bitcast3A_220 : vector<16xf32>
          %and3A_237 = arith.andi %le3A_235, %gt3A_236 : vector<16xi1>
          %select_n3A_238 = arith.select %and3A_237, %get3A_234, %get3A_228 : vector<16xi1>, vector<16xf32>
          %select_n3A_239 = arith.select %and3A_237, %get3A_228, %get3A_234 : vector<16xi1>, vector<16xf32>
          %exp3A_240 = math.exp %select_n3A_238 : vector<16xf32>
          %sub3A_241 = arith.subf %select_n3A_238, %bitcast3A_220 : vector<16xf32>
          %mul3A_242 = arith.mulf %exp3A_240, %sub3A_241 : vector<16xf32>
          %add3A_243 = arith.addf %add3A_208, %mul3A_242 : vector<16xf32>
          %exp3A_244 = math.exp %select_n3A_239 : vector<16xf32>
          %sub3A_245 = arith.subf %select_n3A_239, %bitcast3A_224 : vector<16xf32>
          %mul3A_246 = arith.mulf %exp3A_244, %sub3A_245 : vector<16xf32>
          %add3A_247 = arith.addf %add3A_212, %mul3A_246 : vector<16xf32>
          %get3A_248 = arith.index_cast %scan3A_183 : i32 to index
          %get3A_249 = arith.constant 32 : index
          %get3A_250 = tpu.vector_load %arg12[%get3A_248, %get3A_249] {strides = array<i32>} : memref<8x128xi32, #tpu.memory_space<vmem>>, vector<16xi32>,
          %gather3A_251 = tpu.vector_load_idx %arg7[%get3A_250] : memref<100000xi32, #tpu.memory_space<vmem>>[vector<16xi32>], vector<16xi32>,
          %shift_left3A_252 = arith.constant 16 : i32
          %shift_left3A_253 = vector.broadcast %shift_left3A_252 : i32 to vector<16xi32>
          %shift_left3A_254 = arith.shli %gather3A_251, %shift_left3A_253 : vector<16xi32>
          %bitcast3A_255 = vector.bitcast %shift_left3A_254 : vector<16xi32> to vector<16xf32>
          %and3A_256 = arith.constant -65536 : i32
          %and3A_257 = vector.broadcast %and3A_256 : i32 to vector<16xi32>
          %and3A_258 = arith.andi %gather3A_251, %and3A_257 : vector<16xi32>
          %bitcast3A_259 = vector.bitcast %and3A_258 : vector<16xi32> to vector<16xf32>
          %add3A_260 = arith.constant 32 : i32
          %add3A_261 = arith.addi %mul3A_187, %add3A_260 : i32
          %get3A_262 = arith.index_cast %add3A_261 : i32 to index
          %get3A_263 = tpu.vector_load %arg16[%get3A_262] {strides = array<i32>} : memref<2048xf32, #tpu.memory_space<vmem>>, vector<16xf32>,
          %add3A_264 = arith.constant 128 : i32
          %add3A_265 = arith.addi %mul3A_187, %add3A_264 : i32
          %add3A_266 = arith.constant 32 : i32
          %add3A_267 = arith.addi %add3A_265, %add3A_266 : i32
          %get3A_268 = arith.index_cast %add3A_267 : i32 to index
          %get3A_269 = tpu.vector_load %arg16[%get3A_268] {strides = array<i32>} : memref<2048xf32, #tpu.memory_space<vmem>>, vector<16xf32>,
          %le3A_270 = arith.cmpf ole, %get3A_269, %get3A_263 : vector<16xf32>
          %gt3A_271 = arith.cmpf ogt, %bitcast3A_259, %bitcast3A_255 : vector<16xf32>
          %and3A_272 = arith.andi %le3A_270, %gt3A_271 : vector<16xi1>
          %select_n3A_273 = arith.select %and3A_272, %get3A_269, %get3A_263 : vector<16xi1>, vector<16xf32>
          %select_n3A_274 = arith.select %and3A_272, %get3A_263, %get3A_269 : vector<16xi1>, vector<16xf32>
          %exp3A_275 = math.exp %select_n3A_273 : vector<16xf32>
          %sub3A_276 = arith.subf %select_n3A_273, %bitcast3A_255 : vector<16xf32>
          %mul3A_277 = arith.mulf %exp3A_275, %sub3A_276 : vector<16xf32>
          %add3A_278 = arith.addf %add3A_243, %mul3A_277 : vector<16xf32>
          %exp3A_279 = math.exp %select_n3A_274 : vector<16xf32>
          %sub3A_280 = arith.subf %select_n3A_274, %bitcast3A_259 : vector<16xf32>
          %mul3A_281 = arith.mulf %exp3A_279, %sub3A_280 : vector<16xf32>
          %add3A_282 = arith.addf %add3A_247, %mul3A_281 : vector<16xf32>
          %get3A_283 = arith.index_cast %scan3A_183 : i32 to index
          %get3A_284 = arith.constant 48 : index
          %get3A_285 = tpu.vector_load %arg12[%get3A_283, %get3A_284] {strides = array<i32>} : memref<8x128xi32, #tpu.memory_space<vmem>>, vector<16xi32>,
          %gather3A_286 = tpu.vector_load_idx %arg7[%get3A_285] : memref<100000xi32, #tpu.memory_space<vmem>>[vector<16xi32>], vector<16xi32>,
          %shift_left3A_287 = arith.constant 16 : i32
          %shift_left3A_288 = vector.broadcast %shift_left3A_287 : i32 to vector<16xi32>
          %shift_left3A_289 = arith.shli %gather3A_286, %shift_left3A_288 : vector<16xi32>
          %bitcast3A_290 = vector.bitcast %shift_left3A_289 : vector<16xi32> to vector<16xf32>
          %and3A_291 = arith.constant -65536 : i32
          %and3A_292 = vector.broadcast %and3A_291 : i32 to vector<16xi32>
          %and3A_293 = arith.andi %gather3A_286, %and3A_292 : vector<16xi32>
          %bitcast3A_294 = vector.bitcast %and3A_293 : vector<16xi32> to vector<16xf32>
          %add3A_295 = arith.constant 48 : i32
          %add3A_296 = arith.addi %mul3A_187, %add3A_295 : i32
          %get3A_297 = arith.index_cast %add3A_296 : i32 to index
          %get3A_298 = tpu.vector_load %arg16[%get3A_297] {strides = array<i32>} : memref<2048xf32, #tpu.memory_space<vmem>>, vector<16xf32>,
          %add3A_299 = arith.constant 128 : i32
          %add3A_300 = arith.addi %mul3A_187, %add3A_299 : i32
          %add3A_301 = arith.constant 48 : i32
          %add3A_302 = arith.addi %add3A_300, %add3A_301 : i32
          %get3A_303 = arith.index_cast %add3A_302 : i32 to index
          %get3A_304 = tpu.vector_load %arg16[%get3A_303] {strides = array<i32>} : memref<2048xf32, #tpu.memory_space<vmem>>, vector<16xf32>,
          %le3A_305 = arith.cmpf ole, %get3A_304, %get3A_298 : vector<16xf32>
          %gt3A_306 = arith.cmpf ogt, %bitcast3A_294, %bitcast3A_290 : vector<16xf32>
          %and3A_307 = arith.andi %le3A_305, %gt3A_306 : vector<16xi1>
          %select_n3A_308 = arith.select %and3A_307, %get3A_304, %get3A_298 : vector<16xi1>, vector<16xf32>
          %select_n3A_309 = arith.select %and3A_307, %get3A_298, %get3A_304 : vector<16xi1>, vector<16xf32>
          %exp3A_310 = math.exp %select_n3A_308 : vector<16xf32>
          %sub3A_311 = arith.subf %select_n3A_308, %bitcast3A_290 : vector<16xf32>
          %mul3A_312 = arith.mulf %exp3A_310, %sub3A_311 : vector<16xf32>
          %add3A_313 = arith.addf %add3A_278, %mul3A_312 : vector<16xf32>
          %exp3A_314 = math.exp %select_n3A_309 : vector<16xf32>
          %sub3A_315 = arith.subf %select_n3A_309, %bitcast3A_294 : vector<16xf32>
          %mul3A_316 = arith.mulf %exp3A_314, %sub3A_315 : vector<16xf32>
          %add3A_317 = arith.addf %add3A_282, %mul3A_316 : vector<16xf32>
          %get3A_318 = arith.index_cast %scan3A_183 : i32 to index
          %get3A_319 = arith.constant 64 : index
          %get3A_320 = tpu.vector_load %arg12[%get3A_318, %get3A_319] {strides = array<i32>} : memref<8x128xi32, #tpu.memory_space<vmem>>, vector<16xi32>,
          %gather3A_321 = tpu.vector_load_idx %arg7[%get3A_320] : memref<100000xi32, #tpu.memory_space<vmem>>[vector<16xi32>], vector<16xi32>,
          %shift_left3A_322 = arith.constant 16 : i32
          %shift_left3A_323 = vector.broadcast %shift_left3A_322 : i32 to vector<16xi32>
          %shift_left3A_324 = arith.shli %gather3A_321, %shift_left3A_323 : vector<16xi32>
          %bitcast3A_325 = vector.bitcast %shift_left3A_324 : vector<16xi32> to vector<16xf32>
          %and3A_326 = arith.constant -65536 : i32
          %and3A_327 = vector.broadcast %and3A_326 : i32 to vector<16xi32>
          %and3A_328 = arith.andi %gather3A_321, %and3A_327 : vector<16xi32>
          %bitcast3A_329 = vector.bitcast %and3A_328 : vector<16xi32> to vector<16xf32>
          %add3A_330 = arith.constant 64 : i32
          %add3A_331 = arith.addi %mul3A_187, %add3A_330 : i32
          %get3A_332 = arith.index_cast %add3A_331 : i32 to index
          %get3A_333 = tpu.vector_load %arg16[%get3A_332] {strides = array<i32>} : memref<2048xf32, #tpu.memory_space<vmem>>, vector<16xf32>,
          %add3A_334 = arith.constant 128 : i32
          %add3A_335 = arith.addi %mul3A_187, %add3A_334 : i32
          %add3A_336 = arith.constant 64 : i32
          %add3A_337 = arith.addi %add3A_335, %add3A_336 : i32
          %get3A_338 = arith.index_cast %add3A_337 : i32 to index
          %get3A_339 = tpu.vector_load %arg16[%get3A_338] {strides = array<i32>} : memref<2048xf32, #tpu.memory_space<vmem>>, vector<16xf32>,
          %le3A_340 = arith.cmpf ole, %get3A_339, %get3A_333 : vector<16xf32>
          %gt3A_341 = arith.cmpf ogt, %bitcast3A_329, %bitcast3A_325 : vector<16xf32>
          %and3A_342 = arith.andi %le3A_340, %gt3A_341 : vector<16xi1>
          %select_n3A_343 = arith.select %and3A_342, %get3A_339, %get3A_333 : vector<16xi1>, vector<16xf32>
          %select_n3A_344 = arith.select %and3A_342, %get3A_333, %get3A_339 : vector<16xi1>, vector<16xf32>
          %exp3A_345 = math.exp %select_n3A_343 : vector<16xf32>
          %sub3A_346 = arith.subf %select_n3A_343, %bitcast3A_325 : vector<16xf32>
          %mul3A_347 = arith.mulf %exp3A_345, %sub3A_346 : vector<16xf32>
          %add3A_348 = arith.addf %add3A_313, %mul3A_347 : vector<16xf32>
          %exp3A_349 = math.exp %select_n3A_344 : vector<16xf32>
          %sub3A_350 = arith.subf %select_n3A_344, %bitcast3A_329 : vector<16xf32>
          %mul3A_351 = arith.mulf %exp3A_349, %sub3A_350 : vector<16xf32>
          %add3A_352 = arith.addf %add3A_317, %mul3A_351 : vector<16xf32>
          %get3A_353 = arith.index_cast %scan3A_183 : i32 to index
          %get3A_354 = arith.constant 80 : index
          %get3A_355 = tpu.vector_load %arg12[%get3A_353, %get3A_354] {strides = array<i32>} : memref<8x128xi32, #tpu.memory_space<vmem>>, vector<16xi32>,
          %gather3A_356 = tpu.vector_load_idx %arg7[%get3A_355] : memref<100000xi32, #tpu.memory_space<vmem>>[vector<16xi32>], vector<16xi32>,
          %shift_left3A_357 = arith.constant 16 : i32
          %shift_left3A_358 = vector.broadcast %shift_left3A_357 : i32 to vector<16xi32>
          %shift_left3A_359 = arith.shli %gather3A_356, %shift_left3A_358 : vector<16xi32>
          %bitcast3A_360 = vector.bitcast %shift_left3A_359 : vector<16xi32> to vector<16xf32>
          %and3A_361 = arith.constant -65536 : i32
          %and3A_362 = vector.broadcast %and3A_361 : i32 to vector<16xi32>
          %and3A_363 = arith.andi %gather3A_356, %and3A_362 : vector<16xi32>
          %bitcast3A_364 = vector.bitcast %and3A_363 : vector<16xi32> to vector<16xf32>
          %add3A_365 = arith.constant 80 : i32
          %add3A_366 = arith.addi %mul3A_187, %add3A_365 : i32
          %get3A_367 = arith.index_cast %add3A_366 : i32 to index
          %get3A_368 = tpu.vector_load %arg16[%get3A_367] {strides = array<i32>} : memref<2048xf32, #tpu.memory_space<vmem>>, vector<16xf32>,
          %add3A_369 = arith.constant 128 : i32
          %add3A_370 = arith.addi %mul3A_187, %add3A_369 : i32
          %add3A_371 = arith.constant 80 : i32
          %add3A_372 = arith.addi %add3A_370, %add3A_371 : i32
          %get3A_373 = arith.index_cast %add3A_372 : i32 to index
          %get3A_374 = tpu.vector_load %arg16[%get3A_373] {strides = array<i32>} : memref<2048xf32, #tpu.memory_space<vmem>>, vector<16xf32>,
          %le3A_375 = arith.cmpf ole, %get3A_374, %get3A_368 : vector<16xf32>
          %gt3A_376 = arith.cmpf ogt, %bitcast3A_364, %bitcast3A_360 : vector<16xf32>
          %and3A_377 = arith.andi %le3A_375, %gt3A_376 : vector<16xi1>
          %select_n3A_378 = arith.select %and3A_377, %get3A_374, %get3A_368 : vector<16xi1>, vector<16xf32>
          %select_n3A_379 = arith.select %and3A_377, %get3A_368, %get3A_374 : vector<16xi1>, vector<16xf32>
          %exp3A_380 = math.exp %select_n3A_378 : vector<16xf32>
          %sub3A_381 = arith.subf %select_n3A_378, %bitcast3A_360 : vector<16xf32>
          %mul3A_382 = arith.mulf %exp3A_380, %sub3A_381 : vector<16xf32>
          %add3A_383 = arith.addf %add3A_348, %mul3A_382 : vector<16xf32>
          %exp3A_384 = math.exp %select_n3A_379 : vector<16xf32>
          %sub3A_385 = arith.subf %select_n3A_379, %bitcast3A_364 : vector<16xf32>
          %mul3A_386 = arith.mulf %exp3A_384, %sub3A_385 : vector<16xf32>
          %add3A_387 = arith.addf %add3A_352, %mul3A_386 : vector<16xf32>
          %get3A_388 = arith.index_cast %scan3A_183 : i32 to index
          %get3A_389 = arith.constant 96 : index
          %get3A_390 = tpu.vector_load %arg12[%get3A_388, %get3A_389] {strides = array<i32>} : memref<8x128xi32, #tpu.memory_space<vmem>>, vector<16xi32>,
          %gather3A_391 = tpu.vector_load_idx %arg7[%get3A_390] : memref<100000xi32, #tpu.memory_space<vmem>>[vector<16xi32>], vector<16xi32>,
          %shift_left3A_392 = arith.constant 16 : i32
          %shift_left3A_393 = vector.broadcast %shift_left3A_392 : i32 to vector<16xi32>
          %shift_left3A_394 = arith.shli %gather3A_391, %shift_left3A_393 : vector<16xi32>
          %bitcast3A_395 = vector.bitcast %shift_left3A_394 : vector<16xi32> to vector<16xf32>
          %and3A_396 = arith.constant -65536 : i32
          %and3A_397 = vector.broadcast %and3A_396 : i32 to vector<16xi32>
          %and3A_398 = arith.andi %gather3A_391, %and3A_397 : vector<16xi32>
          %bitcast3A_399 = vector.bitcast %and3A_398 : vector<16xi32> to vector<16xf32>
          %add3A_400 = arith.constant 96 : i32
          %add3A_401 = arith.addi %mul3A_187, %add3A_400 : i32
          %get3A_402 = arith.index_cast %add3A_401 : i32 to index
          %get3A_403 = tpu.vector_load %arg16[%get3A_402] {strides = array<i32>} : memref<2048xf32, #tpu.memory_space<vmem>>, vector<16xf32>,
          %add3A_404 = arith.constant 128 : i32
          %add3A_405 = arith.addi %mul3A_187, %add3A_404 : i32
          %add3A_406 = arith.constant 96 : i32
          %add3A_407 = arith.addi %add3A_405, %add3A_406 : i32
          %get3A_408 = arith.index_cast %add3A_407 : i32 to index
          %get3A_409 = tpu.vector_load %arg16[%get3A_408] {strides = array<i32>} : memref<2048xf32, #tpu.memory_space<vmem>>, vector<16xf32>,
          %le3A_410 = arith.cmpf ole, %get3A_409, %get3A_403 : vector<16xf32>
          %gt3A_411 = arith.cmpf ogt, %bitcast3A_399, %bitcast3A_395 : vector<16xf32>
          %and3A_412 = arith.andi %le3A_410, %gt3A_411 : vector<16xi1>
          %select_n3A_413 = arith.select %and3A_412, %get3A_409, %get3A_403 : vector<16xi1>, vector<16xf32>
          %select_n3A_414 = arith.select %and3A_412, %get3A_403, %get3A_409 : vector<16xi1>, vector<16xf32>
          %exp3A_415 = math.exp %select_n3A_413 : vector<16xf32>
          %sub3A_416 = arith.subf %select_n3A_413, %bitcast3A_395 : vector<16xf32>
          %mul3A_417 = arith.mulf %exp3A_415, %sub3A_416 : vector<16xf32>
          %add3A_418 = arith.addf %add3A_383, %mul3A_417 : vector<16xf32>
          %exp3A_419 = math.exp %select_n3A_414 : vector<16xf32>
          %sub3A_420 = arith.subf %select_n3A_414, %bitcast3A_399 : vector<16xf32>
          %mul3A_421 = arith.mulf %exp3A_419, %sub3A_420 : vector<16xf32>
          %add3A_422 = arith.addf %add3A_387, %mul3A_421 : vector<16xf32>
          %get3A_423 = arith.index_cast %scan3A_183 : i32 to index
          %get3A_424 = arith.constant 112 : index
          %get3A_425 = tpu.vector_load %arg12[%get3A_423, %get3A_424] {strides = array<i32>} : memref<8x128xi32, #tpu.memory_space<vmem>>, vector<16xi32>,
          %gather3A_426 = tpu.vector_load_idx %arg7[%get3A_425] : memref<100000xi32, #tpu.memory_space<vmem>>[vector<16xi32>], vector<16xi32>,
          %shift_left3A_427 = arith.constant 16 : i32
          %shift_left3A_428 = vector.broadcast %shift_left3A_427 : i32 to vector<16xi32>
          %shift_left3A_429 = arith.shli %gather3A_426, %shift_left3A_428 : vector<16xi32>
          %bitcast3A_430 = vector.bitcast %shift_left3A_429 : vector<16xi32> to vector<16xf32>
          %and3A_431 = arith.constant -65536 : i32
          %and3A_432 = vector.broadcast %and3A_431 : i32 to vector<16xi32>
          %and3A_433 = arith.andi %gather3A_426, %and3A_432 : vector<16xi32>
          %bitcast3A_434 = vector.bitcast %and3A_433 : vector<16xi32> to vector<16xf32>
          %add3A_435 = arith.constant 112 : i32
          %add3A_436 = arith.addi %mul3A_187, %add3A_435 : i32
          %get3A_437 = arith.index_cast %add3A_436 : i32 to index
          %get3A_438 = tpu.vector_load %arg16[%get3A_437] {strides = array<i32>} : memref<2048xf32, #tpu.memory_space<vmem>>, vector<16xf32>,
          %add3A_439 = arith.constant 128 : i32
          %add3A_440 = arith.addi %mul3A_187, %add3A_439 : i32
          %add3A_441 = arith.constant 112 : i32
          %add3A_442 = arith.addi %add3A_440, %add3A_441 : i32
          %get3A_443 = arith.index_cast %add3A_442 : i32 to index
          %get3A_444 = tpu.vector_load %arg16[%get3A_443] {strides = array<i32>} : memref<2048xf32, #tpu.memory_space<vmem>>, vector<16xf32>,
          %le3A_445 = arith.cmpf ole, %get3A_444, %get3A_438 : vector<16xf32>
          %gt3A_446 = arith.cmpf ogt, %bitcast3A_434, %bitcast3A_430 : vector<16xf32>
          %and3A_447 = arith.andi %le3A_445, %gt3A_446 : vector<16xi1>
          %select_n3A_448 = arith.select %and3A_447, %get3A_444, %get3A_438 : vector<16xi1>, vector<16xf32>
          %select_n3A_449 = arith.select %and3A_447, %get3A_438, %get3A_444 : vector<16xi1>, vector<16xf32>
          %exp3A_450 = math.exp %select_n3A_448 : vector<16xf32>
          %sub3A_451 = arith.subf %select_n3A_448, %bitcast3A_430 : vector<16xf32>
          %mul3A_452 = arith.mulf %exp3A_450, %sub3A_451 : vector<16xf32>
          %add3A_453 = arith.addf %add3A_418, %mul3A_452 : vector<16xf32>
          %exp3A_454 = math.exp %select_n3A_449 : vector<16xf32>
          %sub3A_455 = arith.subf %select_n3A_449, %bitcast3A_434 : vector<16xf32>
          %mul3A_456 = arith.mulf %exp3A_454, %sub3A_455 : vector<16xf32>
          %add3A_457 = arith.addf %add3A_422, %mul3A_456 : vector<16xf32>
          scf.yield %add3A_453, %add3A_457 : vector<16xf32>, vector<16xf32>
        }
        %scan3A_182 = arith.constant 8 : i32
        scf.yield %scan3A_181#0, %scan3A_181#1 : vector<16xf32>, vector<16xf32>
      } else {
        scf.yield %scan3A_71, %scan3A_72 : vector<16xf32>, vector<16xf32>
      }
      %add3A_89 = arith.constant 4 : i32
      %add3A_90 = arith.addi %add3A_76, %add3A_89 : i32
      %mul3A_91 = arith.constant 32 : i32
      %mul3A_92 = arith.muli %add3A_90, %mul3A_91 : i32
      %add3A_93 = arith.addi %add3A, %mul3A_92 : i32
      %lt3A_94 = arith.constant 3125 : i32
      %lt3A_95 = arith.cmpi slt, %add3A_93, %lt3A_94 : i32
      %convert_element_type3A_96 = arith.extui %lt3A_95 : i1 to i32
      %cond3A_97 = arith.constant 0 : i32
      %cond3A_98 = arith.cmpi ne, %convert_element_type3A_96, %cond3A_97 : i32
      scf.if %cond3A_98 {
        %mul3A_177 = arith.constant 16 : i32
        %mul3A_178 = arith.muli %mul3A_177, %add3A_93 : i32
        %mul3A_179 = arith.constant 2 : i32
        %mul3A_180 = vector.broadcast %mul3A_179 : i32 to vector<16xi32>
        %mul3A_181 = arith.muli %mul3A_180, %iota3A : vector<16xi32>
        %add3A_182 = vector.broadcast %mul3A_178 : i32 to vector<16xi32>
        %add3A_183 = arith.addi %add3A_182, %mul3A_181 : vector<16xi32>
        %lt3A_184 = arith.constant 8 : i32
        %lt3A_185 = vector.broadcast %lt3A_184 : i32 to vector<16xi32>
        %lt3A_186 = arith.cmpi slt, %iota3A, %lt3A_185 : vector<16xi32>
        tpu.vector_store_idx %arg20[%iota3A], %add3A_183 masked %lt3A_186 : memref<8xi32, #tpu.memory_space<vmem>>[vector<16xi32>], vector<16xi32>, vector<16xi1>
        %dma_start3A_187 = arith.constant 0 : i32
        %dma_start3A_188 = arith.constant 0 : i32
        %dma_start3A_189 = tpu.memref_slice %arg5[%dma_start3A_187, %dma_start3A_188] : memref<50000x128xi32, #tpu.memory_space<hbm>> -> memref<50000x128xi32, #tpu.memory_space<hbm>>
        tpu.enqueue_indirect_dma source(%dma_start3A_189 : memref<50000x128xi32, #tpu.memory_space<hbm>>) target(%arg12 : memref<8x128xi32, #tpu.memory_space<vmem>>) offsets(%arg20 : memref<8xi32, #tpu.memory_space<vmem>>) semaphore(%arg26 : memref<!tpu.dma_semaphore, #tpu.memory_space<semaphore_mem>>)
        %mul3A_190 = arith.constant 2048 : i32
        %mul3A_191 = arith.muli %add3A_93, %mul3A_190 : i32
        %dma_start3A_192 = tpu.memref_slice %arg4[%mul3A_191] : memref<6400000xf32, #tpu.memory_space<hbm>> -> memref<2048xf32, #tpu.memory_space<hbm>>
        %dma_start3A_193 = tpu.memref_slice %arg4[%mul3A_191] : memref<6400000xf32, #tpu.memory_space<hbm>> -> memref<2048xf32, #tpu.memory_space<hbm>>
        tpu.enqueue_dma source(%dma_start3A_193 : memref<2048xf32, #tpu.memory_space<hbm>>) target(%arg16 : memref<2048xf32, #tpu.memory_space<vmem>>) target_semaphore(%arg30 : memref<!tpu.dma_semaphore, #tpu.memory_space<semaphore_mem>>)
      } else {
      }
      %mul3A_99 = arith.constant 4 : i32
      %mul3A_100 = arith.muli %scan3A_70, %mul3A_99 : i32
      %add3A_101 = arith.constant 1 : i32
      %add3A_102 = arith.addi %mul3A_100, %add3A_101 : i32
      %mul3A_103 = arith.constant 32 : i32
      %mul3A_104 = arith.muli %add3A_102, %mul3A_103 : i32
      %add3A_105 = arith.addi %add3A, %mul3A_104 : i32
      %lt3A_106 = arith.constant 3125 : i32
      %lt3A_107 = arith.cmpi slt, %add3A_105, %lt3A_106 : i32
      %convert_element_type3A_108 = arith.extui %lt3A_107 : i1 to i32
      %cond3A_109 = arith.constant 0 : i32
      %cond3A_110 = arith.cmpi ne, %convert_element_type3A_108, %cond3A_109 : i32
      scf.if %cond3A_110 {
        %dma_wait3A = arith.constant 0 : i32
        %dma_wait3A_177 = arith.constant 0 : i32
        %dma_wait3A_178 = tpu.memref_slice %arg5[%dma_wait3A, %dma_wait3A_177] : memref<50000x128xi32, #tpu.memory_space<hbm>> -> memref<50000x128xi32, #tpu.memory_space<hbm>>
        tpu.wait_indirect_dma semaphore(%arg27 : memref<!tpu.dma_semaphore, #tpu.memory_space<semaphore_mem>>) src(%dma_wait3A_178 : memref<50000x128xi32, #tpu.memory_space<hbm>>) dst(%arg13 : memref<8x128xi32, #tpu.memory_space<vmem>>)
        %dma_wait3A_179 = arith.constant 0 : i32
        %dma_wait3A_180 = tpu.memref_slice %arg4[%dma_wait3A_179] : memref<6400000xf32, #tpu.memory_space<hbm>> -> memref<2048xf32, #tpu.memory_space<hbm>>
        %dma_wait3A_181 = arith.constant 0 : i32
        %dma_wait3A_182 = tpu.memref_slice %arg4[%dma_wait3A_181] : memref<6400000xf32, #tpu.memory_space<hbm>> -> memref<2048xf32, #tpu.memory_space<hbm>>
        tpu.wait_dma2 semaphore(%arg31 : memref<!tpu.dma_semaphore, #tpu.memory_space<semaphore_mem>>) src(%dma_wait3A_182 : memref<2048xf32, #tpu.memory_space<hbm>>) dst(%arg17 : memref<2048xf32, #tpu.memory_space<vmem>>)
      } else {
      }
      %convert_element_type3A_111 = arith.extui %lt3A_107 : i1 to i32
      %cond3A_112 = arith.constant 0 : i32
      %cond3A_113 = arith.cmpi ne, %convert_element_type3A_111, %cond3A_112 : i32
      %cond3A_114:2 = scf.if %cond3A_113 -> (vector<16xf32>, vector<16xf32>) {
        %scan3A_177 = arith.constant 0 : i32
        %scan3A_178 = arith.constant 8 : i32
        %scan3A_179 = arith.addi %scan3A_177, %scan3A_178 : i32
        %scan3A_180 = arith.constant 1 : i32
        %scan3A_181:2 = scf.for %scan3A_183 = %scan3A_177 to %scan3A_179 step %scan3A_180 iter_args(%scan3A_184 = %cond3A_88#0, %scan3A_185 = %cond3A_88#1) -> (vector<16xf32>, vector<16xf32>)  : i32 {
          %mul3A_186 = arith.constant 256 : i32
          %mul3A_187 = arith.muli %scan3A_183, %mul3A_186 : i32
          %get3A = arith.index_cast %scan3A_183 : i32 to index
          %get3A_188 = arith.constant 0 : index
          %get3A_189 = tpu.vector_load %arg13[%get3A, %get3A_188] {strides = array<i32>} : memref<8x128xi32, #tpu.memory_space<vmem>>, vector<16xi32>,
          %gather3A = tpu.vector_load_idx %arg7[%get3A_189] : memref<100000xi32, #tpu.memory_space<vmem>>[vector<16xi32>], vector<16xi32>,
          %shift_left3A = arith.constant 16 : i32
          %shift_left3A_190 = vector.broadcast %shift_left3A : i32 to vector<16xi32>
          %shift_left3A_191 = arith.shli %gather3A, %shift_left3A_190 : vector<16xi32>
          %bitcast3A = vector.bitcast %shift_left3A_191 : vector<16xi32> to vector<16xf32>
          %and3A = arith.constant -65536 : i32
          %and3A_192 = vector.broadcast %and3A : i32 to vector<16xi32>
          %and3A_193 = arith.andi %gather3A, %and3A_192 : vector<16xi32>
          %bitcast3A_194 = vector.bitcast %and3A_193 : vector<16xi32> to vector<16xf32>
          %add3A_195 = arith.constant 0 : i32
          %add3A_196 = arith.addi %mul3A_187, %add3A_195 : i32
          %get3A_197 = arith.index_cast %add3A_196 : i32 to index
          %get3A_198 = tpu.vector_load %arg17[%get3A_197] {strides = array<i32>} : memref<2048xf32, #tpu.memory_space<vmem>>, vector<16xf32>,
          %add3A_199 = arith.constant 128 : i32
          %add3A_200 = arith.addi %mul3A_187, %add3A_199 : i32
          %add3A_201 = arith.constant 0 : i32
          %add3A_202 = arith.addi %add3A_200, %add3A_201 : i32
          %get3A_203 = arith.index_cast %add3A_202 : i32 to index
          %get3A_204 = tpu.vector_load %arg17[%get3A_203] {strides = array<i32>} : memref<2048xf32, #tpu.memory_space<vmem>>, vector<16xf32>,
          %le3A = arith.cmpf ole, %get3A_204, %get3A_198 : vector<16xf32>
          %gt3A = arith.cmpf ogt, %bitcast3A_194, %bitcast3A : vector<16xf32>
          %and3A_205 = arith.andi %le3A, %gt3A : vector<16xi1>
          %select_n3A = arith.select %and3A_205, %get3A_204, %get3A_198 : vector<16xi1>, vector<16xf32>
          %select_n3A_206 = arith.select %and3A_205, %get3A_198, %get3A_204 : vector<16xi1>, vector<16xf32>
          %exp3A = math.exp %select_n3A : vector<16xf32>
          %sub3A = arith.subf %select_n3A, %bitcast3A : vector<16xf32>
          %mul3A_207 = arith.mulf %exp3A, %sub3A : vector<16xf32>
          %add3A_208 = arith.addf %scan3A_184, %mul3A_207 : vector<16xf32>
          %exp3A_209 = math.exp %select_n3A_206 : vector<16xf32>
          %sub3A_210 = arith.subf %select_n3A_206, %bitcast3A_194 : vector<16xf32>
          %mul3A_211 = arith.mulf %exp3A_209, %sub3A_210 : vector<16xf32>
          %add3A_212 = arith.addf %scan3A_185, %mul3A_211 : vector<16xf32>
          %get3A_213 = arith.index_cast %scan3A_183 : i32 to index
          %get3A_214 = arith.constant 16 : index
          %get3A_215 = tpu.vector_load %arg13[%get3A_213, %get3A_214] {strides = array<i32>} : memref<8x128xi32, #tpu.memory_space<vmem>>, vector<16xi32>,
          %gather3A_216 = tpu.vector_load_idx %arg7[%get3A_215] : memref<100000xi32, #tpu.memory_space<vmem>>[vector<16xi32>], vector<16xi32>,
          %shift_left3A_217 = arith.constant 16 : i32
          %shift_left3A_218 = vector.broadcast %shift_left3A_217 : i32 to vector<16xi32>
          %shift_left3A_219 = arith.shli %gather3A_216, %shift_left3A_218 : vector<16xi32>
          %bitcast3A_220 = vector.bitcast %shift_left3A_219 : vector<16xi32> to vector<16xf32>
          %and3A_221 = arith.constant -65536 : i32
          %and3A_222 = vector.broadcast %and3A_221 : i32 to vector<16xi32>
          %and3A_223 = arith.andi %gather3A_216, %and3A_222 : vector<16xi32>
          %bitcast3A_224 = vector.bitcast %and3A_223 : vector<16xi32> to vector<16xf32>
          %add3A_225 = arith.constant 16 : i32
          %add3A_226 = arith.addi %mul3A_187, %add3A_225 : i32
          %get3A_227 = arith.index_cast %add3A_226 : i32 to index
          %get3A_228 = tpu.vector_load %arg17[%get3A_227] {strides = array<i32>} : memref<2048xf32, #tpu.memory_space<vmem>>, vector<16xf32>,
          %add3A_229 = arith.constant 128 : i32
          %add3A_230 = arith.addi %mul3A_187, %add3A_229 : i32
          %add3A_231 = arith.constant 16 : i32
          %add3A_232 = arith.addi %add3A_230, %add3A_231 : i32
          %get3A_233 = arith.index_cast %add3A_232 : i32 to index
          %get3A_234 = tpu.vector_load %arg17[%get3A_233] {strides = array<i32>} : memref<2048xf32, #tpu.memory_space<vmem>>, vector<16xf32>,
          %le3A_235 = arith.cmpf ole, %get3A_234, %get3A_228 : vector<16xf32>
          %gt3A_236 = arith.cmpf ogt, %bitcast3A_224, %bitcast3A_220 : vector<16xf32>
          %and3A_237 = arith.andi %le3A_235, %gt3A_236 : vector<16xi1>
          %select_n3A_238 = arith.select %and3A_237, %get3A_234, %get3A_228 : vector<16xi1>, vector<16xf32>
          %select_n3A_239 = arith.select %and3A_237, %get3A_228, %get3A_234 : vector<16xi1>, vector<16xf32>
          %exp3A_240 = math.exp %select_n3A_238 : vector<16xf32>
          %sub3A_241 = arith.subf %select_n3A_238, %bitcast3A_220 : vector<16xf32>
          %mul3A_242 = arith.mulf %exp3A_240, %sub3A_241 : vector<16xf32>
          %add3A_243 = arith.addf %add3A_208, %mul3A_242 : vector<16xf32>
          %exp3A_244 = math.exp %select_n3A_239 : vector<16xf32>
          %sub3A_245 = arith.subf %select_n3A_239, %bitcast3A_224 : vector<16xf32>
          %mul3A_246 = arith.mulf %exp3A_244, %sub3A_245 : vector<16xf32>
          %add3A_247 = arith.addf %add3A_212, %mul3A_246 : vector<16xf32>
          %get3A_248 = arith.index_cast %scan3A_183 : i32 to index
          %get3A_249 = arith.constant 32 : index
          %get3A_250 = tpu.vector_load %arg13[%get3A_248, %get3A_249] {strides = array<i32>} : memref<8x128xi32, #tpu.memory_space<vmem>>, vector<16xi32>,
          %gather3A_251 = tpu.vector_load_idx %arg7[%get3A_250] : memref<100000xi32, #tpu.memory_space<vmem>>[vector<16xi32>], vector<16xi32>,
          %shift_left3A_252 = arith.constant 16 : i32
          %shift_left3A_253 = vector.broadcast %shift_left3A_252 : i32 to vector<16xi32>
          %shift_left3A_254 = arith.shli %gather3A_251, %shift_left3A_253 : vector<16xi32>
          %bitcast3A_255 = vector.bitcast %shift_left3A_254 : vector<16xi32> to vector<16xf32>
          %and3A_256 = arith.constant -65536 : i32
          %and3A_257 = vector.broadcast %and3A_256 : i32 to vector<16xi32>
          %and3A_258 = arith.andi %gather3A_251, %and3A_257 : vector<16xi32>
          %bitcast3A_259 = vector.bitcast %and3A_258 : vector<16xi32> to vector<16xf32>
          %add3A_260 = arith.constant 32 : i32
          %add3A_261 = arith.addi %mul3A_187, %add3A_260 : i32
          %get3A_262 = arith.index_cast %add3A_261 : i32 to index
          %get3A_263 = tpu.vector_load %arg17[%get3A_262] {strides = array<i32>} : memref<2048xf32, #tpu.memory_space<vmem>>, vector<16xf32>,
          %add3A_264 = arith.constant 128 : i32
          %add3A_265 = arith.addi %mul3A_187, %add3A_264 : i32
          %add3A_266 = arith.constant 32 : i32
          %add3A_267 = arith.addi %add3A_265, %add3A_266 : i32
          %get3A_268 = arith.index_cast %add3A_267 : i32 to index
          %get3A_269 = tpu.vector_load %arg17[%get3A_268] {strides = array<i32>} : memref<2048xf32, #tpu.memory_space<vmem>>, vector<16xf32>,
          %le3A_270 = arith.cmpf ole, %get3A_269, %get3A_263 : vector<16xf32>
          %gt3A_271 = arith.cmpf ogt, %bitcast3A_259, %bitcast3A_255 : vector<16xf32>
          %and3A_272 = arith.andi %le3A_270, %gt3A_271 : vector<16xi1>
          %select_n3A_273 = arith.select %and3A_272, %get3A_269, %get3A_263 : vector<16xi1>, vector<16xf32>
          %select_n3A_274 = arith.select %and3A_272, %get3A_263, %get3A_269 : vector<16xi1>, vector<16xf32>
          %exp3A_275 = math.exp %select_n3A_273 : vector<16xf32>
          %sub3A_276 = arith.subf %select_n3A_273, %bitcast3A_255 : vector<16xf32>
          %mul3A_277 = arith.mulf %exp3A_275, %sub3A_276 : vector<16xf32>
          %add3A_278 = arith.addf %add3A_243, %mul3A_277 : vector<16xf32>
          %exp3A_279 = math.exp %select_n3A_274 : vector<16xf32>
          %sub3A_280 = arith.subf %select_n3A_274, %bitcast3A_259 : vector<16xf32>
          %mul3A_281 = arith.mulf %exp3A_279, %sub3A_280 : vector<16xf32>
          %add3A_282 = arith.addf %add3A_247, %mul3A_281 : vector<16xf32>
          %get3A_283 = arith.index_cast %scan3A_183 : i32 to index
          %get3A_284 = arith.constant 48 : index
          %get3A_285 = tpu.vector_load %arg13[%get3A_283, %get3A_284] {strides = array<i32>} : memref<8x128xi32, #tpu.memory_space<vmem>>, vector<16xi32>,
          %gather3A_286 = tpu.vector_load_idx %arg7[%get3A_285] : memref<100000xi32, #tpu.memory_space<vmem>>[vector<16xi32>], vector<16xi32>,
          %shift_left3A_287 = arith.constant 16 : i32
          %shift_left3A_288 = vector.broadcast %shift_left3A_287 : i32 to vector<16xi32>
          %shift_left3A_289 = arith.shli %gather3A_286, %shift_left3A_288 : vector<16xi32>
          %bitcast3A_290 = vector.bitcast %shift_left3A_289 : vector<16xi32> to vector<16xf32>
          %and3A_291 = arith.constant -65536 : i32
          %and3A_292 = vector.broadcast %and3A_291 : i32 to vector<16xi32>
          %and3A_293 = arith.andi %gather3A_286, %and3A_292 : vector<16xi32>
          %bitcast3A_294 = vector.bitcast %and3A_293 : vector<16xi32> to vector<16xf32>
          %add3A_295 = arith.constant 48 : i32
          %add3A_296 = arith.addi %mul3A_187, %add3A_295 : i32
          %get3A_297 = arith.index_cast %add3A_296 : i32 to index
          %get3A_298 = tpu.vector_load %arg17[%get3A_297] {strides = array<i32>} : memref<2048xf32, #tpu.memory_space<vmem>>, vector<16xf32>,
          %add3A_299 = arith.constant 128 : i32
          %add3A_300 = arith.addi %mul3A_187, %add3A_299 : i32
          %add3A_301 = arith.constant 48 : i32
          %add3A_302 = arith.addi %add3A_300, %add3A_301 : i32
          %get3A_303 = arith.index_cast %add3A_302 : i32 to index
          %get3A_304 = tpu.vector_load %arg17[%get3A_303] {strides = array<i32>} : memref<2048xf32, #tpu.memory_space<vmem>>, vector<16xf32>,
          %le3A_305 = arith.cmpf ole, %get3A_304, %get3A_298 : vector<16xf32>
          %gt3A_306 = arith.cmpf ogt, %bitcast3A_294, %bitcast3A_290 : vector<16xf32>
          %and3A_307 = arith.andi %le3A_305, %gt3A_306 : vector<16xi1>
          %select_n3A_308 = arith.select %and3A_307, %get3A_304, %get3A_298 : vector<16xi1>, vector<16xf32>
          %select_n3A_309 = arith.select %and3A_307, %get3A_298, %get3A_304 : vector<16xi1>, vector<16xf32>
          %exp3A_310 = math.exp %select_n3A_308 : vector<16xf32>
          %sub3A_311 = arith.subf %select_n3A_308, %bitcast3A_290 : vector<16xf32>
          %mul3A_312 = arith.mulf %exp3A_310, %sub3A_311 : vector<16xf32>
          %add3A_313 = arith.addf %add3A_278, %mul3A_312 : vector<16xf32>
          %exp3A_314 = math.exp %select_n3A_309 : vector<16xf32>
          %sub3A_315 = arith.subf %select_n3A_309, %bitcast3A_294 : vector<16xf32>
          %mul3A_316 = arith.mulf %exp3A_314, %sub3A_315 : vector<16xf32>
          %add3A_317 = arith.addf %add3A_282, %mul3A_316 : vector<16xf32>
          %get3A_318 = arith.index_cast %scan3A_183 : i32 to index
          %get3A_319 = arith.constant 64 : index
          %get3A_320 = tpu.vector_load %arg13[%get3A_318, %get3A_319] {strides = array<i32>} : memref<8x128xi32, #tpu.memory_space<vmem>>, vector<16xi32>,
          %gather3A_321 = tpu.vector_load_idx %arg7[%get3A_320] : memref<100000xi32, #tpu.memory_space<vmem>>[vector<16xi32>], vector<16xi32>,
          %shift_left3A_322 = arith.constant 16 : i32
          %shift_left3A_323 = vector.broadcast %shift_left3A_322 : i32 to vector<16xi32>
          %shift_left3A_324 = arith.shli %gather3A_321, %shift_left3A_323 : vector<16xi32>
          %bitcast3A_325 = vector.bitcast %shift_left3A_324 : vector<16xi32> to vector<16xf32>
          %and3A_326 = arith.constant -65536 : i32
          %and3A_327 = vector.broadcast %and3A_326 : i32 to vector<16xi32>
          %and3A_328 = arith.andi %gather3A_321, %and3A_327 : vector<16xi32>
          %bitcast3A_329 = vector.bitcast %and3A_328 : vector<16xi32> to vector<16xf32>
          %add3A_330 = arith.constant 64 : i32
          %add3A_331 = arith.addi %mul3A_187, %add3A_330 : i32
          %get3A_332 = arith.index_cast %add3A_331 : i32 to index
          %get3A_333 = tpu.vector_load %arg17[%get3A_332] {strides = array<i32>} : memref<2048xf32, #tpu.memory_space<vmem>>, vector<16xf32>,
          %add3A_334 = arith.constant 128 : i32
          %add3A_335 = arith.addi %mul3A_187, %add3A_334 : i32
          %add3A_336 = arith.constant 64 : i32
          %add3A_337 = arith.addi %add3A_335, %add3A_336 : i32
          %get3A_338 = arith.index_cast %add3A_337 : i32 to index
          %get3A_339 = tpu.vector_load %arg17[%get3A_338] {strides = array<i32>} : memref<2048xf32, #tpu.memory_space<vmem>>, vector<16xf32>,
          %le3A_340 = arith.cmpf ole, %get3A_339, %get3A_333 : vector<16xf32>
          %gt3A_341 = arith.cmpf ogt, %bitcast3A_329, %bitcast3A_325 : vector<16xf32>
          %and3A_342 = arith.andi %le3A_340, %gt3A_341 : vector<16xi1>
          %select_n3A_343 = arith.select %and3A_342, %get3A_339, %get3A_333 : vector<16xi1>, vector<16xf32>
          %select_n3A_344 = arith.select %and3A_342, %get3A_333, %get3A_339 : vector<16xi1>, vector<16xf32>
          %exp3A_345 = math.exp %select_n3A_343 : vector<16xf32>
          %sub3A_346 = arith.subf %select_n3A_343, %bitcast3A_325 : vector<16xf32>
          %mul3A_347 = arith.mulf %exp3A_345, %sub3A_346 : vector<16xf32>
          %add3A_348 = arith.addf %add3A_313, %mul3A_347 : vector<16xf32>
          %exp3A_349 = math.exp %select_n3A_344 : vector<16xf32>
          %sub3A_350 = arith.subf %select_n3A_344, %bitcast3A_329 : vector<16xf32>
          %mul3A_351 = arith.mulf %exp3A_349, %sub3A_350 : vector<16xf32>
          %add3A_352 = arith.addf %add3A_317, %mul3A_351 : vector<16xf32>
          %get3A_353 = arith.index_cast %scan3A_183 : i32 to index
          %get3A_354 = arith.constant 80 : index
          %get3A_355 = tpu.vector_load %arg13[%get3A_353, %get3A_354] {strides = array<i32>} : memref<8x128xi32, #tpu.memory_space<vmem>>, vector<16xi32>,
          %gather3A_356 = tpu.vector_load_idx %arg7[%get3A_355] : memref<100000xi32, #tpu.memory_space<vmem>>[vector<16xi32>], vector<16xi32>,
          %shift_left3A_357 = arith.constant 16 : i32
          %shift_left3A_358 = vector.broadcast %shift_left3A_357 : i32 to vector<16xi32>
          %shift_left3A_359 = arith.shli %gather3A_356, %shift_left3A_358 : vector<16xi32>
          %bitcast3A_360 = vector.bitcast %shift_left3A_359 : vector<16xi32> to vector<16xf32>
          %and3A_361 = arith.constant -65536 : i32
          %and3A_362 = vector.broadcast %and3A_361 : i32 to vector<16xi32>
          %and3A_363 = arith.andi %gather3A_356, %and3A_362 : vector<16xi32>
          %bitcast3A_364 = vector.bitcast %and3A_363 : vector<16xi32> to vector<16xf32>
          %add3A_365 = arith.constant 80 : i32
          %add3A_366 = arith.addi %mul3A_187, %add3A_365 : i32
          %get3A_367 = arith.index_cast %add3A_366 : i32 to index
          %get3A_368 = tpu.vector_load %arg17[%get3A_367] {strides = array<i32>} : memref<2048xf32, #tpu.memory_space<vmem>>, vector<16xf32>,
          %add3A_369 = arith.constant 128 : i32
          %add3A_370 = arith.addi %mul3A_187, %add3A_369 : i32
          %add3A_371 = arith.constant 80 : i32
          %add3A_372 = arith.addi %add3A_370, %add3A_371 : i32
          %get3A_373 = arith.index_cast %add3A_372 : i32 to index
          %get3A_374 = tpu.vector_load %arg17[%get3A_373] {strides = array<i32>} : memref<2048xf32, #tpu.memory_space<vmem>>, vector<16xf32>,
          %le3A_375 = arith.cmpf ole, %get3A_374, %get3A_368 : vector<16xf32>
          %gt3A_376 = arith.cmpf ogt, %bitcast3A_364, %bitcast3A_360 : vector<16xf32>
          %and3A_377 = arith.andi %le3A_375, %gt3A_376 : vector<16xi1>
          %select_n3A_378 = arith.select %and3A_377, %get3A_374, %get3A_368 : vector<16xi1>, vector<16xf32>
          %select_n3A_379 = arith.select %and3A_377, %get3A_368, %get3A_374 : vector<16xi1>, vector<16xf32>
          %exp3A_380 = math.exp %select_n3A_378 : vector<16xf32>
          %sub3A_381 = arith.subf %select_n3A_378, %bitcast3A_360 : vector<16xf32>
          %mul3A_382 = arith.mulf %exp3A_380, %sub3A_381 : vector<16xf32>
          %add3A_383 = arith.addf %add3A_348, %mul3A_382 : vector<16xf32>
          %exp3A_384 = math.exp %select_n3A_379 : vector<16xf32>
          %sub3A_385 = arith.subf %select_n3A_379, %bitcast3A_364 : vector<16xf32>
          %mul3A_386 = arith.mulf %exp3A_384, %sub3A_385 : vector<16xf32>
          %add3A_387 = arith.addf %add3A_352, %mul3A_386 : vector<16xf32>
          %get3A_388 = arith.index_cast %scan3A_183 : i32 to index
          %get3A_389 = arith.constant 96 : index
          %get3A_390 = tpu.vector_load %arg13[%get3A_388, %get3A_389] {strides = array<i32>} : memref<8x128xi32, #tpu.memory_space<vmem>>, vector<16xi32>,
          %gather3A_391 = tpu.vector_load_idx %arg7[%get3A_390] : memref<100000xi32, #tpu.memory_space<vmem>>[vector<16xi32>], vector<16xi32>,
          %shift_left3A_392 = arith.constant 16 : i32
          %shift_left3A_393 = vector.broadcast %shift_left3A_392 : i32 to vector<16xi32>
          %shift_left3A_394 = arith.shli %gather3A_391, %shift_left3A_393 : vector<16xi32>
          %bitcast3A_395 = vector.bitcast %shift_left3A_394 : vector<16xi32> to vector<16xf32>
          %and3A_396 = arith.constant -65536 : i32
          %and3A_397 = vector.broadcast %and3A_396 : i32 to vector<16xi32>
          %and3A_398 = arith.andi %gather3A_391, %and3A_397 : vector<16xi32>
          %bitcast3A_399 = vector.bitcast %and3A_398 : vector<16xi32> to vector<16xf32>
          %add3A_400 = arith.constant 96 : i32
          %add3A_401 = arith.addi %mul3A_187, %add3A_400 : i32
          %get3A_402 = arith.index_cast %add3A_401 : i32 to index
          %get3A_403 = tpu.vector_load %arg17[%get3A_402] {strides = array<i32>} : memref<2048xf32, #tpu.memory_space<vmem>>, vector<16xf32>,
          %add3A_404 = arith.constant 128 : i32
          %add3A_405 = arith.addi %mul3A_187, %add3A_404 : i32
          %add3A_406 = arith.constant 96 : i32
          %add3A_407 = arith.addi %add3A_405, %add3A_406 : i32
          %get3A_408 = arith.index_cast %add3A_407 : i32 to index
          %get3A_409 = tpu.vector_load %arg17[%get3A_408] {strides = array<i32>} : memref<2048xf32, #tpu.memory_space<vmem>>, vector<16xf32>,
          %le3A_410 = arith.cmpf ole, %get3A_409, %get3A_403 : vector<16xf32>
          %gt3A_411 = arith.cmpf ogt, %bitcast3A_399, %bitcast3A_395 : vector<16xf32>
          %and3A_412 = arith.andi %le3A_410, %gt3A_411 : vector<16xi1>
          %select_n3A_413 = arith.select %and3A_412, %get3A_409, %get3A_403 : vector<16xi1>, vector<16xf32>
          %select_n3A_414 = arith.select %and3A_412, %get3A_403, %get3A_409 : vector<16xi1>, vector<16xf32>
          %exp3A_415 = math.exp %select_n3A_413 : vector<16xf32>
          %sub3A_416 = arith.subf %select_n3A_413, %bitcast3A_395 : vector<16xf32>
          %mul3A_417 = arith.mulf %exp3A_415, %sub3A_416 : vector<16xf32>
          %add3A_418 = arith.addf %add3A_383, %mul3A_417 : vector<16xf32>
          %exp3A_419 = math.exp %select_n3A_414 : vector<16xf32>
          %sub3A_420 = arith.subf %select_n3A_414, %bitcast3A_399 : vector<16xf32>
          %mul3A_421 = arith.mulf %exp3A_419, %sub3A_420 : vector<16xf32>
          %add3A_422 = arith.addf %add3A_387, %mul3A_421 : vector<16xf32>
          %get3A_423 = arith.index_cast %scan3A_183 : i32 to index
          %get3A_424 = arith.constant 112 : index
          %get3A_425 = tpu.vector_load %arg13[%get3A_423, %get3A_424] {strides = array<i32>} : memref<8x128xi32, #tpu.memory_space<vmem>>, vector<16xi32>,
          %gather3A_426 = tpu.vector_load_idx %arg7[%get3A_425] : memref<100000xi32, #tpu.memory_space<vmem>>[vector<16xi32>], vector<16xi32>,
          %shift_left3A_427 = arith.constant 16 : i32
          %shift_left3A_428 = vector.broadcast %shift_left3A_427 : i32 to vector<16xi32>
          %shift_left3A_429 = arith.shli %gather3A_426, %shift_left3A_428 : vector<16xi32>
          %bitcast3A_430 = vector.bitcast %shift_left3A_429 : vector<16xi32> to vector<16xf32>
          %and3A_431 = arith.constant -65536 : i32
          %and3A_432 = vector.broadcast %and3A_431 : i32 to vector<16xi32>
          %and3A_433 = arith.andi %gather3A_426, %and3A_432 : vector<16xi32>
          %bitcast3A_434 = vector.bitcast %and3A_433 : vector<16xi32> to vector<16xf32>
          %add3A_435 = arith.constant 112 : i32
          %add3A_436 = arith.addi %mul3A_187, %add3A_435 : i32
          %get3A_437 = arith.index_cast %add3A_436 : i32 to index
          %get3A_438 = tpu.vector_load %arg17[%get3A_437] {strides = array<i32>} : memref<2048xf32, #tpu.memory_space<vmem>>, vector<16xf32>,
          %add3A_439 = arith.constant 128 : i32
          %add3A_440 = arith.addi %mul3A_187, %add3A_439 : i32
          %add3A_441 = arith.constant 112 : i32
          %add3A_442 = arith.addi %add3A_440, %add3A_441 : i32
          %get3A_443 = arith.index_cast %add3A_442 : i32 to index
          %get3A_444 = tpu.vector_load %arg17[%get3A_443] {strides = array<i32>} : memref<2048xf32, #tpu.memory_space<vmem>>, vector<16xf32>,
          %le3A_445 = arith.cmpf ole, %get3A_444, %get3A_438 : vector<16xf32>
          %gt3A_446 = arith.cmpf ogt, %bitcast3A_434, %bitcast3A_430 : vector<16xf32>
          %and3A_447 = arith.andi %le3A_445, %gt3A_446 : vector<16xi1>
          %select_n3A_448 = arith.select %and3A_447, %get3A_444, %get3A_438 : vector<16xi1>, vector<16xf32>
          %select_n3A_449 = arith.select %and3A_447, %get3A_438, %get3A_444 : vector<16xi1>, vector<16xf32>
          %exp3A_450 = math.exp %select_n3A_448 : vector<16xf32>
          %sub3A_451 = arith.subf %select_n3A_448, %bitcast3A_430 : vector<16xf32>
          %mul3A_452 = arith.mulf %exp3A_450, %sub3A_451 : vector<16xf32>
          %add3A_453 = arith.addf %add3A_418, %mul3A_452 : vector<16xf32>
          %exp3A_454 = math.exp %select_n3A_449 : vector<16xf32>
          %sub3A_455 = arith.subf %select_n3A_449, %bitcast3A_434 : vector<16xf32>
          %mul3A_456 = arith.mulf %exp3A_454, %sub3A_455 : vector<16xf32>
          %add3A_457 = arith.addf %add3A_422, %mul3A_456 : vector<16xf32>
          scf.yield %add3A_453, %add3A_457 : vector<16xf32>, vector<16xf32>
        }
        %scan3A_182 = arith.constant 8 : i32
        scf.yield %scan3A_181#0, %scan3A_181#1 : vector<16xf32>, vector<16xf32>
      } else {
        scf.yield %cond3A_88#0, %cond3A_88#1 : vector<16xf32>, vector<16xf32>
      }
      %add3A_115 = arith.constant 4 : i32
      %add3A_116 = arith.addi %add3A_102, %add3A_115 : i32
      %mul3A_117 = arith.constant 32 : i32
      %mul3A_118 = arith.muli %add3A_116, %mul3A_117 : i32
      %add3A_119 = arith.addi %add3A, %mul3A_118 : i32
      %lt3A_120 = arith.constant 3125 : i32
      %lt3A_121 = arith.cmpi slt, %add3A_119, %lt3A_120 : i32
      %convert_element_type3A_122 = arith.extui %lt3A_121 : i1 to i32
      %cond3A_123 = arith.constant 0 : i32
      %cond3A_124 = arith.cmpi ne, %convert_element_type3A_122, %cond3A_123 : i32
      scf.if %cond3A_124 {
        %mul3A_177 = arith.constant 16 : i32
        %mul3A_178 = arith.muli %mul3A_177, %add3A_119 : i32
        %mul3A_179 = arith.constant 2 : i32
        %mul3A_180 = vector.broadcast %mul3A_179 : i32 to vector<16xi32>
        %mul3A_181 = arith.muli %mul3A_180, %iota3A : vector<16xi32>
        %add3A_182 = vector.broadcast %mul3A_178 : i32 to vector<16xi32>
        %add3A_183 = arith.addi %add3A_182, %mul3A_181 : vector<16xi32>
        %lt3A_184 = arith.constant 8 : i32
        %lt3A_185 = vector.broadcast %lt3A_184 : i32 to vector<16xi32>
        %lt3A_186 = arith.cmpi slt, %iota3A, %lt3A_185 : vector<16xi32>
        tpu.vector_store_idx %arg21[%iota3A], %add3A_183 masked %lt3A_186 : memref<8xi32, #tpu.memory_space<vmem>>[vector<16xi32>], vector<16xi32>, vector<16xi1>
        %dma_start3A_187 = arith.constant 0 : i32
        %dma_start3A_188 = arith.constant 0 : i32
        %dma_start3A_189 = tpu.memref_slice %arg5[%dma_start3A_187, %dma_start3A_188] : memref<50000x128xi32, #tpu.memory_space<hbm>> -> memref<50000x128xi32, #tpu.memory_space<hbm>>
        tpu.enqueue_indirect_dma source(%dma_start3A_189 : memref<50000x128xi32, #tpu.memory_space<hbm>>) target(%arg13 : memref<8x128xi32, #tpu.memory_space<vmem>>) offsets(%arg21 : memref<8xi32, #tpu.memory_space<vmem>>) semaphore(%arg27 : memref<!tpu.dma_semaphore, #tpu.memory_space<semaphore_mem>>)
        %mul3A_190 = arith.constant 2048 : i32
        %mul3A_191 = arith.muli %add3A_119, %mul3A_190 : i32
        %dma_start3A_192 = tpu.memref_slice %arg4[%mul3A_191] : memref<6400000xf32, #tpu.memory_space<hbm>> -> memref<2048xf32, #tpu.memory_space<hbm>>
        %dma_start3A_193 = tpu.memref_slice %arg4[%mul3A_191] : memref<6400000xf32, #tpu.memory_space<hbm>> -> memref<2048xf32, #tpu.memory_space<hbm>>
        tpu.enqueue_dma source(%dma_start3A_193 : memref<2048xf32, #tpu.memory_space<hbm>>) target(%arg17 : memref<2048xf32, #tpu.memory_space<vmem>>) target_semaphore(%arg31 : memref<!tpu.dma_semaphore, #tpu.memory_space<semaphore_mem>>)
      } else {
      }
      %mul3A_125 = arith.constant 4 : i32
      %mul3A_126 = arith.muli %scan3A_70, %mul3A_125 : i32
      %add3A_127 = arith.constant 2 : i32
      %add3A_128 = arith.addi %mul3A_126, %add3A_127 : i32
      %mul3A_129 = arith.constant 32 : i32
      %mul3A_130 = arith.muli %add3A_128, %mul3A_129 : i32
      %add3A_131 = arith.addi %add3A, %mul3A_130 : i32
      %lt3A_132 = arith.constant 3125 : i32
      %lt3A_133 = arith.cmpi slt, %add3A_131, %lt3A_132 : i32
      %convert_element_type3A_134 = arith.extui %lt3A_133 : i1 to i32
      %cond3A_135 = arith.constant 0 : i32
      %cond3A_136 = arith.cmpi ne, %convert_element_type3A_134, %cond3A_135 : i32
      scf.if %cond3A_136 {
        %dma_wait3A = arith.constant 0 : i32
        %dma_wait3A_177 = arith.constant 0 : i32
        %dma_wait3A_178 = tpu.memref_slice %arg5[%dma_wait3A, %dma_wait3A_177] : memref<50000x128xi32, #tpu.memory_space<hbm>> -> memref<50000x128xi32, #tpu.memory_space<hbm>>
        tpu.wait_indirect_dma semaphore(%arg28 : memref<!tpu.dma_semaphore, #tpu.memory_space<semaphore_mem>>) src(%dma_wait3A_178 : memref<50000x128xi32, #tpu.memory_space<hbm>>) dst(%arg14 : memref<8x128xi32, #tpu.memory_space<vmem>>)
        %dma_wait3A_179 = arith.constant 0 : i32
        %dma_wait3A_180 = tpu.memref_slice %arg4[%dma_wait3A_179] : memref<6400000xf32, #tpu.memory_space<hbm>> -> memref<2048xf32, #tpu.memory_space<hbm>>
        %dma_wait3A_181 = arith.constant 0 : i32
        %dma_wait3A_182 = tpu.memref_slice %arg4[%dma_wait3A_181] : memref<6400000xf32, #tpu.memory_space<hbm>> -> memref<2048xf32, #tpu.memory_space<hbm>>
        tpu.wait_dma2 semaphore(%arg32 : memref<!tpu.dma_semaphore, #tpu.memory_space<semaphore_mem>>) src(%dma_wait3A_182 : memref<2048xf32, #tpu.memory_space<hbm>>) dst(%arg18 : memref<2048xf32, #tpu.memory_space<vmem>>)
      } else {
      }
      %convert_element_type3A_137 = arith.extui %lt3A_133 : i1 to i32
      %cond3A_138 = arith.constant 0 : i32
      %cond3A_139 = arith.cmpi ne, %convert_element_type3A_137, %cond3A_138 : i32
      %cond3A_140:2 = scf.if %cond3A_139 -> (vector<16xf32>, vector<16xf32>) {
        %scan3A_177 = arith.constant 0 : i32
        %scan3A_178 = arith.constant 8 : i32
        %scan3A_179 = arith.addi %scan3A_177, %scan3A_178 : i32
        %scan3A_180 = arith.constant 1 : i32
        %scan3A_181:2 = scf.for %scan3A_183 = %scan3A_177 to %scan3A_179 step %scan3A_180 iter_args(%scan3A_184 = %cond3A_114#0, %scan3A_185 = %cond3A_114#1) -> (vector<16xf32>, vector<16xf32>)  : i32 {
          %mul3A_186 = arith.constant 256 : i32
          %mul3A_187 = arith.muli %scan3A_183, %mul3A_186 : i32
          %get3A = arith.index_cast %scan3A_183 : i32 to index
          %get3A_188 = arith.constant 0 : index
          %get3A_189 = tpu.vector_load %arg14[%get3A, %get3A_188] {strides = array<i32>} : memref<8x128xi32, #tpu.memory_space<vmem>>, vector<16xi32>,
          %gather3A = tpu.vector_load_idx %arg7[%get3A_189] : memref<100000xi32, #tpu.memory_space<vmem>>[vector<16xi32>], vector<16xi32>,
          %shift_left3A = arith.constant 16 : i32
          %shift_left3A_190 = vector.broadcast %shift_left3A : i32 to vector<16xi32>
          %shift_left3A_191 = arith.shli %gather3A, %shift_left3A_190 : vector<16xi32>
          %bitcast3A = vector.bitcast %shift_left3A_191 : vector<16xi32> to vector<16xf32>
          %and3A = arith.constant -65536 : i32
          %and3A_192 = vector.broadcast %and3A : i32 to vector<16xi32>
          %and3A_193 = arith.andi %gather3A, %and3A_192 : vector<16xi32>
          %bitcast3A_194 = vector.bitcast %and3A_193 : vector<16xi32> to vector<16xf32>
          %add3A_195 = arith.constant 0 : i32
          %add3A_196 = arith.addi %mul3A_187, %add3A_195 : i32
          %get3A_197 = arith.index_cast %add3A_196 : i32 to index
          %get3A_198 = tpu.vector_load %arg18[%get3A_197] {strides = array<i32>} : memref<2048xf32, #tpu.memory_space<vmem>>, vector<16xf32>,
          %add3A_199 = arith.constant 128 : i32
          %add3A_200 = arith.addi %mul3A_187, %add3A_199 : i32
          %add3A_201 = arith.constant 0 : i32
          %add3A_202 = arith.addi %add3A_200, %add3A_201 : i32
          %get3A_203 = arith.index_cast %add3A_202 : i32 to index
          %get3A_204 = tpu.vector_load %arg18[%get3A_203] {strides = array<i32>} : memref<2048xf32, #tpu.memory_space<vmem>>, vector<16xf32>,
          %le3A = arith.cmpf ole, %get3A_204, %get3A_198 : vector<16xf32>
          %gt3A = arith.cmpf ogt, %bitcast3A_194, %bitcast3A : vector<16xf32>
          %and3A_205 = arith.andi %le3A, %gt3A : vector<16xi1>
          %select_n3A = arith.select %and3A_205, %get3A_204, %get3A_198 : vector<16xi1>, vector<16xf32>
          %select_n3A_206 = arith.select %and3A_205, %get3A_198, %get3A_204 : vector<16xi1>, vector<16xf32>
          %exp3A = math.exp %select_n3A : vector<16xf32>
          %sub3A = arith.subf %select_n3A, %bitcast3A : vector<16xf32>
          %mul3A_207 = arith.mulf %exp3A, %sub3A : vector<16xf32>
          %add3A_208 = arith.addf %scan3A_184, %mul3A_207 : vector<16xf32>
          %exp3A_209 = math.exp %select_n3A_206 : vector<16xf32>
          %sub3A_210 = arith.subf %select_n3A_206, %bitcast3A_194 : vector<16xf32>
          %mul3A_211 = arith.mulf %exp3A_209, %sub3A_210 : vector<16xf32>
          %add3A_212 = arith.addf %scan3A_185, %mul3A_211 : vector<16xf32>
          %get3A_213 = arith.index_cast %scan3A_183 : i32 to index
          %get3A_214 = arith.constant 16 : index
          %get3A_215 = tpu.vector_load %arg14[%get3A_213, %get3A_214] {strides = array<i32>} : memref<8x128xi32, #tpu.memory_space<vmem>>, vector<16xi32>,
          %gather3A_216 = tpu.vector_load_idx %arg7[%get3A_215] : memref<100000xi32, #tpu.memory_space<vmem>>[vector<16xi32>], vector<16xi32>,
          %shift_left3A_217 = arith.constant 16 : i32
          %shift_left3A_218 = vector.broadcast %shift_left3A_217 : i32 to vector<16xi32>
          %shift_left3A_219 = arith.shli %gather3A_216, %shift_left3A_218 : vector<16xi32>
          %bitcast3A_220 = vector.bitcast %shift_left3A_219 : vector<16xi32> to vector<16xf32>
          %and3A_221 = arith.constant -65536 : i32
          %and3A_222 = vector.broadcast %and3A_221 : i32 to vector<16xi32>
          %and3A_223 = arith.andi %gather3A_216, %and3A_222 : vector<16xi32>
          %bitcast3A_224 = vector.bitcast %and3A_223 : vector<16xi32> to vector<16xf32>
          %add3A_225 = arith.constant 16 : i32
          %add3A_226 = arith.addi %mul3A_187, %add3A_225 : i32
          %get3A_227 = arith.index_cast %add3A_226 : i32 to index
          %get3A_228 = tpu.vector_load %arg18[%get3A_227] {strides = array<i32>} : memref<2048xf32, #tpu.memory_space<vmem>>, vector<16xf32>,
          %add3A_229 = arith.constant 128 : i32
          %add3A_230 = arith.addi %mul3A_187, %add3A_229 : i32
          %add3A_231 = arith.constant 16 : i32
          %add3A_232 = arith.addi %add3A_230, %add3A_231 : i32
          %get3A_233 = arith.index_cast %add3A_232 : i32 to index
          %get3A_234 = tpu.vector_load %arg18[%get3A_233] {strides = array<i32>} : memref<2048xf32, #tpu.memory_space<vmem>>, vector<16xf32>,
          %le3A_235 = arith.cmpf ole, %get3A_234, %get3A_228 : vector<16xf32>
          %gt3A_236 = arith.cmpf ogt, %bitcast3A_224, %bitcast3A_220 : vector<16xf32>
          %and3A_237 = arith.andi %le3A_235, %gt3A_236 : vector<16xi1>
          %select_n3A_238 = arith.select %and3A_237, %get3A_234, %get3A_228 : vector<16xi1>, vector<16xf32>
          %select_n3A_239 = arith.select %and3A_237, %get3A_228, %get3A_234 : vector<16xi1>, vector<16xf32>
          %exp3A_240 = math.exp %select_n3A_238 : vector<16xf32>
          %sub3A_241 = arith.subf %select_n3A_238, %bitcast3A_220 : vector<16xf32>
          %mul3A_242 = arith.mulf %exp3A_240, %sub3A_241 : vector<16xf32>
          %add3A_243 = arith.addf %add3A_208, %mul3A_242 : vector<16xf32>
          %exp3A_244 = math.exp %select_n3A_239 : vector<16xf32>
          %sub3A_245 = arith.subf %select_n3A_239, %bitcast3A_224 : vector<16xf32>
          %mul3A_246 = arith.mulf %exp3A_244, %sub3A_245 : vector<16xf32>
          %add3A_247 = arith.addf %add3A_212, %mul3A_246 : vector<16xf32>
          %get3A_248 = arith.index_cast %scan3A_183 : i32 to index
          %get3A_249 = arith.constant 32 : index
          %get3A_250 = tpu.vector_load %arg14[%get3A_248, %get3A_249] {strides = array<i32>} : memref<8x128xi32, #tpu.memory_space<vmem>>, vector<16xi32>,
          %gather3A_251 = tpu.vector_load_idx %arg7[%get3A_250] : memref<100000xi32, #tpu.memory_space<vmem>>[vector<16xi32>], vector<16xi32>,
          %shift_left3A_252 = arith.constant 16 : i32
          %shift_left3A_253 = vector.broadcast %shift_left3A_252 : i32 to vector<16xi32>
          %shift_left3A_254 = arith.shli %gather3A_251, %shift_left3A_253 : vector<16xi32>
          %bitcast3A_255 = vector.bitcast %shift_left3A_254 : vector<16xi32> to vector<16xf32>
          %and3A_256 = arith.constant -65536 : i32
          %and3A_257 = vector.broadcast %and3A_256 : i32 to vector<16xi32>
          %and3A_258 = arith.andi %gather3A_251, %and3A_257 : vector<16xi32>
          %bitcast3A_259 = vector.bitcast %and3A_258 : vector<16xi32> to vector<16xf32>
          %add3A_260 = arith.constant 32 : i32
          %add3A_261 = arith.addi %mul3A_187, %add3A_260 : i32
          %get3A_262 = arith.index_cast %add3A_261 : i32 to index
          %get3A_263 = tpu.vector_load %arg18[%get3A_262] {strides = array<i32>} : memref<2048xf32, #tpu.memory_space<vmem>>, vector<16xf32>,
          %add3A_264 = arith.constant 128 : i32
          %add3A_265 = arith.addi %mul3A_187, %add3A_264 : i32
          %add3A_266 = arith.constant 32 : i32
          %add3A_267 = arith.addi %add3A_265, %add3A_266 : i32
          %get3A_268 = arith.index_cast %add3A_267 : i32 to index
          %get3A_269 = tpu.vector_load %arg18[%get3A_268] {strides = array<i32>} : memref<2048xf32, #tpu.memory_space<vmem>>, vector<16xf32>,
          %le3A_270 = arith.cmpf ole, %get3A_269, %get3A_263 : vector<16xf32>
          %gt3A_271 = arith.cmpf ogt, %bitcast3A_259, %bitcast3A_255 : vector<16xf32>
          %and3A_272 = arith.andi %le3A_270, %gt3A_271 : vector<16xi1>
          %select_n3A_273 = arith.select %and3A_272, %get3A_269, %get3A_263 : vector<16xi1>, vector<16xf32>
          %select_n3A_274 = arith.select %and3A_272, %get3A_263, %get3A_269 : vector<16xi1>, vector<16xf32>
          %exp3A_275 = math.exp %select_n3A_273 : vector<16xf32>
          %sub3A_276 = arith.subf %select_n3A_273, %bitcast3A_255 : vector<16xf32>
          %mul3A_277 = arith.mulf %exp3A_275, %sub3A_276 : vector<16xf32>
          %add3A_278 = arith.addf %add3A_243, %mul3A_277 : vector<16xf32>
          %exp3A_279 = math.exp %select_n3A_274 : vector<16xf32>
          %sub3A_280 = arith.subf %select_n3A_274, %bitcast3A_259 : vector<16xf32>
          %mul3A_281 = arith.mulf %exp3A_279, %sub3A_280 : vector<16xf32>
          %add3A_282 = arith.addf %add3A_247, %mul3A_281 : vector<16xf32>
          %get3A_283 = arith.index_cast %scan3A_183 : i32 to index
          %get3A_284 = arith.constant 48 : index
          %get3A_285 = tpu.vector_load %arg14[%get3A_283, %get3A_284] {strides = array<i32>} : memref<8x128xi32, #tpu.memory_space<vmem>>, vector<16xi32>,
          %gather3A_286 = tpu.vector_load_idx %arg7[%get3A_285] : memref<100000xi32, #tpu.memory_space<vmem>>[vector<16xi32>], vector<16xi32>,
          %shift_left3A_287 = arith.constant 16 : i32
          %shift_left3A_288 = vector.broadcast %shift_left3A_287 : i32 to vector<16xi32>
          %shift_left3A_289 = arith.shli %gather3A_286, %shift_left3A_288 : vector<16xi32>
          %bitcast3A_290 = vector.bitcast %shift_left3A_289 : vector<16xi32> to vector<16xf32>
          %and3A_291 = arith.constant -65536 : i32
          %and3A_292 = vector.broadcast %and3A_291 : i32 to vector<16xi32>
          %and3A_293 = arith.andi %gather3A_286, %and3A_292 : vector<16xi32>
          %bitcast3A_294 = vector.bitcast %and3A_293 : vector<16xi32> to vector<16xf32>
          %add3A_295 = arith.constant 48 : i32
          %add3A_296 = arith.addi %mul3A_187, %add3A_295 : i32
          %get3A_297 = arith.index_cast %add3A_296 : i32 to index
          %get3A_298 = tpu.vector_load %arg18[%get3A_297] {strides = array<i32>} : memref<2048xf32, #tpu.memory_space<vmem>>, vector<16xf32>,
          %add3A_299 = arith.constant 128 : i32
          %add3A_300 = arith.addi %mul3A_187, %add3A_299 : i32
          %add3A_301 = arith.constant 48 : i32
          %add3A_302 = arith.addi %add3A_300, %add3A_301 : i32
          %get3A_303 = arith.index_cast %add3A_302 : i32 to index
          %get3A_304 = tpu.vector_load %arg18[%get3A_303] {strides = array<i32>} : memref<2048xf32, #tpu.memory_space<vmem>>, vector<16xf32>,
          %le3A_305 = arith.cmpf ole, %get3A_304, %get3A_298 : vector<16xf32>
          %gt3A_306 = arith.cmpf ogt, %bitcast3A_294, %bitcast3A_290 : vector<16xf32>
          %and3A_307 = arith.andi %le3A_305, %gt3A_306 : vector<16xi1>
          %select_n3A_308 = arith.select %and3A_307, %get3A_304, %get3A_298 : vector<16xi1>, vector<16xf32>
          %select_n3A_309 = arith.select %and3A_307, %get3A_298, %get3A_304 : vector<16xi1>, vector<16xf32>
          %exp3A_310 = math.exp %select_n3A_308 : vector<16xf32>
          %sub3A_311 = arith.subf %select_n3A_308, %bitcast3A_290 : vector<16xf32>
          %mul3A_312 = arith.mulf %exp3A_310, %sub3A_311 : vector<16xf32>
          %add3A_313 = arith.addf %add3A_278, %mul3A_312 : vector<16xf32>
          %exp3A_314 = math.exp %select_n3A_309 : vector<16xf32>
          %sub3A_315 = arith.subf %select_n3A_309, %bitcast3A_294 : vector<16xf32>
          %mul3A_316 = arith.mulf %exp3A_314, %sub3A_315 : vector<16xf32>
          %add3A_317 = arith.addf %add3A_282, %mul3A_316 : vector<16xf32>
          %get3A_318 = arith.index_cast %scan3A_183 : i32 to index
          %get3A_319 = arith.constant 64 : index
          %get3A_320 = tpu.vector_load %arg14[%get3A_318, %get3A_319] {strides = array<i32>} : memref<8x128xi32, #tpu.memory_space<vmem>>, vector<16xi32>,
          %gather3A_321 = tpu.vector_load_idx %arg7[%get3A_320] : memref<100000xi32, #tpu.memory_space<vmem>>[vector<16xi32>], vector<16xi32>,
          %shift_left3A_322 = arith.constant 16 : i32
          %shift_left3A_323 = vector.broadcast %shift_left3A_322 : i32 to vector<16xi32>
          %shift_left3A_324 = arith.shli %gather3A_321, %shift_left3A_323 : vector<16xi32>
          %bitcast3A_325 = vector.bitcast %shift_left3A_324 : vector<16xi32> to vector<16xf32>
          %and3A_326 = arith.constant -65536 : i32
          %and3A_327 = vector.broadcast %and3A_326 : i32 to vector<16xi32>
          %and3A_328 = arith.andi %gather3A_321, %and3A_327 : vector<16xi32>
          %bitcast3A_329 = vector.bitcast %and3A_328 : vector<16xi32> to vector<16xf32>
          %add3A_330 = arith.constant 64 : i32
          %add3A_331 = arith.addi %mul3A_187, %add3A_330 : i32
          %get3A_332 = arith.index_cast %add3A_331 : i32 to index
          %get3A_333 = tpu.vector_load %arg18[%get3A_332] {strides = array<i32>} : memref<2048xf32, #tpu.memory_space<vmem>>, vector<16xf32>,
          %add3A_334 = arith.constant 128 : i32
          %add3A_335 = arith.addi %mul3A_187, %add3A_334 : i32
          %add3A_336 = arith.constant 64 : i32
          %add3A_337 = arith.addi %add3A_335, %add3A_336 : i32
          %get3A_338 = arith.index_cast %add3A_337 : i32 to index
          %get3A_339 = tpu.vector_load %arg18[%get3A_338] {strides = array<i32>} : memref<2048xf32, #tpu.memory_space<vmem>>, vector<16xf32>,
          %le3A_340 = arith.cmpf ole, %get3A_339, %get3A_333 : vector<16xf32>
          %gt3A_341 = arith.cmpf ogt, %bitcast3A_329, %bitcast3A_325 : vector<16xf32>
          %and3A_342 = arith.andi %le3A_340, %gt3A_341 : vector<16xi1>
          %select_n3A_343 = arith.select %and3A_342, %get3A_339, %get3A_333 : vector<16xi1>, vector<16xf32>
          %select_n3A_344 = arith.select %and3A_342, %get3A_333, %get3A_339 : vector<16xi1>, vector<16xf32>
          %exp3A_345 = math.exp %select_n3A_343 : vector<16xf32>
          %sub3A_346 = arith.subf %select_n3A_343, %bitcast3A_325 : vector<16xf32>
          %mul3A_347 = arith.mulf %exp3A_345, %sub3A_346 : vector<16xf32>
          %add3A_348 = arith.addf %add3A_313, %mul3A_347 : vector<16xf32>
          %exp3A_349 = math.exp %select_n3A_344 : vector<16xf32>
          %sub3A_350 = arith.subf %select_n3A_344, %bitcast3A_329 : vector<16xf32>
          %mul3A_351 = arith.mulf %exp3A_349, %sub3A_350 : vector<16xf32>
          %add3A_352 = arith.addf %add3A_317, %mul3A_351 : vector<16xf32>
          %get3A_353 = arith.index_cast %scan3A_183 : i32 to index
          %get3A_354 = arith.constant 80 : index
          %get3A_355 = tpu.vector_load %arg14[%get3A_353, %get3A_354] {strides = array<i32>} : memref<8x128xi32, #tpu.memory_space<vmem>>, vector<16xi32>,
          %gather3A_356 = tpu.vector_load_idx %arg7[%get3A_355] : memref<100000xi32, #tpu.memory_space<vmem>>[vector<16xi32>], vector<16xi32>,
          %shift_left3A_357 = arith.constant 16 : i32
          %shift_left3A_358 = vector.broadcast %shift_left3A_357 : i32 to vector<16xi32>
          %shift_left3A_359 = arith.shli %gather3A_356, %shift_left3A_358 : vector<16xi32>
          %bitcast3A_360 = vector.bitcast %shift_left3A_359 : vector<16xi32> to vector<16xf32>
          %and3A_361 = arith.constant -65536 : i32
          %and3A_362 = vector.broadcast %and3A_361 : i32 to vector<16xi32>
          %and3A_363 = arith.andi %gather3A_356, %and3A_362 : vector<16xi32>
          %bitcast3A_364 = vector.bitcast %and3A_363 : vector<16xi32> to vector<16xf32>
          %add3A_365 = arith.constant 80 : i32
          %add3A_366 = arith.addi %mul3A_187, %add3A_365 : i32
          %get3A_367 = arith.index_cast %add3A_366 : i32 to index
          %get3A_368 = tpu.vector_load %arg18[%get3A_367] {strides = array<i32>} : memref<2048xf32, #tpu.memory_space<vmem>>, vector<16xf32>,
          %add3A_369 = arith.constant 128 : i32
          %add3A_370 = arith.addi %mul3A_187, %add3A_369 : i32
          %add3A_371 = arith.constant 80 : i32
          %add3A_372 = arith.addi %add3A_370, %add3A_371 : i32
          %get3A_373 = arith.index_cast %add3A_372 : i32 to index
          %get3A_374 = tpu.vector_load %arg18[%get3A_373] {strides = array<i32>} : memref<2048xf32, #tpu.memory_space<vmem>>, vector<16xf32>,
          %le3A_375 = arith.cmpf ole, %get3A_374, %get3A_368 : vector<16xf32>
          %gt3A_376 = arith.cmpf ogt, %bitcast3A_364, %bitcast3A_360 : vector<16xf32>
          %and3A_377 = arith.andi %le3A_375, %gt3A_376 : vector<16xi1>
          %select_n3A_378 = arith.select %and3A_377, %get3A_374, %get3A_368 : vector<16xi1>, vector<16xf32>
          %select_n3A_379 = arith.select %and3A_377, %get3A_368, %get3A_374 : vector<16xi1>, vector<16xf32>
          %exp3A_380 = math.exp %select_n3A_378 : vector<16xf32>
          %sub3A_381 = arith.subf %select_n3A_378, %bitcast3A_360 : vector<16xf32>
          %mul3A_382 = arith.mulf %exp3A_380, %sub3A_381 : vector<16xf32>
          %add3A_383 = arith.addf %add3A_348, %mul3A_382 : vector<16xf32>
          %exp3A_384 = math.exp %select_n3A_379 : vector<16xf32>
          %sub3A_385 = arith.subf %select_n3A_379, %bitcast3A_364 : vector<16xf32>
          %mul3A_386 = arith.mulf %exp3A_384, %sub3A_385 : vector<16xf32>
          %add3A_387 = arith.addf %add3A_352, %mul3A_386 : vector<16xf32>
          %get3A_388 = arith.index_cast %scan3A_183 : i32 to index
          %get3A_389 = arith.constant 96 : index
          %get3A_390 = tpu.vector_load %arg14[%get3A_388, %get3A_389] {strides = array<i32>} : memref<8x128xi32, #tpu.memory_space<vmem>>, vector<16xi32>,
          %gather3A_391 = tpu.vector_load_idx %arg7[%get3A_390] : memref<100000xi32, #tpu.memory_space<vmem>>[vector<16xi32>], vector<16xi32>,
          %shift_left3A_392 = arith.constant 16 : i32
          %shift_left3A_393 = vector.broadcast %shift_left3A_392 : i32 to vector<16xi32>
          %shift_left3A_394 = arith.shli %gather3A_391, %shift_left3A_393 : vector<16xi32>
          %bitcast3A_395 = vector.bitcast %shift_left3A_394 : vector<16xi32> to vector<16xf32>
          %and3A_396 = arith.constant -65536 : i32
          %and3A_397 = vector.broadcast %and3A_396 : i32 to vector<16xi32>
          %and3A_398 = arith.andi %gather3A_391, %and3A_397 : vector<16xi32>
          %bitcast3A_399 = vector.bitcast %and3A_398 : vector<16xi32> to vector<16xf32>
          %add3A_400 = arith.constant 96 : i32
          %add3A_401 = arith.addi %mul3A_187, %add3A_400 : i32
          %get3A_402 = arith.index_cast %add3A_401 : i32 to index
          %get3A_403 = tpu.vector_load %arg18[%get3A_402] {strides = array<i32>} : memref<2048xf32, #tpu.memory_space<vmem>>, vector<16xf32>,
          %add3A_404 = arith.constant 128 : i32
          %add3A_405 = arith.addi %mul3A_187, %add3A_404 : i32
          %add3A_406 = arith.constant 96 : i32
          %add3A_407 = arith.addi %add3A_405, %add3A_406 : i32
          %get3A_408 = arith.index_cast %add3A_407 : i32 to index
          %get3A_409 = tpu.vector_load %arg18[%get3A_408] {strides = array<i32>} : memref<2048xf32, #tpu.memory_space<vmem>>, vector<16xf32>,
          %le3A_410 = arith.cmpf ole, %get3A_409, %get3A_403 : vector<16xf32>
          %gt3A_411 = arith.cmpf ogt, %bitcast3A_399, %bitcast3A_395 : vector<16xf32>
          %and3A_412 = arith.andi %le3A_410, %gt3A_411 : vector<16xi1>
          %select_n3A_413 = arith.select %and3A_412, %get3A_409, %get3A_403 : vector<16xi1>, vector<16xf32>
          %select_n3A_414 = arith.select %and3A_412, %get3A_403, %get3A_409 : vector<16xi1>, vector<16xf32>
          %exp3A_415 = math.exp %select_n3A_413 : vector<16xf32>
          %sub3A_416 = arith.subf %select_n3A_413, %bitcast3A_395 : vector<16xf32>
          %mul3A_417 = arith.mulf %exp3A_415, %sub3A_416 : vector<16xf32>
          %add3A_418 = arith.addf %add3A_383, %mul3A_417 : vector<16xf32>
          %exp3A_419 = math.exp %select_n3A_414 : vector<16xf32>
          %sub3A_420 = arith.subf %select_n3A_414, %bitcast3A_399 : vector<16xf32>
          %mul3A_421 = arith.mulf %exp3A_419, %sub3A_420 : vector<16xf32>
          %add3A_422 = arith.addf %add3A_387, %mul3A_421 : vector<16xf32>
          %get3A_423 = arith.index_cast %scan3A_183 : i32 to index
          %get3A_424 = arith.constant 112 : index
          %get3A_425 = tpu.vector_load %arg14[%get3A_423, %get3A_424] {strides = array<i32>} : memref<8x128xi32, #tpu.memory_space<vmem>>, vector<16xi32>,
          %gather3A_426 = tpu.vector_load_idx %arg7[%get3A_425] : memref<100000xi32, #tpu.memory_space<vmem>>[vector<16xi32>], vector<16xi32>,
          %shift_left3A_427 = arith.constant 16 : i32
          %shift_left3A_428 = vector.broadcast %shift_left3A_427 : i32 to vector<16xi32>
          %shift_left3A_429 = arith.shli %gather3A_426, %shift_left3A_428 : vector<16xi32>
          %bitcast3A_430 = vector.bitcast %shift_left3A_429 : vector<16xi32> to vector<16xf32>
          %and3A_431 = arith.constant -65536 : i32
          %and3A_432 = vector.broadcast %and3A_431 : i32 to vector<16xi32>
          %and3A_433 = arith.andi %gather3A_426, %and3A_432 : vector<16xi32>
          %bitcast3A_434 = vector.bitcast %and3A_433 : vector<16xi32> to vector<16xf32>
          %add3A_435 = arith.constant 112 : i32
          %add3A_436 = arith.addi %mul3A_187, %add3A_435 : i32
          %get3A_437 = arith.index_cast %add3A_436 : i32 to index
          %get3A_438 = tpu.vector_load %arg18[%get3A_437] {strides = array<i32>} : memref<2048xf32, #tpu.memory_space<vmem>>, vector<16xf32>,
          %add3A_439 = arith.constant 128 : i32
          %add3A_440 = arith.addi %mul3A_187, %add3A_439 : i32
          %add3A_441 = arith.constant 112 : i32
          %add3A_442 = arith.addi %add3A_440, %add3A_441 : i32
          %get3A_443 = arith.index_cast %add3A_442 : i32 to index
          %get3A_444 = tpu.vector_load %arg18[%get3A_443] {strides = array<i32>} : memref<2048xf32, #tpu.memory_space<vmem>>, vector<16xf32>,
          %le3A_445 = arith.cmpf ole, %get3A_444, %get3A_438 : vector<16xf32>
          %gt3A_446 = arith.cmpf ogt, %bitcast3A_434, %bitcast3A_430 : vector<16xf32>
          %and3A_447 = arith.andi %le3A_445, %gt3A_446 : vector<16xi1>
          %select_n3A_448 = arith.select %and3A_447, %get3A_444, %get3A_438 : vector<16xi1>, vector<16xf32>
          %select_n3A_449 = arith.select %and3A_447, %get3A_438, %get3A_444 : vector<16xi1>, vector<16xf32>
          %exp3A_450 = math.exp %select_n3A_448 : vector<16xf32>
          %sub3A_451 = arith.subf %select_n3A_448, %bitcast3A_430 : vector<16xf32>
          %mul3A_452 = arith.mulf %exp3A_450, %sub3A_451 : vector<16xf32>
          %add3A_453 = arith.addf %add3A_418, %mul3A_452 : vector<16xf32>
          %exp3A_454 = math.exp %select_n3A_449 : vector<16xf32>
          %sub3A_455 = arith.subf %select_n3A_449, %bitcast3A_434 : vector<16xf32>
          %mul3A_456 = arith.mulf %exp3A_454, %sub3A_455 : vector<16xf32>
          %add3A_457 = arith.addf %add3A_422, %mul3A_456 : vector<16xf32>
          scf.yield %add3A_453, %add3A_457 : vector<16xf32>, vector<16xf32>
        }
        %scan3A_182 = arith.constant 8 : i32
        scf.yield %scan3A_181#0, %scan3A_181#1 : vector<16xf32>, vector<16xf32>
      } else {
        scf.yield %cond3A_114#0, %cond3A_114#1 : vector<16xf32>, vector<16xf32>
      }
      %add3A_141 = arith.constant 4 : i32
      %add3A_142 = arith.addi %add3A_128, %add3A_141 : i32
      %mul3A_143 = arith.constant 32 : i32
      %mul3A_144 = arith.muli %add3A_142, %mul3A_143 : i32
      %add3A_145 = arith.addi %add3A, %mul3A_144 : i32
      %lt3A_146 = arith.constant 3125 : i32
      %lt3A_147 = arith.cmpi slt, %add3A_145, %lt3A_146 : i32
      %convert_element_type3A_148 = arith.extui %lt3A_147 : i1 to i32
      %cond3A_149 = arith.constant 0 : i32
      %cond3A_150 = arith.cmpi ne, %convert_element_type3A_148, %cond3A_149 : i32
      scf.if %cond3A_150 {
        %mul3A_177 = arith.constant 16 : i32
        %mul3A_178 = arith.muli %mul3A_177, %add3A_145 : i32
        %mul3A_179 = arith.constant 2 : i32
        %mul3A_180 = vector.broadcast %mul3A_179 : i32 to vector<16xi32>
        %mul3A_181 = arith.muli %mul3A_180, %iota3A : vector<16xi32>
        %add3A_182 = vector.broadcast %mul3A_178 : i32 to vector<16xi32>
        %add3A_183 = arith.addi %add3A_182, %mul3A_181 : vector<16xi32>
        %lt3A_184 = arith.constant 8 : i32
        %lt3A_185 = vector.broadcast %lt3A_184 : i32 to vector<16xi32>
        %lt3A_186 = arith.cmpi slt, %iota3A, %lt3A_185 : vector<16xi32>
        tpu.vector_store_idx %arg22[%iota3A], %add3A_183 masked %lt3A_186 : memref<8xi32, #tpu.memory_space<vmem>>[vector<16xi32>], vector<16xi32>, vector<16xi1>
        %dma_start3A_187 = arith.constant 0 : i32
        %dma_start3A_188 = arith.constant 0 : i32
        %dma_start3A_189 = tpu.memref_slice %arg5[%dma_start3A_187, %dma_start3A_188] : memref<50000x128xi32, #tpu.memory_space<hbm>> -> memref<50000x128xi32, #tpu.memory_space<hbm>>
        tpu.enqueue_indirect_dma source(%dma_start3A_189 : memref<50000x128xi32, #tpu.memory_space<hbm>>) target(%arg14 : memref<8x128xi32, #tpu.memory_space<vmem>>) offsets(%arg22 : memref<8xi32, #tpu.memory_space<vmem>>) semaphore(%arg28 : memref<!tpu.dma_semaphore, #tpu.memory_space<semaphore_mem>>)
        %mul3A_190 = arith.constant 2048 : i32
        %mul3A_191 = arith.muli %add3A_145, %mul3A_190 : i32
        %dma_start3A_192 = tpu.memref_slice %arg4[%mul3A_191] : memref<6400000xf32, #tpu.memory_space<hbm>> -> memref<2048xf32, #tpu.memory_space<hbm>>
        %dma_start3A_193 = tpu.memref_slice %arg4[%mul3A_191] : memref<6400000xf32, #tpu.memory_space<hbm>> -> memref<2048xf32, #tpu.memory_space<hbm>>
        tpu.enqueue_dma source(%dma_start3A_193 : memref<2048xf32, #tpu.memory_space<hbm>>) target(%arg18 : memref<2048xf32, #tpu.memory_space<vmem>>) target_semaphore(%arg32 : memref<!tpu.dma_semaphore, #tpu.memory_space<semaphore_mem>>)
      } else {
      }
      %mul3A_151 = arith.constant 4 : i32
      %mul3A_152 = arith.muli %scan3A_70, %mul3A_151 : i32
      %add3A_153 = arith.constant 3 : i32
      %add3A_154 = arith.addi %mul3A_152, %add3A_153 : i32
      %mul3A_155 = arith.constant 32 : i32
      %mul3A_156 = arith.muli %add3A_154, %mul3A_155 : i32
      %add3A_157 = arith.addi %add3A, %mul3A_156 : i32
      %lt3A_158 = arith.constant 3125 : i32
      %lt3A_159 = arith.cmpi slt, %add3A_157, %lt3A_158 : i32
      %convert_element_type3A_160 = arith.extui %lt3A_159 : i1 to i32
      %cond3A_161 = arith.constant 0 : i32
      %cond3A_162 = arith.cmpi ne, %convert_element_type3A_160, %cond3A_161 : i32
      scf.if %cond3A_162 {
        %dma_wait3A = arith.constant 0 : i32
        %dma_wait3A_177 = arith.constant 0 : i32
        %dma_wait3A_178 = tpu.memref_slice %arg5[%dma_wait3A, %dma_wait3A_177] : memref<50000x128xi32, #tpu.memory_space<hbm>> -> memref<50000x128xi32, #tpu.memory_space<hbm>>
        tpu.wait_indirect_dma semaphore(%arg29 : memref<!tpu.dma_semaphore, #tpu.memory_space<semaphore_mem>>) src(%dma_wait3A_178 : memref<50000x128xi32, #tpu.memory_space<hbm>>) dst(%arg15 : memref<8x128xi32, #tpu.memory_space<vmem>>)
        %dma_wait3A_179 = arith.constant 0 : i32
        %dma_wait3A_180 = tpu.memref_slice %arg4[%dma_wait3A_179] : memref<6400000xf32, #tpu.memory_space<hbm>> -> memref<2048xf32, #tpu.memory_space<hbm>>
        %dma_wait3A_181 = arith.constant 0 : i32
        %dma_wait3A_182 = tpu.memref_slice %arg4[%dma_wait3A_181] : memref<6400000xf32, #tpu.memory_space<hbm>> -> memref<2048xf32, #tpu.memory_space<hbm>>
        tpu.wait_dma2 semaphore(%arg33 : memref<!tpu.dma_semaphore, #tpu.memory_space<semaphore_mem>>) src(%dma_wait3A_182 : memref<2048xf32, #tpu.memory_space<hbm>>) dst(%arg19 : memref<2048xf32, #tpu.memory_space<vmem>>)
      } else {
      }
      %convert_element_type3A_163 = arith.extui %lt3A_159 : i1 to i32
      %cond3A_164 = arith.constant 0 : i32
      %cond3A_165 = arith.cmpi ne, %convert_element_type3A_163, %cond3A_164 : i32
      %cond3A_166:2 = scf.if %cond3A_165 -> (vector<16xf32>, vector<16xf32>) {
        %scan3A_177 = arith.constant 0 : i32
        %scan3A_178 = arith.constant 8 : i32
        %scan3A_179 = arith.addi %scan3A_177, %scan3A_178 : i32
        %scan3A_180 = arith.constant 1 : i32
        %scan3A_181:2 = scf.for %scan3A_183 = %scan3A_177 to %scan3A_179 step %scan3A_180 iter_args(%scan3A_184 = %cond3A_140#0, %scan3A_185 = %cond3A_140#1) -> (vector<16xf32>, vector<16xf32>)  : i32 {
          %mul3A_186 = arith.constant 256 : i32
          %mul3A_187 = arith.muli %scan3A_183, %mul3A_186 : i32
          %get3A = arith.index_cast %scan3A_183 : i32 to index
          %get3A_188 = arith.constant 0 : index
          %get3A_189 = tpu.vector_load %arg15[%get3A, %get3A_188] {strides = array<i32>} : memref<8x128xi32, #tpu.memory_space<vmem>>, vector<16xi32>,
          %gather3A = tpu.vector_load_idx %arg7[%get3A_189] : memref<100000xi32, #tpu.memory_space<vmem>>[vector<16xi32>], vector<16xi32>,
          %shift_left3A = arith.constant 16 : i32
          %shift_left3A_190 = vector.broadcast %shift_left3A : i32 to vector<16xi32>
          %shift_left3A_191 = arith.shli %gather3A, %shift_left3A_190 : vector<16xi32>
          %bitcast3A = vector.bitcast %shift_left3A_191 : vector<16xi32> to vector<16xf32>
          %and3A = arith.constant -65536 : i32
          %and3A_192 = vector.broadcast %and3A : i32 to vector<16xi32>
          %and3A_193 = arith.andi %gather3A, %and3A_192 : vector<16xi32>
          %bitcast3A_194 = vector.bitcast %and3A_193 : vector<16xi32> to vector<16xf32>
          %add3A_195 = arith.constant 0 : i32
          %add3A_196 = arith.addi %mul3A_187, %add3A_195 : i32
          %get3A_197 = arith.index_cast %add3A_196 : i32 to index
          %get3A_198 = tpu.vector_load %arg19[%get3A_197] {strides = array<i32>} : memref<2048xf32, #tpu.memory_space<vmem>>, vector<16xf32>,
          %add3A_199 = arith.constant 128 : i32
          %add3A_200 = arith.addi %mul3A_187, %add3A_199 : i32
          %add3A_201 = arith.constant 0 : i32
          %add3A_202 = arith.addi %add3A_200, %add3A_201 : i32
          %get3A_203 = arith.index_cast %add3A_202 : i32 to index
          %get3A_204 = tpu.vector_load %arg19[%get3A_203] {strides = array<i32>} : memref<2048xf32, #tpu.memory_space<vmem>>, vector<16xf32>,
          %le3A = arith.cmpf ole, %get3A_204, %get3A_198 : vector<16xf32>
          %gt3A = arith.cmpf ogt, %bitcast3A_194, %bitcast3A : vector<16xf32>
          %and3A_205 = arith.andi %le3A, %gt3A : vector<16xi1>
          %select_n3A = arith.select %and3A_205, %get3A_204, %get3A_198 : vector<16xi1>, vector<16xf32>
          %select_n3A_206 = arith.select %and3A_205, %get3A_198, %get3A_204 : vector<16xi1>, vector<16xf32>
          %exp3A = math.exp %select_n3A : vector<16xf32>
          %sub3A = arith.subf %select_n3A, %bitcast3A : vector<16xf32>
          %mul3A_207 = arith.mulf %exp3A, %sub3A : vector<16xf32>
          %add3A_208 = arith.addf %scan3A_184, %mul3A_207 : vector<16xf32>
          %exp3A_209 = math.exp %select_n3A_206 : vector<16xf32>
          %sub3A_210 = arith.subf %select_n3A_206, %bitcast3A_194 : vector<16xf32>
          %mul3A_211 = arith.mulf %exp3A_209, %sub3A_210 : vector<16xf32>
          %add3A_212 = arith.addf %scan3A_185, %mul3A_211 : vector<16xf32>
          %get3A_213 = arith.index_cast %scan3A_183 : i32 to index
          %get3A_214 = arith.constant 16 : index
          %get3A_215 = tpu.vector_load %arg15[%get3A_213, %get3A_214] {strides = array<i32>} : memref<8x128xi32, #tpu.memory_space<vmem>>, vector<16xi32>,
          %gather3A_216 = tpu.vector_load_idx %arg7[%get3A_215] : memref<100000xi32, #tpu.memory_space<vmem>>[vector<16xi32>], vector<16xi32>,
          %shift_left3A_217 = arith.constant 16 : i32
          %shift_left3A_218 = vector.broadcast %shift_left3A_217 : i32 to vector<16xi32>
          %shift_left3A_219 = arith.shli %gather3A_216, %shift_left3A_218 : vector<16xi32>
          %bitcast3A_220 = vector.bitcast %shift_left3A_219 : vector<16xi32> to vector<16xf32>
          %and3A_221 = arith.constant -65536 : i32
          %and3A_222 = vector.broadcast %and3A_221 : i32 to vector<16xi32>
          %and3A_223 = arith.andi %gather3A_216, %and3A_222 : vector<16xi32>
          %bitcast3A_224 = vector.bitcast %and3A_223 : vector<16xi32> to vector<16xf32>
          %add3A_225 = arith.constant 16 : i32
          %add3A_226 = arith.addi %mul3A_187, %add3A_225 : i32
          %get3A_227 = arith.index_cast %add3A_226 : i32 to index
          %get3A_228 = tpu.vector_load %arg19[%get3A_227] {strides = array<i32>} : memref<2048xf32, #tpu.memory_space<vmem>>, vector<16xf32>,
          %add3A_229 = arith.constant 128 : i32
          %add3A_230 = arith.addi %mul3A_187, %add3A_229 : i32
          %add3A_231 = arith.constant 16 : i32
          %add3A_232 = arith.addi %add3A_230, %add3A_231 : i32
          %get3A_233 = arith.index_cast %add3A_232 : i32 to index
          %get3A_234 = tpu.vector_load %arg19[%get3A_233] {strides = array<i32>} : memref<2048xf32, #tpu.memory_space<vmem>>, vector<16xf32>,
          %le3A_235 = arith.cmpf ole, %get3A_234, %get3A_228 : vector<16xf32>
          %gt3A_236 = arith.cmpf ogt, %bitcast3A_224, %bitcast3A_220 : vector<16xf32>
          %and3A_237 = arith.andi %le3A_235, %gt3A_236 : vector<16xi1>
          %select_n3A_238 = arith.select %and3A_237, %get3A_234, %get3A_228 : vector<16xi1>, vector<16xf32>
          %select_n3A_239 = arith.select %and3A_237, %get3A_228, %get3A_234 : vector<16xi1>, vector<16xf32>
          %exp3A_240 = math.exp %select_n3A_238 : vector<16xf32>
          %sub3A_241 = arith.subf %select_n3A_238, %bitcast3A_220 : vector<16xf32>
          %mul3A_242 = arith.mulf %exp3A_240, %sub3A_241 : vector<16xf32>
          %add3A_243 = arith.addf %add3A_208, %mul3A_242 : vector<16xf32>
          %exp3A_244 = math.exp %select_n3A_239 : vector<16xf32>
          %sub3A_245 = arith.subf %select_n3A_239, %bitcast3A_224 : vector<16xf32>
          %mul3A_246 = arith.mulf %exp3A_244, %sub3A_245 : vector<16xf32>
          %add3A_247 = arith.addf %add3A_212, %mul3A_246 : vector<16xf32>
          %get3A_248 = arith.index_cast %scan3A_183 : i32 to index
          %get3A_249 = arith.constant 32 : index
          %get3A_250 = tpu.vector_load %arg15[%get3A_248, %get3A_249] {strides = array<i32>} : memref<8x128xi32, #tpu.memory_space<vmem>>, vector<16xi32>,
          %gather3A_251 = tpu.vector_load_idx %arg7[%get3A_250] : memref<100000xi32, #tpu.memory_space<vmem>>[vector<16xi32>], vector<16xi32>,
          %shift_left3A_252 = arith.constant 16 : i32
          %shift_left3A_253 = vector.broadcast %shift_left3A_252 : i32 to vector<16xi32>
          %shift_left3A_254 = arith.shli %gather3A_251, %shift_left3A_253 : vector<16xi32>
          %bitcast3A_255 = vector.bitcast %shift_left3A_254 : vector<16xi32> to vector<16xf32>
          %and3A_256 = arith.constant -65536 : i32
          %and3A_257 = vector.broadcast %and3A_256 : i32 to vector<16xi32>
          %and3A_258 = arith.andi %gather3A_251, %and3A_257 : vector<16xi32>
          %bitcast3A_259 = vector.bitcast %and3A_258 : vector<16xi32> to vector<16xf32>
          %add3A_260 = arith.constant 32 : i32
          %add3A_261 = arith.addi %mul3A_187, %add3A_260 : i32
          %get3A_262 = arith.index_cast %add3A_261 : i32 to index
          %get3A_263 = tpu.vector_load %arg19[%get3A_262] {strides = array<i32>} : memref<2048xf32, #tpu.memory_space<vmem>>, vector<16xf32>,
          %add3A_264 = arith.constant 128 : i32
          %add3A_265 = arith.addi %mul3A_187, %add3A_264 : i32
          %add3A_266 = arith.constant 32 : i32
          %add3A_267 = arith.addi %add3A_265, %add3A_266 : i32
          %get3A_268 = arith.index_cast %add3A_267 : i32 to index
          %get3A_269 = tpu.vector_load %arg19[%get3A_268] {strides = array<i32>} : memref<2048xf32, #tpu.memory_space<vmem>>, vector<16xf32>,
          %le3A_270 = arith.cmpf ole, %get3A_269, %get3A_263 : vector<16xf32>
          %gt3A_271 = arith.cmpf ogt, %bitcast3A_259, %bitcast3A_255 : vector<16xf32>
          %and3A_272 = arith.andi %le3A_270, %gt3A_271 : vector<16xi1>
          %select_n3A_273 = arith.select %and3A_272, %get3A_269, %get3A_263 : vector<16xi1>, vector<16xf32>
          %select_n3A_274 = arith.select %and3A_272, %get3A_263, %get3A_269 : vector<16xi1>, vector<16xf32>
          %exp3A_275 = math.exp %select_n3A_273 : vector<16xf32>
          %sub3A_276 = arith.subf %select_n3A_273, %bitcast3A_255 : vector<16xf32>
          %mul3A_277 = arith.mulf %exp3A_275, %sub3A_276 : vector<16xf32>
          %add3A_278 = arith.addf %add3A_243, %mul3A_277 : vector<16xf32>
          %exp3A_279 = math.exp %select_n3A_274 : vector<16xf32>
          %sub3A_280 = arith.subf %select_n3A_274, %bitcast3A_259 : vector<16xf32>
          %mul3A_281 = arith.mulf %exp3A_279, %sub3A_280 : vector<16xf32>
          %add3A_282 = arith.addf %add3A_247, %mul3A_281 : vector<16xf32>
          %get3A_283 = arith.index_cast %scan3A_183 : i32 to index
          %get3A_284 = arith.constant 48 : index
          %get3A_285 = tpu.vector_load %arg15[%get3A_283, %get3A_284] {strides = array<i32>} : memref<8x128xi32, #tpu.memory_space<vmem>>, vector<16xi32>,
          %gather3A_286 = tpu.vector_load_idx %arg7[%get3A_285] : memref<100000xi32, #tpu.memory_space<vmem>>[vector<16xi32>], vector<16xi32>,
          %shift_left3A_287 = arith.constant 16 : i32
          %shift_left3A_288 = vector.broadcast %shift_left3A_287 : i32 to vector<16xi32>
          %shift_left3A_289 = arith.shli %gather3A_286, %shift_left3A_288 : vector<16xi32>
          %bitcast3A_290 = vector.bitcast %shift_left3A_289 : vector<16xi32> to vector<16xf32>
          %and3A_291 = arith.constant -65536 : i32
          %and3A_292 = vector.broadcast %and3A_291 : i32 to vector<16xi32>
          %and3A_293 = arith.andi %gather3A_286, %and3A_292 : vector<16xi32>
          %bitcast3A_294 = vector.bitcast %and3A_293 : vector<16xi32> to vector<16xf32>
          %add3A_295 = arith.constant 48 : i32
          %add3A_296 = arith.addi %mul3A_187, %add3A_295 : i32
          %get3A_297 = arith.index_cast %add3A_296 : i32 to index
          %get3A_298 = tpu.vector_load %arg19[%get3A_297] {strides = array<i32>} : memref<2048xf32, #tpu.memory_space<vmem>>, vector<16xf32>,
          %add3A_299 = arith.constant 128 : i32
          %add3A_300 = arith.addi %mul3A_187, %add3A_299 : i32
          %add3A_301 = arith.constant 48 : i32
          %add3A_302 = arith.addi %add3A_300, %add3A_301 : i32
          %get3A_303 = arith.index_cast %add3A_302 : i32 to index
          %get3A_304 = tpu.vector_load %arg19[%get3A_303] {strides = array<i32>} : memref<2048xf32, #tpu.memory_space<vmem>>, vector<16xf32>,
          %le3A_305 = arith.cmpf ole, %get3A_304, %get3A_298 : vector<16xf32>
          %gt3A_306 = arith.cmpf ogt, %bitcast3A_294, %bitcast3A_290 : vector<16xf32>
          %and3A_307 = arith.andi %le3A_305, %gt3A_306 : vector<16xi1>
          %select_n3A_308 = arith.select %and3A_307, %get3A_304, %get3A_298 : vector<16xi1>, vector<16xf32>
          %select_n3A_309 = arith.select %and3A_307, %get3A_298, %get3A_304 : vector<16xi1>, vector<16xf32>
          %exp3A_310 = math.exp %select_n3A_308 : vector<16xf32>
          %sub3A_311 = arith.subf %select_n3A_308, %bitcast3A_290 : vector<16xf32>
          %mul3A_312 = arith.mulf %exp3A_310, %sub3A_311 : vector<16xf32>
          %add3A_313 = arith.addf %add3A_278, %mul3A_312 : vector<16xf32>
          %exp3A_314 = math.exp %select_n3A_309 : vector<16xf32>
          %sub3A_315 = arith.subf %select_n3A_309, %bitcast3A_294 : vector<16xf32>
          %mul3A_316 = arith.mulf %exp3A_314, %sub3A_315 : vector<16xf32>
          %add3A_317 = arith.addf %add3A_282, %mul3A_316 : vector<16xf32>
          %get3A_318 = arith.index_cast %scan3A_183 : i32 to index
          %get3A_319 = arith.constant 64 : index
          %get3A_320 = tpu.vector_load %arg15[%get3A_318, %get3A_319] {strides = array<i32>} : memref<8x128xi32, #tpu.memory_space<vmem>>, vector<16xi32>,
          %gather3A_321 = tpu.vector_load_idx %arg7[%get3A_320] : memref<100000xi32, #tpu.memory_space<vmem>>[vector<16xi32>], vector<16xi32>,
          %shift_left3A_322 = arith.constant 16 : i32
          %shift_left3A_323 = vector.broadcast %shift_left3A_322 : i32 to vector<16xi32>
          %shift_left3A_324 = arith.shli %gather3A_321, %shift_left3A_323 : vector<16xi32>
          %bitcast3A_325 = vector.bitcast %shift_left3A_324 : vector<16xi32> to vector<16xf32>
          %and3A_326 = arith.constant -65536 : i32
          %and3A_327 = vector.broadcast %and3A_326 : i32 to vector<16xi32>
          %and3A_328 = arith.andi %gather3A_321, %and3A_327 : vector<16xi32>
          %bitcast3A_329 = vector.bitcast %and3A_328 : vector<16xi32> to vector<16xf32>
          %add3A_330 = arith.constant 64 : i32
          %add3A_331 = arith.addi %mul3A_187, %add3A_330 : i32
          %get3A_332 = arith.index_cast %add3A_331 : i32 to index
          %get3A_333 = tpu.vector_load %arg19[%get3A_332] {strides = array<i32>} : memref<2048xf32, #tpu.memory_space<vmem>>, vector<16xf32>,
          %add3A_334 = arith.constant 128 : i32
          %add3A_335 = arith.addi %mul3A_187, %add3A_334 : i32
          %add3A_336 = arith.constant 64 : i32
          %add3A_337 = arith.addi %add3A_335, %add3A_336 : i32
          %get3A_338 = arith.index_cast %add3A_337 : i32 to index
          %get3A_339 = tpu.vector_load %arg19[%get3A_338] {strides = array<i32>} : memref<2048xf32, #tpu.memory_space<vmem>>, vector<16xf32>,
          %le3A_340 = arith.cmpf ole, %get3A_339, %get3A_333 : vector<16xf32>
          %gt3A_341 = arith.cmpf ogt, %bitcast3A_329, %bitcast3A_325 : vector<16xf32>
          %and3A_342 = arith.andi %le3A_340, %gt3A_341 : vector<16xi1>
          %select_n3A_343 = arith.select %and3A_342, %get3A_339, %get3A_333 : vector<16xi1>, vector<16xf32>
          %select_n3A_344 = arith.select %and3A_342, %get3A_333, %get3A_339 : vector<16xi1>, vector<16xf32>
          %exp3A_345 = math.exp %select_n3A_343 : vector<16xf32>
          %sub3A_346 = arith.subf %select_n3A_343, %bitcast3A_325 : vector<16xf32>
          %mul3A_347 = arith.mulf %exp3A_345, %sub3A_346 : vector<16xf32>
          %add3A_348 = arith.addf %add3A_313, %mul3A_347 : vector<16xf32>
          %exp3A_349 = math.exp %select_n3A_344 : vector<16xf32>
          %sub3A_350 = arith.subf %select_n3A_344, %bitcast3A_329 : vector<16xf32>
          %mul3A_351 = arith.mulf %exp3A_349, %sub3A_350 : vector<16xf32>
          %add3A_352 = arith.addf %add3A_317, %mul3A_351 : vector<16xf32>
          %get3A_353 = arith.index_cast %scan3A_183 : i32 to index
          %get3A_354 = arith.constant 80 : index
          %get3A_355 = tpu.vector_load %arg15[%get3A_353, %get3A_354] {strides = array<i32>} : memref<8x128xi32, #tpu.memory_space<vmem>>, vector<16xi32>,
          %gather3A_356 = tpu.vector_load_idx %arg7[%get3A_355] : memref<100000xi32, #tpu.memory_space<vmem>>[vector<16xi32>], vector<16xi32>,
          %shift_left3A_357 = arith.constant 16 : i32
          %shift_left3A_358 = vector.broadcast %shift_left3A_357 : i32 to vector<16xi32>
          %shift_left3A_359 = arith.shli %gather3A_356, %shift_left3A_358 : vector<16xi32>
          %bitcast3A_360 = vector.bitcast %shift_left3A_359 : vector<16xi32> to vector<16xf32>
          %and3A_361 = arith.constant -65536 : i32
          %and3A_362 = vector.broadcast %and3A_361 : i32 to vector<16xi32>
          %and3A_363 = arith.andi %gather3A_356, %and3A_362 : vector<16xi32>
          %bitcast3A_364 = vector.bitcast %and3A_363 : vector<16xi32> to vector<16xf32>
          %add3A_365 = arith.constant 80 : i32
          %add3A_366 = arith.addi %mul3A_187, %add3A_365 : i32
          %get3A_367 = arith.index_cast %add3A_366 : i32 to index
          %get3A_368 = tpu.vector_load %arg19[%get3A_367] {strides = array<i32>} : memref<2048xf32, #tpu.memory_space<vmem>>, vector<16xf32>,
          %add3A_369 = arith.constant 128 : i32
          %add3A_370 = arith.addi %mul3A_187, %add3A_369 : i32
          %add3A_371 = arith.constant 80 : i32
          %add3A_372 = arith.addi %add3A_370, %add3A_371 : i32
          %get3A_373 = arith.index_cast %add3A_372 : i32 to index
          %get3A_374 = tpu.vector_load %arg19[%get3A_373] {strides = array<i32>} : memref<2048xf32, #tpu.memory_space<vmem>>, vector<16xf32>,
          %le3A_375 = arith.cmpf ole, %get3A_374, %get3A_368 : vector<16xf32>
          %gt3A_376 = arith.cmpf ogt, %bitcast3A_364, %bitcast3A_360 : vector<16xf32>
          %and3A_377 = arith.andi %le3A_375, %gt3A_376 : vector<16xi1>
          %select_n3A_378 = arith.select %and3A_377, %get3A_374, %get3A_368 : vector<16xi1>, vector<16xf32>
          %select_n3A_379 = arith.select %and3A_377, %get3A_368, %get3A_374 : vector<16xi1>, vector<16xf32>
          %exp3A_380 = math.exp %select_n3A_378 : vector<16xf32>
          %sub3A_381 = arith.subf %select_n3A_378, %bitcast3A_360 : vector<16xf32>
          %mul3A_382 = arith.mulf %exp3A_380, %sub3A_381 : vector<16xf32>
          %add3A_383 = arith.addf %add3A_348, %mul3A_382 : vector<16xf32>
          %exp3A_384 = math.exp %select_n3A_379 : vector<16xf32>
          %sub3A_385 = arith.subf %select_n3A_379, %bitcast3A_364 : vector<16xf32>
          %mul3A_386 = arith.mulf %exp3A_384, %sub3A_385 : vector<16xf32>
          %add3A_387 = arith.addf %add3A_352, %mul3A_386 : vector<16xf32>
          %get3A_388 = arith.index_cast %scan3A_183 : i32 to index
          %get3A_389 = arith.constant 96 : index
          %get3A_390 = tpu.vector_load %arg15[%get3A_388, %get3A_389] {strides = array<i32>} : memref<8x128xi32, #tpu.memory_space<vmem>>, vector<16xi32>,
          %gather3A_391 = tpu.vector_load_idx %arg7[%get3A_390] : memref<100000xi32, #tpu.memory_space<vmem>>[vector<16xi32>], vector<16xi32>,
          %shift_left3A_392 = arith.constant 16 : i32
          %shift_left3A_393 = vector.broadcast %shift_left3A_392 : i32 to vector<16xi32>
          %shift_left3A_394 = arith.shli %gather3A_391, %shift_left3A_393 : vector<16xi32>
          %bitcast3A_395 = vector.bitcast %shift_left3A_394 : vector<16xi32> to vector<16xf32>
          %and3A_396 = arith.constant -65536 : i32
          %and3A_397 = vector.broadcast %and3A_396 : i32 to vector<16xi32>
          %and3A_398 = arith.andi %gather3A_391, %and3A_397 : vector<16xi32>
          %bitcast3A_399 = vector.bitcast %and3A_398 : vector<16xi32> to vector<16xf32>
          %add3A_400 = arith.constant 96 : i32
          %add3A_401 = arith.addi %mul3A_187, %add3A_400 : i32
          %get3A_402 = arith.index_cast %add3A_401 : i32 to index
          %get3A_403 = tpu.vector_load %arg19[%get3A_402] {strides = array<i32>} : memref<2048xf32, #tpu.memory_space<vmem>>, vector<16xf32>,
          %add3A_404 = arith.constant 128 : i32
          %add3A_405 = arith.addi %mul3A_187, %add3A_404 : i32
          %add3A_406 = arith.constant 96 : i32
          %add3A_407 = arith.addi %add3A_405, %add3A_406 : i32
          %get3A_408 = arith.index_cast %add3A_407 : i32 to index
          %get3A_409 = tpu.vector_load %arg19[%get3A_408] {strides = array<i32>} : memref<2048xf32, #tpu.memory_space<vmem>>, vector<16xf32>,
          %le3A_410 = arith.cmpf ole, %get3A_409, %get3A_403 : vector<16xf32>
          %gt3A_411 = arith.cmpf ogt, %bitcast3A_399, %bitcast3A_395 : vector<16xf32>
          %and3A_412 = arith.andi %le3A_410, %gt3A_411 : vector<16xi1>
          %select_n3A_413 = arith.select %and3A_412, %get3A_409, %get3A_403 : vector<16xi1>, vector<16xf32>
          %select_n3A_414 = arith.select %and3A_412, %get3A_403, %get3A_409 : vector<16xi1>, vector<16xf32>
          %exp3A_415 = math.exp %select_n3A_413 : vector<16xf32>
          %sub3A_416 = arith.subf %select_n3A_413, %bitcast3A_395 : vector<16xf32>
          %mul3A_417 = arith.mulf %exp3A_415, %sub3A_416 : vector<16xf32>
          %add3A_418 = arith.addf %add3A_383, %mul3A_417 : vector<16xf32>
          %exp3A_419 = math.exp %select_n3A_414 : vector<16xf32>
          %sub3A_420 = arith.subf %select_n3A_414, %bitcast3A_399 : vector<16xf32>
          %mul3A_421 = arith.mulf %exp3A_419, %sub3A_420 : vector<16xf32>
          %add3A_422 = arith.addf %add3A_387, %mul3A_421 : vector<16xf32>
          %get3A_423 = arith.index_cast %scan3A_183 : i32 to index
          %get3A_424 = arith.constant 112 : index
          %get3A_425 = tpu.vector_load %arg15[%get3A_423, %get3A_424] {strides = array<i32>} : memref<8x128xi32, #tpu.memory_space<vmem>>, vector<16xi32>,
          %gather3A_426 = tpu.vector_load_idx %arg7[%get3A_425] : memref<100000xi32, #tpu.memory_space<vmem>>[vector<16xi32>], vector<16xi32>,
          %shift_left3A_427 = arith.constant 16 : i32
          %shift_left3A_428 = vector.broadcast %shift_left3A_427 : i32 to vector<16xi32>
          %shift_left3A_429 = arith.shli %gather3A_426, %shift_left3A_428 : vector<16xi32>
          %bitcast3A_430 = vector.bitcast %shift_left3A_429 : vector<16xi32> to vector<16xf32>
          %and3A_431 = arith.constant -65536 : i32
          %and3A_432 = vector.broadcast %and3A_431 : i32 to vector<16xi32>
          %and3A_433 = arith.andi %gather3A_426, %and3A_432 : vector<16xi32>
          %bitcast3A_434 = vector.bitcast %and3A_433 : vector<16xi32> to vector<16xf32>
          %add3A_435 = arith.constant 112 : i32
          %add3A_436 = arith.addi %mul3A_187, %add3A_435 : i32
          %get3A_437 = arith.index_cast %add3A_436 : i32 to index
          %get3A_438 = tpu.vector_load %arg19[%get3A_437] {strides = array<i32>} : memref<2048xf32, #tpu.memory_space<vmem>>, vector<16xf32>,
          %add3A_439 = arith.constant 128 : i32
          %add3A_440 = arith.addi %mul3A_187, %add3A_439 : i32
          %add3A_441 = arith.constant 112 : i32
          %add3A_442 = arith.addi %add3A_440, %add3A_441 : i32
          %get3A_443 = arith.index_cast %add3A_442 : i32 to index
          %get3A_444 = tpu.vector_load %arg19[%get3A_443] {strides = array<i32>} : memref<2048xf32, #tpu.memory_space<vmem>>, vector<16xf32>,
          %le3A_445 = arith.cmpf ole, %get3A_444, %get3A_438 : vector<16xf32>
          %gt3A_446 = arith.cmpf ogt, %bitcast3A_434, %bitcast3A_430 : vector<16xf32>
          %and3A_447 = arith.andi %le3A_445, %gt3A_446 : vector<16xi1>
          %select_n3A_448 = arith.select %and3A_447, %get3A_444, %get3A_438 : vector<16xi1>, vector<16xf32>
          %select_n3A_449 = arith.select %and3A_447, %get3A_438, %get3A_444 : vector<16xi1>, vector<16xf32>
          %exp3A_450 = math.exp %select_n3A_448 : vector<16xf32>
          %sub3A_451 = arith.subf %select_n3A_448, %bitcast3A_430 : vector<16xf32>
          %mul3A_452 = arith.mulf %exp3A_450, %sub3A_451 : vector<16xf32>
          %add3A_453 = arith.addf %add3A_418, %mul3A_452 : vector<16xf32>
          %exp3A_454 = math.exp %select_n3A_449 : vector<16xf32>
          %sub3A_455 = arith.subf %select_n3A_449, %bitcast3A_434 : vector<16xf32>
          %mul3A_456 = arith.mulf %exp3A_454, %sub3A_455 : vector<16xf32>
          %add3A_457 = arith.addf %add3A_422, %mul3A_456 : vector<16xf32>
          scf.yield %add3A_453, %add3A_457 : vector<16xf32>, vector<16xf32>
        }
        %scan3A_182 = arith.constant 8 : i32
        scf.yield %scan3A_181#0, %scan3A_181#1 : vector<16xf32>, vector<16xf32>
      } else {
        scf.yield %cond3A_140#0, %cond3A_140#1 : vector<16xf32>, vector<16xf32>
      }
      %add3A_167 = arith.constant 4 : i32
      %add3A_168 = arith.addi %add3A_154, %add3A_167 : i32
      %mul3A_169 = arith.constant 32 : i32
      %mul3A_170 = arith.muli %add3A_168, %mul3A_169 : i32
      %add3A_171 = arith.addi %add3A, %mul3A_170 : i32
      %lt3A_172 = arith.constant 3125 : i32
      %lt3A_173 = arith.cmpi slt, %add3A_171, %lt3A_172 : i32
      %convert_element_type3A_174 = arith.extui %lt3A_173 : i1 to i32
      %cond3A_175 = arith.constant 0 : i32
      %cond3A_176 = arith.cmpi ne, %convert_element_type3A_174, %cond3A_175 : i32
      scf.if %cond3A_176 {
        %mul3A_177 = arith.constant 16 : i32
        %mul3A_178 = arith.muli %mul3A_177, %add3A_171 : i32
        %mul3A_179 = arith.constant 2 : i32
        %mul3A_180 = vector.broadcast %mul3A_179 : i32 to vector<16xi32>
        %mul3A_181 = arith.muli %mul3A_180, %iota3A : vector<16xi32>
        %add3A_182 = vector.broadcast %mul3A_178 : i32 to vector<16xi32>
        %add3A_183 = arith.addi %add3A_182, %mul3A_181 : vector<16xi32>
        %lt3A_184 = arith.constant 8 : i32
        %lt3A_185 = vector.broadcast %lt3A_184 : i32 to vector<16xi32>
        %lt3A_186 = arith.cmpi slt, %iota3A, %lt3A_185 : vector<16xi32>
        tpu.vector_store_idx %arg23[%iota3A], %add3A_183 masked %lt3A_186 : memref<8xi32, #tpu.memory_space<vmem>>[vector<16xi32>], vector<16xi32>, vector<16xi1>
        %dma_start3A_187 = arith.constant 0 : i32
        %dma_start3A_188 = arith.constant 0 : i32
        %dma_start3A_189 = tpu.memref_slice %arg5[%dma_start3A_187, %dma_start3A_188] : memref<50000x128xi32, #tpu.memory_space<hbm>> -> memref<50000x128xi32, #tpu.memory_space<hbm>>
        tpu.enqueue_indirect_dma source(%dma_start3A_189 : memref<50000x128xi32, #tpu.memory_space<hbm>>) target(%arg15 : memref<8x128xi32, #tpu.memory_space<vmem>>) offsets(%arg23 : memref<8xi32, #tpu.memory_space<vmem>>) semaphore(%arg29 : memref<!tpu.dma_semaphore, #tpu.memory_space<semaphore_mem>>)
        %mul3A_190 = arith.constant 2048 : i32
        %mul3A_191 = arith.muli %add3A_171, %mul3A_190 : i32
        %dma_start3A_192 = tpu.memref_slice %arg4[%mul3A_191] : memref<6400000xf32, #tpu.memory_space<hbm>> -> memref<2048xf32, #tpu.memory_space<hbm>>
        %dma_start3A_193 = tpu.memref_slice %arg4[%mul3A_191] : memref<6400000xf32, #tpu.memory_space<hbm>> -> memref<2048xf32, #tpu.memory_space<hbm>>
        tpu.enqueue_dma source(%dma_start3A_193 : memref<2048xf32, #tpu.memory_space<hbm>>) target(%arg19 : memref<2048xf32, #tpu.memory_space<vmem>>) target_semaphore(%arg33 : memref<!tpu.dma_semaphore, #tpu.memory_space<semaphore_mem>>)
      } else {
      }
      scf.yield %cond3A_166#0, %cond3A_166#1 : vector<16xf32>, vector<16xf32>
    }
    %scan3A_67 = arith.constant 25 : i32
    %add3A_68 = arith.addf %scan3A_66#0, %scan3A_66#1 : vector<16xf32>
    %swap3A = arith.constant 0 : index
    %swap3A_69 = tpu.vector_load %arg24[%swap3A] {strides = array<i32>} : memref<16xf32, #tpu.memory_space<vmem>>, vector<16xf32>,
    tpu.vector_store %arg24[%swap3A], %add3A_68 {strides = array<i32>} : memref<16xf32, #tpu.memory_space<vmem>>, vector<16xf32>,
    "tpu.region"() ({
      %run_scoped3A = tpu.sem_alloc : memref<!tpu.dma_semaphore, #tpu.memory_space<semaphore_mem>>
      %dma_start3A_70 = arith.constant 0 : i32
      %dma_start3A_71 = tpu.memref_slice %arg6[%add3A, %dma_start3A_70] : memref<32x16xf32, #tpu.memory_space<hbm>> -> memref<1x16xf32, #tpu.memory_space<hbm>>
      %dma_start3A_72 = tpu.memref_squeeze %dma_start3A_71 : memref<1x16xf32, #tpu.memory_space<hbm>> -> memref<16xf32, #tpu.memory_space<hbm>>
      %dma_start3A_73 = arith.constant 0 : i32
      %dma_start3A_74 = tpu.memref_slice %arg6[%add3A, %dma_start3A_73] : memref<32x16xf32, #tpu.memory_space<hbm>> -> memref<1x16xf32, #tpu.memory_space<hbm>>
      %dma_start3A_75 = tpu.memref_squeeze %dma_start3A_74 : memref<1x16xf32, #tpu.memory_space<hbm>> -> memref<16xf32, #tpu.memory_space<hbm>>
      tpu.enqueue_dma source(%arg24 : memref<16xf32, #tpu.memory_space<vmem>>) target(%dma_start3A_75 : memref<16xf32, #tpu.memory_space<hbm>>) target_semaphore(%run_scoped3A : memref<!tpu.dma_semaphore, #tpu.memory_space<semaphore_mem>>)
      %dma_wait3A = arith.constant 0 : i32
      %dma_wait3A_76 = tpu.memref_slice %arg6[%add3A, %dma_wait3A] : memref<32x16xf32, #tpu.memory_space<hbm>> -> memref<1x16xf32, #tpu.memory_space<hbm>>
      %dma_wait3A_77 = tpu.memref_squeeze %dma_wait3A_76 : memref<1x16xf32, #tpu.memory_space<hbm>> -> memref<16xf32, #tpu.memory_space<hbm>>
      %dma_wait3A_78 = arith.constant 0 : i32
      %dma_wait3A_79 = tpu.memref_slice %arg6[%add3A, %dma_wait3A_78] : memref<32x16xf32, #tpu.memory_space<hbm>> -> memref<1x16xf32, #tpu.memory_space<hbm>>
      %dma_wait3A_80 = tpu.memref_squeeze %dma_wait3A_79 : memref<1x16xf32, #tpu.memory_space<hbm>> -> memref<16xf32, #tpu.memory_space<hbm>>
      tpu.wait_dma2 semaphore(%run_scoped3A : memref<!tpu.dma_semaphore, #tpu.memory_space<semaphore_mem>>) src(%arg24 : memref<16xf32, #tpu.memory_space<vmem>>) dst(%dma_wait3A_80 : memref<16xf32, #tpu.memory_space<hbm>>)
      tpu.yield
    }) : () -> ()
    return
  }
}

</mosaic_0001>

<sc_bundles>
// kernel: kernel.3.cloned.1.call-start
scs
__scs_entry_jumppad:
0x0: {  	(pc) =	sbr.rel $0x88, $3  }
0x1: {  	(tag) =	ssettag $0x0;
	lr =	simm.s32 $0x1  }
0x2: {  	[smem:$0x3F9E] =	sst lr;
	_ =	strace $0xD0000000  }
0x3: {  	_ = 	snop  }
0x4: {  	_ = 	snop  }
0x5: {  	_ = 	snop  }
0x6: {  	_ = 	snop  }
0x7: {  	_ = 	snop  }
__scs_overlays_trampoline_lowered:
0x8: {  	[smem:$0x3FAD] =	sst s0  }
0x9: {  	[smem:$0x3FAE] =	sst s1  }
0xa: {  	[smem:$0x3FAF] =	sst s2  }
0xb: {  	[smem:$0x3FB0] =	sst s3  }
0xc: {  	[smem:$0x3FB1] =	sst s4  }
0xd: {  	[smem:$0x3FB2] =	sst s5  }
0xe: {  	[smem:$0x3FB3] =	sst s6  }
0xf: {  	[smem:$0x3FB4] =	sst s7  }
0x10: {  	[smem:$0x3FB5] =	sst s8  }
0x11: {  	[smem:$0x3FB6] =	sst s9;
	s0 =	simm.s32 @!p0 $0x0  }
0x12: {  	s1 =	sld [smem:$0x3F9C];
	s0 =	simm.s32 @p0 $0x1  }
0x13: {  	[smem:$0x3FB7] =	sst s0;
	s0 =	simm.s32 @!p1 $0x0  }
0x14: {  	s2 =	sld [smem:$0x3F9B];
	s0 =	simm.s32 @p1 $0x1  }
0x15: {  	[smem:$0x3FB8] =	sst s0;
	s0 =	simm.s32 @!p2 $0x0  }
0x16: {  	s3 =	sld [smem:$0x3FDB];
	s0 =	simm.s32 @p2 $0x1  }
0x17: {  	s4 =	simm.s32 $0x1BF5;
	[smem:$0x3FBA] =	sst s0  }
0x18: {  	s0 =	sld [smem:$0x3F9D];
	_ =	swait.ge [sflag:s4], $0x0  }
0x19: {  	s7 =	sld [smem:$0x3F9E]  }
0x1a: {  	s8 =	sadd.s32 $0xFFFFE003, lr  }
0x1b: {  	s9 =	sadd.s32 $0xFFFFFEF7, lr;
	s5 =	simm.s32 $0xFFFFFFFF;
	p2 =	slt.u32 s8, $0xFFFFF086  }
0x1c: {  	p1 =	slt.u32 s9, $0xF7A;
	s5 =	simm.s32 @!p2 $0x0  }
0x1d: {  	s5 =	simm.s32 @p1 $0x1;
	p0 =	seq.s32 s7, s2  }
0x1e: {  	s7 =	smul.u32 @!p0 $0xF7A, s2;
	p2 =	seq.s32 @!p0 s5, $0x0  }
0x1f: {  	s9 =	smul.u32 $0xF7A, s1;
	s8 =	simm.s32 @!p0 $0x1BF5;
	p2 =	por !p2, p0  }
0x20: {  	[sflag:s8] =	ssyncset.s32 @!p0 $0xFFFFF086;
	s6 =	sadd.s32 @!p0 s3, s7;
	s7 =	simm.s32 @!p0 $0x108  }
0x21: {  	s3 =	sadd.s32 s3, s9;
	s6 =	sadd.s32 @!p0 $0x88, s6;
	s7 =	simm.s32 @p2 $0x1082  }
0x22: {  	[simem:s7], [sflag:s8] =	dma.local @!p0 [hbm:s6], $0xF7A  }
0x23: {  	s9 =	sor.u32 $0xD0000000, s2;
	s6 =	simm.s32 $0x108;
	_ =	swait.ge @!p0 [sflag:s8], $0x0  }
0x24: {  	s3 =	sadd.s32 $0x88, s3;
	s6 =	simm.s32 @!p1 $0x1082;
	[sflag:s4] =	ssyncset.s32 $0xFFFFF086  }
0x25: {  	[simem:s6], [sflag:s4] =	dma.local [hbm:s3], $0xF7A  }
0x26: {  	[smem:$0x3F9E] =	sst s1;
	(tag) =	ssettag s2;
	_ =	strace s9  }
0x27: {  	s1 =	sld [smem:$0x3FAE]  }
0x28: {  	s2 =	sld [smem:$0x3FAF]  }
0x29: {  	s4 =	sld [smem:$0x3FB1]  }
0x2a: {  	p0 =	seq.s32 s5, $0x0;
	s5 =	sld [smem:$0x3FB2]  }
0x2b: {  	s6 =	sld [smem:$0x3FB3]  }
0x2c: {  	s7 =	sld [smem:$0x3FB4]  }
0x2d: {  	s3 =	simm.s32 $0x108;
	s8 =	sld [smem:$0x3FB5]  }
0x2e: {  	s3 =	simm.s32 @!p0 $0x1082;
	s9 =	sld [smem:$0x3FB6]  }
0x2f: {  	lr =	sadd.s32 s0, s3;
	s0 =	sld [smem:$0x3FAD]  }
0x30: {  	s3 =	sld [smem:$0x3FB0]  }
0x31: {  	[smem:$0x3FB9] =	sst s10  }
0x32: {  	s10 =	sld [smem:$0x3FB7];
	_ =	sdelay $0x3  }
0x33: {  	p0 =	seq.s32 s10, $0x1;
	s10 =	sld [smem:$0x3FB9];
	_ =	sdelay $0x3  }
0x34: {  	[smem:$0x3FB9] =	sst s10  }
0x35: {  	s10 =	sld [smem:$0x3FB8];
	_ =	sdelay $0x3  }
0x36: {  	p1 =	seq.s32 s10, $0x1;
	s10 =	sld [smem:$0x3FB9];
	_ =	sdelay $0x3  }
0x37: {  	[smem:$0x3FB9] =	sst s10  }
0x38: {  	s10 =	sld [smem:$0x3FBA]  }
0x39: {  	_ = 	snop;
	(pc) =	sbr.ind lr, $3  }
0x3a: {  	_ = 	snop  }
0x3b: {  	_ = 	snop  }
0x3c: {  	p2 =	seq.s32 s10, $0x1;
	s10 =	sld [smem:$0x3FB9]  }
0x3d: {  	_ =	shalt  }
0x3e: {  	_ =	shalt  }
0x3f: {  	_ =	shalt  }
0x40: {  	_ =	shalt  }
0x41: {  	_ =	shalt  }
0x42: {  	_ =	shalt  }
0x43: {  	_ =	shalt  }
0x44: {  	_ =	shalt  }
0x45: {  	_ =	shalt  }
0x46: {  	_ =	shalt  }
0x47: {  	_ =	shalt  }
0x48: {  	_ =	shalt  }
0x49: {  	_ =	shalt  }
0x4a: {  	_ =	shalt  }
0x4b: {  	_ =	shalt  }
0x4c: {  	_ =	shalt  }
0x4d: {  	_ =	shalt  }
0x4e: {  	_ =	shalt  }
0x4f: {  	_ =	shalt  }
0x50: {  	_ =	shalt  }
0x51: {  	_ =	shalt  }
0x52: {  	_ =	shalt  }
0x53: {  	_ =	shalt  }
0x54: {  	_ =	shalt  }
0x55: {  	_ =	shalt  }
0x56: {  	_ =	shalt  }
0x57: {  	_ =	shalt  }
0x58: {  	_ =	shalt  }
0x59: {  	_ =	shalt  }
0x5a: {  	_ =	shalt  }
0x5b: {  	_ =	shalt  }
0x5c: {  	_ =	shalt  }
0x5d: {  	_ =	shalt  }
0x5e: {  	_ =	shalt  }
0x5f: {  	_ =	shalt  }
0x60: {  	_ =	shalt  }
0x61: {  	_ =	shalt  }
0x62: {  	_ =	shalt  }
0x63: {  	_ =	shalt  }
0x64: {  	_ =	shalt  }
0x65: {  	_ =	shalt  }
0x66: {  	_ =	shalt  }
0x67: {  	_ =	shalt  }
0x68: {  	_ =	shalt  }
0x69: {  	_ =	shalt  }
0x6a: {  	_ =	shalt  }
0x6b: {  	_ =	shalt  }
0x6c: {  	_ =	shalt  }
0x6d: {  	_ =	shalt  }
0x6e: {  	_ =	shalt  }
0x6f: {  	_ =	shalt  }
0x70: {  	_ =	shalt  }
0x71: {  	_ =	shalt  }
0x72: {  	_ =	shalt  }
0x73: {  	_ =	shalt  }
0x74: {  	_ =	shalt  }
0x75: {  	_ =	shalt  }
0x76: {  	_ =	shalt  }
0x77: {  	_ =	shalt  }
0x78: {  	_ =	shalt  }
0x79: {  	_ =	shalt  }
0x7a: {  	_ =	shalt  }
0x7b: {  	_ =	shalt  }
0x7c: {  	_ =	shalt  }
0x7d: {  	_ =	shalt  }
0x7e: {  	_ =	shalt  }
0x7f: {  	_ =	shalt  }
0x80: {  	_ =	shalt  }
0x81: {  	_ =	shalt  }
0x82: {  	_ =	shalt  }
0x83: {  	_ =	shalt  }
0x84: {  	_ =	shalt  }
0x85: {  	_ =	shalt  }
0x86: {  	_ =	shalt  }
0x87: {  	_ =	shalt  }
.Lfunc_end0:
.L_simem_size_0:
called_computation_lowered:
.L_overlay_start_0:
0x88: {  	s2 =	sld [smem:$0x3FD9]  }
0x89: {  	s3 =	sld [smem:$0x3FFE];
	_ =	sdelay $0x1  }
0x8a: {  	s1 =	srdreg.scid  }
0x8b: {  	s0 =	sand.u32 $0x1, s1  }
0x8c: {  	s17 =	sshll.u32 s0, $0xA;
	s2 =	sadd.s32 s3, s2  }
0x8d: {  	s2 =	sadd.s32 s2, s17  }
0x8e: {  	[smem:$0x3FC5] =	sst s2  }
0x8f: {  	_ = 	snop  }
0x90: {  	s2 =	sld [smem:$0x3FC8]  }
0x91: {  	s18 =	sld [smem:$0x3FC7]  }
0x92: {  	s4 =	sld [smem:$0x3FD0];
	(tm) =	ssettm $0x1  }
0x93: {  	s5 =	sld [smem:$0x3FFB];
	_ =	sdelay $0x3  }
0x94: {  	_ =	strace s5  }
0x95: {  	s5 =	sld [smem:$0x3FFC];
	_ =	sdelay $0x3  }
0x96: {  	_ =	strace s5  }
0x97: {  	s5 =	sld [smem:$0x3FFD];
	_ =	sdelay $0x3  }
0x98: {  	_ =	strace s5  }
0x99: {  	_ =	strace $0x8FFFFFFF  }
0x9a: {  	s19 =	sld [smem:$0x3FDB];
	_ =	sdelay $0x1  }
0x9b: {  	s6 =	simm.s32 $_scs_section_size  }
0x9c: {  	s7 =	simm.s32 $_size__tile_overlayer_lowered;
	s8 =	simm.s32 $_tile_overlayer_lowered  }
0x9d: {  	s22 =	simm.s32 $0x1BFF;
	s21 =	sshll.u32 s8, $0x1;
	s5 =	sadd.s32 s6, s19  }
0x9e: {  	s9 =	simm.s32 $0x0;
	s20 =	sshll.u32 s7, $0x1;
	s7 =	sadd.s32 s21, s5  }
0x9f: {  	[timem:s9], [sflag:s22] =	dma.local [hbm:s7], s20  }
0xa0: {  	_ =	swait.ge [sflag:s22], s20  }
0xa1: {  	s6 =	ssub.s32 $0x0, s20;
	[sflag:s22] =	ssyncset.done $0x0  }
0xa2: {  	[sflag:s22] =	ssyncadd.s32 s6;
	_ =	sdelay $0x1  }
0xa3: {  	s23 =	simm.s32 $0x1B8B  }
0xa4: {  	_ =	swait.ge [sflag:s23], $0x1  }
0xa5: {  	[sflag:s23] =	ssyncset.done $0x0  }
0xa6: {  	s25 =	simm.s32 $0x1B8E;
	s24 =	sld [smem:$0x3FFE];
	[sflag:s23] =	ssyncadd.s32 $0xFFFFFFFF  }
0xa7: {  	s26 =	simm.s32 $execute0_lowered;
	[smem:$0x3FD2] =	sst s25  }
0xa8: {  	s7 =	sshll.u32 s26, $0x1;
	_ =	strace $0x80000046;
	[dreg:$0x1] =	wrdreg $0xFFFFFFFF  }
0xa9: {  	s28 =	simm.s32 $_size_execute0_lowered;
	s5 =	sadd.s32 s5, s7;
	[dreg:$0x0] =	wrdreg $0x0  }
0xaa: {  	s7 =	sshll.u32 s28, $0x1;
	[dreg:$0x2] =	wrdreg s5  }
0xab: {  	[dreg:$0x3] =	wrdreg s7  }
0xac: {  	[dreg:$0x4] =	wrdreg $0xC0  }
0xad: {  	_ =	task [dreg:s9], $0x5FFFF  }
0xae: {  	[dreg:$0x1] =	wrdreg $0xFFFFFFFF  }
0xaf: {  	[dreg:$0x0] =	wrdreg $0x60  }
0xb0: {  	[dreg:$0x2] =	wrdreg s24  }
0xb1: {  	[dreg:$0x3] =	wrdreg s4  }
0xb2: {  	[dreg:$0x4] =	wrdreg s2  }
0xb3: {  	[dreg:$0x5] =	wrdreg s18  }
0xb4: {  	[dreg:$0x6] =	wrdreg $0x1D3000  }
0xb5: {  	[dreg:$0x7] =	wrdreg $0x9  }
0xb6: {  	_ =	task.clear_ibuf [dreg:s9], $0x8FFFF;
	_ =	strace $0x90000046  }
0xb7: {  	s29 =	simm.s32 $0x9;
	_ =	strace $0x80000048  }
0xb8: {  	_ =	swait.ge [sflag:s29], $0x1  }
0xb9: {  	[sflag:s29] =	ssyncadd.s32 $0xFFFFFFFF  }
0xba: {  	_ =	strace $0x90000048  }
0xbb: {  	_ =	sfence  }
0xbc: {  	s30 =	sld [smem:$0x0];
	_ =	sdelay $0x2  }
0xbd: {  	s31 =	sshll.u32 s1, $0xD;
	s1 =	sshrl.u32 s1, $0x2  }
0xbe: {  	s3 =	sand.u32 $0x4000, s31;
	s1 =	sadd.s32 s1, s30  }
0xbf: {  	s0 =	sor.u32 s3, s0;
	s1 =	sshll.u32 s1, $0x11  }
0xc0: {  	s0 =	sor.u32 s1, s0  }
0xc1: {  	s0 =	sadd.s32 $0x8F2B, s0  }
0xc2: {  	[sflag:s0] =	ssyncadd.remote.s32 $0x1  }
0xc3: {  	_ =	sfence.sel $0xFFFF  }
0xc4: {  	[dreg:$0x0] =	wrdreg $0xFFFFFFFF;
	(pc) =	sbr.abs _section_cstart, $3  }
0xc5: {  	[dreg:$0x1] =	wrdreg $0xFFFFFFFF  }
0xc6: {  	_ =	task.clear_ibuf [dreg:s9], $0x2FFFF;
	_ =	strace $0x9FFFFFFF  }
0xc7: {  	(tm) =	ssettm $0x7FFFFFFF  }
tec
execute0_lowered:
.L_overlay_start_1:
0x0: {  	(tag) =	ssettag $0x1  }
0x1: {  	s0 =	rddreg [dreg:$0x0]  }
0x2: {  	s2 =	rddreg [dreg:$0x2]  }
0x3: {  	s4 =	rddreg [dreg:$0x3]  }
0x4: {  	s24 =	rddreg [dreg:$0x4];
	s1 =	srdreg.scid  }
0x5: {  	s15 =	stileid.u32;
	s6 =	simm.s32 $0x0;
	s31 =	simm.s32 $0x9  }
0x6: {  	s1 =	sand.u32 $0x1, s1;
	s3 =	sshll.u32 s15, $0x1;
	[smem:$0x7FF] =	sst s6  }
0x7: {  	s8 =	sadd.s32 $0x200, s0;
	s21 =	sor.u32 $0x300, s15;
	s22 =	sadd.s32 $0x380, s0  }
0x8: {  	s14 =	sadd.s32 $0x680, s0;
	s29 =	smul.u32 $0x6000, s15;
	p0 =	sgt.u32 s15, $0xC  }
0x9: {  	p1 =	sne.s32 s15, $0xF;
	s7 =	sor.u32 s1, s3;
	_ =	strace $0x80000047  }
0xa: {  	s1 =	ssub.s32 $0x2, s1;
	[dreg:$0xb] =	wrdreg s22;
	s23 =	sshll.u32 s21, $0x5  }
0xb: {  	s3 =	sshll.u32 s7, $0x4;
	s5 =	sshrl.u32 s1, $0x1;
	s10 =	sshll.u32 s7, $0x8  }
0xc: {  	s11 =	sor.u32 $0x20, s7;
	s18 =	sor.u32 $0x40, s7;
	s19 =	sor.u32 $0x60, s7  }
0xd: {  	s26 =	sadd.s32 s8, s23;
	s22 =	ssub.s32 $0xBF5, s7;
	s23 =	ssub.s32 $0xBD5, s7  }
0xe: {  	v0 =	vlaneseq.u32;
	s9 =	sadd.s32 s3, s0;
	s1 =	ssub.s32 s1, s5;
	s16 =	sadd.s32 s2, s10  }
0xf: {  	v4 =	vmul.u32 $0x2, v0;
	s17 =	sshll.u32 s11, $0x8;
	s5 =	sshll.u32 s11, $0x4;
	s12 =	sshll.u32 s18, $0x4  }
0x10: {  	s13 =	sshll.u32 s19, $0x8;
	[dreg:$0xc] =	wrdreg s26;
	s0 =	sshrl.u32 s29, $0x2  }
0x11: {  	v1 =	vadd.s32 s3, v4;
	s3 =	simm.s32 $0x4;
	[dreg:$0x6] =	wrdreg s16;
	s10 =	sadd.s32 s2, s17  }
0x12: {  	s16 =	sshll.u32 s19, $0x4;
	s20 =	sadd.s32 s2, s13;
	s17 =	sor.u32 $0x80, s7  }
0x13: {  	s19 =	sor.u32 $0xC0, s7;
	s11 =	sadd.s32 $0x6400, s9;
	s1 =	smax.u32 s1, $0x1  }
0x14: {  	s26 =	sor.u32 $0x40, s0;
	s28 =	sor.u32 $0x600, s0;
	[dreg:$0x7] =	wrdreg s10  }
0x15: {  	s13 =	smul.u32 $0x1800, s15;
	s9 =	simm.s32 $0x2;
	[dreg:$0x9] =	wrdreg s20  }
0x16: {  	v3 =	vadd.s32 s12, v4;
	s12 =	simm.s32 $0x0;
	s10 =	sshll.u32 s18, $0x8;
	[dreg:$0xe] =	wrdreg s11  }
0x17: {  	s18 =	sor.u32 $0xA0, s7;
	s20 =	sor.u32 $0xE0, s7;
	[dreg:$0xf] =	wrdreg s1  }
0x18: {  	s11 =	simm.s32 $0x6;
	s10 =	sadd.s32 s2, s10;
	[dreg:$0x10] =	wrdreg s13  }
0x19: {  	s0 =	sadd.s32 s13, s24;
	[dreg:$0x8] =	wrdreg s10;
	s10 =	smul.u32 $0x600, s15  }
0x1a: {  	[dreg:$0x13] =	wrdreg s0;
	s15 =	simm.s32 $0x8;
	s0 =	simm.s32 $0xA  }
.Ltmp0:
0x1b: {  	s25 =	sadd.s32 s8, s10;
	s8 =	sshll.u32 s21, $0x7;
	(pc) =	sbr.rel .LBB2_1-.Ltmp0, $4  }
0x1c: {  	s21 =	ssub.s32 $0xC15, s7;
	s7 =	simm.s32 $0x1;
	[dreg:$0xa] =	wrdreg s25  }
0x1d: {  	s30 =	sadd.s32 $0x300, s25;
	s25 =	sadd.s32 $0x18680, s24;
	[dreg:$0xd] =	wrdreg s8  }
0x1e: {  	s29 =	sadd.s32 s8, s24;
	s8 =	simm.s32 $0x5;
	[dreg:$0x11] =	wrdreg s25  }
0x1f: {  	v2 =	vadd.s32 s5, v4;
	v4 =	vadd.s32 s16, v4;
	s24 =	simm.s32 $0x3;
	[dreg:$0x12] =	wrdreg s29;
	s25 =	simm.s32 $0x7  }
.LBB2_26:
0x20: {  	v5 =	vadd.f32 v5, v6;
	_ =	sdelay $0x1  }
0x21: {  	s1 =	rddreg [dreg:$0xe];
	s5 =	simm.s32 $0x1D280;
	s16 =	simm.s32 $0xB;
	[tilespmem:$0x1D280] =	vst v5  }
0x22: {  	[hbm4b:s1+s6] =	stream.linear.scatter [tilespmem:s5], [sflag:$0xB], $0x80, $0x38;
	[tilespmem:$0x1EB70] =	vst v63  }
0x23: {  	_ =	swait.ge [sflag:s16], $0x80  }
0x24: {  	s12 =	rddreg [dreg:$0x14]  }
0x25: {  	s29 =	rddreg [dreg:$0xf];
	s12 =	sadd.s32 $0x1, s12  }
0x26: {  	p2 =	sne.s32 s12, s29  }
.Ltmp1:
0x27: {  	_ = 	snop;
	(pc) =	sbr.rel @!p2 .LBB2_27-.Ltmp1, $3  }
0x28: {  	_ =	sdelay $0x1  }
0x29: {  	[sflag:s16] =	ssyncset.done $0x0  }
0x2a: {  	[sflag:s16] =	ssyncadd.s32 $0xFFFFFF80  }
.LBB2_1:
0x2b: {  	_ =	sdelay $0x2  }
0x2c: {  	s1 =	simm.s32 $0x1D080  }
0x2d: {  	[dreg:$0x14] =	wrdreg s12;
	s5 =	simm.s32 $0x1A080;
	[tilespmem:v0+s1+$0x0] =	vst.idx.msk $0xff, v1  }
0x2e: {  	[tilespmem:s5], [sflag:$0x1] =	stream.indirect.gather [hbm4b:s4+s15], $0x80, s1, s15, $0xb8;
	[tilespmem:$0x1EB70] =	vst v63  }
0x2f: {  	s12 =	rddreg [dreg:$0x6];
	s13 =	simm.s32 $0x1B080;
	s16 =	simm.s32 $0x1D100  }
0x30: {  	[tilespmem:s13], [sflag:$0x5] =	stream.linear.gather [hbm4b:s12+s6], $0x800, $0x38;
	[tilespmem:$0x1EB70] =	vst v63  }
0x31: {  	s29 =	simm.s32 $0x1A480;
	[tilespmem:v0+s16+$0x0] =	vst.idx.msk $0xff, v2  }
0x32: {  	[tilespmem:s29], [sflag:$0x2] =	stream.indirect.gather [hbm4b:s4+s15], $0x80, s16, s15, $0xb8;
	[tilespmem:$0x1EB70] =	vst v63  }
0x33: {  	s12 =	rddreg [dreg:$0x7];
	s13 =	simm.s32 $0x1B880;
	s16 =	simm.s32 $0x1D180  }
0x34: {  	[tilespmem:s13], [sflag:$0x6] =	stream.linear.gather [hbm4b:s12+s6], $0x800, $0x38;
	[tilespmem:$0x1EB70] =	vst v63  }
0x35: {  	s29 =	simm.s32 $0x1A880;
	[tilespmem:v0+s16+$0x0] =	vst.idx.msk $0xff, v3  }
0x36: {  	[tilespmem:s29], [sflag:$0x3] =	stream.indirect.gather [hbm4b:s4+s15], $0x80, s16, s15, $0xb8;
	[tilespmem:$0x1EB70] =	vst v63  }
0x37: {  	s12 =	rddreg [dreg:$0x8];
	s13 =	simm.s32 $0x1C080;
	s16 =	simm.s32 $0x1D200  }
0x38: {  	[tilespmem:s13], [sflag:$0x7] =	stream.linear.gather [hbm4b:s12+s6], $0x800, $0x38;
	[tilespmem:$0x1EB70] =	vst v63  }
0x39: {  	p3 =	por $0x1, $0x1;
	s29 =	simm.s32 $0x1AC80;
	s12 =	rddreg [dreg:$0x9];
	[tilespmem:v0+s16+$0x0] =	vst.idx.msk $0xff, v4  }
0x3a: {  	[tilespmem:s29], [sflag:$0x4] =	stream.indirect.gather [hbm4b:s4+s15], $0x80, s16, s15, $0xb8;
	[tilespmem:$0x1EB70] =	vst v63  }
0x3b: {  	s5 =	simm.s32 $0x0;
	s13 =	simm.s32 $0x1C880;
	s16 =	rddreg [dreg:$0xa]  }
0x3c: {  	[tilespmem:s13], [sflag:$0x8] =	stream.linear.gather [hbm4b:s12+s6], $0x800, $0x38;
	[tilespmem:$0x1EB70] =	vst v63  }
0x3d: {  	s1 =	simm.s32 $0x19300;
	s29 =	simm.s32 $0x18700;
	s12 =	rddreg [dreg:$0xb]  }
0x3e: {  	[tilespmem:s29], [sflag:$0x9] =	stream.linear.gather [hbm4b:s16+s6], $0xC00, $0x38;
	[tilespmem:$0x1EB70] =	vst v63  }
.LBB2_2:
0x3f: {  	s12 =	sadd.s32 s10, s12;
	s13 =	simm.s32 $0x0  }
0x40: {  	[tilespmem:s1], [sflag:$0xA] =	stream.linear.gather [hbm4b:s12+s13], $0xC00, $0x38;
	[tilespmem:$0x1EB70] =	vst v63  }
0x41: {  	_ =	swait.ge [sflag:s31], $0xC00  }
0x42: {  	[sflag:s31] =	ssyncset.done $0x0  }
0x43: {  	s16 =	simm.s32 $0x18780;
	[sflag:s31] =	ssyncadd.s32 $0xFFFFF400  }
0x44: {  	v6 =	vld [tilespmem:s16+$0xFFFFFF80]  }
0x45: {  	v7 =	vld [tilespmem:s16+$0x0];
	_ =	sdelay $0x2  }
0x46: {  	s5 =	sshll.u32 s5, $0x7  }
0x47: {  	s12 =	sand.u32 $0x3FFFFF80, s5  }
0x48: {  	s5 =	sadd.s32 s12, s26;
	v8 =	vshrl.u32 v6, $0x10;
	v9 =	vshrl.u32 v7, $0x10  }
0x49: {  	v5 =	vmov s5;
	v8 =	vand.u32 $0x1, v8;
	v9 =	vand.u32 $0x1, v9  }
0x4a: {  	v6 =	vadd.s32 v8, v6;
	v7 =	vadd.s32 v9, v7  }
0x4b: {  	v6 =	vadd.s32 $0x7FFF, v6;
	v7 =	vadd.s32 $0x7FFF, v7  }
0x4c: {  	v6 =	vshrl.u32 v6, $0x10;
	v7 =	vand.u32 $0xFFFF0000, v7  }
0x4d: {  	s29 =	simm.s32 $0x0;
	v6 =	vor.u32 v6, v7  }
0x4e: {  	[tilespmem:v5+s29+$0xFFFFFFC0 ss:$0x1] =	vst.idx.msk $0xffff, v6  }
0x4f: {  	v6 =	vld [tilespmem:s16+$0xFFFFFF90]  }
0x50: {  	v7 =	vld [tilespmem:s16+$0x10];
	_ =	sdelay $0x4  }
0x51: {  	v8 =	vshrl.u32 v6, $0x10;
	v58 =	vshrl.u32 v7, $0x10  }
0x52: {  	v8 =	vand.u32 $0x1, v8;
	v9 =	vand.u32 $0x1, v58  }
0x53: {  	v6 =	vadd.s32 v8, v6;
	v7 =	vadd.s32 v9, v7  }
0x54: {  	v6 =	vadd.s32 $0x7FFF, v6;
	v7 =	vadd.s32 $0x7FFF, v7  }
0x55: {  	v6 =	vshrl.u32 v6, $0x10;
	v7 =	vand.u32 $0xFFFF0000, v7  }
0x56: {  	v6 =	vor.u32 v6, v7  }
0x57: {  	[tilespmem:v5+s29+$0xFFFFFFD0 ss:$0x1] =	vst.idx.msk $0xffff, v6  }
0x58: {  	v6 =	vld [tilespmem:s16+$0xFFFFFFA0]  }
0x59: {  	v7 =	vld [tilespmem:s16+$0x20];
	_ =	sdelay $0x4  }
0x5a: {  	v8 =	vshrl.u32 v6, $0x10;
	v59 =	vshrl.u32 v7, $0x10  }
0x5b: {  	v8 =	vand.u32 $0x1, v8;
	v9 =	vand.u32 $0x1, v59  }
0x5c: {  	v6 =	vadd.s32 v8, v6;
	v7 =	vadd.s32 v9, v7  }
0x5d: {  	v6 =	vadd.s32 $0x7FFF, v6;
	v7 =	vadd.s32 $0x7FFF, v7  }
0x5e: {  	v6 =	vshrl.u32 v6, $0x10;
	v7 =	vand.u32 $0xFFFF0000, v7  }
0x5f: {  	v6 =	vor.u32 v6, v7  }
0x60: {  	[tilespmem:v5+s29+$0xFFFFFFE0 ss:$0x1] =	vst.idx.msk $0xffff, v6  }
0x61: {  	v6 =	vld [tilespmem:s16+$0xFFFFFFB0]  }
0x62: {  	v7 =	vld [tilespmem:s16+$0x30];
	_ =	sdelay $0x4  }
0x63: {  	v8 =	vshrl.u32 v6, $0x10;
	v60 =	vshrl.u32 v7, $0x10  }
0x64: {  	v8 =	vand.u32 $0x1, v8;
	v9 =	vand.u32 $0x1, v60  }
0x65: {  	v6 =	vadd.s32 v8, v6;
	v7 =	vadd.s32 v9, v7  }
0x66: {  	v6 =	vadd.s32 $0x7FFF, v6;
	v7 =	vadd.s32 $0x7FFF, v7  }
0x67: {  	v6 =	vshrl.u32 v6, $0x10;
	v7 =	vand.u32 $0xFFFF0000, v7  }
0x68: {  	v6 =	vor.u32 v6, v7  }
0x69: {  	[tilespmem:v5+s29+$0xFFFFFFF0 ss:$0x1] =	vst.idx.msk $0xffff, v6  }
0x6a: {  	v6 =	vld [tilespmem:s16+$0xFFFFFFC0]  }
0x6b: {  	v7 =	vld [tilespmem:s16+$0x40];
	_ =	sdelay $0x4  }
0x6c: {  	v8 =	vshrl.u32 v6, $0x10;
	v61 =	vshrl.u32 v7, $0x10  }
0x6d: {  	v8 =	vand.u32 $0x1, v8;
	v9 =	vand.u32 $0x1, v61  }
0x6e: {  	v6 =	vadd.s32 v8, v6;
	v7 =	vadd.s32 v9, v7  }
0x6f: {  	v6 =	vadd.s32 $0x7FFF, v6;
	v7 =	vadd.s32 $0x7FFF, v7  }
0x70: {  	v6 =	vshrl.u32 v6, $0x10;
	v7 =	vand.u32 $0xFFFF0000, v7  }
0x71: {  	v6 =	vor.u32 v6, v7  }
0x72: {  	[tilespmem:v5+s29+$0x0 ss:$0x1] =	vst.idx.msk $0xffff, v6  }
0x73: {  	v6 =	vld [tilespmem:s16+$0xFFFFFFD0]  }
0x74: {  	v7 =	vld [tilespmem:s16+$0x50];
	_ =	sdelay $0x4  }
0x75: {  	v8 =	vshrl.u32 v6, $0x10;
	v62 =	vshrl.u32 v7, $0x10  }
0x76: {  	v8 =	vand.u32 $0x1, v8;
	v9 =	vand.u32 $0x1, v62  }
0x77: {  	v6 =	vadd.s32 v8, v6;
	v7 =	vadd.s32 v9, v7  }
0x78: {  	v6 =	vadd.s32 $0x7FFF, v6;
	v7 =	vadd.s32 $0x7FFF, v7  }
0x79: {  	v6 =	vshrl.u32 v6, $0x10;
	v7 =	vand.u32 $0xFFFF0000, v7  }
0x7a: {  	v6 =	vor.u32 v6, v7  }
0x7b: {  	[tilespmem:v5+s29+$0x10 ss:$0x1] =	vst.idx.msk $0xffff, v6  }
0x7c: {  	v6 =	vld [tilespmem:s16+$0xFFFFFFE0]  }
0x7d: {  	v7 =	vld [tilespmem:s16+$0x60];
	_ =	sdelay $0x4  }
0x7e: {  	v8 =	vshrl.u32 v6, $0x10;
	v63 =	vshrl.u32 v7, $0x10  }
0x7f: {  	v8 =	vand.u32 $0x1, v8;
	v9 =	vand.u32 $0x1, v63  }
0x80: {  	v6 =	vadd.s32 v8, v6;
	v7 =	vadd.s32 v9, v7  }
0x81: {  	v6 =	vadd.s32 $0x7FFF, v6;
	v7 =	vadd.s32 $0x7FFF, v7  }
0x82: {  	v6 =	vshrl.u32 v6, $0x10;
	v7 =	vand.u32 $0xFFFF0000, v7  }
0x83: {  	v6 =	vor.u32 v6, v7  }
0x84: {  	[tilespmem:v5+s29+$0x20 ss:$0x1] =	vst.idx.msk $0xffff, v6  }
0x85: {  	v6 =	vld [tilespmem:s16+$0xFFFFFFF0]  }
0x86: {  	p2 =	por p3, p3;
	s5 =	simm.s32 $0x200;
	v7 =	vld [tilespmem:s16+$0x70]  }
.LBB2_3:
0x87: {  	_ =	sdelay $0x1  }
0x88: {  	p3 =	sne.s32 s5, $0x1600  }
0x89: {  	s16 =	sadd.s32 $0x100, s16;
	s13 =	smov.u32 s5;
	s5 =	sadd.s32 $0x200, s5;
	v8 =	vshrl.u32 v6, $0x10  }
0x8a: {  	v8 =	vand.u32 $0x1, v8;
	v9 =	vshrl.u32 v7, $0x10  }
0x8b: {  	v6 =	vadd.s32 v8, v6;
	v8 =	vand.u32 $0x1, v9  }
0x8c: {  	v6 =	vadd.s32 $0x7FFF, v6;
	v7 =	vadd.s32 v8, v7  }
0x8d: {  	v7 =	vadd.s32 $0x7FFF, v7;
	v6 =	vshrl.u32 v6, $0x10  }
0x8e: {  	v7 =	vand.u32 $0xFFFF0000, v7  }
0x8f: {  	v6 =	vor.u32 v6, v7  }
0x90: {  	[tilespmem:v5+s29+$0x30 ss:$0x1] =	vst.idx.msk $0xffff, v6  }
0x91: {  	v6 =	vld [tilespmem:s16+$0xFFFFFF80]  }
0x92: {  	v7 =	vld [tilespmem:s16+$0x0];
	_ =	sdelay $0x3  }
0x93: {  	v8 =	vshrl.u32 v6, $0x10  }
0x94: {  	v8 =	vand.u32 $0x1, v8;
	v9 =	vshrl.u32 v7, $0x10  }
0x95: {  	v6 =	vadd.s32 v8, v6;
	v8 =	vand.u32 $0x1, v9  }
0x96: {  	v6 =	vadd.s32 $0x7FFF, v6;
	v7 =	vadd.s32 v8, v7  }
0x97: {  	v7 =	vadd.s32 $0x7FFF, v7  }
0x98: {  	v6 =	vshrl.u32 v6, $0x10;
	v7 =	vand.u32 $0xFFFF0000, v7  }
0x99: {  	s29 =	sshra.s32 s13, $0x2;
	v6 =	vor.u32 v6, v7  }
0x9a: {  	[tilespmem:v5+s29+$0xFFFFFFC0 ss:$0x1] =	vst.idx.msk $0xffff, v6  }
0x9b: {  	v6 =	vld [tilespmem:s16+$0xFFFFFF90]  }
0x9c: {  	v7 =	vld [tilespmem:s16+$0x10];
	_ =	sdelay $0x3  }
0x9d: {  	v8 =	vshrl.u32 v6, $0x10  }
0x9e: {  	v8 =	vand.u32 $0x1, v8;
	v9 =	vshrl.u32 v7, $0x10  }
0x9f: {  	v6 =	vadd.s32 v8, v6;
	v8 =	vand.u32 $0x1, v9  }
0xa0: {  	v6 =	vadd.s32 $0x7FFF, v6;
	v7 =	vadd.s32 v8, v7  }
0xa1: {  	v7 =	vadd.s32 $0x7FFF, v7;
	v6 =	vshrl.u32 v6, $0x10  }
0xa2: {  	v7 =	vand.u32 $0xFFFF0000, v7  }
0xa3: {  	v6 =	vor.u32 v6, v7  }
0xa4: {  	[tilespmem:v5+s29+$0xFFFFFFD0 ss:$0x1] =	vst.idx.msk $0xffff, v6  }
0xa5: {  	v6 =	vld [tilespmem:s16+$0xFFFFFFA0]  }
0xa6: {  	v7 =	vld [tilespmem:s16+$0x20];
	_ =	sdelay $0x3  }
0xa7: {  	v8 =	vshrl.u32 v6, $0x10  }
0xa8: {  	v8 =	vand.u32 $0x1, v8;
	v9 =	vshrl.u32 v7, $0x10  }
0xa9: {  	v6 =	vadd.s32 v8, v6;
	v8 =	vand.u32 $0x1, v9  }
0xaa: {  	v6 =	vadd.s32 $0x7FFF, v6;
	v7 =	vadd.s32 v8, v7  }
0xab: {  	v7 =	vadd.s32 $0x7FFF, v7;
	v6 =	vshrl.u32 v6, $0x10  }
0xac: {  	v7 =	vand.u32 $0xFFFF0000, v7  }
0xad: {  	v6 =	vor.u32 v6, v7  }
0xae: {  	[tilespmem:v5+s29+$0xFFFFFFE0 ss:$0x1] =	vst.idx.msk $0xffff, v6  }
0xaf: {  	v6 =	vld [tilespmem:s16+$0xFFFFFFB0]  }
0xb0: {  	v7 =	vld [tilespmem:s16+$0x30];
	_ =	sdelay $0x3  }
0xb1: {  	v8 =	vshrl.u32 v6, $0x10  }
0xb2: {  	v8 =	vand.u32 $0x1, v8;
	v9 =	vshrl.u32 v7, $0x10  }
0xb3: {  	v6 =	vadd.s32 v8, v6;
	v8 =	vand.u32 $0x1, v9  }
0xb4: {  	v6 =	vadd.s32 $0x7FFF, v6;
	v7 =	vadd.s32 v8, v7  }
0xb5: {  	v7 =	vadd.s32 $0x7FFF, v7;
	v6 =	vshrl.u32 v6, $0x10  }
0xb6: {  	v7 =	vand.u32 $0xFFFF0000, v7  }
0xb7: {  	v6 =	vor.u32 v6, v7  }
0xb8: {  	[tilespmem:v5+s29+$0xFFFFFFF0 ss:$0x1] =	vst.idx.msk $0xffff, v6  }
0xb9: {  	v6 =	vld [tilespmem:s16+$0xFFFFFFC0]  }
0xba: {  	v7 =	vld [tilespmem:s16+$0x40];
	_ =	sdelay $0x3  }
0xbb: {  	v8 =	vshrl.u32 v6, $0x10  }
0xbc: {  	v8 =	vand.u32 $0x1, v8;
	v9 =	vshrl.u32 v7, $0x10  }
0xbd: {  	v6 =	vadd.s32 v8, v6;
	v8 =	vand.u32 $0x1, v9  }
0xbe: {  	v6 =	vadd.s32 $0x7FFF, v6;
	v7 =	vadd.s32 v8, v7  }
0xbf: {  	v7 =	vadd.s32 $0x7FFF, v7;
	v6 =	vshrl.u32 v6, $0x10  }
0xc0: {  	v7 =	vand.u32 $0xFFFF0000, v7  }
0xc1: {  	v6 =	vor.u32 v6, v7  }
0xc2: {  	[tilespmem:v5+s29+$0x0 ss:$0x1] =	vst.idx.msk $0xffff, v6  }
0xc3: {  	v6 =	vld [tilespmem:s16+$0xFFFFFFD0]  }
0xc4: {  	v7 =	vld [tilespmem:s16+$0x50];
	_ =	sdelay $0x3  }
0xc5: {  	v8 =	vshrl.u32 v6, $0x10  }
0xc6: {  	v8 =	vand.u32 $0x1, v8;
	v9 =	vshrl.u32 v7, $0x10  }
0xc7: {  	v6 =	vadd.s32 v8, v6;
	v8 =	vand.u32 $0x1, v9  }
0xc8: {  	v6 =	vadd.s32 $0x7FFF, v6;
	v7 =	vadd.s32 v8, v7  }
0xc9: {  	v7 =	vadd.s32 $0x7FFF, v7;
	v6 =	vshrl.u32 v6, $0x10  }
0xca: {  	v7 =	vand.u32 $0xFFFF0000, v7  }
0xcb: {  	v6 =	vor.u32 v6, v7  }
0xcc: {  	[tilespmem:v5+s29+$0x10 ss:$0x1] =	vst.idx.msk $0xffff, v6  }
0xcd: {  	v6 =	vld [tilespmem:s16+$0xFFFFFFE0]  }
0xce: {  	v7 =	vld [tilespmem:s16+$0x60];
	_ =	sdelay $0x3  }
0xcf: {  	v8 =	vshrl.u32 v6, $0x10  }
0xd0: {  	v8 =	vand.u32 $0x1, v8;
	v9 =	vshrl.u32 v7, $0x10  }
0xd1: {  	v6 =	vadd.s32 v8, v6;
	v8 =	vand.u32 $0x1, v9  }
0xd2: {  	v6 =	vadd.s32 $0x7FFF, v6;
	v7 =	vadd.s32 v8, v7  }
0xd3: {  	v7 =	vadd.s32 $0x7FFF, v7;
	v6 =	vshrl.u32 v6, $0x10  }
.Ltmp2:
0xd4: {  	v7 =	vand.u32 $0xFFFF0000, v7;
	(pc) =	sbr.rel @p3 .LBB2_3-.Ltmp2, $4  }
0xd5: {  	v6 =	vor.u32 v6, v7  }
0xd6: {  	[tilespmem:v5+s29+$0x20 ss:$0x1] =	vst.idx.msk $0xffff, v6  }
0xd7: {  	v6 =	vld [tilespmem:s16+$0xFFFFFFF0]  }
0xd8: {  	v7 =	vld [tilespmem:s16+$0x70]  }
0xd9: {  	_ =	sdelay $0x3  }
0xda: {  	v8 =	vshrl.u32 v6, $0x10;
	v9 =	vshrl.u32 v7, $0x10  }
0xdb: {  	v8 =	vand.u32 $0x1, v8;
	v9 =	vand.u32 $0x1, v9  }
0xdc: {  	v6 =	vadd.s32 v8, v6;
	v7 =	vadd.s32 v9, v7  }
0xdd: {  	v6 =	vadd.s32 $0x7FFF, v6;
	v7 =	vadd.s32 $0x7FFF, v7  }
0xde: {  	v6 =	vshrl.u32 v6, $0x10;
	v7 =	vand.u32 $0xFFFF0000, v7  }
0xdf: {  	v6 =	vor.u32 v6, v7  }
0xe0: {  	s5 =	simm.s32 @p2 $0x0;
	s13 =	simm.s32 @p2 $0x18700;
	[tilespmem:v5+s29+$0x30 ss:$0x1] =	vst.idx.msk $0xffff, v6  }
0xe1: {  	[tilespmem:s13], [sflag:$0x9] =	stream.linear.gather @p2 [hbm4b:s30+s5], $0xC00, $0x38;
	[tilespmem:$0x1EB70] =	vst v63  }
0xe2: {  	_ =	swait.ge [sflag:s0], $0xC00  }
0xe3: {  	[sflag:s0] =	ssyncset.done $0x0  }
0xe4: {  	s16 =	simm.s32 $0x19380;
	[sflag:s0] =	ssyncadd.s32 $0xFFFFF400  }
0xe5: {  	v6 =	vld [tilespmem:s16+$0xFFFFFF80]  }
0xe6: {  	v7 =	vld [tilespmem:s16+$0x0];
	_ =	sdelay $0x4  }
0xe7: {  	s29 =	sadd.s32 s12, s28;
	v8 =	vshrl.u32 v6, $0x10;
	v57 =	vshrl.u32 v7, $0x10  }
0xe8: {  	v5 =	vmov s29;
	v8 =	vand.u32 $0x1, v8;
	v9 =	vand.u32 $0x1, v57  }
0xe9: {  	v6 =	vadd.s32 v8, v6;
	v7 =	vadd.s32 v9, v7  }
0xea: {  	v6 =	vadd.s32 $0x7FFF, v6;
	v7 =	vadd.s32 $0x7FFF, v7  }
0xeb: {  	v6 =	vshrl.u32 v6, $0x10;
	v7 =	vand.u32 $0xFFFF0000, v7  }
0xec: {  	s12 =	simm.s32 $0x0;
	v6 =	vor.u32 v6, v7  }
0xed: {  	[tilespmem:v5+s12+$0x0 ss:$0x1] =	vst.idx.msk $0xffff, v6  }
0xee: {  	v6 =	vld [tilespmem:s16+$0xFFFFFF90]  }
0xef: {  	v7 =	vld [tilespmem:s16+$0x10];
	_ =	sdelay $0x4  }
0xf0: {  	v8 =	vshrl.u32 v6, $0x10;
	v58 =	vshrl.u32 v7, $0x10  }
0xf1: {  	v8 =	vand.u32 $0x1, v8;
	v9 =	vand.u32 $0x1, v58  }
0xf2: {  	v6 =	vadd.s32 v8, v6;
	v7 =	vadd.s32 v9, v7  }
0xf3: {  	v6 =	vadd.s32 $0x7FFF, v6;
	v7 =	vadd.s32 $0x7FFF, v7  }
0xf4: {  	v6 =	vshrl.u32 v6, $0x10;
	v7 =	vand.u32 $0xFFFF0000, v7  }
0xf5: {  	v6 =	vor.u32 v6, v7  }
0xf6: {  	[tilespmem:v5+s12+$0x10 ss:$0x1] =	vst.idx.msk $0xffff, v6  }
0xf7: {  	v6 =	vld [tilespmem:s16+$0xFFFFFFA0]  }
0xf8: {  	v7 =	vld [tilespmem:s16+$0x20];
	_ =	sdelay $0x4  }
0xf9: {  	v8 =	vshrl.u32 v6, $0x10;
	v59 =	vshrl.u32 v7, $0x10  }
0xfa: {  	v8 =	vand.u32 $0x1, v8;
	v9 =	vand.u32 $0x1, v59  }
0xfb: {  	v6 =	vadd.s32 v8, v6;
	v7 =	vadd.s32 v9, v7  }
0xfc: {  	v6 =	vadd.s32 $0x7FFF, v6;
	v7 =	vadd.s32 $0x7FFF, v7  }
0xfd: {  	v6 =	vshrl.u32 v6, $0x10;
	v7 =	vand.u32 $0xFFFF0000, v7  }
0xfe: {  	v6 =	vor.u32 v6, v7  }
0xff: {  	[tilespmem:v5+s12+$0x20 ss:$0x1] =	vst.idx.msk $0xffff, v6  }
0x100: {  	v6 =	vld [tilespmem:s16+$0xFFFFFFB0]  }
0x101: {  	v7 =	vld [tilespmem:s16+$0x30];
	_ =	sdelay $0x4  }
0x102: {  	v8 =	vshrl.u32 v6, $0x10;
	v60 =	vshrl.u32 v7, $0x10  }
0x103: {  	v8 =	vand.u32 $0x1, v8;
	v9 =	vand.u32 $0x1, v60  }
0x104: {  	v6 =	vadd.s32 v8, v6;
	v7 =	vadd.s32 v9, v7  }
0x105: {  	v6 =	vadd.s32 $0x7FFF, v6;
	v7 =	vadd.s32 $0x7FFF, v7  }
0x106: {  	v6 =	vshrl.u32 v6, $0x10;
	v7 =	vand.u32 $0xFFFF0000, v7  }
0x107: {  	v6 =	vor.u32 v6, v7  }
0x108: {  	[tilespmem:v5+s12+$0x30 ss:$0x1] =	vst.idx.msk $0xffff, v6  }
0x109: {  	v6 =	vld [tilespmem:s16+$0xFFFFFFC0]  }
0x10a: {  	v7 =	vld [tilespmem:s16+$0x40];
	_ =	sdelay $0x4  }
0x10b: {  	v8 =	vshrl.u32 v6, $0x10;
	v61 =	vshrl.u32 v7, $0x10  }
0x10c: {  	v8 =	vand.u32 $0x1, v8;
	v9 =	vand.u32 $0x1, v61  }
0x10d: {  	v6 =	vadd.s32 v8, v6;
	v7 =	vadd.s32 v9, v7  }
0x10e: {  	v6 =	vadd.s32 $0x7FFF, v6;
	v7 =	vadd.s32 $0x7FFF, v7  }
0x10f: {  	v6 =	vshrl.u32 v6, $0x10;
	v7 =	vand.u32 $0xFFFF0000, v7  }
0x110: {  	v6 =	vor.u32 v6, v7  }
0x111: {  	[tilespmem:v5+s12+$0x40 ss:$0x1] =	vst.idx.msk $0xffff, v6  }
0x112: {  	v6 =	vld [tilespmem:s16+$0xFFFFFFD0]  }
0x113: {  	v7 =	vld [tilespmem:s16+$0x50];
	_ =	sdelay $0x4  }
0x114: {  	v8 =	vshrl.u32 v6, $0x10;
	v62 =	vshrl.u32 v7, $0x10  }
0x115: {  	v8 =	vand.u32 $0x1, v8;
	v9 =	vand.u32 $0x1, v62  }
0x116: {  	v6 =	vadd.s32 v8, v6;
	v7 =	vadd.s32 v9, v7  }
0x117: {  	v6 =	vadd.s32 $0x7FFF, v6;
	v7 =	vadd.s32 $0x7FFF, v7  }
0x118: {  	v6 =	vshrl.u32 v6, $0x10;
	v7 =	vand.u32 $0xFFFF0000, v7  }
0x119: {  	v6 =	vor.u32 v6, v7  }
0x11a: {  	[tilespmem:v5+s12+$0x50 ss:$0x1] =	vst.idx.msk $0xffff, v6  }
0x11b: {  	v6 =	vld [tilespmem:s16+$0xFFFFFFE0]  }
0x11c: {  	v7 =	vld [tilespmem:s16+$0x60];
	_ =	sdelay $0x4  }
0x11d: {  	v8 =	vshrl.u32 v6, $0x10;
	v63 =	vshrl.u32 v7, $0x10  }
0x11e: {  	v8 =	vand.u32 $0x1, v8;
	v9 =	vand.u32 $0x1, v63  }
0x11f: {  	v6 =	vadd.s32 v8, v6;
	v7 =	vadd.s32 v9, v7  }
0x120: {  	v6 =	vadd.s32 $0x7FFF, v6;
	v7 =	vadd.s32 $0x7FFF, v7  }
0x121: {  	v6 =	vshrl.u32 v6, $0x10;
	v7 =	vand.u32 $0xFFFF0000, v7  }
0x122: {  	v6 =	vor.u32 v6, v7  }
0x123: {  	[tilespmem:v5+s12+$0x60 ss:$0x1] =	vst.idx.msk $0xffff, v6  }
0x124: {  	v7 =	vld [tilespmem:s16+$0xFFFFFFF0]  }
0x125: {  	s5 =	simm.s32 $0x200;
	v6 =	vld [tilespmem:s16+$0x70]  }
.LBB2_5:
0x126: {  	_ =	sdelay $0x1  }
0x127: {  	p3 =	sne.s32 s5, $0x1600  }
0x128: {  	s16 =	sadd.s32 $0x100, s16;
	s13 =	smov.u32 s5;
	s5 =	sadd.s32 $0x200, s5;
	v8 =	vshrl.u32 v7, $0x10  }
0x129: {  	v8 =	vand.u32 $0x1, v8;
	v9 =	vshrl.u32 v6, $0x10  }
0x12a: {  	v7 =	vadd.s32 v8, v7;
	v8 =	vand.u32 $0x1, v9  }
0x12b: {  	v7 =	vadd.s32 $0x7FFF, v7;
	v6 =	vadd.s32 v8, v6  }
0x12c: {  	v6 =	vadd.s32 $0x7FFF, v6;
	v7 =	vshrl.u32 v7, $0x10  }
0x12d: {  	v6 =	vand.u32 $0xFFFF0000, v6  }
0x12e: {  	v6 =	vor.u32 v7, v6  }
0x12f: {  	[tilespmem:v5+s12+$0x70 ss:$0x1] =	vst.idx.msk $0xffff, v6  }
0x130: {  	v6 =	vld [tilespmem:s16+$0xFFFFFF80]  }
0x131: {  	v7 =	vld [tilespmem:s16+$0x0];
	_ =	sdelay $0x3  }
0x132: {  	v8 =	vshrl.u32 v6, $0x10  }
0x133: {  	v8 =	vand.u32 $0x1, v8;
	v9 =	vshrl.u32 v7, $0x10  }
0x134: {  	v6 =	vadd.s32 v8, v6;
	v8 =	vand.u32 $0x1, v9  }
0x135: {  	v6 =	vadd.s32 $0x7FFF, v6;
	v7 =	vadd.s32 v8, v7  }
0x136: {  	v7 =	vadd.s32 $0x7FFF, v7  }
0x137: {  	v6 =	vshrl.u32 v6, $0x10;
	v7 =	vand.u32 $0xFFFF0000, v7  }
0x138: {  	s12 =	sshra.s32 s13, $0x2;
	v6 =	vor.u32 v6, v7  }
0x139: {  	[tilespmem:v5+s12+$0x0 ss:$0x1] =	vst.idx.msk $0xffff, v6  }
0x13a: {  	v6 =	vld [tilespmem:s16+$0xFFFFFF90]  }
0x13b: {  	v7 =	vld [tilespmem:s16+$0x10];
	_ =	sdelay $0x3  }
0x13c: {  	v8 =	vshrl.u32 v6, $0x10  }
0x13d: {  	v8 =	vand.u32 $0x1, v8;
	v9 =	vshrl.u32 v7, $0x10  }
0x13e: {  	v6 =	vadd.s32 v8, v6;
	v8 =	vand.u32 $0x1, v9  }
0x13f: {  	v6 =	vadd.s32 $0x7FFF, v6;
	v7 =	vadd.s32 v8, v7  }
0x140: {  	v7 =	vadd.s32 $0x7FFF, v7;
	v6 =	vshrl.u32 v6, $0x10  }
0x141: {  	v7 =	vand.u32 $0xFFFF0000, v7  }
0x142: {  	v6 =	vor.u32 v6, v7  }
0x143: {  	[tilespmem:v5+s12+$0x10 ss:$0x1] =	vst.idx.msk $0xffff, v6  }
0x144: {  	v6 =	vld [tilespmem:s16+$0xFFFFFFA0]  }
0x145: {  	v7 =	vld [tilespmem:s16+$0x20];
	_ =	sdelay $0x3  }
0x146: {  	v8 =	vshrl.u32 v6, $0x10  }
0x147: {  	v8 =	vand.u32 $0x1, v8;
	v9 =	vshrl.u32 v7, $0x10  }
0x148: {  	v6 =	vadd.s32 v8, v6;
	v8 =	vand.u32 $0x1, v9  }
0x149: {  	v6 =	vadd.s32 $0x7FFF, v6;
	v7 =	vadd.s32 v8, v7  }
0x14a: {  	v7 =	vadd.s32 $0x7FFF, v7;
	v6 =	vshrl.u32 v6, $0x10  }
0x14b: {  	v7 =	vand.u32 $0xFFFF0000, v7  }
0x14c: {  	v6 =	vor.u32 v6, v7  }
0x14d: {  	[tilespmem:v5+s12+$0x20 ss:$0x1] =	vst.idx.msk $0xffff, v6  }
0x14e: {  	v6 =	vld [tilespmem:s16+$0xFFFFFFB0]  }
0x14f: {  	v7 =	vld [tilespmem:s16+$0x30];
	_ =	sdelay $0x3  }
0x150: {  	v8 =	vshrl.u32 v6, $0x10  }
0x151: {  	v8 =	vand.u32 $0x1, v8;
	v9 =	vshrl.u32 v7, $0x10  }
0x152: {  	v6 =	vadd.s32 v8, v6;
	v8 =	vand.u32 $0x1, v9  }
0x153: {  	v6 =	vadd.s32 $0x7FFF, v6;
	v7 =	vadd.s32 v8, v7  }
0x154: {  	v7 =	vadd.s32 $0x7FFF, v7;
	v6 =	vshrl.u32 v6, $0x10  }
0x155: {  	v7 =	vand.u32 $0xFFFF0000, v7  }
0x156: {  	v6 =	vor.u32 v6, v7  }
0x157: {  	[tilespmem:v5+s12+$0x30 ss:$0x1] =	vst.idx.msk $0xffff, v6  }
0x158: {  	v6 =	vld [tilespmem:s16+$0xFFFFFFC0]  }
0x159: {  	v7 =	vld [tilespmem:s16+$0x40];
	_ =	sdelay $0x3  }
0x15a: {  	v8 =	vshrl.u32 v6, $0x10  }
0x15b: {  	v8 =	vand.u32 $0x1, v8;
	v9 =	vshrl.u32 v7, $0x10  }
0x15c: {  	v6 =	vadd.s32 v8, v6;
	v8 =	vand.u32 $0x1, v9  }
0x15d: {  	v6 =	vadd.s32 $0x7FFF, v6;
	v7 =	vadd.s32 v8, v7  }
0x15e: {  	v7 =	vadd.s32 $0x7FFF, v7;
	v6 =	vshrl.u32 v6, $0x10  }
0x15f: {  	v7 =	vand.u32 $0xFFFF0000, v7  }
0x160: {  	v6 =	vor.u32 v6, v7  }
0x161: {  	[tilespmem:v5+s12+$0x40 ss:$0x1] =	vst.idx.msk $0xffff, v6  }
0x162: {  	v6 =	vld [tilespmem:s16+$0xFFFFFFD0]  }
0x163: {  	v7 =	vld [tilespmem:s16+$0x50];
	_ =	sdelay $0x3  }
0x164: {  	v8 =	vshrl.u32 v6, $0x10  }
0x165: {  	v8 =	vand.u32 $0x1, v8;
	v9 =	vshrl.u32 v7, $0x10  }
0x166: {  	v6 =	vadd.s32 v8, v6;
	v8 =	vand.u32 $0x1, v9  }
0x167: {  	v6 =	vadd.s32 $0x7FFF, v6;
	v7 =	vadd.s32 v8, v7  }
0x168: {  	v7 =	vadd.s32 $0x7FFF, v7;
	v6 =	vshrl.u32 v6, $0x10  }
0x169: {  	v7 =	vand.u32 $0xFFFF0000, v7  }
0x16a: {  	v6 =	vor.u32 v6, v7  }
0x16b: {  	[tilespmem:v5+s12+$0x50 ss:$0x1] =	vst.idx.msk $0xffff, v6  }
0x16c: {  	v6 =	vld [tilespmem:s16+$0xFFFFFFE0]  }
0x16d: {  	v7 =	vld [tilespmem:s16+$0x60];
	_ =	sdelay $0x3  }
0x16e: {  	v8 =	vshrl.u32 v6, $0x10  }
0x16f: {  	v8 =	vand.u32 $0x1, v8;
	v9 =	vshrl.u32 v7, $0x10  }
0x170: {  	v6 =	vadd.s32 v8, v6;
	v8 =	vand.u32 $0x1, v9  }
0x171: {  	v6 =	vadd.s32 $0x7FFF, v6;
	v7 =	vadd.s32 v8, v7  }
0x172: {  	v7 =	vadd.s32 $0x7FFF, v7;
	v6 =	vshrl.u32 v6, $0x10  }
.Ltmp3:
0x173: {  	v7 =	vand.u32 $0xFFFF0000, v7;
	(pc) =	sbr.rel @p3 .LBB2_5-.Ltmp3, $4  }
0x174: {  	v6 =	vor.u32 v6, v7  }
0x175: {  	[tilespmem:v5+s12+$0x60 ss:$0x1] =	vst.idx.msk $0xffff, v6  }
0x176: {  	v7 =	vld [tilespmem:s16+$0xFFFFFFF0]  }
0x177: {  	v6 =	vld [tilespmem:s16+$0x70]  }
0x178: {  	_ =	sdelay $0x3  }
0x179: {  	v8 =	vshrl.u32 v7, $0x10;
	v9 =	vshrl.u32 v6, $0x10  }
0x17a: {  	v8 =	vand.u32 $0x1, v8;
	v9 =	vand.u32 $0x1, v9  }
.Ltmp4:
0x17b: {  	v7 =	vadd.s32 v8, v7;
	v6 =	vadd.s32 v9, v6;
	(pc) =	sbr.rel @p2 .LBB2_2-.Ltmp4, $4  }
0x17c: {  	v7 =	vadd.s32 $0x7FFF, v7;
	v6 =	vadd.s32 $0x7FFF, v6  }
0x17d: {  	v7 =	vshrl.u32 v7, $0x10;
	v6 =	vand.u32 $0xFFFF0000, v6  }
0x17e: {  	v6 =	vor.u32 v7, v6  }
0x17f: {  	s5 =	simm.s32 $0x18;
	p3 =	por $0x0, $0x0;
	[tilespmem:v5+s12+$0x70 ss:$0x1] =	vst.idx.msk $0xffff, v6;
	s12 =	smov.u32 s14  }
.Ltmp5:
0x180: {  	(pc) =	sbr.rel @p0 .LBB2_9-.Ltmp5, $1  }
0x181: {  	_ =	sdelay $0x3  }
0x182: {  	s1 =	rddreg [dreg:$0xc];
	s5 =	simm.s32 $0x19F00;
	s13 =	simm.s32 $0xB  }
0x183: {  	[tilespmem:s5], [sflag:$0xB] =	stream.linear.gather [hbm4b:s1+s6], $0x100, $0x38;
	[tilespmem:$0x1EB70] =	vst v63  }
0x184: {  	_ =	swait.ge [sflag:s13], $0x100  }
0x185: {  	[sflag:s13] =	ssyncset.done $0x0  }
0x186: {  	[sflag:s13] =	ssyncadd.s32 $0xFFFFFF00  }
0x187: {  	v5 =	vld [tilespmem:$0x19F00]  }
0x188: {  	v6 =	vld [tilespmem:$0x19F80];
	_ =	sdelay $0x4  }
0x189: {  	v7 =	vshrl.u32 v5, $0x10;
	v8 =	vshrl.u32 v6, $0x10  }
0x18a: {  	v7 =	vand.u32 $0x1, v7;
	v8 =	vand.u32 $0x1, v8  }
0x18b: {  	v5 =	vadd.s32 v7, v5;
	v6 =	vadd.s32 v8, v6  }
0x18c: {  	v5 =	vadd.s32 $0x7FFF, v5;
	v6 =	vadd.s32 $0x7FFF, v6  }
0x18d: {  	v5 =	vshrl.u32 v5, $0x10;
	v6 =	vand.u32 $0xFFFF0000, v6  }
0x18e: {  	s16 =	rddreg [dreg:$0xd];
	v5 =	vor.u32 v5, v6  }
0x18f: {  	[tilespmem:s16+$0x0] =	vst v5  }
0x190: {  	v5 =	vld [tilespmem:$0x19F10]  }
0x191: {  	v6 =	vld [tilespmem:$0x19F90];
	_ =	sdelay $0x4  }
0x192: {  	v7 =	vshrl.u32 v5, $0x10;
	v57 =	vshrl.u32 v6, $0x10  }
0x193: {  	v7 =	vand.u32 $0x1, v7;
	v8 =	vand.u32 $0x1, v57  }
0x194: {  	v5 =	vadd.s32 v7, v5;
	v6 =	vadd.s32 v8, v6  }
0x195: {  	v5 =	vadd.s32 $0x7FFF, v5;
	v6 =	vadd.s32 $0x7FFF, v6  }
0x196: {  	v5 =	vshrl.u32 v5, $0x10;
	v6 =	vand.u32 $0xFFFF0000, v6  }
0x197: {  	v5 =	vor.u32 v5, v6  }
0x198: {  	[tilespmem:s16+$0x10] =	vst v5  }
0x199: {  	v5 =	vld [tilespmem:$0x19F20]  }
0x19a: {  	v6 =	vld [tilespmem:$0x19FA0];
	_ =	sdelay $0x4  }
0x19b: {  	v7 =	vshrl.u32 v5, $0x10;
	v58 =	vshrl.u32 v6, $0x10  }
0x19c: {  	v7 =	vand.u32 $0x1, v7;
	v8 =	vand.u32 $0x1, v58  }
0x19d: {  	v5 =	vadd.s32 v7, v5;
	v6 =	vadd.s32 v8, v6  }
0x19e: {  	v5 =	vadd.s32 $0x7FFF, v5;
	v6 =	vadd.s32 $0x7FFF, v6  }
0x19f: {  	v5 =	vshrl.u32 v5, $0x10;
	v6 =	vand.u32 $0xFFFF0000, v6  }
0x1a0: {  	v5 =	vor.u32 v5, v6  }
0x1a1: {  	[tilespmem:s16+$0x20] =	vst v5  }
0x1a2: {  	v5 =	vld [tilespmem:$0x19F30]  }
0x1a3: {  	v6 =	vld [tilespmem:$0x19FB0];
	_ =	sdelay $0x4  }
0x1a4: {  	v7 =	vshrl.u32 v5, $0x10;
	v59 =	vshrl.u32 v6, $0x10  }
0x1a5: {  	v7 =	vand.u32 $0x1, v7;
	v8 =	vand.u32 $0x1, v59  }
0x1a6: {  	v5 =	vadd.s32 v7, v5;
	v6 =	vadd.s32 v8, v6  }
0x1a7: {  	v5 =	vadd.s32 $0x7FFF, v5;
	v6 =	vadd.s32 $0x7FFF, v6  }
0x1a8: {  	v5 =	vshrl.u32 v5, $0x10;
	v6 =	vand.u32 $0xFFFF0000, v6  }
0x1a9: {  	v5 =	vor.u32 v5, v6  }
0x1aa: {  	[tilespmem:s16+$0x30] =	vst v5  }
0x1ab: {  	v5 =	vld [tilespmem:$0x19F40]  }
0x1ac: {  	v6 =	vld [tilespmem:$0x19FC0];
	_ =	sdelay $0x4  }
0x1ad: {  	v7 =	vshrl.u32 v5, $0x10;
	v60 =	vshrl.u32 v6, $0x10  }
0x1ae: {  	v7 =	vand.u32 $0x1, v7;
	v8 =	vand.u32 $0x1, v60  }
0x1af: {  	v5 =	vadd.s32 v7, v5;
	v6 =	vadd.s32 v8, v6  }
0x1b0: {  	v5 =	vadd.s32 $0x7FFF, v5;
	v6 =	vadd.s32 $0x7FFF, v6  }
0x1b1: {  	v5 =	vshrl.u32 v5, $0x10;
	v6 =	vand.u32 $0xFFFF0000, v6  }
0x1b2: {  	v5 =	vor.u32 v5, v6  }
0x1b3: {  	[tilespmem:s16+$0x40] =	vst v5  }
0x1b4: {  	v5 =	vld [tilespmem:$0x19F50]  }
0x1b5: {  	v6 =	vld [tilespmem:$0x19FD0];
	_ =	sdelay $0x4  }
0x1b6: {  	v7 =	vshrl.u32 v5, $0x10;
	v61 =	vshrl.u32 v6, $0x10  }
0x1b7: {  	v7 =	vand.u32 $0x1, v7;
	v8 =	vand.u32 $0x1, v61  }
0x1b8: {  	v5 =	vadd.s32 v7, v5;
	v6 =	vadd.s32 v8, v6  }
0x1b9: {  	v5 =	vadd.s32 $0x7FFF, v5;
	v6 =	vadd.s32 $0x7FFF, v6  }
0x1ba: {  	v5 =	vshrl.u32 v5, $0x10;
	v6 =	vand.u32 $0xFFFF0000, v6  }
0x1bb: {  	v5 =	vor.u32 v5, v6  }
0x1bc: {  	[tilespmem:s16+$0x50] =	vst v5  }
0x1bd: {  	v5 =	vld [tilespmem:$0x19F60]  }
0x1be: {  	v6 =	vld [tilespmem:$0x19FE0];
	_ =	sdelay $0x4  }
0x1bf: {  	v7 =	vshrl.u32 v5, $0x10;
	v62 =	vshrl.u32 v6, $0x10  }
0x1c0: {  	v7 =	vand.u32 $0x1, v7;
	v8 =	vand.u32 $0x1, v62  }
0x1c1: {  	v5 =	vadd.s32 v7, v5;
	v6 =	vadd.s32 v8, v6  }
0x1c2: {  	v5 =	vadd.s32 $0x7FFF, v5;
	v6 =	vadd.s32 $0x7FFF, v6  }
0x1c3: {  	v5 =	vshrl.u32 v5, $0x10;
	v6 =	vand.u32 $0xFFFF0000, v6  }
0x1c4: {  	v5 =	vor.u32 v5, v6  }
0x1c5: {  	[tilespmem:s16+$0x60] =	vst v5  }
0x1c6: {  	v5 =	vld [tilespmem:$0x19F70]  }
0x1c7: {  	v6 =	vld [tilespmem:$0x19FF0];
	_ =	sdelay $0x4  }
0x1c8: {  	v7 =	vshrl.u32 v5, $0x10;
	v63 =	vshrl.u32 v6, $0x10  }
0x1c9: {  	v7 =	vand.u32 $0x1, v7;
	v8 =	vand.u32 $0x1, v63  }
0x1ca: {  	v5 =	vadd.s32 v7, v5;
	v6 =	vadd.s32 v8, v6  }
0x1cb: {  	v5 =	vadd.s32 $0x7FFF, v5;
	v6 =	vadd.s32 $0x7FFF, v6  }
0x1cc: {  	v5 =	vshrl.u32 v5, $0x10;
	v6 =	vand.u32 $0xFFFF0000, v6  }
0x1cd: {  	v5 =	vor.u32 v5, v6  }
.Ltmp6:
0x1ce: {  	s29 =	rddreg [dreg:$0x12];
	[tilespmem:s16+$0x70] =	vst v5;
	(pc) =	sbr.rel .LBB2_10-.Ltmp6, $4  }
0x1cf: {  	[spmem:s29] =	stream.linear.scatter [tilespmem:s16], [sflag:$0xB], $0x80, $0x38;
	[tilespmem:$0x1EB70] =	vst v63  }
0x1d0: {  	_ =	swait.ge [sflag:s13], $0x80  }
0x1d1: {  	[sflag:s13] =	ssyncset.done $0x0  }
0x1d2: {  	[sflag:s13] =	ssyncadd.s32 $0xFFFFFF80  }
.LBB2_9:
0x1d3: {  	s5 =	simm.s32 @!p1 $0x0;
	s12 =	simm.s32 @!p1 $0x1A000;
	s1 =	rddreg [dreg:$0x1]  }
0x1d4: {  	[tilespmem:s12], [sflag:$0xB] =	stream.linear.gather @!p1 [hbm4b:s1+s5], $0x80, $0x38;
	[tilespmem:$0x1EB70] =	vst v63  }
0x1d5: {  	s5 =	simm.s32 @!p1 $0xB  }
0x1d6: {  	_ =	swait.ge @!p1 [sflag:s5], $0x80  }
0x1d7: {  	[sflag:s5] =	ssyncset.done @!p1 $0x0  }
0x1d8: {  	[sflag:s5] =	ssyncadd.s32 @!p1 $0xFFFFFF80  }
0x1d9: {  	v5 =	vld @!p1 [tilespmem:$0x1A000]  }
0x1da: {  	v6 =	vld @!p1 [tilespmem:$0x1A020]  }
0x1db: {  	v7 =	vld @!p1 [tilespmem:$0x1A010]  }
0x1dc: {  	v8 =	vld @!p1 [tilespmem:$0x1A030];
	_ =	sdelay $0x1  }
0x1dd: {  	v9 =	vshrl.u32 @!p1 v5, $0x10  }
0x1de: {  	v10 =	vshrl.u32 @!p1 v6, $0x10;
	v9 =	vand.u32 @!p1 $0x1, v9  }
0x1df: {  	v5 =	vadd.s32 @!p1 v9, v5;
	v9 =	vand.u32 @!p1 $0x1, v10;
	v10 =	vshrl.u32 @!p1 v7, $0x10  }
0x1e0: {  	v6 =	vadd.s32 @!p1 v9, v6;
	v9 =	vand.u32 @!p1 $0x1, v10;
	v10 =	vshrl.u32 @!p1 v8, $0x10  }
0x1e1: {  	v5 =	vadd.s32 @!p1 $0x7FFF, v5;
	v7 =	vadd.s32 @!p1 v9, v7;
	v9 =	vand.u32 @!p1 $0x1, v10  }
0x1e2: {  	v6 =	vadd.s32 @!p1 $0x7FFF, v6;
	v5 =	vshrl.u32 @!p1 v5, $0x10;
	v8 =	vadd.s32 @!p1 v9, v8  }
0x1e3: {  	v6 =	vand.u32 @!p1 $0xFFFF0000, v6;
	v7 =	vadd.s32 @!p1 $0x7FFF, v7;
	v8 =	vadd.s32 @!p1 $0x7FFF, v8  }
0x1e4: {  	v5 =	vor.u32 @!p1 v5, v6;
	v6 =	vshrl.u32 @!p1 v7, $0x10;
	v7 =	vand.u32 @!p1 $0xFFFF0000, v8  }
0x1e5: {  	[tilespmem:$0x18680] =	vst @!p1 v5;
	v5 =	vor.u32 @!p1 v6, v7  }
0x1e6: {  	s12 =	simm.s32 @!p1 $0x18680;
	s1 =	rddreg [dreg:$0x11];
	[tilespmem:$0x18690] =	vst @!p1 v5  }
0x1e7: {  	[spmem:s1] =	stream.linear.scatter @!p1 [tilespmem:s12], [sflag:$0xB], $0x20, $0x38;
	[tilespmem:$0x1EB70] =	vst v63  }
0x1e8: {  	_ =	swait.ge @!p1 [sflag:s5], $0x20  }
0x1e9: {  	[sflag:s5] =	ssyncset.done @!p1 $0x0  }
0x1ea: {  	s13 =	simm.s32 $0xB;
	[sflag:s5] =	ssyncadd.s32 @!p1 $0xFFFFFFE0  }
.LBB2_10:
0x1eb: {  	s1 =	rddreg [dreg:$0x10]  }
0x1ec: {  	s5 =	rddreg [dreg:$0x13]  }
0x1ed: {  	[spmem:s5] =	stream.linear.scatter [tilespmem:s1], [sflag:$0xB], $0x1800, $0x38;
	[tilespmem:$0x1EB70] =	vst v63  }
0x1ee: {  	_ =	swait.ge [sflag:s13], $0x1800  }
0x1ef: {  	[sflag:s13] =	ssyncset.done $0x0  }
0x1f0: {  	[sflag:s13] =	ssyncadd.s32 $0xFFFFE800  }
0x1f1: {  	[bflag:$0x0] =	sbarrier.arrive $0xFFFF  }
.Ltmp7:
0x1f2: {  	s12 =	simm.s32 $0x0;
	s29 =	rddreg [dreg:$0x4];
	(pc) =	sbr.rel .LBB2_11-.Ltmp7, $4  }
0x1f3: {  	[tilespmem:s12], [sflag:$0xB] =	stream.linear.gather [spmem:s29], $0x18700, $0x38;
	[tilespmem:$0x1EB70] =	vst v63  }
0x1f4: {  	_ =	swait.ge [sflag:s13], $0x18700  }
0x1f5: {  	[sflag:s13] =	ssyncset.done $0x0  }
0x1f6: {  	v5 =	vimm.f32 $0.0e+00;
	v6 =	vimm.f32 $0.0e+00;
	[sflag:s13] =	ssyncadd.s32 $0xFFFE7900  }
.LBB2_25:
0x1f7: {  	s1 =	sadd.s32 s20, s29  }
0x1f8: {  	p2 =	sgt.u32 s1, $0xC34  }
0x1f9: {  	v7 =	vlaneseq.u32 @!p2;
	_ =	sdelay $0x1  }
0x1fa: {  	v8 =	vmul.u32 @!p2 $0x2, v7  }
0x1fb: {  	s5 =	sshll.u32 @!p2 s1, $0x4  }
0x1fc: {  	s12 =	sadd.s32 $0x1, s12;
	v8 =	vadd.s32 @!p2 s5, v8;
	s5 =	simm.s32 @!p2 $0x1D200  }
0x1fd: {  	s13 =	simm.s32 @!p2 $0x8;
	s16 =	simm.s32 @!p2 $0x1AC80;
	s1 =	sshll.u32 @!p2 s1, $0x8;
	[tilespmem:v7+s5+$0x0] =	vst.idx.msk @!p2 $0xff, v8  }
0x1fe: {  	[tilespmem:s16], [sflag:$0x4] =	stream.indirect.gather @!p2 [hbm4b:s4+s13], $0x80, s5, s13, $0xb8;
	[tilespmem:$0x1EB70] =	vst v63  }
0x1ff: {  	s1 =	sadd.s32 @!p2 s2, s1;
	s5 =	simm.s32 @!p2 $0x0;
	s13 =	simm.s32 @!p2 $0x1C880  }
0x200: {  	[tilespmem:s13], [sflag:$0x8] =	stream.linear.gather @!p2 [hbm4b:s1+s5], $0x800, $0x38;
	[tilespmem:$0x1EB70] =	vst v63  }
0x201: {  	p2 =	sne.s32 s12, $0x19  }
.Ltmp8:
0x202: {  	_ = 	snop;
	(pc) =	sbr.rel @!p2 .LBB2_26-.Ltmp8, $1  }
0x203: {  	_ =	sdelay $0x3  }
.LBB2_11:
0x204: {  	_ =	swait.ge [sflag:s7], $0x400  }
0x205: {  	[sflag:s7] =	ssyncset.done $0x0  }
0x206: {  	[sflag:s7] =	ssyncadd.s32 $0xFFFFFC00  }
0x207: {  	_ =	swait.ge [sflag:s8], $0x800  }
0x208: {  	[sflag:s8] =	ssyncset.done $0x0  }
0x209: {  	s5 =	simm.s32 $0x1B100;
	[sflag:s8] =	ssyncadd.s32 $0xFFFFF800  }
0x20a: {  	v7 =	vld [tilespmem:s5+$0xFFFFFFF0]  }
0x20b: {  	v8 =	vld [tilespmem:s5+$0x70]  }
0x20c: {  	v9 =	vld [tilespmem:s5+$0xFFFFFFE0]  }
0x20d: {  	v10 =	vld [tilespmem:s5+$0x60]  }
0x20e: {  	v11 =	vld [tilespmem:s5+$0xFFFFFFD0]  }
0x20f: {  	v12 =	vld [tilespmem:s5+$0x50]  }
0x210: {  	v15 =	vld [tilespmem:s5+$0xFFFFFFC0]  }
0x211: {  	v16 =	vld [tilespmem:s5+$0x40]  }
0x212: {  	v18 =	vld [tilespmem:s5+$0xFFFFFFB0]  }
0x213: {  	v20 =	vld [tilespmem:s5+$0x30]  }
0x214: {  	v17 =	vld [tilespmem:s5+$0xFFFFFFA0]  }
0x215: {  	s13 =	simm.s32 $0x0;
	v19 =	vld [tilespmem:s5+$0x20]  }
0x216: {  	v13 =	vld [tilespmem:s13+$0x1A0F0]  }
0x217: {  	v21 =	vld [tilespmem:s5+$0xFFFFFF90]  }
0x218: {  	v28 =	vld [tilespmem:s5+$0x10]  }
0x219: {  	v14 =	vld [tilespmem:s13+$0x1A0E0]  }
0x21a: {  	v29 =	vld [tilespmem:s5+$0xFFFFFF80]  }
0x21b: {  	v30 =	vld [tilespmem:s5+$0x0]  }
0x21c: {  	v22 =	vld [tilespmem:s13+$0x1A0D0]  }
0x21d: {  	v23 =	vld [tilespmem:s13+$0x1A0C0]  }
0x21e: {  	v24 =	vld [tilespmem:s13+$0x1A0B0]  }
0x21f: {  	v25 =	vld [tilespmem:s13+$0x1A0A0]  }
0x220: {  	v26 =	vld [tilespmem:s13+$0x1A090]  }
0x221: {  	v27 =	vld [tilespmem:s13+$0x1A080]  }
0x222: {  	v13 =	vld.idx.msk [tilespmem:v13+s6+$0x0], $0xffff  }
0x223: {  	v14 =	vld.idx.msk [tilespmem:v14+s6+$0x0], $0xffff  }
0x224: {  	v31 =	vld.idx.msk [tilespmem:v22+s6+$0x0], $0xffff  }
0x225: {  	v32 =	vld.idx.msk [tilespmem:v23+s6+$0x0], $0xffff  }
0x226: {  	v33 =	vld.idx.msk [tilespmem:v24+s6+$0x0], $0xffff  }
0x227: {  	vm2 =	vle.f32 v12, v11;
	vm1 =	vle.f32 v10, v9;
	v34 =	vld.idx.msk [tilespmem:v25+s6+$0x0], $0xffff  }
0x228: {  	vm5 =	vle.f32 v8, v7;
	vm0 =	vle.f32 v16, v15;
	vm3 =	vle.f32 v28, v21;
	v35 =	vld.idx.msk [tilespmem:v26+s6+$0x0], $0xffff  }
0x229: {  	vm4 =	vle.f32 v19, v17;
	vm6 =	vle.f32 v20, v18;
	vm7 =	vle.f32 v30, v29;
	v36 =	vld.idx.msk [tilespmem:v27+s6+$0x0], $0xffff  }
0x22a: {  	v22 =	vshll.u32 v13, $0x10;
	v23 =	vand.u32 $0xFFFF0000, v13;
	v26 =	vshll.u32 v31, $0x10  }
0x22b: {  	v24 =	vshll.u32 v14, $0x10;
	v25 =	vand.u32 $0xFFFF0000, v14;
	v37 =	vshll.u32 v32, $0x10  }
0x22c: {  	v32 =	vand.u32 $0xFFFF0000, v32;
	v27 =	vand.u32 $0xFFFF0000, v31;
	v31 =	vshll.u32 v34, $0x10  }
0x22d: {  	v38 =	vshll.u32 v33, $0x10;
	v33 =	vand.u32 $0xFFFF0000, v33;
	v39 =	vshll.u32 v35, $0x10  }
0x22e: {  	v35 =	vand.u32 $0xFFFF0000, v35;
	v34 =	vand.u32 $0xFFFF0000, v34;
	v40 =	vshll.u32 v36, $0x10  }
0x22f: {  	v36 =	vand.u32 $0xFFFF0000, v36;
	vm8 =	vgt.f32 v23, v22;
	vm9 =	vgt.f32 v32, v37  }
0x230: {  	vm10 =	vgt.f32 v27, v26;
	vm11 =	vgt.f32 v25, v24;
	vm12 =	vgt.f32 v35, v39  }
0x231: {  	vm13 =	vgt.f32 v34, v31;
	vm14 =	vgt.f32 v33, v38;
	vm15 =	vgt.f32 v36, v40  }
0x232: {  	vm11 =	vmand vm1, vm11;
	vm5 =	vmand vm5, vm8;
	vm1 =	vmand vm6, vm14  }
0x233: {  	vm2 =	vmand vm2, vm10;
	vm15 =	vmand vm7, vm15;
	vm3 =	vmand vm3, vm12  }
0x234: {  	vm4 =	vmand vm4, vm13;
	v41 =	vsel vm11, v10, v9;
	v42 =	vsel vm5, v8, v7  }
0x235: {  	v43 =	vsel vm5, v7, v8;
	v44 =	vsel vm2, v12, v11;
	v7 =	vmul.f32 $1.442695020e+00, v42  }
0x236: {  	v45 =	vsel vm11, v9, v10;
	v46 =	vsel vm2, v11, v12;
	v8 =	vmul.f32 $1.442695020e+00, v41  }
0x237: {  	v48 =	vsel vm15, v30, v29;
	v10 =	vmul.f32 $1.442695020e+00, v44;
	(erf) = vpow2.f32 v7  }
0x238: {  	s13 =	simm.s32 $0x80;
	v29 =	vsel vm15, v29, v30;
	v7 =	vmul.f32 $1.442695020e+00, v48;
	(erf) = vpow2.f32 v8  }
0x239: {  	s16 =	simm.s32 $0x1B200;
	v63 =	vld [tilespmem:s13+$0x1A0D0];
	v30 =	vsel vm3, v28, v21;
	v8 =	vmul.f32 $1.442695020e+00, v29;
	(erf) = vpow2.f32 v10  }
0x23a: {  	v13 =	vld [tilespmem:s16+$0xFFFFFFE0];
	v21 =	vsel vm3, v21, v28;
	v11 =	vmul.f32 $1.442695020e+00, v30;
	(erf) = vpow2.f32 v7  }
0x23b: {  	v14 =	vld [tilespmem:s16+$0x60];
	v49 =	vsel vm4, v19, v17;
	v28 =	vmul.f32 $1.442695020e+00, v21;
	(erf) = vpow2.f32 v8  }
0x23c: {  	v9 =	vld [tilespmem:s16+$0xFFFFFFF0];
	v50 =	vsel vm4, v17, v19;
	v8 =	vmul.f32 $1.442695020e+00, v49;
	(erf) = vpow2.f32 v11  }
0x23d: {  	vm0 =	vmand vm0, vm9;
	v12 =	vld [tilespmem:s16+$0x70];
	v11 =	vmul.f32 $1.442695020e+00, v50;
	(erf) = vpow2.f32 v28  }
0x23e: {  	v17 =	vld [tilespmem:s16+$0xFFFFFFC0];
	v51 =	vsel vm1, v20, v18;
	v52 =	vsel vm0, v16, v15;
	(erf) = vpow2.f32 v8  }
0x23f: {  	v19 =	vld [tilespmem:s16+$0x40];
	v53 =	vsel vm0, v15, v16;
	v47 =	vmul.f32 $1.442695020e+00, v43;
	(erf) = vpow2.f32 v11  }
0x240: {  	v15 =	vld [tilespmem:s16+$0xFFFFFFA0];
	v54 =	vmul.f32 $1.442695020e+00, v52;
	v28 =	vsel vm1, v18, v20;
	v18 =	vmul.f32 $1.442695020e+00, v51;
	v55 =	vpop (erf)  }
0x241: {  	v16 =	vld [tilespmem:s16+$0x20];
	v38 =	vsub.f32 v51, v38;
	v31 =	vsub.f32 v49, v31;
	v20 =	vmul.f32 $1.442695020e+00, v28;
	v51 =	vpop (erf)  }
0x242: {  	v40 =	vsub.f32 v48, v40;
	v56 =	vsub.f32 v44, v26;
	v26 =	vld [tilespmem:s13+$0x1A090];
	(erf) = vpow2.f32 v18;
	v49 =	vpop (erf)  }
0x243: {  	v30 =	vsub.f32 v30, v39;
	v48 =	vld [tilespmem:s13+$0x1A0C0];
	v18 =	vmul.f32 $1.442695020e+00, v53;
	(erf) = vpow2.f32 v20;
	v57 =	vpop (erf)  }
0x244: {  	v29 =	vsub.f32 v29, v36;
	v10 =	vld [tilespmem:s16+$0x50];
	v20 =	vmul.f32 $1.442695020e+00, v46;
	(erf) = vpow2.f32 v54;
	v59 =	vpop (erf)  }
0x245: {  	v35 =	vsub.f32 v21, v35;
	v7 =	vld [tilespmem:s16+$0xFFFFFFD0];
	(erf) = vpow2.f32 v18;
	v36 =	vmul.f32 v57, v40;
	v21 =	vpop (erf)  }
0x246: {  	v58 =	vmul.f32 $1.442695020e+00, v45;
	v34 =	vsub.f32 v50, v34;
	v8 =	vld [tilespmem:s16+$0xFFFFFFB0];
	v29 =	vmul.f32 v59, v29;
	v60 =	vpop (erf)  }
0x247: {  	v11 =	vld [tilespmem:s16+$0x30];
	(erf) = vpow2.f32 v20;
	v30 =	vmul.f32 v21, v30;
	v6 =	vadd.f32 v36, v6;
	v61 =	vpop (erf)  }
0x248: {  	v32 =	vsub.f32 v53, v32;
	v53 =	vld [tilespmem:s13+$0x1A0B0];
	(erf) = vpow2.f32 v58;
	v29 =	vadd.f32 v29, v5;
	v62 =	vpop (erf)  }
0x249: {  	v54 =	vld [tilespmem:s13+$0x1A0F0];
	v35 =	vmul.f32 v60, v35;
	v6 =	vadd.f32 v30, v6;
	v30 =	vmul.f32 v62, v34  }
0x24a: {  	v18 =	vld [tilespmem:s16+$0xFFFFFF90];
	v31 =	vmul.f32 v61, v31  }
0x24b: {  	v28 =	vsub.f32 v28, v33;
	v40 =	vld [tilespmem:s13+$0x1A0E0];
	(erf) = vpow2.f32 v47;
	v29 =	vadd.f32 v35, v29;
	v47 =	vpop (erf)  }
0x24c: {  	v50 =	vsub.f32 v52, v37;
	v20 =	vld [tilespmem:s16+$0x10];
	v33 =	vmul.f32 v47, v38;
	v52 =	vpop (erf);
	v6 =	vadd.f32 v31, v6  }
0x24d: {  	v31 =	vld [tilespmem:s13+$0x1A0A0];
	v29 =	vadd.f32 v30, v29;
	v28 =	vmul.f32 v52, v28;
	v30 =	vpop (erf)  }
0x24e: {  	v57 =	vsub.f32 v46, v27;
	v21 =	vld [tilespmem:s16+$0xFFFFFF80];
	v6 =	vadd.f32 v33, v6;
	v27 =	vpop (erf)  }
0x24f: {  	v5 =	vld [tilespmem:s16+$0x0];
	v28 =	vadd.f32 v28, v29;
	v30 =	vmul.f32 v30, v50;
	v29 =	vmul.f32 v27, v32  }
0x250: {  	v25 =	vsub.f32 v45, v25;
	v59 =	vmul.f32 v49, v56;
	v60 =	vsub.f32 v41, v24;
	v58 =	vpop (erf);
	v27 =	vld [tilespmem:s13+$0x1A080]  }
0x251: {  	v24 =	vld.idx.msk [tilespmem:v54+s6+$0x0], $0xffff;
	v6 =	vadd.f32 v30, v6;
	v32 =	vmul.f32 v58, v57;
	v30 =	vadd.f32 v29, v28  }
0x252: {  	v22 =	vsub.f32 v42, v22;
	v35 =	vmul.f32 v51, v60;
	v62 =	vsub.f32 v43, v23;
	v33 =	vld.idx.msk [tilespmem:v48+s6+$0x0], $0xffff;
	v61 =	vpop (erf)  }
0x253: {  	v28 =	vld.idx.msk [tilespmem:v40+s6+$0x0], $0xffff;
	v25 =	vmul.f32 v61, v25;
	v23 =	vadd.f32 v59, v6;
	v32 =	vadd.f32 v32, v30  }
0x254: {  	v29 =	vld.idx.msk [tilespmem:v63+s6+$0x0], $0xffff;
	v63 =	vpop (erf);
	v6 =	vmul.f32 v55, v22  }
0x255: {  	v34 =	vld.idx.msk [tilespmem:v31+s6+$0x0], $0xffff;
	v22 =	vadd.f32 v35, v23;
	v23 =	vadd.f32 v25, v32;
	v25 =	vmul.f32 v63, v62  }
0x256: {  	s29 =	sshll.u32 s12, $0x7;
	s5 =	simm.s32 $0x400;
	vm2 =	vle.f32 v12, v9;
	vm1 =	vle.f32 v14, v13;
	vm0 =	vle.f32 v10, v7;
	v30 =	vld.idx.msk [tilespmem:v53+s6+$0x0], $0xffff  }
.LBB2_12:
0x257: {  	p2 =	sne.s32 s5, $0xE00;
	v36 =	vld.idx.msk [tilespmem:v26+s6+$0x0], $0xffff;
	vm3 =	vle.f32 v19, v17;
	v31 =	vadd.f32 v6, v22;
	v32 =	vadd.f32 v25, v23  }
0x258: {  	vm4 =	vle.f32 v20, v18;
	vm5 =	vle.f32 v16, v15;
	vm7 =	vle.f32 v11, v8;
	v37 =	vld.idx.msk [tilespmem:v27+s6+$0x0], $0xffff  }
0x259: {  	vm6 =	vle.f32 v5, v21;
	v6 =	vshll.u32 v24, $0x10;
	v22 =	vand.u32 $0xFFFF0000, v24  }
0x25a: {  	v23 =	vshll.u32 v28, $0x10;
	v24 =	vand.u32 $0xFFFF0000, v28;
	v25 =	vshll.u32 v29, $0x10  }
0x25b: {  	v26 =	vand.u32 $0xFFFF0000, v29;
	v27 =	vshll.u32 v33, $0x10;
	v28 =	vand.u32 $0xFFFF0000, v33  }
0x25c: {  	v39 =	vshll.u32 v30, $0x10;
	v35 =	vand.u32 $0xFFFF0000, v30;
	v38 =	vshll.u32 v34, $0x10  }
0x25d: {  	v42 =	vand.u32 $0xFFFF0000, v34;
	v40 =	vshll.u32 v36, $0x10;
	v41 =	vand.u32 $0xFFFF0000, v36  }
0x25e: {  	vm8 =	vgt.f32 v22, v6;
	v43 =	vshll.u32 v37, $0x10;
	v37 =	vand.u32 $0xFFFF0000, v37  }
0x25f: {  	vm11 =	vgt.f32 v24, v23;
	vm10 =	vgt.f32 v26, v25;
	vm9 =	vgt.f32 v28, v27  }
0x260: {  	vm14 =	vgt.f32 v35, v39;
	vm13 =	vgt.f32 v42, v38;
	vm12 =	vgt.f32 v41, v40  }
0x261: {  	vm11 =	vmand vm1, vm11;
	vm8 =	vmand vm2, vm8;
	vm15 =	vgt.f32 v37, v43  }
0x262: {  	vm1 =	vmand vm3, vm9;
	vm3 =	vmand vm0, vm10;
	vm2 =	vmand vm7, vm14  }
0x263: {  	vm0 =	vmand vm5, vm13;
	vm4 =	vmand vm4, vm12;
	vm6 =	vmand vm6, vm15  }
0x264: {  	v33 =	vsel vm11, v14, v13;
	v29 =	vsel vm8, v12, v9;
	v30 =	vsel vm8, v9, v12  }
0x265: {  	v34 =	vsel vm11, v13, v14;
	v12 =	vmul.f32 $1.442695020e+00, v29;
	v36 =	vsel vm3, v10, v7  }
0x266: {  	s16 =	sadd.s32 $0x100, s16;
	v45 =	vmul.f32 $1.442695020e+00, v30;
	v44 =	vsel vm3, v7, v10;
	v7 =	vmul.f32 $1.442695020e+00, v33  }
0x267: {  	v10 =	vmul.f32 $1.442695020e+00, v36;
	v46 =	vsel vm6, v5, v21;
	v9 =	vld [tilespmem:s16+$0xFFFFFFF0];
	(erf) = vpow2.f32 v12  }
0x268: {  	v5 =	vsel vm6, v21, v5;
	v21 =	vmul.f32 $1.442695020e+00, v46;
	v12 =	vld [tilespmem:s16+$0x70];
	(erf) = vpow2.f32 v7  }
0x269: {  	v48 =	vsel vm4, v20, v18;
	v47 =	vmul.f32 $1.442695020e+00, v5;
	v13 =	vld [tilespmem:s16+$0xFFFFFFE0];
	(erf) = vpow2.f32 v10  }
0x26a: {  	v49 =	vsel vm4, v18, v20;
	v18 =	vmul.f32 $1.442695020e+00, v48;
	v14 =	vld [tilespmem:s16+$0x60];
	(erf) = vpow2.f32 v21  }
0x26b: {  	v20 =	vmul.f32 $1.442695020e+00, v49;
	v21 =	vsel vm0, v16, v15;
	v7 =	vld [tilespmem:s16+$0xFFFFFFD0];
	(erf) = vpow2.f32 v47  }
0x26c: {  	v47 =	vsel vm0, v15, v16;
	v15 =	vmul.f32 $1.442695020e+00, v21;
	v10 =	vld [tilespmem:s16+$0x50];
	(erf) = vpow2.f32 v18  }
0x26d: {  	v16 =	vmul.f32 $1.442695020e+00, v47;
	v18 =	vsel vm2, v11, v8;
	v50 =	vld [tilespmem:s16+$0xFFFFFFC0];
	(erf) = vpow2.f32 v20  }
0x26e: {  	v52 =	vsel vm2, v8, v11;
	v20 =	vmul.f32 $1.442695020e+00, v18;
	v51 =	vld [tilespmem:s16+$0x40];
	(erf) = vpow2.f32 v15  }
0x26f: {  	v54 =	vsel vm1, v19, v17;
	v56 =	vmul.f32 $1.442695020e+00, v52;
	v8 =	vld [tilespmem:s16+$0xFFFFFFB0];
	(erf) = vpow2.f32 v16  }
0x270: {  	v17 =	vsel vm1, v17, v19;
	v57 =	vmul.f32 $1.442695020e+00, v54;
	v11 =	vld [tilespmem:s16+$0x30];
	(erf) = vpow2.f32 v20;
	v55 =	vpop (erf)  }
0x271: {  	v39 =	vsub.f32 v18, v39;
	v18 =	vmul.f32 $1.442695020e+00, v17;
	v15 =	vld [tilespmem:s16+$0xFFFFFFA0];
	(erf) = vpow2.f32 v56;
	v53 =	vpop (erf)  }
0x272: {  	s13 =	sshra.s32 s5, $0x2;
	v38 =	vsub.f32 v21, v38;
	v20 =	vmul.f32 $1.442695020e+00, v44;
	v16 =	vld [tilespmem:s16+$0x20];
	(erf) = vpow2.f32 v57;
	v19 =	vpop (erf)  }
0x273: {  	v5 =	vsub.f32 v5, v37;
	v57 =	vsub.f32 v46, v43;
	v56 =	vld [tilespmem:s13+$0x1A0F0];
	v37 =	vpop (erf);
	(erf) = vpow2.f32 v18  }
0x274: {  	v40 =	vsub.f32 v48, v40;
	v43 =	vmul.f32 $1.442695020e+00, v34;
	v18 =	vld [tilespmem:s16+$0xFFFFFF90];
	v46 =	vpop (erf);
	(erf) = vpow2.f32 v20  }
0x275: {  	v48 =	vsub.f32 v49, v41;
	v37 =	vmul.f32 v37, v57;
	v20 =	vld [tilespmem:s16+$0x10];
	v5 =	vmul.f32 v46, v5;
	v21 =	vpop (erf)  }
0x276: {  	v42 =	vsub.f32 v47, v42;
	v46 =	vld [tilespmem:s13+$0x1A0E0];
	v49 =	vmul.f32 v21, v40;
	v47 =	vpop (erf);
	(erf) = vpow2.f32 v43  }
0x277: {  	v31 =	vadd.f32 v37, v31;
	v21 =	vld [tilespmem:s16+$0xFFFFFF80];
	v32 =	vadd.f32 v5, v32;
	v37 =	vmul.f32 v47, v48;
	v41 =	vpop (erf)  }
0x278: {  	v47 =	vsub.f32 v52, v35;
	v5 =	vld [tilespmem:s16+$0x0];
	v38 =	vmul.f32 v41, v38;
	v41 =	vpop (erf);
	(erf) = vpow2.f32 v45  }
0x279: {  	v31 =	vadd.f32 v49, v31;
	v43 =	vld [tilespmem:s13+$0x1A0D0];
	v32 =	vadd.f32 v37, v32;
	v37 =	vmul.f32 v41, v42;
	v40 =	vpop (erf)  }
0x27a: {  	v17 =	vsub.f32 v17, v28;
	v42 =	vsub.f32 v54, v27;
	v41 =	vld [tilespmem:s13+$0x1A0C0];
	v39 =	vmul.f32 v40, v39;
	v28 =	vpop (erf)  }
0x27b: {  	v31 =	vadd.f32 v38, v31;
	v40 =	vld [tilespmem:s13+$0x1A0B0];
	v32 =	vadd.f32 v37, v32;
	v28 =	vmul.f32 v28, v47;
	v35 =	vpop (erf)  }
0x27c: {  	v25 =	vsub.f32 v36, v25;
	v36 =	vsub.f32 v44, v26;
	v37 =	vld [tilespmem:s13+$0x1A0A0];
	v35 =	vmul.f32 v35, v42;
	v27 =	vpop (erf)  }
0x27d: {  	v31 =	vadd.f32 v39, v31;
	v26 =	vld [tilespmem:s13+$0x1A090];
	v28 =	vadd.f32 v28, v32;
	v32 =	vmul.f32 v27, v17;
	v38 =	vpop (erf)  }
0x27e: {  	v23 =	vsub.f32 v33, v23;
	v19 =	vmul.f32 v19, v25;
	v25 =	vsub.f32 v34, v24;
	v17 =	vmovc v50;
	v27 =	vld [tilespmem:s13+$0x1A080]  }
0x27f: {  	v31 =	vadd.f32 v35, v31;
	v33 =	vmul.f32 v38, v36;
	v24 =	vld.idx.msk [tilespmem:v56+s6+$0x0], $0xffff;
	v39 =	vadd.f32 v32, v28;
	v34 =	vpop (erf)  }
.Ltmp9:
0x280: {  	v6 =	vsub.f32 v29, v6;
	v23 =	vmul.f32 v53, v23;
	v35 =	vsub.f32 v30, v22;
	v28 =	vld.idx.msk [tilespmem:v46+s6+$0x0], $0xffff;
	(pc) =	sbr.rel @p2 .LBB2_12-.Ltmp9, $4  }
0x281: {  	v22 =	vadd.f32 v19, v31;
	v25 =	vmul.f32 v34, v25;
	v29 =	vld.idx.msk [tilespmem:v43+s6+$0x0], $0xffff;
	v31 =	vadd.f32 v33, v39;
	v32 =	vpop (erf)  }
0x282: {  	v6 =	vmul.f32 v55, v6;
	v19 =	vmov v51;
	v33 =	vld.idx.msk [tilespmem:v41+s6+$0x0], $0xffff  }
0x283: {  	v22 =	vadd.f32 v23, v22;
	v30 =	vld.idx.msk [tilespmem:v40+s6+$0x0], $0xffff;
	v23 =	vadd.f32 v25, v31;
	v25 =	vmul.f32 v32, v35  }
0x284: {  	s5 =	sadd.s32 $0x200, s5;
	vm2 =	vle.f32 v12, v9;
	vm1 =	vle.f32 v14, v13;
	vm0 =	vle.f32 v10, v7;
	v34 =	vld.idx.msk [tilespmem:v37+s6+$0x0], $0xffff  }
0x285: {  	_ = 	snop  }
0x286: {  	vm3 =	vle.f32 v19, v17  }
0x287: {  	v31 =	vadd.f32 v6, v22;
	v23 =	vadd.f32 v25, v23;
	vm4 =	vle.f32 v20, v18  }
0x288: {  	vm5 =	vle.f32 v16, v15;
	vm6 =	vle.f32 v11, v8;
	vm7 =	vle.f32 v5, v21  }
0x289: {  	v44 =	vld.idx.msk [tilespmem:v27+s6+$0x0], $0xffff;
	v6 =	vshll.u32 v24, $0x10;
	v22 =	vand.u32 $0xFFFF0000, v24;
	v27 =	vshll.u32 v28, $0x10  }
0x28a: {  	v28 =	vand.u32 $0xFFFF0000, v28;
	v24 =	vshll.u32 v29, $0x10;
	v29 =	vand.u32 $0xFFFF0000, v29  }
0x28b: {  	vm8 =	vgt.f32 v22, v6;
	vm11 =	vgt.f32 v28, v27;
	v32 =	vshll.u32 v33, $0x10  }
0x28c: {  	v26 =	vld.idx.msk [tilespmem:v26+s6+$0x0], $0xffff;
	v33 =	vand.u32 $0xFFFF0000, v33;
	vm10 =	vgt.f32 v29, v24;
	vm11 =	vmand vm1, vm11  }
0x28d: {  	vm8 =	vmand vm2, vm8;
	v36 =	vshll.u32 v30, $0x10;
	v30 =	vand.u32 $0xFFFF0000, v30  }
0x28e: {  	vm9 =	vgt.f32 v33, v32;
	vm0 =	vmand vm0, vm10;
	v39 =	vsel vm8, v12, v9  }
0x28f: {  	v40 =	vsel vm11, v14, v13;
	v35 =	vshll.u32 v34, $0x10;
	v34 =	vand.u32 $0xFFFF0000, v34  }
0x290: {  	vm14 =	vgt.f32 v30, v36;
	v45 =	vmul.f32 $1.442695020e+00, v39;
	v41 =	vsel vm0, v10, v7  }
0x291: {  	v46 =	vmul.f32 $1.442695020e+00, v40;
	v37 =	vshll.u32 v26, $0x10;
	v26 =	vand.u32 $0xFFFF0000, v26  }
0x292: {  	v38 =	vshll.u32 v44, $0x10;
	v25 =	vand.u32 $0xFFFF0000, v44;
	vm13 =	vgt.f32 v34, v35  }
0x293: {  	vm2 =	vmand vm6, vm14;
	v43 =	vmul.f32 $1.442695020e+00, v41;
	vm15 =	vgt.f32 v25, v38  }
0x294: {  	vm12 =	vgt.f32 v26, v37;
	vm5 =	vmand vm5, vm13;
	vm15 =	vmand vm7, vm15  }
0x295: {  	(erf) = vpow2.f32 v45;
	vm4 =	vmand vm4, vm12;
	v42 =	vsel vm15, v5, v21  }
0x296: {  	(erf) = vpow2.f32 v46;
	v5 =	vsel vm15, v21, v5;
	v47 =	vmul.f32 $1.442695020e+00, v42  }
0x297: {  	v49 =	vsel vm4, v20, v18;
	(erf) = vpow2.f32 v43;
	v48 =	vmul.f32 $1.442695020e+00, v5  }
0x298: {  	v18 =	vsel vm4, v18, v20;
	v50 =	vmul.f32 $1.442695020e+00, v49;
	(erf) = vpow2.f32 v47  }
0x299: {  	v52 =	vsel vm5, v16, v15;
	v51 =	vmul.f32 $1.442695020e+00, v18;
	(erf) = vpow2.f32 v48  }
0x29a: {  	v53 =	vsel vm5, v15, v16;
	v54 =	vmul.f32 $1.442695020e+00, v52;
	(erf) = vpow2.f32 v50  }
0x29b: {  	v55 =	vsel vm2, v11, v8;
	v16 =	vmul.f32 $1.442695020e+00, v53;
	(erf) = vpow2.f32 v51  }
0x29c: {  	v8 =	vsel vm2, v8, v11;
	v56 =	vmul.f32 $1.442695020e+00, v55;
	(erf) = vpow2.f32 v54  }
0x29d: {  	v9 =	vsel vm8, v9, v12;
	v57 =	vmul.f32 $1.442695020e+00, v8;
	(erf) = vpow2.f32 v16  }
0x29e: {  	v13 =	vsel vm11, v13, v14;
	v7 =	vsel vm0, v7, v10;
	v11 =	vpop (erf);
	(erf) = vpow2.f32 v56  }
0x29f: {  	s5 =	sadd.s32 s17, s29;
	v60 =	vmul.f32 $1.442695020e+00, v9;
	vm14 =	vmand vm3, vm9;
	v12 =	vpop (erf);
	(erf) = vpow2.f32 v57  }
0x2a0: {  	p2 =	sgt.u32 s5, $0xC34;
	v58 =	vsel vm14, v19, v17;
	v61 =	vsel vm14, v17, v19;
	v45 =	vmul.f32 $1.442695020e+00, v7;
	v44 =	vpop (erf)  }
0x2a1: {  	v19 =	vlaneseq.u32 @!p2;
	v59 =	vmul.f32 $1.442695020e+00, v58;
	v5 =	vsub.f32 v5, v25;
	v46 =	vpop (erf)  }
0x2a2: {  	v62 =	vsub.f32 v55, v36;
	v63 =	vmul.f32 $1.442695020e+00, v61;
	v47 =	vsub.f32 v49, v37;
	v49 =	vpop (erf)  }
0x2a3: {  	v8 =	vsub.f32 v8, v30;
	v18 =	vsub.f32 v18, v26;
	v50 =	vpop (erf);
	v5 =	vmul.f32 v49, v5  }
0x2a4: {  	v14 =	vsub.f32 v53, v34;
	v38 =	vsub.f32 v42, v38;
	(erf) = vpow2.f32 v59;
	v51 =	vpop (erf)  }
0x2a5: {  	(erf) = vpow2.f32 v63;
	v53 =	vpop (erf);
	v5 =	vadd.f32 v5, v23;
	v18 =	vmul.f32 v51, v18  }
0x2a6: {  	v15 =	vsub.f32 v58, v32;
	v48 =	vmul.f32 $1.442695020e+00, v13;
	(erf) = vpow2.f32 v45;
	v55 =	vpop (erf)  }
0x2a7: {  	v25 =	vmul.f32 v46, v38;
	v5 =	vadd.f32 v18, v5;
	v14 =	vmul.f32 v55, v14;
	v57 =	vpop (erf)  }
0x2a8: {  	v35 =	vsub.f32 v52, v35;
	(erf) = vpow2.f32 v48;
	v20 =	vmul.f32 v50, v47;
	v58 =	vpop (erf)  }
0x2a9: {  	v52 =	vadd.f32 v25, v31;
	v5 =	vadd.f32 v14, v5;
	v8 =	vmul.f32 v58, v8  }
0x2aa: {  	(erf) = vpow2.f32 v60;
	v54 =	vmul.f32 v53, v35  }
0x2ab: {  	v56 =	vadd.f32 v20, v52;
	v5 =	vadd.f32 v8, v5;
	v8 =	vmul.u32 @!p2 $0x2, v19  }
0x2ac: {  	s13 =	sshll.u32 @!p2 s5, $0x4;
	v17 =	vsub.f32 v61, v33  }
0x2ad: {  	v18 =	vmul.f32 v57, v62;
	v16 =	vadd.f32 v54, v56;
	v59 =	vpop (erf);
	v8 =	vadd.s32 @!p2 s13, v8;
	s13 =	simm.s32 @!p2 $0x1D080  }
0x2ae: {  	s16 =	simm.s32 @!p2 $0x8;
	s1 =	simm.s32 @!p2 $0x1A080;
	v7 =	vsub.f32 v7, v29;
	v60 =	vsub.f32 v41, v24;
	v61 =	vpop (erf);
	[tilespmem:v19+s13+$0x0] =	vst.idx.msk @!p2 $0xff, v8  }
0x2af: {  	v14 =	vmul.f32 v59, v15;
	v16 =	vadd.f32 v18, v16;
	v17 =	vmul.f32 v61, v17;
	[tilespmem:s1], [sflag:$0x1] =	stream.indirect.gather @!p2 [hbm4b:s4+s16], $0x80, s13, s16, $0xb8;
	[tilespmem:$0x1EB70] =	vst v63  }
0x2b0: {  	v13 =	vsub.f32 v13, v28;
	v10 =	vmul.f32 v44, v60;
	v62 =	vsub.f32 v40, v27;
	v63 =	vpop (erf);
	s1 =	sshll.u32 @!p2 s5, $0x8  }
0x2b1: {  	v14 =	vadd.f32 v14, v16;
	v7 =	vmul.f32 v63, v7;
	v5 =	vadd.f32 v17, v5;
	s5 =	simm.s32 @!p2 $0x0;
	s13 =	simm.s32 @!p2 $0x1B080;
	s1 =	sadd.s32 @!p2 s2, s1  }
0x2b2: {  	v6 =	vsub.f32 v39, v6;
	v9 =	vsub.f32 v9, v22;
	v12 =	vmul.f32 v12, v62;
	v8 =	vpop (erf);
	[tilespmem:s13], [sflag:$0x5] =	stream.linear.gather @!p2 [hbm4b:s1+s5], $0x800, $0x38;
	[tilespmem:$0x1EB70] =	vst v63  }
0x2b3: {  	v10 =	vadd.f32 v10, v14;
	v5 =	vadd.f32 v7, v5;
	v7 =	vmul.f32 v8, v13;
	p2 =	sge.u32 s29, s21  }
.Ltmp10:
0x2b4: {  	v6 =	vmul.f32 v11, v6;
	v8 =	vpop (erf);
	(pc) =	sbr.rel @p2 .LBB2_17-.Ltmp10, $2  }
0x2b5: {  	v10 =	vadd.f32 v12, v10;
	v5 =	vadd.f32 v7, v5;
	v7 =	vmul.f32 v8, v9;
	_ =	sdelay $0x1  }
0x2b6: {  	v6 =	vadd.f32 v6, v10;
	v5 =	vadd.f32 v7, v5;
	_ =	sdelay $0x1  }
0x2b7: {  	_ =	swait.ge [sflag:s9], $0x400  }
0x2b8: {  	[sflag:s9] =	ssyncset.done $0x0  }
0x2b9: {  	[sflag:s9] =	ssyncadd.s32 $0xFFFFFC00  }
0x2ba: {  	_ =	swait.ge [sflag:s11], $0x800  }
0x2bb: {  	[sflag:s11] =	ssyncset.done $0x0  }
0x2bc: {  	s1 =	simm.s32 $0x1B900;
	[sflag:s11] =	ssyncadd.s32 $0xFFFFF800  }
0x2bd: {  	v7 =	vld [tilespmem:s1+$0xFFFFFFF0]  }
0x2be: {  	v8 =	vld [tilespmem:s1+$0x70]  }
0x2bf: {  	v9 =	vld [tilespmem:s1+$0xFFFFFFE0]  }
0x2c0: {  	v10 =	vld [tilespmem:s1+$0x60]  }
0x2c1: {  	v11 =	vld [tilespmem:s1+$0xFFFFFFD0]  }
0x2c2: {  	v12 =	vld [tilespmem:s1+$0x50]  }
0x2c3: {  	v14 =	vld [tilespmem:s1+$0xFFFFFFC0]  }
0x2c4: {  	v16 =	vld [tilespmem:s1+$0x40]  }
0x2c5: {  	v18 =	vld [tilespmem:s1+$0xFFFFFFB0]  }
0x2c6: {  	v20 =	vld [tilespmem:s1+$0x30]  }
0x2c7: {  	v17 =	vld [tilespmem:s1+$0xFFFFFFA0]  }
0x2c8: {  	s5 =	simm.s32 $0x0;
	v19 =	vld [tilespmem:s1+$0x20]  }
0x2c9: {  	v13 =	vld [tilespmem:s5+$0x1A4F0]  }
0x2ca: {  	v15 =	vld [tilespmem:s1+$0xFFFFFF90]  }
0x2cb: {  	v21 =	vld [tilespmem:s1+$0x10]  }
0x2cc: {  	v22 =	vld [tilespmem:s5+$0x1A4E0]  }
0x2cd: {  	v28 =	vld [tilespmem:s1+$0xFFFFFF80]  }
0x2ce: {  	v29 =	vld [tilespmem:s1+$0x0]  }
0x2cf: {  	v23 =	vld [tilespmem:s5+$0x1A4D0]  }
0x2d0: {  	v24 =	vld [tilespmem:s5+$0x1A4C0]  }
0x2d1: {  	v25 =	vld [tilespmem:s5+$0x1A4B0]  }
0x2d2: {  	v26 =	vld [tilespmem:s5+$0x1A4A0]  }
0x2d3: {  	v27 =	vld [tilespmem:s5+$0x1A490]  }
0x2d4: {  	v30 =	vld [tilespmem:s5+$0x1A480]  }
0x2d5: {  	v13 =	vld.idx.msk [tilespmem:v13+s6+$0x0], $0xffff  }
0x2d6: {  	v31 =	vld.idx.msk [tilespmem:v22+s6+$0x0], $0xffff  }
0x2d7: {  	v32 =	vld.idx.msk [tilespmem:v23+s6+$0x0], $0xffff  }
0x2d8: {  	v33 =	vld.idx.msk [tilespmem:v24+s6+$0x0], $0xffff  }
0x2d9: {  	v34 =	vld.idx.msk [tilespmem:v25+s6+$0x0], $0xffff  }
0x2da: {  	vm2 =	vle.f32 v12, v11;
	vm1 =	vle.f32 v10, v9;
	v35 =	vld.idx.msk [tilespmem:v26+s6+$0x0], $0xffff  }
0x2db: {  	vm5 =	vle.f32 v8, v7;
	vm0 =	vle.f32 v16, v14;
	vm3 =	vle.f32 v21, v15;
	v36 =	vld.idx.msk [tilespmem:v27+s6+$0x0], $0xffff  }
0x2dc: {  	vm4 =	vle.f32 v19, v17;
	vm6 =	vle.f32 v20, v18;
	vm7 =	vle.f32 v29, v28;
	v30 =	vld.idx.msk [tilespmem:v30+s6+$0x0], $0xffff  }
0x2dd: {  	v22 =	vshll.u32 v13, $0x10;
	v23 =	vand.u32 $0xFFFF0000, v13;
	v26 =	vshll.u32 v32, $0x10  }
0x2de: {  	v24 =	vshll.u32 v31, $0x10;
	v25 =	vand.u32 $0xFFFF0000, v31;
	v31 =	vshll.u32 v33, $0x10  }
0x2df: {  	v33 =	vand.u32 $0xFFFF0000, v33;
	v27 =	vand.u32 $0xFFFF0000, v32;
	v63 =	vshll.u32 v35, $0x10  }
0x2e0: {  	v37 =	vshll.u32 v34, $0x10;
	v34 =	vand.u32 $0xFFFF0000, v34;
	v38 =	vshll.u32 v36, $0x10  }
0x2e1: {  	v36 =	vand.u32 $0xFFFF0000, v36;
	v35 =	vand.u32 $0xFFFF0000, v35;
	v39 =	vshll.u32 v30, $0x10  }
0x2e2: {  	v30 =	vand.u32 $0xFFFF0000, v30;
	vm8 =	vgt.f32 v23, v22;
	vm9 =	vgt.f32 v33, v31  }
0x2e3: {  	vm10 =	vgt.f32 v27, v26;
	vm11 =	vgt.f32 v25, v24;
	vm12 =	vgt.f32 v36, v38  }
0x2e4: {  	vm13 =	vgt.f32 v35, v63;
	vm14 =	vgt.f32 v34, v37;
	vm15 =	vgt.f32 v30, v39  }
0x2e5: {  	vm11 =	vmand vm1, vm11;
	vm5 =	vmand vm5, vm8;
	vm1 =	vmand vm6, vm14  }
0x2e6: {  	vm0 =	vmand vm0, vm9;
	vm2 =	vmand vm2, vm10;
	vm15 =	vmand vm7, vm15  }
0x2e7: {  	vm3 =	vmand vm3, vm12;
	v40 =	vsel vm11, v10, v9;
	v41 =	vsel vm5, v8, v7  }
0x2e8: {  	v42 =	vsel vm5, v7, v8;
	v43 =	vsel vm2, v12, v11;
	v7 =	vmul.f32 $1.442695020e+00, v41  }
0x2e9: {  	v44 =	vsel vm11, v9, v10;
	v45 =	vsel vm2, v11, v12;
	v9 =	vmul.f32 $1.442695020e+00, v40  }
0x2ea: {  	v47 =	vsel vm15, v29, v28;
	v12 =	vmul.f32 $1.442695020e+00, v43;
	(erf) = vpow2.f32 v7  }
0x2eb: {  	s16 =	simm.s32 $0x1BA00;
	v28 =	vsel vm15, v28, v29;
	v7 =	vmul.f32 $1.442695020e+00, v47;
	(erf) = vpow2.f32 v9  }
0x2ec: {  	v13 =	vld [tilespmem:s16+$0xFFFFFFD0];
	v29 =	vsel vm3, v21, v15;
	v9 =	vmul.f32 $1.442695020e+00, v28;
	(erf) = vpow2.f32 v12  }
0x2ed: {  	v8 =	vld [tilespmem:s16+$0xFFFFFFF0];
	v21 =	vsel vm3, v15, v21;
	v48 =	vmul.f32 $1.442695020e+00, v29;
	(erf) = vpow2.f32 v7  }
0x2ee: {  	vm4 =	vmand vm4, vm13;
	v10 =	vld [tilespmem:s16+$0x70];
	v7 =	vmul.f32 $1.442695020e+00, v21;
	(erf) = vpow2.f32 v9  }
0x2ef: {  	v11 =	vld [tilespmem:s16+$0xFFFFFFE0];
	v49 =	vsel vm4, v19, v17;
	v50 =	vsel vm4, v17, v19;
	(erf) = vpow2.f32 v48  }
0x2f0: {  	v15 =	vld [tilespmem:s16+$0x50];
	v51 =	vsel vm1, v20, v18;
	v52 =	vsel vm1, v18, v20;
	(erf) = vpow2.f32 v7  }
0x2f1: {  	v17 =	vld [tilespmem:s16+$0xFFFFFFC0];
	v53 =	vsel vm0, v16, v14;
	v57 =	vmul.f32 $1.442695020e+00, v50;
	v9 =	vmul.f32 $1.442695020e+00, v49  }
0x2f2: {  	v19 =	vld [tilespmem:s16+$0x40];
	v58 =	vsel vm0, v14, v16;
	v18 =	vmul.f32 $1.442695020e+00, v51;
	v20 =	vmul.f32 $1.442695020e+00, v52  }
0x2f3: {  	v14 =	vld [tilespmem:s16+$0xFFFFFFA0];
	v54 =	vmul.f32 $1.442695020e+00, v53;
	v37 =	vsub.f32 v51, v37;
	(erf) = vpow2.f32 v9;
	v55 =	vpop (erf)  }
0x2f4: {  	s13 =	simm.s32 $0x80;
	v16 =	vld [tilespmem:s16+$0x20];
	v32 =	vsub.f32 v49, v63;
	v39 =	vsub.f32 v47, v39;
	(erf) = vpow2.f32 v57;
	v51 =	vpop (erf)  }
0x2f5: {  	v35 =	vsub.f32 v50, v35;
	v50 =	vld [tilespmem:s13+$0x1A4C0];
	v31 =	vsub.f32 v53, v31;
	(erf) = vpow2.f32 v18;
	v49 =	vpop (erf)  }
0x2f6: {  	v53 =	vld [tilespmem:s13+$0x1A4B0];
	v28 =	vsub.f32 v28, v30;
	v18 =	vmul.f32 $1.442695020e+00, v58;
	(erf) = vpow2.f32 v20;
	v30 =	vpop (erf)  }
0x2f7: {  	v47 =	vld [tilespmem:s13+$0x1A4D0];
	v20 =	vmul.f32 $1.442695020e+00, v45;
	(erf) = vpow2.f32 v54;
	v60 =	vpop (erf)  }
0x2f8: {  	v36 =	vsub.f32 v21, v36;
	v12 =	vld [tilespmem:s16+$0x60];
	(erf) = vpow2.f32 v18;
	v30 =	vmul.f32 v30, v39;
	v21 =	vpop (erf)  }
0x2f9: {  	v29 =	vsub.f32 v29, v38;
	v59 =	vmul.f32 $1.442695020e+00, v44;
	v7 =	vld [tilespmem:s16+$0xFFFFFFB0];
	(erf) = vpow2.f32 v20;
	v61 =	vpop (erf)  }
0x2fa: {  	v9 =	vld [tilespmem:s16+$0x30];
	v28 =	vmul.f32 v60, v28;
	v6 =	vadd.f32 v30, v6;
	v30 =	vmul.f32 v61, v36  }
0x2fb: {  	v46 =	vmul.f32 $1.442695020e+00, v42;
	v34 =	vsub.f32 v52, v34;
	v33 =	vsub.f32 v58, v33;
	v57 =	vld [tilespmem:s13+$0x1A4A0]  }
0x2fc: {  	v54 =	vld [tilespmem:s13+$0x1A4F0];
	(erf) = vpow2.f32 v59;
	v29 =	vmul.f32 v21, v29;
	v28 =	vadd.f32 v28, v5;
	v62 =	vpop (erf)  }
0x2fd: {  	v58 =	vsub.f32 v43, v26;
	v26 =	vld [tilespmem:s13+$0x1A490];
	(erf) = vpow2.f32 v46;
	v32 =	vmul.f32 v62, v32;
	v63 =	vpop (erf)  }
0x2fe: {  	v39 =	vld [tilespmem:s13+$0x1A4E0];
	v6 =	vadd.f32 v29, v6;
	v28 =	vadd.f32 v30, v28;
	v29 =	vmul.f32 v63, v35;
	v30 =	vpop (erf)  }
0x2ff: {  	v18 =	vld [tilespmem:s16+$0xFFFFFF90];
	v30 =	vmul.f32 v30, v37;
	v52 =	vpop (erf)  }
0x300: {  	v20 =	vld [tilespmem:s16+$0x10];
	v6 =	vadd.f32 v32, v6;
	v28 =	vadd.f32 v29, v28;
	v29 =	vmul.f32 v52, v34;
	v56 =	vpop (erf)  }
0x301: {  	v59 =	vsub.f32 v45, v27;
	v21 =	vld [tilespmem:s16+$0xFFFFFF80];
	v31 =	vmul.f32 v56, v31;
	v27 =	vpop (erf)  }
0x302: {  	v5 =	vld [tilespmem:s16+$0x0];
	v6 =	vadd.f32 v30, v6;
	v28 =	vadd.f32 v29, v28;
	v29 =	vmul.f32 v27, v33  }
0x303: {  	v25 =	vsub.f32 v44, v25;
	v60 =	vsub.f32 v40, v24;
	v32 =	vmul.f32 v49, v58;
	v27 =	vld [tilespmem:s13+$0x1A480];
	v30 =	vpop (erf)  }
0x304: {  	v24 =	vld.idx.msk [tilespmem:v54+s6+$0x0], $0xffff;
	v6 =	vadd.f32 v31, v6;
	v31 =	vadd.f32 v29, v28;
	v30 =	vmul.f32 v30, v59  }
0x305: {  	v22 =	vsub.f32 v41, v22;
	v62 =	vsub.f32 v42, v23;
	v34 =	vld.idx.msk [tilespmem:v50+s6+$0x0], $0xffff;
	v33 =	vmul.f32 v51, v60;
	v61 =	vpop (erf)  }
0x306: {  	v28 =	vld.idx.msk [tilespmem:v39+s6+$0x0], $0xffff;
	v23 =	vadd.f32 v32, v6;
	v25 =	vmul.f32 v61, v25;
	v31 =	vadd.f32 v30, v31  }
0x307: {  	v29 =	vld.idx.msk [tilespmem:v47+s6+$0x0], $0xffff;
	v63 =	vpop (erf);
	v6 =	vmul.f32 v55, v22  }
0x308: {  	v30 =	vld.idx.msk [tilespmem:v53+s6+$0x0], $0xffff;
	v22 =	vadd.f32 v33, v23;
	v23 =	vadd.f32 v25, v31;
	v25 =	vmul.f32 v63, v62  }
0x309: {  	s5 =	simm.s32 $0x400;
	vm0 =	vle.f32 v15, v13;
	vm2 =	vle.f32 v10, v8;
	vm1 =	vle.f32 v12, v11;
	v33 =	vld.idx.msk [tilespmem:v57+s6+$0x0], $0xffff  }
.LBB2_15:
0x30a: {  	p2 =	sne.s32 s5, $0xE00;
	v36 =	vld.idx.msk [tilespmem:v26+s6+$0x0], $0xffff;
	vm3 =	vle.f32 v19, v17;
	v31 =	vadd.f32 v6, v22;
	v32 =	vadd.f32 v25, v23  }
0x30b: {  	vm4 =	vle.f32 v20, v18;
	vm5 =	vle.f32 v16, v14;
	vm7 =	vle.f32 v9, v7;
	v37 =	vld.idx.msk [tilespmem:v27+s6+$0x0], $0xffff  }
0x30c: {  	vm6 =	vle.f32 v5, v21;
	v6 =	vshll.u32 v24, $0x10;
	v22 =	vand.u32 $0xFFFF0000, v24  }
0x30d: {  	v23 =	vshll.u32 v28, $0x10;
	v24 =	vand.u32 $0xFFFF0000, v28;
	v25 =	vshll.u32 v29, $0x10  }
0x30e: {  	v26 =	vand.u32 $0xFFFF0000, v29;
	v27 =	vshll.u32 v34, $0x10;
	v28 =	vand.u32 $0xFFFF0000, v34  }
0x30f: {  	v39 =	vshll.u32 v30, $0x10;
	v35 =	vand.u32 $0xFFFF0000, v30;
	v38 =	vshll.u32 v33, $0x10  }
0x310: {  	v42 =	vand.u32 $0xFFFF0000, v33;
	v40 =	vshll.u32 v36, $0x10;
	v41 =	vand.u32 $0xFFFF0000, v36  }
0x311: {  	vm8 =	vgt.f32 v22, v6;
	v43 =	vshll.u32 v37, $0x10;
	v37 =	vand.u32 $0xFFFF0000, v37  }
0x312: {  	vm11 =	vgt.f32 v24, v23;
	vm10 =	vgt.f32 v26, v25;
	vm9 =	vgt.f32 v28, v27  }
0x313: {  	vm14 =	vgt.f32 v35, v39;
	vm13 =	vgt.f32 v42, v38;
	vm12 =	vgt.f32 v41, v40  }
0x314: {  	vm11 =	vmand vm1, vm11;
	vm8 =	vmand vm2, vm8;
	vm15 =	vgt.f32 v37, v43  }
0x315: {  	vm1 =	vmand vm3, vm9;
	vm3 =	vmand vm0, vm10;
	vm2 =	vmand vm7, vm14  }
0x316: {  	vm0 =	vmand vm5, vm13;
	vm4 =	vmand vm4, vm12;
	vm6 =	vmand vm6, vm15  }
0x317: {  	v29 =	vsel vm8, v10, v8;
	v30 =	vsel vm8, v8, v10;
	v33 =	vsel vm11, v12, v11  }
0x318: {  	v34 =	vsel vm11, v11, v12;
	v10 =	vmul.f32 $1.442695020e+00, v29;
	v36 =	vsel vm3, v15, v13  }
0x319: {  	s16 =	sadd.s32 $0x100, s16;
	v45 =	vmul.f32 $1.442695020e+00, v30;
	v44 =	vsel vm3, v13, v15;
	v11 =	vmul.f32 $1.442695020e+00, v33  }
0x31a: {  	v12 =	vmul.f32 $1.442695020e+00, v36;
	v46 =	vsel vm6, v5, v21;
	v8 =	vld [tilespmem:s16+$0xFFFFFFF0];
	(erf) = vpow2.f32 v10  }
0x31b: {  	v5 =	vsel vm6, v21, v5;
	v13 =	vmul.f32 $1.442695020e+00, v46;
	v10 =	vld [tilespmem:s16+$0x70];
	(erf) = vpow2.f32 v11  }
0x31c: {  	v21 =	vsel vm4, v20, v18;
	v15 =	vmul.f32 $1.442695020e+00, v5;
	v11 =	vld [tilespmem:s16+$0xFFFFFFE0];
	(erf) = vpow2.f32 v12  }
0x31d: {  	v47 =	vsel vm4, v18, v20;
	v18 =	vmul.f32 $1.442695020e+00, v21;
	v12 =	vld [tilespmem:s16+$0x60];
	(erf) = vpow2.f32 v13  }
0x31e: {  	v48 =	vsel vm0, v16, v14;
	v20 =	vmul.f32 $1.442695020e+00, v47;
	v13 =	vld [tilespmem:s16+$0xFFFFFFD0];
	(erf) = vpow2.f32 v15  }
0x31f: {  	v49 =	vsel vm0, v14, v16;
	v14 =	vmul.f32 $1.442695020e+00, v48;
	v15 =	vld [tilespmem:s16+$0x50];
	(erf) = vpow2.f32 v18  }
0x320: {  	v16 =	vmul.f32 $1.442695020e+00, v49;
	v18 =	vsel vm2, v9, v7;
	v50 =	vld [tilespmem:s16+$0xFFFFFFC0];
	(erf) = vpow2.f32 v20  }
0x321: {  	v52 =	vsel vm2, v7, v9;
	v20 =	vmul.f32 $1.442695020e+00, v18;
	v51 =	vld [tilespmem:s16+$0x40];
	(erf) = vpow2.f32 v14  }
0x322: {  	v54 =	vsel vm1, v19, v17;
	v56 =	vmul.f32 $1.442695020e+00, v52;
	v7 =	vld [tilespmem:s16+$0xFFFFFFB0];
	(erf) = vpow2.f32 v16  }
0x323: {  	v17 =	vsel vm1, v17, v19;
	v57 =	vmul.f32 $1.442695020e+00, v54;
	v9 =	vld [tilespmem:s16+$0x30];
	(erf) = vpow2.f32 v20;
	v55 =	vpop (erf)  }
0x324: {  	v39 =	vsub.f32 v18, v39;
	v18 =	vmul.f32 $1.442695020e+00, v17;
	v14 =	vld [tilespmem:s16+$0xFFFFFFA0];
	(erf) = vpow2.f32 v56;
	v53 =	vpop (erf)  }
0x325: {  	s13 =	sshra.s32 s5, $0x2;
	v38 =	vsub.f32 v48, v38;
	v20 =	vmul.f32 $1.442695020e+00, v44;
	v16 =	vld [tilespmem:s16+$0x20];
	(erf) = vpow2.f32 v57;
	v19 =	vpop (erf)  }
0x326: {  	v5 =	vsub.f32 v5, v37;
	v56 =	vsub.f32 v46, v43;
	v48 =	vld [tilespmem:s13+$0x1A4F0];
	v37 =	vpop (erf);
	(erf) = vpow2.f32 v18  }
0x327: {  	v21 =	vsub.f32 v21, v40;
	v57 =	vmul.f32 $1.442695020e+00, v34;
	v18 =	vld [tilespmem:s16+$0xFFFFFF90];
	v46 =	vpop (erf);
	(erf) = vpow2.f32 v20  }
0x328: {  	v41 =	vsub.f32 v47, v41;
	v37 =	vmul.f32 v37, v56;
	v20 =	vld [tilespmem:s16+$0x10];
	v5 =	vmul.f32 v46, v5;
	v43 =	vpop (erf)  }
0x329: {  	v42 =	vsub.f32 v49, v42;
	v46 =	vld [tilespmem:s13+$0x1A4E0];
	v43 =	vmul.f32 v43, v21;
	v47 =	vpop (erf);
	(erf) = vpow2.f32 v57  }
0x32a: {  	v31 =	vadd.f32 v37, v31;
	v21 =	vld [tilespmem:s16+$0xFFFFFF80];
	v32 =	vadd.f32 v5, v32;
	v37 =	vmul.f32 v47, v41;
	v40 =	vpop (erf)  }
0x32b: {  	v47 =	vsub.f32 v52, v35;
	v5 =	vld [tilespmem:s16+$0x0];
	v38 =	vmul.f32 v40, v38;
	v40 =	vpop (erf);
	(erf) = vpow2.f32 v45  }
0x32c: {  	v31 =	vadd.f32 v43, v31;
	v41 =	vld [tilespmem:s13+$0x1A4D0];
	v32 =	vadd.f32 v37, v32;
	v37 =	vmul.f32 v40, v42;
	v40 =	vpop (erf)  }
0x32d: {  	v17 =	vsub.f32 v17, v28;
	v43 =	vsub.f32 v54, v27;
	v42 =	vld [tilespmem:s13+$0x1A4C0];
	v39 =	vmul.f32 v40, v39;
	v28 =	vpop (erf)  }
0x32e: {  	v31 =	vadd.f32 v38, v31;
	v40 =	vld [tilespmem:s13+$0x1A4B0];
	v32 =	vadd.f32 v37, v32;
	v28 =	vmul.f32 v28, v47;
	v35 =	vpop (erf)  }
0x32f: {  	v25 =	vsub.f32 v36, v25;
	v36 =	vsub.f32 v44, v26;
	v37 =	vld [tilespmem:s13+$0x1A4A0];
	v35 =	vmul.f32 v35, v43;
	v27 =	vpop (erf)  }
0x330: {  	v31 =	vadd.f32 v39, v31;
	v26 =	vld [tilespmem:s13+$0x1A490];
	v28 =	vadd.f32 v28, v32;
	v32 =	vmul.f32 v27, v17;
	v38 =	vpop (erf)  }
0x331: {  	v23 =	vsub.f32 v33, v23;
	v19 =	vmul.f32 v19, v25;
	v25 =	vsub.f32 v34, v24;
	v17 =	vmovc v50;
	v27 =	vld [tilespmem:s13+$0x1A480]  }
0x332: {  	v31 =	vadd.f32 v35, v31;
	v33 =	vmul.f32 v38, v36;
	v24 =	vld.idx.msk [tilespmem:v48+s6+$0x0], $0xffff;
	v39 =	vadd.f32 v32, v28;
	v34 =	vpop (erf)  }
.Ltmp11:
0x333: {  	v6 =	vsub.f32 v29, v6;
	v23 =	vmul.f32 v53, v23;
	v35 =	vsub.f32 v30, v22;
	v28 =	vld.idx.msk [tilespmem:v46+s6+$0x0], $0xffff;
	(pc) =	sbr.rel @p2 .LBB2_15-.Ltmp11, $4  }
0x334: {  	v22 =	vadd.f32 v19, v31;
	v25 =	vmul.f32 v34, v25;
	v29 =	vld.idx.msk [tilespmem:v41+s6+$0x0], $0xffff;
	v31 =	vadd.f32 v33, v39;
	v32 =	vpop (erf)  }
0x335: {  	v6 =	vmul.f32 v55, v6;
	v19 =	vmov v51;
	v34 =	vld.idx.msk [tilespmem:v42+s6+$0x0], $0xffff  }
0x336: {  	v22 =	vadd.f32 v23, v22;
	v30 =	vld.idx.msk [tilespmem:v40+s6+$0x0], $0xffff;
	v23 =	vadd.f32 v25, v31;
	v25 =	vmul.f32 v32, v35  }
0x337: {  	s5 =	sadd.s32 $0x200, s5;
	vm2 =	vle.f32 v10, v8;
	vm1 =	vle.f32 v12, v11;
	vm0 =	vle.f32 v15, v13;
	v33 =	vld.idx.msk [tilespmem:v37+s6+$0x0], $0xffff  }
0x338: {  	_ = 	snop  }
0x339: {  	vm3 =	vle.f32 v19, v17;
	v31 =	vadd.f32 v6, v22;
	v23 =	vadd.f32 v25, v23  }
0x33a: {  	vm4 =	vle.f32 v20, v18;
	vm5 =	vle.f32 v16, v14;
	vm6 =	vle.f32 v9, v7  }
0x33b: {  	vm7 =	vle.f32 v5, v21;
	v6 =	vshll.u32 v24, $0x10;
	v22 =	vand.u32 $0xFFFF0000, v24  }
0x33c: {  	v44 =	vld.idx.msk [tilespmem:v27+s6+$0x0], $0xffff;
	v27 =	vshll.u32 v28, $0x10;
	v28 =	vand.u32 $0xFFFF0000, v28;
	v24 =	vshll.u32 v29, $0x10  }
0x33d: {  	v29 =	vand.u32 $0xFFFF0000, v29;
	vm8 =	vgt.f32 v22, v6;
	vm11 =	vgt.f32 v28, v27  }
0x33e: {  	v32 =	vshll.u32 v34, $0x10;
	v34 =	vand.u32 $0xFFFF0000, v34;
	vm10 =	vgt.f32 v29, v24  }
0x33f: {  	v43 =	vld.idx.msk [tilespmem:v26+s6+$0x0], $0xffff;
	vm11 =	vmand vm1, vm11;
	vm8 =	vmand vm2, vm8;
	v36 =	vshll.u32 v30, $0x10  }
0x340: {  	v30 =	vand.u32 $0xFFFF0000, v30;
	vm9 =	vgt.f32 v34, v32;
	vm0 =	vmand vm0, vm10  }
0x341: {  	v39 =	vsel vm11, v12, v11;
	v40 =	vsel vm8, v10, v8;
	v8 =	vsel vm8, v8, v10  }
0x342: {  	v35 =	vshll.u32 v33, $0x10;
	v33 =	vand.u32 $0xFFFF0000, v33;
	vm14 =	vgt.f32 v30, v36  }
0x343: {  	v10 =	vsel vm0, v15, v13;
	v45 =	vmul.f32 $1.442695020e+00, v40;
	v13 =	vsel vm0, v13, v15  }
0x344: {  	v46 =	vmul.f32 $1.442695020e+00, v39;
	v41 =	vmul.f32 $1.442695020e+00, v8;
	v37 =	vshll.u32 v43, $0x10  }
0x345: {  	v25 =	vand.u32 $0xFFFF0000, v43;
	v38 =	vshll.u32 v44, $0x10;
	v26 =	vand.u32 $0xFFFF0000, v44  }
0x346: {  	vm13 =	vgt.f32 v33, v35;
	vm2 =	vmand vm6, vm14;
	vm14 =	vmand vm3, vm9  }
0x347: {  	v43 =	vmul.f32 $1.442695020e+00, v10;
	v44 =	vmul.f32 $1.442695020e+00, v13;
	vm15 =	vgt.f32 v26, v38  }
0x348: {  	vm12 =	vgt.f32 v25, v37;
	vm5 =	vmand vm5, vm13;
	vm15 =	vmand vm7, vm15  }
0x349: {  	(erf) = vpow2.f32 v45;
	vm4 =	vmand vm4, vm12;
	v42 =	vsel vm15, v5, v21  }
0x34a: {  	(erf) = vpow2.f32 v46;
	v5 =	vsel vm15, v21, v5;
	v47 =	vmul.f32 $1.442695020e+00, v42  }
0x34b: {  	v49 =	vsel vm4, v20, v18;
	(erf) = vpow2.f32 v43;
	v48 =	vmul.f32 $1.442695020e+00, v5  }
0x34c: {  	v18 =	vsel vm4, v18, v20;
	v50 =	vmul.f32 $1.442695020e+00, v49;
	(erf) = vpow2.f32 v47  }
0x34d: {  	v52 =	vsel vm5, v16, v14;
	v51 =	vmul.f32 $1.442695020e+00, v18;
	(erf) = vpow2.f32 v48  }
0x34e: {  	v53 =	vsel vm5, v14, v16;
	v54 =	vmul.f32 $1.442695020e+00, v52;
	(erf) = vpow2.f32 v50  }
0x34f: {  	v55 =	vsel vm2, v9, v7;
	v16 =	vmul.f32 $1.442695020e+00, v53;
	(erf) = vpow2.f32 v51  }
0x350: {  	v7 =	vsel vm2, v7, v9;
	v56 =	vmul.f32 $1.442695020e+00, v55;
	(erf) = vpow2.f32 v54  }
0x351: {  	v58 =	vsel vm14, v19, v17;
	v57 =	vmul.f32 $1.442695020e+00, v7;
	(erf) = vpow2.f32 v16  }
0x352: {  	v59 =	vsel vm14, v17, v19;
	v60 =	vmul.f32 $1.442695020e+00, v58;
	v9 =	vpop (erf);
	(erf) = vpow2.f32 v56  }
0x353: {  	v11 =	vsel vm11, v11, v12;
	v62 =	vmul.f32 $1.442695020e+00, v59;
	v63 =	vpop (erf);
	(erf) = vpow2.f32 v57  }
0x354: {  	v61 =	vsub.f32 v55, v36;
	v35 =	vsub.f32 v52, v35;
	v45 =	vpop (erf);
	(erf) = vpow2.f32 v60  }
0x355: {  	v38 =	vsub.f32 v42, v38;
	v5 =	vsub.f32 v5, v26;
	v46 =	vpop (erf);
	(erf) = vpow2.f32 v62  }
0x356: {  	v47 =	vsub.f32 v49, v37;
	v48 =	vmul.f32 $1.442695020e+00, v11;
	v49 =	vpop (erf);
	(erf) = vpow2.f32 v44  }
0x357: {  	v18 =	vsub.f32 v18, v25;
	v26 =	vmul.f32 v46, v38;
	v5 =	vmul.f32 v49, v5;
	v50 =	vpop (erf)  }
0x358: {  	v14 =	vsub.f32 v53, v33;
	(erf) = vpow2.f32 v48;
	v20 =	vmul.f32 v50, v47;
	v51 =	vpop (erf)  }
0x359: {  	v52 =	vadd.f32 v26, v31;
	v5 =	vadd.f32 v5, v23;
	v18 =	vmul.f32 v51, v18;
	v53 =	vpop (erf)  }
0x35a: {  	v7 =	vsub.f32 v7, v30;
	(erf) = vpow2.f32 v41;
	v23 =	vmul.f32 v53, v35;
	v54 =	vpop (erf)  }
0x35b: {  	v20 =	vadd.f32 v20, v52;
	v5 =	vadd.f32 v18, v5;
	v14 =	vmul.f32 v54, v14;
	v55 =	vpop (erf)  }
0x35c: {  	v15 =	vsub.f32 v58, v32;
	v16 =	vsub.f32 v59, v34;
	v18 =	vmul.f32 v55, v61;
	v56 =	vpop (erf)  }
0x35d: {  	v20 =	vadd.f32 v23, v20;
	v5 =	vadd.f32 v14, v5;
	v7 =	vmul.f32 v56, v7;
	v57 =	vpop (erf)  }
0x35e: {  	v10 =	vsub.f32 v10, v24;
	v13 =	vsub.f32 v13, v29;
	v14 =	vmul.f32 v57, v15;
	v58 =	vpop (erf)  }
0x35f: {  	v18 =	vadd.f32 v18, v20;
	v5 =	vadd.f32 v7, v5;
	v7 =	vmul.f32 v58, v16  }
0x360: {  	v11 =	vsub.f32 v11, v28;
	v10 =	vmul.f32 v45, v10;
	v60 =	vsub.f32 v39, v27;
	v59 =	vpop (erf)  }
0x361: {  	v14 =	vadd.f32 v14, v18;
	v5 =	vadd.f32 v7, v5;
	v7 =	vmul.f32 v59, v13  }
0x362: {  	v6 =	vsub.f32 v40, v6;
	v8 =	vsub.f32 v8, v22;
	v12 =	vmul.f32 v63, v60;
	v61 =	vpop (erf)  }
0x363: {  	v10 =	vadd.f32 v10, v14;
	v5 =	vadd.f32 v7, v5;
	v7 =	vmul.f32 v61, v11  }
0x364: {  	v6 =	vmul.f32 v9, v6;
	v62 =	vpop (erf)  }
0x365: {  	v63 =	vadd.f32 v12, v10;
	v5 =	vadd.f32 v7, v5;
	v7 =	vmul.f32 v62, v8;
	_ =	sdelay $0x1  }
0x366: {  	v6 =	vadd.f32 v6, v63;
	v5 =	vadd.f32 v7, v5  }
.LBB2_17:
0x367: {  	s1 =	sadd.s32 s18, s29  }
0x368: {  	p2 =	sgt.u32 s1, $0xC34  }
0x369: {  	v7 =	vlaneseq.u32 @!p2;
	_ =	sdelay $0x1  }
0x36a: {  	v8 =	vmul.u32 @!p2 $0x2, v7  }
0x36b: {  	s5 =	sshll.u32 @!p2 s1, $0x4  }
0x36c: {  	v8 =	vadd.s32 @!p2 s5, v8;
	s5 =	simm.s32 @!p2 $0x1D100  }
0x36d: {  	s13 =	simm.s32 @!p2 $0x8;
	s16 =	simm.s32 @!p2 $0x1A480;
	s1 =	sshll.u32 @!p2 s1, $0x8;
	[tilespmem:v7+s5+$0x0] =	vst.idx.msk @!p2 $0xff, v8  }
0x36e: {  	[tilespmem:s16], [sflag:$0x2] =	stream.indirect.gather @!p2 [hbm4b:s4+s13], $0x80, s5, s13, $0xb8;
	[tilespmem:$0x1EB70] =	vst v63  }
0x36f: {  	s1 =	sadd.s32 @!p2 s2, s1;
	s5 =	simm.s32 @!p2 $0x0;
	s13 =	simm.s32 @!p2 $0x1B880  }
0x370: {  	[tilespmem:s13], [sflag:$0x6] =	stream.linear.gather @!p2 [hbm4b:s1+s5], $0x800, $0x38;
	[tilespmem:$0x1EB70] =	vst v63  }
0x371: {  	p2 =	sge.u32 s29, s22  }
.Ltmp12:
0x372: {  	_ = 	snop;
	(pc) =	sbr.rel @p2 .LBB2_21-.Ltmp12, $1  }
0x373: {  	_ =	sdelay $0x3  }
0x374: {  	_ =	swait.ge [sflag:s24], $0x400  }
0x375: {  	[sflag:s24] =	ssyncset.done $0x0  }
0x376: {  	[sflag:s24] =	ssyncadd.s32 $0xFFFFFC00  }
0x377: {  	_ =	swait.ge [sflag:s25], $0x800  }
0x378: {  	[sflag:s25] =	ssyncset.done $0x0  }
0x379: {  	s1 =	simm.s32 $0x1C100;
	[sflag:s25] =	ssyncadd.s32 $0xFFFFF800  }
0x37a: {  	v7 =	vld [tilespmem:s1+$0xFFFFFFF0]  }
0x37b: {  	v8 =	vld [tilespmem:s1+$0x70]  }
0x37c: {  	v9 =	vld [tilespmem:s1+$0xFFFFFFE0]  }
0x37d: {  	v10 =	vld [tilespmem:s1+$0x60]  }
0x37e: {  	v11 =	vld [tilespmem:s1+$0xFFFFFFD0]  }
0x37f: {  	v12 =	vld [tilespmem:s1+$0x50]  }
0x380: {  	v14 =	vld [tilespmem:s1+$0xFFFFFFC0]  }
0x381: {  	v16 =	vld [tilespmem:s1+$0x40]  }
0x382: {  	v18 =	vld [tilespmem:s1+$0xFFFFFFB0]  }
0x383: {  	v20 =	vld [tilespmem:s1+$0x30]  }
0x384: {  	v17 =	vld [tilespmem:s1+$0xFFFFFFA0]  }
0x385: {  	s5 =	simm.s32 $0x0;
	v19 =	vld [tilespmem:s1+$0x20]  }
0x386: {  	v13 =	vld [tilespmem:s5+$0x1A8F0]  }
0x387: {  	v15 =	vld [tilespmem:s1+$0xFFFFFF90]  }
0x388: {  	v21 =	vld [tilespmem:s1+$0x10]  }
0x389: {  	v22 =	vld [tilespmem:s5+$0x1A8E0]  }
0x38a: {  	v28 =	vld [tilespmem:s1+$0xFFFFFF80]  }
0x38b: {  	v29 =	vld [tilespmem:s1+$0x0]  }
0x38c: {  	v23 =	vld [tilespmem:s5+$0x1A8D0]  }
0x38d: {  	v24 =	vld [tilespmem:s5+$0x1A8C0]  }
0x38e: {  	v25 =	vld [tilespmem:s5+$0x1A8B0]  }
0x38f: {  	v26 =	vld [tilespmem:s5+$0x1A8A0]  }
0x390: {  	v27 =	vld [tilespmem:s5+$0x1A890]  }
0x391: {  	v30 =	vld [tilespmem:s5+$0x1A880]  }
0x392: {  	v13 =	vld.idx.msk [tilespmem:v13+s6+$0x0], $0xffff  }
0x393: {  	v31 =	vld.idx.msk [tilespmem:v22+s6+$0x0], $0xffff  }
0x394: {  	v32 =	vld.idx.msk [tilespmem:v23+s6+$0x0], $0xffff  }
0x395: {  	v33 =	vld.idx.msk [tilespmem:v24+s6+$0x0], $0xffff  }
0x396: {  	v34 =	vld.idx.msk [tilespmem:v25+s6+$0x0], $0xffff  }
0x397: {  	vm2 =	vle.f32 v12, v11;
	vm1 =	vle.f32 v10, v9;
	v35 =	vld.idx.msk [tilespmem:v26+s6+$0x0], $0xffff  }
0x398: {  	vm5 =	vle.f32 v8, v7;
	vm0 =	vle.f32 v16, v14;
	vm3 =	vle.f32 v21, v15;
	v36 =	vld.idx.msk [tilespmem:v27+s6+$0x0], $0xffff  }
0x399: {  	vm4 =	vle.f32 v19, v17;
	vm6 =	vle.f32 v20, v18;
	vm7 =	vle.f32 v29, v28;
	v30 =	vld.idx.msk [tilespmem:v30+s6+$0x0], $0xffff  }
0x39a: {  	v22 =	vshll.u32 v13, $0x10;
	v23 =	vand.u32 $0xFFFF0000, v13;
	v26 =	vshll.u32 v32, $0x10  }
0x39b: {  	v24 =	vshll.u32 v31, $0x10;
	v25 =	vand.u32 $0xFFFF0000, v31;
	v31 =	vshll.u32 v33, $0x10  }
0x39c: {  	v33 =	vand.u32 $0xFFFF0000, v33;
	v27 =	vand.u32 $0xFFFF0000, v32;
	v63 =	vshll.u32 v35, $0x10  }
0x39d: {  	v37 =	vshll.u32 v34, $0x10;
	v34 =	vand.u32 $0xFFFF0000, v34;
	v38 =	vshll.u32 v36, $0x10  }
0x39e: {  	v36 =	vand.u32 $0xFFFF0000, v36;
	v35 =	vand.u32 $0xFFFF0000, v35;
	v39 =	vshll.u32 v30, $0x10  }
0x39f: {  	v30 =	vand.u32 $0xFFFF0000, v30;
	vm8 =	vgt.f32 v23, v22;
	vm9 =	vgt.f32 v33, v31  }
0x3a0: {  	vm10 =	vgt.f32 v27, v26;
	vm11 =	vgt.f32 v25, v24;
	vm12 =	vgt.f32 v36, v38  }
0x3a1: {  	vm13 =	vgt.f32 v35, v63;
	vm14 =	vgt.f32 v34, v37;
	vm15 =	vgt.f32 v30, v39  }
0x3a2: {  	vm11 =	vmand vm1, vm11;
	vm5 =	vmand vm5, vm8;
	vm1 =	vmand vm6, vm14  }
0x3a3: {  	vm0 =	vmand vm0, vm9;
	vm2 =	vmand vm2, vm10;
	vm15 =	vmand vm7, vm15  }
0x3a4: {  	vm3 =	vmand vm3, vm12;
	v40 =	vsel vm11, v10, v9;
	v41 =	vsel vm5, v8, v7  }
0x3a5: {  	v42 =	vsel vm5, v7, v8;
	v43 =	vsel vm2, v12, v11;
	v7 =	vmul.f32 $1.442695020e+00, v41  }
0x3a6: {  	v44 =	vsel vm11, v9, v10;
	v45 =	vsel vm2, v11, v12;
	v9 =	vmul.f32 $1.442695020e+00, v40  }
0x3a7: {  	v47 =	vsel vm15, v29, v28;
	v12 =	vmul.f32 $1.442695020e+00, v43;
	(erf) = vpow2.f32 v7  }
0x3a8: {  	s16 =	simm.s32 $0x1C200;
	v28 =	vsel vm15, v28, v29;
	v7 =	vmul.f32 $1.442695020e+00, v47;
	(erf) = vpow2.f32 v9  }
0x3a9: {  	v13 =	vld [tilespmem:s16+$0xFFFFFFD0];
	v29 =	vsel vm3, v21, v15;
	v9 =	vmul.f32 $1.442695020e+00, v28;
	(erf) = vpow2.f32 v12  }
0x3aa: {  	v8 =	vld [tilespmem:s16+$0xFFFFFFF0];
	v21 =	vsel vm3, v15, v21;
	v48 =	vmul.f32 $1.442695020e+00, v29;
	(erf) = vpow2.f32 v7  }
0x3ab: {  	vm4 =	vmand vm4, vm13;
	v10 =	vld [tilespmem:s16+$0x70];
	v7 =	vmul.f32 $1.442695020e+00, v21;
	(erf) = vpow2.f32 v9  }
0x3ac: {  	v11 =	vld [tilespmem:s16+$0xFFFFFFE0];
	v49 =	vsel vm4, v19, v17;
	v50 =	vsel vm4, v17, v19;
	(erf) = vpow2.f32 v48  }
0x3ad: {  	v15 =	vld [tilespmem:s16+$0x50];
	v51 =	vsel vm1, v20, v18;
	v52 =	vsel vm1, v18, v20;
	(erf) = vpow2.f32 v7  }
0x3ae: {  	v17 =	vld [tilespmem:s16+$0xFFFFFFC0];
	v53 =	vsel vm0, v16, v14;
	v57 =	vmul.f32 $1.442695020e+00, v50;
	v9 =	vmul.f32 $1.442695020e+00, v49  }
0x3af: {  	v19 =	vld [tilespmem:s16+$0x40];
	v58 =	vsel vm0, v14, v16;
	v18 =	vmul.f32 $1.442695020e+00, v51;
	v20 =	vmul.f32 $1.442695020e+00, v52  }
0x3b0: {  	v14 =	vld [tilespmem:s16+$0xFFFFFFA0];
	v54 =	vmul.f32 $1.442695020e+00, v53;
	v37 =	vsub.f32 v51, v37;
	(erf) = vpow2.f32 v9;
	v55 =	vpop (erf)  }
0x3b1: {  	s13 =	simm.s32 $0x80;
	v16 =	vld [tilespmem:s16+$0x20];
	v32 =	vsub.f32 v49, v63;
	v39 =	vsub.f32 v47, v39;
	(erf) = vpow2.f32 v57;
	v51 =	vpop (erf)  }
0x3b2: {  	v35 =	vsub.f32 v50, v35;
	v50 =	vld [tilespmem:s13+$0x1A8C0];
	v31 =	vsub.f32 v53, v31;
	(erf) = vpow2.f32 v18;
	v49 =	vpop (erf)  }
0x3b3: {  	v53 =	vld [tilespmem:s13+$0x1A8B0];
	v28 =	vsub.f32 v28, v30;
	v18 =	vmul.f32 $1.442695020e+00, v58;
	(erf) = vpow2.f32 v20;
	v30 =	vpop (erf)  }
0x3b4: {  	v47 =	vld [tilespmem:s13+$0x1A8D0];
	v20 =	vmul.f32 $1.442695020e+00, v45;
	(erf) = vpow2.f32 v54;
	v60 =	vpop (erf)  }
0x3b5: {  	v36 =	vsub.f32 v21, v36;
	v12 =	vld [tilespmem:s16+$0x60];
	(erf) = vpow2.f32 v18;
	v30 =	vmul.f32 v30, v39;
	v21 =	vpop (erf)  }
0x3b6: {  	v29 =	vsub.f32 v29, v38;
	v59 =	vmul.f32 $1.442695020e+00, v44;
	v7 =	vld [tilespmem:s16+$0xFFFFFFB0];
	(erf) = vpow2.f32 v20;
	v61 =	vpop (erf)  }
0x3b7: {  	v9 =	vld [tilespmem:s16+$0x30];
	v28 =	vmul.f32 v60, v28;
	v6 =	vadd.f32 v30, v6;
	v30 =	vmul.f32 v61, v36  }
0x3b8: {  	v46 =	vmul.f32 $1.442695020e+00, v42;
	v34 =	vsub.f32 v52, v34;
	v33 =	vsub.f32 v58, v33;
	v57 =	vld [tilespmem:s13+$0x1A8A0]  }
0x3b9: {  	v54 =	vld [tilespmem:s13+$0x1A8F0];
	(erf) = vpow2.f32 v59;
	v29 =	vmul.f32 v21, v29;
	v28 =	vadd.f32 v28, v5;
	v62 =	vpop (erf)  }
0x3ba: {  	v58 =	vsub.f32 v43, v26;
	v26 =	vld [tilespmem:s13+$0x1A890];
	(erf) = vpow2.f32 v46;
	v32 =	vmul.f32 v62, v32;
	v63 =	vpop (erf)  }
0x3bb: {  	v39 =	vld [tilespmem:s13+$0x1A8E0];
	v6 =	vadd.f32 v29, v6;
	v28 =	vadd.f32 v30, v28;
	v29 =	vmul.f32 v63, v35;
	v30 =	vpop (erf)  }
0x3bc: {  	v18 =	vld [tilespmem:s16+$0xFFFFFF90];
	v30 =	vmul.f32 v30, v37;
	v52 =	vpop (erf)  }
0x3bd: {  	v20 =	vld [tilespmem:s16+$0x10];
	v6 =	vadd.f32 v32, v6;
	v28 =	vadd.f32 v29, v28;
	v29 =	vmul.f32 v52, v34;
	v56 =	vpop (erf)  }
0x3be: {  	v59 =	vsub.f32 v45, v27;
	v21 =	vld [tilespmem:s16+$0xFFFFFF80];
	v31 =	vmul.f32 v56, v31;
	v27 =	vpop (erf)  }
0x3bf: {  	v5 =	vld [tilespmem:s16+$0x0];
	v6 =	vadd.f32 v30, v6;
	v28 =	vadd.f32 v29, v28;
	v29 =	vmul.f32 v27, v33  }
0x3c0: {  	v25 =	vsub.f32 v44, v25;
	v60 =	vsub.f32 v40, v24;
	v32 =	vmul.f32 v49, v58;
	v27 =	vld [tilespmem:s13+$0x1A880];
	v30 =	vpop (erf)  }
0x3c1: {  	v24 =	vld.idx.msk [tilespmem:v54+s6+$0x0], $0xffff;
	v6 =	vadd.f32 v31, v6;
	v31 =	vadd.f32 v29, v28;
	v30 =	vmul.f32 v30, v59  }
0x3c2: {  	v22 =	vsub.f32 v41, v22;
	v62 =	vsub.f32 v42, v23;
	v34 =	vld.idx.msk [tilespmem:v50+s6+$0x0], $0xffff;
	v33 =	vmul.f32 v51, v60;
	v61 =	vpop (erf)  }
0x3c3: {  	v28 =	vld.idx.msk [tilespmem:v39+s6+$0x0], $0xffff;
	v23 =	vadd.f32 v32, v6;
	v25 =	vmul.f32 v61, v25;
	v31 =	vadd.f32 v30, v31  }
0x3c4: {  	v29 =	vld.idx.msk [tilespmem:v47+s6+$0x0], $0xffff;
	v63 =	vpop (erf);
	v6 =	vmul.f32 v55, v22  }
0x3c5: {  	v30 =	vld.idx.msk [tilespmem:v53+s6+$0x0], $0xffff;
	v22 =	vadd.f32 v33, v23;
	v23 =	vadd.f32 v25, v31;
	v25 =	vmul.f32 v63, v62  }
0x3c6: {  	s5 =	simm.s32 $0x400;
	vm0 =	vle.f32 v15, v13;
	vm2 =	vle.f32 v10, v8;
	vm1 =	vle.f32 v12, v11;
	v33 =	vld.idx.msk [tilespmem:v57+s6+$0x0], $0xffff  }
.LBB2_19:
0x3c7: {  	p2 =	sne.s32 s5, $0xE00;
	v36 =	vld.idx.msk [tilespmem:v26+s6+$0x0], $0xffff;
	vm3 =	vle.f32 v19, v17;
	v31 =	vadd.f32 v6, v22;
	v32 =	vadd.f32 v25, v23  }
0x3c8: {  	vm4 =	vle.f32 v20, v18;
	vm5 =	vle.f32 v16, v14;
	vm7 =	vle.f32 v9, v7;
	v37 =	vld.idx.msk [tilespmem:v27+s6+$0x0], $0xffff  }
0x3c9: {  	vm6 =	vle.f32 v5, v21;
	v6 =	vshll.u32 v24, $0x10;
	v22 =	vand.u32 $0xFFFF0000, v24  }
0x3ca: {  	v23 =	vshll.u32 v28, $0x10;
	v24 =	vand.u32 $0xFFFF0000, v28;
	v25 =	vshll.u32 v29, $0x10  }
0x3cb: {  	v26 =	vand.u32 $0xFFFF0000, v29;
	v27 =	vshll.u32 v34, $0x10;
	v28 =	vand.u32 $0xFFFF0000, v34  }
0x3cc: {  	v39 =	vshll.u32 v30, $0x10;
	v35 =	vand.u32 $0xFFFF0000, v30;
	v38 =	vshll.u32 v33, $0x10  }
0x3cd: {  	v42 =	vand.u32 $0xFFFF0000, v33;
	v40 =	vshll.u32 v36, $0x10;
	v41 =	vand.u32 $0xFFFF0000, v36  }
0x3ce: {  	vm8 =	vgt.f32 v22, v6;
	v43 =	vshll.u32 v37, $0x10;
	v37 =	vand.u32 $0xFFFF0000, v37  }
0x3cf: {  	vm11 =	vgt.f32 v24, v23;
	vm10 =	vgt.f32 v26, v25;
	vm9 =	vgt.f32 v28, v27  }
0x3d0: {  	vm14 =	vgt.f32 v35, v39;
	vm13 =	vgt.f32 v42, v38;
	vm12 =	vgt.f32 v41, v40  }
0x3d1: {  	vm11 =	vmand vm1, vm11;
	vm8 =	vmand vm2, vm8;
	vm15 =	vgt.f32 v37, v43  }
0x3d2: {  	vm1 =	vmand vm3, vm9;
	vm3 =	vmand vm0, vm10;
	vm2 =	vmand vm7, vm14  }
0x3d3: {  	vm0 =	vmand vm5, vm13;
	vm4 =	vmand vm4, vm12;
	vm6 =	vmand vm6, vm15  }
0x3d4: {  	v29 =	vsel vm8, v10, v8;
	v30 =	vsel vm8, v8, v10;
	v33 =	vsel vm11, v12, v11  }
0x3d5: {  	v34 =	vsel vm11, v11, v12;
	v10 =	vmul.f32 $1.442695020e+00, v29;
	v36 =	vsel vm3, v15, v13  }
0x3d6: {  	s16 =	sadd.s32 $0x100, s16;
	v45 =	vmul.f32 $1.442695020e+00, v30;
	v44 =	vsel vm3, v13, v15;
	v11 =	vmul.f32 $1.442695020e+00, v33  }
0x3d7: {  	v12 =	vmul.f32 $1.442695020e+00, v36;
	v46 =	vsel vm6, v5, v21;
	v8 =	vld [tilespmem:s16+$0xFFFFFFF0];
	(erf) = vpow2.f32 v10  }
0x3d8: {  	v5 =	vsel vm6, v21, v5;
	v13 =	vmul.f32 $1.442695020e+00, v46;
	v10 =	vld [tilespmem:s16+$0x70];
	(erf) = vpow2.f32 v11  }
0x3d9: {  	v21 =	vsel vm4, v20, v18;
	v15 =	vmul.f32 $1.442695020e+00, v5;
	v11 =	vld [tilespmem:s16+$0xFFFFFFE0];
	(erf) = vpow2.f32 v12  }
0x3da: {  	v47 =	vsel vm4, v18, v20;
	v18 =	vmul.f32 $1.442695020e+00, v21;
	v12 =	vld [tilespmem:s16+$0x60];
	(erf) = vpow2.f32 v13  }
0x3db: {  	v48 =	vsel vm0, v16, v14;
	v20 =	vmul.f32 $1.442695020e+00, v47;
	v13 =	vld [tilespmem:s16+$0xFFFFFFD0];
	(erf) = vpow2.f32 v15  }
0x3dc: {  	v49 =	vsel vm0, v14, v16;
	v14 =	vmul.f32 $1.442695020e+00, v48;
	v15 =	vld [tilespmem:s16+$0x50];
	(erf) = vpow2.f32 v18  }
0x3dd: {  	v16 =	vmul.f32 $1.442695020e+00, v49;
	v18 =	vsel vm2, v9, v7;
	v50 =	vld [tilespmem:s16+$0xFFFFFFC0];
	(erf) = vpow2.f32 v20  }
0x3de: {  	v52 =	vsel vm2, v7, v9;
	v20 =	vmul.f32 $1.442695020e+00, v18;
	v51 =	vld [tilespmem:s16+$0x40];
	(erf) = vpow2.f32 v14  }
0x3df: {  	v54 =	vsel vm1, v19, v17;
	v56 =	vmul.f32 $1.442695020e+00, v52;
	v7 =	vld [tilespmem:s16+$0xFFFFFFB0];
	(erf) = vpow2.f32 v16  }
0x3e0: {  	v17 =	vsel vm1, v17, v19;
	v57 =	vmul.f32 $1.442695020e+00, v54;
	v9 =	vld [tilespmem:s16+$0x30];
	(erf) = vpow2.f32 v20;
	v55 =	vpop (erf)  }
0x3e1: {  	v39 =	vsub.f32 v18, v39;
	v18 =	vmul.f32 $1.442695020e+00, v17;
	v14 =	vld [tilespmem:s16+$0xFFFFFFA0];
	(erf) = vpow2.f32 v56;
	v53 =	vpop (erf)  }
0x3e2: {  	s13 =	sshra.s32 s5, $0x2;
	v38 =	vsub.f32 v48, v38;
	v20 =	vmul.f32 $1.442695020e+00, v44;
	v16 =	vld [tilespmem:s16+$0x20];
	(erf) = vpow2.f32 v57;
	v19 =	vpop (erf)  }
0x3e3: {  	v5 =	vsub.f32 v5, v37;
	v56 =	vsub.f32 v46, v43;
	v48 =	vld [tilespmem:s13+$0x1A8F0];
	v37 =	vpop (erf);
	(erf) = vpow2.f32 v18  }
0x3e4: {  	v21 =	vsub.f32 v21, v40;
	v57 =	vmul.f32 $1.442695020e+00, v34;
	v18 =	vld [tilespmem:s16+$0xFFFFFF90];
	v46 =	vpop (erf);
	(erf) = vpow2.f32 v20  }
0x3e5: {  	v41 =	vsub.f32 v47, v41;
	v37 =	vmul.f32 v37, v56;
	v20 =	vld [tilespmem:s16+$0x10];
	v5 =	vmul.f32 v46, v5;
	v43 =	vpop (erf)  }
0x3e6: {  	v42 =	vsub.f32 v49, v42;
	v46 =	vld [tilespmem:s13+$0x1A8E0];
	v43 =	vmul.f32 v43, v21;
	v47 =	vpop (erf);
	(erf) = vpow2.f32 v57  }
0x3e7: {  	v31 =	vadd.f32 v37, v31;
	v21 =	vld [tilespmem:s16+$0xFFFFFF80];
	v32 =	vadd.f32 v5, v32;
	v37 =	vmul.f32 v47, v41;
	v40 =	vpop (erf)  }
0x3e8: {  	v47 =	vsub.f32 v52, v35;
	v5 =	vld [tilespmem:s16+$0x0];
	v38 =	vmul.f32 v40, v38;
	v40 =	vpop (erf);
	(erf) = vpow2.f32 v45  }
0x3e9: {  	v31 =	vadd.f32 v43, v31;
	v41 =	vld [tilespmem:s13+$0x1A8D0];
	v32 =	vadd.f32 v37, v32;
	v37 =	vmul.f32 v40, v42;
	v40 =	vpop (erf)  }
0x3ea: {  	v17 =	vsub.f32 v17, v28;
	v43 =	vsub.f32 v54, v27;
	v42 =	vld [tilespmem:s13+$0x1A8C0];
	v39 =	vmul.f32 v40, v39;
	v28 =	vpop (erf)  }
0x3eb: {  	v31 =	vadd.f32 v38, v31;
	v40 =	vld [tilespmem:s13+$0x1A8B0];
	v32 =	vadd.f32 v37, v32;
	v28 =	vmul.f32 v28, v47;
	v35 =	vpop (erf)  }
0x3ec: {  	v25 =	vsub.f32 v36, v25;
	v36 =	vsub.f32 v44, v26;
	v37 =	vld [tilespmem:s13+$0x1A8A0];
	v35 =	vmul.f32 v35, v43;
	v27 =	vpop (erf)  }
0x3ed: {  	v31 =	vadd.f32 v39, v31;
	v26 =	vld [tilespmem:s13+$0x1A890];
	v28 =	vadd.f32 v28, v32;
	v32 =	vmul.f32 v27, v17;
	v38 =	vpop (erf)  }
0x3ee: {  	v23 =	vsub.f32 v33, v23;
	v19 =	vmul.f32 v19, v25;
	v25 =	vsub.f32 v34, v24;
	v17 =	vmovc v50;
	v27 =	vld [tilespmem:s13+$0x1A880]  }
0x3ef: {  	v31 =	vadd.f32 v35, v31;
	v33 =	vmul.f32 v38, v36;
	v24 =	vld.idx.msk [tilespmem:v48+s6+$0x0], $0xffff;
	v39 =	vadd.f32 v32, v28;
	v34 =	vpop (erf)  }
.Ltmp13:
0x3f0: {  	v6 =	vsub.f32 v29, v6;
	v23 =	vmul.f32 v53, v23;
	v35 =	vsub.f32 v30, v22;
	v28 =	vld.idx.msk [tilespmem:v46+s6+$0x0], $0xffff;
	(pc) =	sbr.rel @p2 .LBB2_19-.Ltmp13, $4  }
0x3f1: {  	v22 =	vadd.f32 v19, v31;
	v25 =	vmul.f32 v34, v25;
	v29 =	vld.idx.msk [tilespmem:v41+s6+$0x0], $0xffff;
	v31 =	vadd.f32 v33, v39;
	v32 =	vpop (erf)  }
0x3f2: {  	v6 =	vmul.f32 v55, v6;
	v19 =	vmov v51;
	v34 =	vld.idx.msk [tilespmem:v42+s6+$0x0], $0xffff  }
0x3f3: {  	v22 =	vadd.f32 v23, v22;
	v30 =	vld.idx.msk [tilespmem:v40+s6+$0x0], $0xffff;
	v23 =	vadd.f32 v25, v31;
	v25 =	vmul.f32 v32, v35  }
0x3f4: {  	s5 =	sadd.s32 $0x200, s5;
	vm2 =	vle.f32 v10, v8;
	vm1 =	vle.f32 v12, v11;
	vm0 =	vle.f32 v15, v13;
	v33 =	vld.idx.msk [tilespmem:v37+s6+$0x0], $0xffff  }
0x3f5: {  	_ = 	snop  }
0x3f6: {  	vm3 =	vle.f32 v19, v17;
	v31 =	vadd.f32 v6, v22;
	v23 =	vadd.f32 v25, v23  }
0x3f7: {  	vm4 =	vle.f32 v20, v18;
	vm5 =	vle.f32 v16, v14;
	vm6 =	vle.f32 v9, v7  }
0x3f8: {  	vm7 =	vle.f32 v5, v21;
	v6 =	vshll.u32 v24, $0x10;
	v22 =	vand.u32 $0xFFFF0000, v24  }
0x3f9: {  	v44 =	vld.idx.msk [tilespmem:v27+s6+$0x0], $0xffff;
	v27 =	vshll.u32 v28, $0x10;
	v28 =	vand.u32 $0xFFFF0000, v28;
	v24 =	vshll.u32 v29, $0x10  }
0x3fa: {  	v29 =	vand.u32 $0xFFFF0000, v29;
	vm8 =	vgt.f32 v22, v6;
	vm11 =	vgt.f32 v28, v27  }
0x3fb: {  	v32 =	vshll.u32 v34, $0x10;
	v34 =	vand.u32 $0xFFFF0000, v34;
	vm10 =	vgt.f32 v29, v24  }
0x3fc: {  	v43 =	vld.idx.msk [tilespmem:v26+s6+$0x0], $0xffff;
	vm11 =	vmand vm1, vm11;
	vm8 =	vmand vm2, vm8;
	v36 =	vshll.u32 v30, $0x10  }
0x3fd: {  	v30 =	vand.u32 $0xFFFF0000, v30;
	vm9 =	vgt.f32 v34, v32;
	vm0 =	vmand vm0, vm10  }
0x3fe: {  	v39 =	vsel vm11, v12, v11;
	v40 =	vsel vm8, v10, v8;
	v8 =	vsel vm8, v8, v10  }
0x3ff: {  	v35 =	vshll.u32 v33, $0x10;
	v33 =	vand.u32 $0xFFFF0000, v33;
	vm14 =	vgt.f32 v30, v36  }
0x400: {  	v10 =	vsel vm0, v15, v13;
	v45 =	vmul.f32 $1.442695020e+00, v40;
	v13 =	vsel vm0, v13, v15  }
0x401: {  	v46 =	vmul.f32 $1.442695020e+00, v39;
	v41 =	vmul.f32 $1.442695020e+00, v8;
	v37 =	vshll.u32 v43, $0x10  }
0x402: {  	v25 =	vand.u32 $0xFFFF0000, v43;
	v38 =	vshll.u32 v44, $0x10;
	v26 =	vand.u32 $0xFFFF0000, v44  }
0x403: {  	vm13 =	vgt.f32 v33, v35;
	vm2 =	vmand vm6, vm14;
	vm14 =	vmand vm3, vm9  }
0x404: {  	v43 =	vmul.f32 $1.442695020e+00, v10;
	v44 =	vmul.f32 $1.442695020e+00, v13;
	vm15 =	vgt.f32 v26, v38  }
0x405: {  	vm12 =	vgt.f32 v25, v37;
	vm5 =	vmand vm5, vm13;
	vm15 =	vmand vm7, vm15  }
0x406: {  	(erf) = vpow2.f32 v45;
	vm4 =	vmand vm4, vm12;
	v42 =	vsel vm15, v5, v21  }
0x407: {  	(erf) = vpow2.f32 v46;
	v5 =	vsel vm15, v21, v5;
	v47 =	vmul.f32 $1.442695020e+00, v42  }
0x408: {  	v49 =	vsel vm4, v20, v18;
	(erf) = vpow2.f32 v43;
	v48 =	vmul.f32 $1.442695020e+00, v5  }
0x409: {  	v18 =	vsel vm4, v18, v20;
	v50 =	vmul.f32 $1.442695020e+00, v49;
	(erf) = vpow2.f32 v47  }
0x40a: {  	v52 =	vsel vm5, v16, v14;
	v51 =	vmul.f32 $1.442695020e+00, v18;
	(erf) = vpow2.f32 v48  }
0x40b: {  	v53 =	vsel vm5, v14, v16;
	v54 =	vmul.f32 $1.442695020e+00, v52;
	(erf) = vpow2.f32 v50  }
0x40c: {  	v55 =	vsel vm2, v9, v7;
	v16 =	vmul.f32 $1.442695020e+00, v53;
	(erf) = vpow2.f32 v51  }
0x40d: {  	v7 =	vsel vm2, v7, v9;
	v56 =	vmul.f32 $1.442695020e+00, v55;
	(erf) = vpow2.f32 v54  }
0x40e: {  	v58 =	vsel vm14, v19, v17;
	v57 =	vmul.f32 $1.442695020e+00, v7;
	(erf) = vpow2.f32 v16  }
0x40f: {  	v59 =	vsel vm14, v17, v19;
	v60 =	vmul.f32 $1.442695020e+00, v58;
	v9 =	vpop (erf);
	(erf) = vpow2.f32 v56  }
0x410: {  	v11 =	vsel vm11, v11, v12;
	v62 =	vmul.f32 $1.442695020e+00, v59;
	v63 =	vpop (erf);
	(erf) = vpow2.f32 v57  }
0x411: {  	v61 =	vsub.f32 v55, v36;
	v35 =	vsub.f32 v52, v35;
	v45 =	vpop (erf);
	(erf) = vpow2.f32 v60  }
0x412: {  	v38 =	vsub.f32 v42, v38;
	v5 =	vsub.f32 v5, v26;
	v46 =	vpop (erf);
	(erf) = vpow2.f32 v62  }
0x413: {  	v47 =	vsub.f32 v49, v37;
	v48 =	vmul.f32 $1.442695020e+00, v11;
	v49 =	vpop (erf);
	(erf) = vpow2.f32 v44  }
0x414: {  	v18 =	vsub.f32 v18, v25;
	v26 =	vmul.f32 v46, v38;
	v5 =	vmul.f32 v49, v5;
	v50 =	vpop (erf)  }
0x415: {  	v14 =	vsub.f32 v53, v33;
	(erf) = vpow2.f32 v48;
	v20 =	vmul.f32 v50, v47;
	v51 =	vpop (erf)  }
0x416: {  	v52 =	vadd.f32 v26, v31;
	v5 =	vadd.f32 v5, v23;
	v18 =	vmul.f32 v51, v18;
	v53 =	vpop (erf)  }
0x417: {  	v7 =	vsub.f32 v7, v30;
	(erf) = vpow2.f32 v41;
	v23 =	vmul.f32 v53, v35;
	v54 =	vpop (erf)  }
0x418: {  	v20 =	vadd.f32 v20, v52;
	v5 =	vadd.f32 v18, v5;
	v14 =	vmul.f32 v54, v14;
	v55 =	vpop (erf)  }
0x419: {  	v15 =	vsub.f32 v58, v32;
	v16 =	vsub.f32 v59, v34;
	v18 =	vmul.f32 v55, v61;
	v56 =	vpop (erf)  }
0x41a: {  	v20 =	vadd.f32 v23, v20;
	v5 =	vadd.f32 v14, v5;
	v7 =	vmul.f32 v56, v7;
	v57 =	vpop (erf)  }
0x41b: {  	v10 =	vsub.f32 v10, v24;
	v13 =	vsub.f32 v13, v29;
	v14 =	vmul.f32 v57, v15;
	v58 =	vpop (erf)  }
0x41c: {  	v18 =	vadd.f32 v18, v20;
	v5 =	vadd.f32 v7, v5;
	v7 =	vmul.f32 v58, v16  }
0x41d: {  	v11 =	vsub.f32 v11, v28;
	v10 =	vmul.f32 v45, v10;
	v60 =	vsub.f32 v39, v27;
	v59 =	vpop (erf)  }
0x41e: {  	v14 =	vadd.f32 v14, v18;
	v5 =	vadd.f32 v7, v5;
	v7 =	vmul.f32 v59, v13  }
0x41f: {  	v6 =	vsub.f32 v40, v6;
	v8 =	vsub.f32 v8, v22;
	v12 =	vmul.f32 v63, v60;
	v61 =	vpop (erf)  }
0x420: {  	v10 =	vadd.f32 v10, v14;
	v5 =	vadd.f32 v7, v5;
	v7 =	vmul.f32 v61, v11  }
0x421: {  	v6 =	vmul.f32 v9, v6;
	v62 =	vpop (erf)  }
0x422: {  	v63 =	vadd.f32 v12, v10;
	v5 =	vadd.f32 v7, v5;
	v7 =	vmul.f32 v62, v8;
	_ =	sdelay $0x1  }
0x423: {  	v6 =	vadd.f32 v6, v63;
	v5 =	vadd.f32 v7, v5  }
.LBB2_21:
0x424: {  	s1 =	sadd.s32 s19, s29  }
0x425: {  	p2 =	sgt.u32 s1, $0xC34  }
0x426: {  	v7 =	vlaneseq.u32 @!p2;
	_ =	sdelay $0x1  }
0x427: {  	v8 =	vmul.u32 @!p2 $0x2, v7  }
0x428: {  	s5 =	sshll.u32 @!p2 s1, $0x4  }
0x429: {  	v8 =	vadd.s32 @!p2 s5, v8;
	s5 =	simm.s32 @!p2 $0x1D180  }
0x42a: {  	s13 =	simm.s32 @!p2 $0x8;
	s16 =	simm.s32 @!p2 $0x1A880;
	s1 =	sshll.u32 @!p2 s1, $0x8;
	[tilespmem:v7+s5+$0x0] =	vst.idx.msk @!p2 $0xff, v8  }
0x42b: {  	[tilespmem:s16], [sflag:$0x3] =	stream.indirect.gather @!p2 [hbm4b:s4+s13], $0x80, s5, s13, $0xb8;
	[tilespmem:$0x1EB70] =	vst v63  }
0x42c: {  	s1 =	sadd.s32 @!p2 s2, s1;
	s5 =	simm.s32 @!p2 $0x0;
	s13 =	simm.s32 @!p2 $0x1C080  }
0x42d: {  	[tilespmem:s13], [sflag:$0x7] =	stream.linear.gather @!p2 [hbm4b:s1+s5], $0x800, $0x38;
	[tilespmem:$0x1EB70] =	vst v63  }
0x42e: {  	p2 =	sge.u32 s29, s23  }
.Ltmp14:
0x42f: {  	_ = 	snop;
	(pc) =	sbr.rel @p2 .LBB2_25-.Ltmp14, $1  }
0x430: {  	_ =	sdelay $0x3  }
0x431: {  	_ =	swait.ge [sflag:s3], $0x400  }
0x432: {  	[sflag:s3] =	ssyncset.done $0x0  }
0x433: {  	[sflag:s3] =	ssyncadd.s32 $0xFFFFFC00  }
0x434: {  	_ =	swait.ge [sflag:s15], $0x800  }
0x435: {  	[sflag:s15] =	ssyncset.done $0x0  }
0x436: {  	s1 =	simm.s32 $0x1C900;
	[sflag:s15] =	ssyncadd.s32 $0xFFFFF800  }
0x437: {  	v7 =	vld [tilespmem:s1+$0xFFFFFFF0]  }
0x438: {  	v8 =	vld [tilespmem:s1+$0x70]  }
0x439: {  	v9 =	vld [tilespmem:s1+$0xFFFFFFE0]  }
0x43a: {  	v10 =	vld [tilespmem:s1+$0x60]  }
0x43b: {  	v11 =	vld [tilespmem:s1+$0xFFFFFFD0]  }
0x43c: {  	v12 =	vld [tilespmem:s1+$0x50]  }
0x43d: {  	v14 =	vld [tilespmem:s1+$0xFFFFFFC0]  }
0x43e: {  	v16 =	vld [tilespmem:s1+$0x40]  }
0x43f: {  	v18 =	vld [tilespmem:s1+$0xFFFFFFB0]  }
0x440: {  	v20 =	vld [tilespmem:s1+$0x30]  }
0x441: {  	v17 =	vld [tilespmem:s1+$0xFFFFFFA0]  }
0x442: {  	s5 =	simm.s32 $0x0;
	v19 =	vld [tilespmem:s1+$0x20]  }
0x443: {  	v13 =	vld [tilespmem:s5+$0x1ACF0]  }
0x444: {  	v15 =	vld [tilespmem:s1+$0xFFFFFF90]  }
0x445: {  	v21 =	vld [tilespmem:s1+$0x10]  }
0x446: {  	v22 =	vld [tilespmem:s5+$0x1ACE0]  }
0x447: {  	v28 =	vld [tilespmem:s1+$0xFFFFFF80]  }
0x448: {  	v29 =	vld [tilespmem:s1+$0x0]  }
0x449: {  	v23 =	vld [tilespmem:s5+$0x1ACD0]  }
0x44a: {  	v24 =	vld [tilespmem:s5+$0x1ACC0]  }
0x44b: {  	v25 =	vld [tilespmem:s5+$0x1ACB0]  }
0x44c: {  	v26 =	vld [tilespmem:s5+$0x1ACA0]  }
0x44d: {  	v27 =	vld [tilespmem:s5+$0x1AC90]  }
0x44e: {  	v30 =	vld [tilespmem:s5+$0x1AC80]  }
0x44f: {  	v13 =	vld.idx.msk [tilespmem:v13+s6+$0x0], $0xffff  }
0x450: {  	v31 =	vld.idx.msk [tilespmem:v22+s6+$0x0], $0xffff  }
0x451: {  	v32 =	vld.idx.msk [tilespmem:v23+s6+$0x0], $0xffff  }
0x452: {  	v33 =	vld.idx.msk [tilespmem:v24+s6+$0x0], $0xffff  }
0x453: {  	v34 =	vld.idx.msk [tilespmem:v25+s6+$0x0], $0xffff  }
0x454: {  	vm2 =	vle.f32 v12, v11;
	vm1 =	vle.f32 v10, v9;
	v35 =	vld.idx.msk [tilespmem:v26+s6+$0x0], $0xffff  }
0x455: {  	vm5 =	vle.f32 v8, v7;
	vm0 =	vle.f32 v16, v14;
	vm3 =	vle.f32 v21, v15;
	v36 =	vld.idx.msk [tilespmem:v27+s6+$0x0], $0xffff  }
0x456: {  	vm4 =	vle.f32 v19, v17;
	vm6 =	vle.f32 v20, v18;
	vm7 =	vle.f32 v29, v28;
	v30 =	vld.idx.msk [tilespmem:v30+s6+$0x0], $0xffff  }
0x457: {  	v22 =	vshll.u32 v13, $0x10;
	v23 =	vand.u32 $0xFFFF0000, v13;
	v26 =	vshll.u32 v32, $0x10  }
0x458: {  	v24 =	vshll.u32 v31, $0x10;
	v25 =	vand.u32 $0xFFFF0000, v31;
	v31 =	vshll.u32 v33, $0x10  }
0x459: {  	v33 =	vand.u32 $0xFFFF0000, v33;
	v27 =	vand.u32 $0xFFFF0000, v32;
	v63 =	vshll.u32 v35, $0x10  }
0x45a: {  	v37 =	vshll.u32 v34, $0x10;
	v34 =	vand.u32 $0xFFFF0000, v34;
	v38 =	vshll.u32 v36, $0x10  }
0x45b: {  	v36 =	vand.u32 $0xFFFF0000, v36;
	v35 =	vand.u32 $0xFFFF0000, v35;
	v39 =	vshll.u32 v30, $0x10  }
0x45c: {  	v30 =	vand.u32 $0xFFFF0000, v30;
	vm8 =	vgt.f32 v23, v22;
	vm9 =	vgt.f32 v33, v31  }
0x45d: {  	vm10 =	vgt.f32 v27, v26;
	vm11 =	vgt.f32 v25, v24;
	vm12 =	vgt.f32 v36, v38  }
0x45e: {  	vm13 =	vgt.f32 v35, v63;
	vm14 =	vgt.f32 v34, v37;
	vm15 =	vgt.f32 v30, v39  }
0x45f: {  	vm11 =	vmand vm1, vm11;
	vm5 =	vmand vm5, vm8;
	vm1 =	vmand vm6, vm14  }
0x460: {  	vm0 =	vmand vm0, vm9;
	vm2 =	vmand vm2, vm10;
	vm15 =	vmand vm7, vm15  }
0x461: {  	vm3 =	vmand vm3, vm12;
	v40 =	vsel vm11, v10, v9;
	v41 =	vsel vm5, v8, v7  }
0x462: {  	v42 =	vsel vm5, v7, v8;
	v43 =	vsel vm2, v12, v11;
	v7 =	vmul.f32 $1.442695020e+00, v41  }
0x463: {  	v44 =	vsel vm11, v9, v10;
	v45 =	vsel vm2, v11, v12;
	v9 =	vmul.f32 $1.442695020e+00, v40  }
0x464: {  	v47 =	vsel vm15, v29, v28;
	v12 =	vmul.f32 $1.442695020e+00, v43;
	(erf) = vpow2.f32 v7  }
0x465: {  	s16 =	simm.s32 $0x1CA00;
	v28 =	vsel vm15, v28, v29;
	v7 =	vmul.f32 $1.442695020e+00, v47;
	(erf) = vpow2.f32 v9  }
0x466: {  	v13 =	vld [tilespmem:s16+$0xFFFFFFD0];
	v29 =	vsel vm3, v21, v15;
	v9 =	vmul.f32 $1.442695020e+00, v28;
	(erf) = vpow2.f32 v12  }
0x467: {  	v8 =	vld [tilespmem:s16+$0xFFFFFFF0];
	v21 =	vsel vm3, v15, v21;
	v48 =	vmul.f32 $1.442695020e+00, v29;
	(erf) = vpow2.f32 v7  }
0x468: {  	vm4 =	vmand vm4, vm13;
	v10 =	vld [tilespmem:s16+$0x70];
	v7 =	vmul.f32 $1.442695020e+00, v21;
	(erf) = vpow2.f32 v9  }
0x469: {  	v11 =	vld [tilespmem:s16+$0xFFFFFFE0];
	v49 =	vsel vm4, v19, v17;
	v50 =	vsel vm4, v17, v19;
	(erf) = vpow2.f32 v48  }
0x46a: {  	v15 =	vld [tilespmem:s16+$0x50];
	v51 =	vsel vm1, v20, v18;
	v52 =	vsel vm1, v18, v20;
	(erf) = vpow2.f32 v7  }
0x46b: {  	v17 =	vld [tilespmem:s16+$0xFFFFFFC0];
	v53 =	vsel vm0, v16, v14;
	v57 =	vmul.f32 $1.442695020e+00, v50;
	v9 =	vmul.f32 $1.442695020e+00, v49  }
0x46c: {  	v19 =	vld [tilespmem:s16+$0x40];
	v58 =	vsel vm0, v14, v16;
	v18 =	vmul.f32 $1.442695020e+00, v51;
	v20 =	vmul.f32 $1.442695020e+00, v52  }
0x46d: {  	v14 =	vld [tilespmem:s16+$0xFFFFFFA0];
	v54 =	vmul.f32 $1.442695020e+00, v53;
	v37 =	vsub.f32 v51, v37;
	(erf) = vpow2.f32 v9;
	v55 =	vpop (erf)  }
0x46e: {  	s13 =	simm.s32 $0x80;
	v16 =	vld [tilespmem:s16+$0x20];
	v32 =	vsub.f32 v49, v63;
	v39 =	vsub.f32 v47, v39;
	(erf) = vpow2.f32 v57;
	v51 =	vpop (erf)  }
0x46f: {  	v35 =	vsub.f32 v50, v35;
	v50 =	vld [tilespmem:s13+$0x1ACC0];
	v31 =	vsub.f32 v53, v31;
	(erf) = vpow2.f32 v18;
	v49 =	vpop (erf)  }
0x470: {  	v53 =	vld [tilespmem:s13+$0x1ACB0];
	v28 =	vsub.f32 v28, v30;
	v18 =	vmul.f32 $1.442695020e+00, v58;
	(erf) = vpow2.f32 v20;
	v30 =	vpop (erf)  }
0x471: {  	v47 =	vld [tilespmem:s13+$0x1ACD0];
	v20 =	vmul.f32 $1.442695020e+00, v45;
	(erf) = vpow2.f32 v54;
	v60 =	vpop (erf)  }
0x472: {  	v36 =	vsub.f32 v21, v36;
	v12 =	vld [tilespmem:s16+$0x60];
	(erf) = vpow2.f32 v18;
	v30 =	vmul.f32 v30, v39;
	v21 =	vpop (erf)  }
0x473: {  	v29 =	vsub.f32 v29, v38;
	v59 =	vmul.f32 $1.442695020e+00, v44;
	v7 =	vld [tilespmem:s16+$0xFFFFFFB0];
	(erf) = vpow2.f32 v20;
	v61 =	vpop (erf)  }
0x474: {  	v9 =	vld [tilespmem:s16+$0x30];
	v28 =	vmul.f32 v60, v28;
	v6 =	vadd.f32 v30, v6;
	v30 =	vmul.f32 v61, v36  }
0x475: {  	v46 =	vmul.f32 $1.442695020e+00, v42;
	v34 =	vsub.f32 v52, v34;
	v33 =	vsub.f32 v58, v33;
	v57 =	vld [tilespmem:s13+$0x1ACA0]  }
0x476: {  	v54 =	vld [tilespmem:s13+$0x1ACF0];
	(erf) = vpow2.f32 v59;
	v29 =	vmul.f32 v21, v29;
	v28 =	vadd.f32 v28, v5;
	v62 =	vpop (erf)  }
0x477: {  	v58 =	vsub.f32 v43, v26;
	v26 =	vld [tilespmem:s13+$0x1AC90];
	(erf) = vpow2.f32 v46;
	v32 =	vmul.f32 v62, v32;
	v63 =	vpop (erf)  }
0x478: {  	v39 =	vld [tilespmem:s13+$0x1ACE0];
	v6 =	vadd.f32 v29, v6;
	v28 =	vadd.f32 v30, v28;
	v29 =	vmul.f32 v63, v35;
	v30 =	vpop (erf)  }
0x479: {  	v18 =	vld [tilespmem:s16+$0xFFFFFF90];
	v30 =	vmul.f32 v30, v37;
	v52 =	vpop (erf)  }
0x47a: {  	v20 =	vld [tilespmem:s16+$0x10];
	v6 =	vadd.f32 v32, v6;
	v28 =	vadd.f32 v29, v28;
	v29 =	vmul.f32 v52, v34;
	v56 =	vpop (erf)  }
0x47b: {  	v59 =	vsub.f32 v45, v27;
	v21 =	vld [tilespmem:s16+$0xFFFFFF80];
	v31 =	vmul.f32 v56, v31;
	v27 =	vpop (erf)  }
0x47c: {  	v5 =	vld [tilespmem:s16+$0x0];
	v6 =	vadd.f32 v30, v6;
	v28 =	vadd.f32 v29, v28;
	v29 =	vmul.f32 v27, v33  }
0x47d: {  	v25 =	vsub.f32 v44, v25;
	v60 =	vsub.f32 v40, v24;
	v32 =	vmul.f32 v49, v58;
	v27 =	vld [tilespmem:s13+$0x1AC80];
	v30 =	vpop (erf)  }
0x47e: {  	v24 =	vld.idx.msk [tilespmem:v54+s6+$0x0], $0xffff;
	v6 =	vadd.f32 v31, v6;
	v31 =	vadd.f32 v29, v28;
	v30 =	vmul.f32 v30, v59  }
0x47f: {  	v22 =	vsub.f32 v41, v22;
	v62 =	vsub.f32 v42, v23;
	v34 =	vld.idx.msk [tilespmem:v50+s6+$0x0], $0xffff;
	v33 =	vmul.f32 v51, v60;
	v61 =	vpop (erf)  }
0x480: {  	v28 =	vld.idx.msk [tilespmem:v39+s6+$0x0], $0xffff;
	v23 =	vadd.f32 v32, v6;
	v25 =	vmul.f32 v61, v25;
	v31 =	vadd.f32 v30, v31  }
0x481: {  	v29 =	vld.idx.msk [tilespmem:v47+s6+$0x0], $0xffff;
	v63 =	vpop (erf);
	v6 =	vmul.f32 v55, v22  }
0x482: {  	v30 =	vld.idx.msk [tilespmem:v53+s6+$0x0], $0xffff;
	v22 =	vadd.f32 v33, v23;
	v23 =	vadd.f32 v25, v31;
	v25 =	vmul.f32 v63, v62  }
0x483: {  	s5 =	simm.s32 $0x400;
	vm0 =	vle.f32 v15, v13;
	vm2 =	vle.f32 v10, v8;
	vm1 =	vle.f32 v12, v11;
	v33 =	vld.idx.msk [tilespmem:v57+s6+$0x0], $0xffff  }
.LBB2_23:
0x484: {  	p2 =	sne.s32 s5, $0xE00;
	v36 =	vld.idx.msk [tilespmem:v26+s6+$0x0], $0xffff;
	vm3 =	vle.f32 v19, v17;
	v31 =	vadd.f32 v6, v22;
	v32 =	vadd.f32 v25, v23  }
0x485: {  	vm4 =	vle.f32 v20, v18;
	vm5 =	vle.f32 v16, v14;
	vm7 =	vle.f32 v9, v7;
	v37 =	vld.idx.msk [tilespmem:v27+s6+$0x0], $0xffff  }
0x486: {  	vm6 =	vle.f32 v5, v21;
	v6 =	vshll.u32 v24, $0x10;
	v22 =	vand.u32 $0xFFFF0000, v24  }
0x487: {  	v23 =	vshll.u32 v28, $0x10;
	v24 =	vand.u32 $0xFFFF0000, v28;
	v25 =	vshll.u32 v29, $0x10  }
0x488: {  	v26 =	vand.u32 $0xFFFF0000, v29;
	v27 =	vshll.u32 v34, $0x10;
	v28 =	vand.u32 $0xFFFF0000, v34  }
0x489: {  	v39 =	vshll.u32 v30, $0x10;
	v35 =	vand.u32 $0xFFFF0000, v30;
	v38 =	vshll.u32 v33, $0x10  }
0x48a: {  	v42 =	vand.u32 $0xFFFF0000, v33;
	v40 =	vshll.u32 v36, $0x10;
	v41 =	vand.u32 $0xFFFF0000, v36  }
0x48b: {  	vm8 =	vgt.f32 v22, v6;
	v43 =	vshll.u32 v37, $0x10;
	v37 =	vand.u32 $0xFFFF0000, v37  }
0x48c: {  	vm11 =	vgt.f32 v24, v23;
	vm10 =	vgt.f32 v26, v25;
	vm9 =	vgt.f32 v28, v27  }
0x48d: {  	vm14 =	vgt.f32 v35, v39;
	vm13 =	vgt.f32 v42, v38;
	vm12 =	vgt.f32 v41, v40  }
0x48e: {  	vm11 =	vmand vm1, vm11;
	vm8 =	vmand vm2, vm8;
	vm15 =	vgt.f32 v37, v43  }
0x48f: {  	vm1 =	vmand vm3, vm9;
	vm3 =	vmand vm0, vm10;
	vm2 =	vmand vm7, vm14  }
0x490: {  	vm0 =	vmand vm5, vm13;
	vm4 =	vmand vm4, vm12;
	vm6 =	vmand vm6, vm15  }
0x491: {  	v29 =	vsel vm8, v10, v8;
	v30 =	vsel vm8, v8, v10;
	v33 =	vsel vm11, v12, v11  }
0x492: {  	v34 =	vsel vm11, v11, v12;
	v10 =	vmul.f32 $1.442695020e+00, v29;
	v36 =	vsel vm3, v15, v13  }
0x493: {  	s16 =	sadd.s32 $0x100, s16;
	v45 =	vmul.f32 $1.442695020e+00, v30;
	v44 =	vsel vm3, v13, v15;
	v11 =	vmul.f32 $1.442695020e+00, v33  }
0x494: {  	v12 =	vmul.f32 $1.442695020e+00, v36;
	v46 =	vsel vm6, v5, v21;
	v8 =	vld [tilespmem:s16+$0xFFFFFFF0];
	(erf) = vpow2.f32 v10  }
0x495: {  	v5 =	vsel vm6, v21, v5;
	v13 =	vmul.f32 $1.442695020e+00, v46;
	v10 =	vld [tilespmem:s16+$0x70];
	(erf) = vpow2.f32 v11  }
0x496: {  	v21 =	vsel vm4, v20, v18;
	v15 =	vmul.f32 $1.442695020e+00, v5;
	v11 =	vld [tilespmem:s16+$0xFFFFFFE0];
	(erf) = vpow2.f32 v12  }
0x497: {  	v47 =	vsel vm4, v18, v20;
	v18 =	vmul.f32 $1.442695020e+00, v21;
	v12 =	vld [tilespmem:s16+$0x60];
	(erf) = vpow2.f32 v13  }
0x498: {  	v48 =	vsel vm0, v16, v14;
	v20 =	vmul.f32 $1.442695020e+00, v47;
	v13 =	vld [tilespmem:s16+$0xFFFFFFD0];
	(erf) = vpow2.f32 v15  }
0x499: {  	v49 =	vsel vm0, v14, v16;
	v14 =	vmul.f32 $1.442695020e+00, v48;
	v15 =	vld [tilespmem:s16+$0x50];
	(erf) = vpow2.f32 v18  }
0x49a: {  	v16 =	vmul.f32 $1.442695020e+00, v49;
	v18 =	vsel vm2, v9, v7;
	v50 =	vld [tilespmem:s16+$0xFFFFFFC0];
	(erf) = vpow2.f32 v20  }
0x49b: {  	v52 =	vsel vm2, v7, v9;
	v20 =	vmul.f32 $1.442695020e+00, v18;
	v51 =	vld [tilespmem:s16+$0x40];
	(erf) = vpow2.f32 v14  }
0x49c: {  	v54 =	vsel vm1, v19, v17;
	v56 =	vmul.f32 $1.442695020e+00, v52;
	v7 =	vld [tilespmem:s16+$0xFFFFFFB0];
	(erf) = vpow2.f32 v16  }
0x49d: {  	v17 =	vsel vm1, v17, v19;
	v57 =	vmul.f32 $1.442695020e+00, v54;
	v9 =	vld [tilespmem:s16+$0x30];
	(erf) = vpow2.f32 v20;
	v55 =	vpop (erf)  }
0x49e: {  	v39 =	vsub.f32 v18, v39;
	v18 =	vmul.f32 $1.442695020e+00, v17;
	v14 =	vld [tilespmem:s16+$0xFFFFFFA0];
	(erf) = vpow2.f32 v56;
	v53 =	vpop (erf)  }
0x49f: {  	s13 =	sshra.s32 s5, $0x2;
	v38 =	vsub.f32 v48, v38;
	v20 =	vmul.f32 $1.442695020e+00, v44;
	v16 =	vld [tilespmem:s16+$0x20];
	(erf) = vpow2.f32 v57;
	v19 =	vpop (erf)  }
0x4a0: {  	v5 =	vsub.f32 v5, v37;
	v56 =	vsub.f32 v46, v43;
	v48 =	vld [tilespmem:s13+$0x1ACF0];
	v37 =	vpop (erf);
	(erf) = vpow2.f32 v18  }
0x4a1: {  	v21 =	vsub.f32 v21, v40;
	v57 =	vmul.f32 $1.442695020e+00, v34;
	v18 =	vld [tilespmem:s16+$0xFFFFFF90];
	v46 =	vpop (erf);
	(erf) = vpow2.f32 v20  }
0x4a2: {  	v41 =	vsub.f32 v47, v41;
	v37 =	vmul.f32 v37, v56;
	v20 =	vld [tilespmem:s16+$0x10];
	v5 =	vmul.f32 v46, v5;
	v43 =	vpop (erf)  }
0x4a3: {  	v42 =	vsub.f32 v49, v42;
	v46 =	vld [tilespmem:s13+$0x1ACE0];
	v43 =	vmul.f32 v43, v21;
	v47 =	vpop (erf);
	(erf) = vpow2.f32 v57  }
0x4a4: {  	v31 =	vadd.f32 v37, v31;
	v21 =	vld [tilespmem:s16+$0xFFFFFF80];
	v32 =	vadd.f32 v5, v32;
	v37 =	vmul.f32 v47, v41;
	v40 =	vpop (erf)  }
0x4a5: {  	v47 =	vsub.f32 v52, v35;
	v5 =	vld [tilespmem:s16+$0x0];
	v38 =	vmul.f32 v40, v38;
	v40 =	vpop (erf);
	(erf) = vpow2.f32 v45  }
0x4a6: {  	v31 =	vadd.f32 v43, v31;
	v41 =	vld [tilespmem:s13+$0x1ACD0];
	v32 =	vadd.f32 v37, v32;
	v37 =	vmul.f32 v40, v42;
	v40 =	vpop (erf)  }
0x4a7: {  	v17 =	vsub.f32 v17, v28;
	v43 =	vsub.f32 v54, v27;
	v42 =	vld [tilespmem:s13+$0x1ACC0];
	v39 =	vmul.f32 v40, v39;
	v28 =	vpop (erf)  }
0x4a8: {  	v31 =	vadd.f32 v38, v31;
	v40 =	vld [tilespmem:s13+$0x1ACB0];
	v32 =	vadd.f32 v37, v32;
	v28 =	vmul.f32 v28, v47;
	v35 =	vpop (erf)  }
0x4a9: {  	v25 =	vsub.f32 v36, v25;
	v36 =	vsub.f32 v44, v26;
	v37 =	vld [tilespmem:s13+$0x1ACA0];
	v35 =	vmul.f32 v35, v43;
	v27 =	vpop (erf)  }
0x4aa: {  	v31 =	vadd.f32 v39, v31;
	v26 =	vld [tilespmem:s13+$0x1AC90];
	v28 =	vadd.f32 v28, v32;
	v32 =	vmul.f32 v27, v17;
	v38 =	vpop (erf)  }
0x4ab: {  	v23 =	vsub.f32 v33, v23;
	v19 =	vmul.f32 v19, v25;
	v25 =	vsub.f32 v34, v24;
	v17 =	vmovc v50;
	v27 =	vld [tilespmem:s13+$0x1AC80]  }
0x4ac: {  	v31 =	vadd.f32 v35, v31;
	v33 =	vmul.f32 v38, v36;
	v24 =	vld.idx.msk [tilespmem:v48+s6+$0x0], $0xffff;
	v39 =	vadd.f32 v32, v28;
	v34 =	vpop (erf)  }
.Ltmp15:
0x4ad: {  	v6 =	vsub.f32 v29, v6;
	v23 =	vmul.f32 v53, v23;
	v35 =	vsub.f32 v30, v22;
	v28 =	vld.idx.msk [tilespmem:v46+s6+$0x0], $0xffff;
	(pc) =	sbr.rel @p2 .LBB2_23-.Ltmp15, $4  }
0x4ae: {  	v22 =	vadd.f32 v19, v31;
	v25 =	vmul.f32 v34, v25;
	v29 =	vld.idx.msk [tilespmem:v41+s6+$0x0], $0xffff;
	v31 =	vadd.f32 v33, v39;
	v32 =	vpop (erf)  }
0x4af: {  	v6 =	vmul.f32 v55, v6;
	v19 =	vmov v51;
	v34 =	vld.idx.msk [tilespmem:v42+s6+$0x0], $0xffff  }
0x4b0: {  	v22 =	vadd.f32 v23, v22;
	v30 =	vld.idx.msk [tilespmem:v40+s6+$0x0], $0xffff;
	v23 =	vadd.f32 v25, v31;
	v25 =	vmul.f32 v32, v35  }
0x4b1: {  	s5 =	sadd.s32 $0x200, s5;
	vm2 =	vle.f32 v10, v8;
	vm1 =	vle.f32 v12, v11;
	vm0 =	vle.f32 v15, v13;
	v33 =	vld.idx.msk [tilespmem:v37+s6+$0x0], $0xffff  }
0x4b2: {  	_ = 	snop  }
0x4b3: {  	vm3 =	vle.f32 v19, v17;
	v31 =	vadd.f32 v6, v22;
	v23 =	vadd.f32 v25, v23  }
0x4b4: {  	vm4 =	vle.f32 v20, v18;
	vm5 =	vle.f32 v16, v14;
	vm6 =	vle.f32 v9, v7  }
0x4b5: {  	vm7 =	vle.f32 v5, v21;
	v6 =	vshll.u32 v24, $0x10;
	v22 =	vand.u32 $0xFFFF0000, v24  }
0x4b6: {  	v44 =	vld.idx.msk [tilespmem:v27+s6+$0x0], $0xffff;
	v27 =	vshll.u32 v28, $0x10;
	v28 =	vand.u32 $0xFFFF0000, v28;
	v24 =	vshll.u32 v29, $0x10  }
0x4b7: {  	v29 =	vand.u32 $0xFFFF0000, v29;
	vm8 =	vgt.f32 v22, v6;
	vm11 =	vgt.f32 v28, v27  }
0x4b8: {  	v32 =	vshll.u32 v34, $0x10;
	v34 =	vand.u32 $0xFFFF0000, v34;
	vm10 =	vgt.f32 v29, v24  }
0x4b9: {  	v43 =	vld.idx.msk [tilespmem:v26+s6+$0x0], $0xffff;
	vm11 =	vmand vm1, vm11;
	vm8 =	vmand vm2, vm8;
	v36 =	vshll.u32 v30, $0x10  }
0x4ba: {  	v30 =	vand.u32 $0xFFFF0000, v30;
	vm9 =	vgt.f32 v34, v32;
	vm0 =	vmand vm0, vm10  }
0x4bb: {  	v39 =	vsel vm11, v12, v11;
	v40 =	vsel vm8, v10, v8;
	v8 =	vsel vm8, v8, v10  }
0x4bc: {  	v35 =	vshll.u32 v33, $0x10;
	v33 =	vand.u32 $0xFFFF0000, v33;
	vm14 =	vgt.f32 v30, v36  }
0x4bd: {  	v10 =	vsel vm0, v15, v13;
	v45 =	vmul.f32 $1.442695020e+00, v40;
	v13 =	vsel vm0, v13, v15  }
0x4be: {  	v46 =	vmul.f32 $1.442695020e+00, v39;
	v41 =	vmul.f32 $1.442695020e+00, v8;
	v37 =	vshll.u32 v43, $0x10  }
0x4bf: {  	v25 =	vand.u32 $0xFFFF0000, v43;
	v38 =	vshll.u32 v44, $0x10;
	v26 =	vand.u32 $0xFFFF0000, v44  }
0x4c0: {  	vm13 =	vgt.f32 v33, v35;
	vm2 =	vmand vm6, vm14;
	vm14 =	vmand vm3, vm9  }
0x4c1: {  	v43 =	vmul.f32 $1.442695020e+00, v10;
	v44 =	vmul.f32 $1.442695020e+00, v13;
	vm15 =	vgt.f32 v26, v38  }
0x4c2: {  	vm12 =	vgt.f32 v25, v37;
	vm5 =	vmand vm5, vm13;
	vm15 =	vmand vm7, vm15  }
0x4c3: {  	(erf) = vpow2.f32 v45;
	vm4 =	vmand vm4, vm12;
	v42 =	vsel vm15, v5, v21  }
0x4c4: {  	(erf) = vpow2.f32 v46;
	v5 =	vsel vm15, v21, v5;
	v47 =	vmul.f32 $1.442695020e+00, v42  }
0x4c5: {  	v49 =	vsel vm4, v20, v18;
	(erf) = vpow2.f32 v43;
	v48 =	vmul.f32 $1.442695020e+00, v5  }
0x4c6: {  	v18 =	vsel vm4, v18, v20;
	v50 =	vmul.f32 $1.442695020e+00, v49;
	(erf) = vpow2.f32 v47  }
0x4c7: {  	v52 =	vsel vm5, v16, v14;
	v51 =	vmul.f32 $1.442695020e+00, v18;
	(erf) = vpow2.f32 v48  }
0x4c8: {  	v53 =	vsel vm5, v14, v16;
	v54 =	vmul.f32 $1.442695020e+00, v52;
	(erf) = vpow2.f32 v50  }
0x4c9: {  	v55 =	vsel vm2, v9, v7;
	v16 =	vmul.f32 $1.442695020e+00, v53;
	(erf) = vpow2.f32 v51  }
0x4ca: {  	v7 =	vsel vm2, v7, v9;
	v56 =	vmul.f32 $1.442695020e+00, v55;
	(erf) = vpow2.f32 v54  }
0x4cb: {  	v58 =	vsel vm14, v19, v17;
	v57 =	vmul.f32 $1.442695020e+00, v7;
	(erf) = vpow2.f32 v16  }
0x4cc: {  	v59 =	vsel vm14, v17, v19;
	v60 =	vmul.f32 $1.442695020e+00, v58;
	v9 =	vpop (erf);
	(erf) = vpow2.f32 v56  }
0x4cd: {  	v11 =	vsel vm11, v11, v12;
	v62 =	vmul.f32 $1.442695020e+00, v59;
	v63 =	vpop (erf);
	(erf) = vpow2.f32 v57  }
0x4ce: {  	v61 =	vsub.f32 v55, v36;
	v35 =	vsub.f32 v52, v35;
	v45 =	vpop (erf);
	(erf) = vpow2.f32 v60  }
0x4cf: {  	v38 =	vsub.f32 v42, v38;
	v5 =	vsub.f32 v5, v26;
	v46 =	vpop (erf);
	(erf) = vpow2.f32 v62  }
0x4d0: {  	v47 =	vsub.f32 v49, v37;
	v48 =	vmul.f32 $1.442695020e+00, v11;
	v49 =	vpop (erf);
	(erf) = vpow2.f32 v44  }
0x4d1: {  	v18 =	vsub.f32 v18, v25;
	v26 =	vmul.f32 v46, v38;
	v5 =	vmul.f32 v49, v5;
	v50 =	vpop (erf)  }
0x4d2: {  	v14 =	vsub.f32 v53, v33;
	(erf) = vpow2.f32 v48;
	v20 =	vmul.f32 v50, v47;
	v51 =	vpop (erf)  }
0x4d3: {  	v52 =	vadd.f32 v26, v31;
	v5 =	vadd.f32 v5, v23;
	v18 =	vmul.f32 v51, v18;
	v53 =	vpop (erf)  }
0x4d4: {  	v7 =	vsub.f32 v7, v30;
	(erf) = vpow2.f32 v41;
	v23 =	vmul.f32 v53, v35;
	v54 =	vpop (erf)  }
0x4d5: {  	v20 =	vadd.f32 v20, v52;
	v5 =	vadd.f32 v18, v5;
	v14 =	vmul.f32 v54, v14;
	v55 =	vpop (erf)  }
0x4d6: {  	v15 =	vsub.f32 v58, v32;
	v16 =	vsub.f32 v59, v34;
	v18 =	vmul.f32 v55, v61;
	v56 =	vpop (erf)  }
0x4d7: {  	v20 =	vadd.f32 v23, v20;
	v5 =	vadd.f32 v14, v5;
	v7 =	vmul.f32 v56, v7;
	v57 =	vpop (erf)  }
0x4d8: {  	v10 =	vsub.f32 v10, v24;
	v13 =	vsub.f32 v13, v29;
	v14 =	vmul.f32 v57, v15;
	v58 =	vpop (erf)  }
0x4d9: {  	v18 =	vadd.f32 v18, v20;
	v5 =	vadd.f32 v7, v5;
	v7 =	vmul.f32 v58, v16  }
0x4da: {  	v11 =	vsub.f32 v11, v28;
	v10 =	vmul.f32 v45, v10;
	v60 =	vsub.f32 v39, v27;
	v59 =	vpop (erf)  }
0x4db: {  	v14 =	vadd.f32 v14, v18;
	v5 =	vadd.f32 v7, v5;
	v7 =	vmul.f32 v59, v13  }
0x4dc: {  	v6 =	vsub.f32 v40, v6;
	v8 =	vsub.f32 v8, v22;
	v12 =	vmul.f32 v63, v60;
	v61 =	vpop (erf)  }
0x4dd: {  	v10 =	vadd.f32 v10, v14;
	v5 =	vadd.f32 v7, v5;
	v7 =	vmul.f32 v61, v11  }
.Ltmp16:
0x4de: {  	v6 =	vmul.f32 v9, v6;
	v62 =	vpop (erf);
	(pc) =	sbr.rel .LBB2_25-.Ltmp16, $2  }
0x4df: {  	v63 =	vadd.f32 v12, v10;
	v5 =	vadd.f32 v7, v5;
	v7 =	vmul.f32 v62, v8;
	_ =	sdelay $0x1  }
0x4e0: {  	v6 =	vadd.f32 v6, v63;
	v5 =	vadd.f32 v7, v5;
	_ =	sdelay $0x1  }
.LBB2_27:
0x4e1: {  	_ =	sfence.sel $0x180000  }
0x4e2: {  	[bflag:$0x0] =	sbarrier.arrive $0xFFFF  }
0x4e3: {  	_ =	strace $0x90000047  }
0x4e4: {  	s0 =	stileid.u32;
	[bflag:$0x2] =	sbarrier.arrive $0xFFFF  }
0x4e5: {  	p0 =	sne.s32 s0, $0x0;
	s0 =	rddreg [dreg:$0x5]  }
0x4e6: {  	s0 =	sadd.s32 @!p0 $0x100000, s0  }
0x4e7: {  	[sflag:s0] =	ssyncadd.tile.s32 @!p0 $0x1;
	_ =	shalt  }
.Lfunc_end2:
_tile_overlayer_lowered:
.L_overlay_start_2:
0x4e8: {  	(tag) =	ssettag $0x2  }
0x4e9: {  	s0 =	rddreg [dreg:$0x0];
	s2 =	stileid.u32  }
0x4ea: {  	s1 =	rddreg [dreg:$0x1];
	p0 =	sne.s32 s2, $0x0  }
0x4eb: {  	s3 =	rddreg [dreg:$0x2];
	[bflag:$0x3] =	sbarrier.arrive $0xFFFF;
	s2 =	simm.s32 @!p0 $0x1C0B  }
0x4ec: {  	[timem:s3], [sflag:s2] =	dma.local @!p0 [hbm:s0], s1  }
0x4ed: {  	s0 =	simm.s32 @!p0 $0xB  }
0x4ee: {  	_ =	swait.ge @!p0 [sflag:s0], s1  }
0x4ef: {  	s1 =	ssub.s32 @!p0 $0x0, s1;
	[sflag:s0] =	ssyncset.done @!p0 $0x0  }
0x4f0: {  	[sflag:s0] =	ssyncadd.s32 @!p0 s1  }
0x4f1: {  	[bflag:$0x3] =	sbarrier.arrive $0xFFFF  }
0x4f2: {  	_ =	shalt  }

</sc_bundles>
